<compile_context>
chip_gen: v7x
topology: tpu7x:2x2x1
jax: 0.10.2.dev20260603
libtpu: 0.0.44.dev20260713+nightly
codegen_flags: <defaults>
</compile_context>

<pallas_src>
import functools

import jax
import jax.numpy as jnp
from jax import lax
from jax.experimental import pallas as pl
from jax.experimental.pallas import tpu as pltpu
from jax.experimental.pallas import tpu_sc as plsc

N_NODES = 10000
N_EDGES = 320000
D_FEAT = 128
D_HALF = D_FEAT // 2

NUM_CORES = 2
NUM_SUBCORES = 16
NW = NUM_CORES * NUM_SUBCORES
EPT = N_EDGES // NUM_SUBCORES
CHUNK = 80
NCHUNK = EPT // CHUNK
NB = 4
L = 16
UNROLL = 8


def _partial_dots(z1a, z1b, z2a, z2b, ei_hbm, pout,
                  sh1, sh2, sidx, didx, arows, brows, ov,
                  ga, gb, so, gi1, gi2):
    c_ax = lax.axis_index("c")
    s_ax = lax.axis_index("s")
    base_e = s_ax * EPT
    base_o = c_ax * N_EDGES + base_e

    @pl.when(jnp.logical_and(s_ax == 0, c_ax == 0))
    def _():
        pltpu.sync_copy(z1a, sh1)
        pltpu.sync_copy(z2a, sh2)

    @pl.when(jnp.logical_and(s_ax == 0, c_ax == 1))
    def _():
        pltpu.sync_copy(z1b, sh1)
        pltpu.sync_copy(z2b, sh2)

    plsc.subcore_barrier()

    NI = 2 * NB

    def issue_idx(cc, j):
        pltpu.async_copy(ei_hbm.at[pl.ds(base_e + cc * CHUNK, CHUNK)],
                         sidx[j], gi1[j])
        pltpu.async_copy(
            ei_hbm.at[pl.ds(N_EDGES + base_e + cc * CHUNK, CHUNK)],
            didx[j], gi2[j])

    def wait_idx(j):
        pltpu.make_async_copy(ei_hbm.at[pl.ds(0, CHUNK)], sidx[j],
                              gi1[j]).wait()
        pltpu.make_async_copy(ei_hbm.at[pl.ds(0, CHUNK)], didx[j],
                              gi2[j]).wait()

    def issue_gather(j, b):
        pltpu.async_copy(sh1.at[sidx[j]], arows[b], ga[b])
        pltpu.async_copy(sh2.at[didx[j]], brows[b], gb[b])

    def wait_gather(b):
        pltpu.make_async_copy(z1a.at[pl.ds(0, CHUNK)], arows[b],
                              ga[b]).wait()
        pltpu.make_async_copy(z2a.at[pl.ds(0, CHUNK)], brows[b],
                              gb[b]).wait()

    def wait_out(b):
        pltpu.make_async_copy(ov[b], pout.at[pl.ds(base_o, CHUNK)],
                              so[b]).wait()

    def compute(cc, b):
        def g_body(g, carry):
            rows = lax.iota(jnp.int32, L) + g * L

            def d_body(d, acc):
                for u in range(UNROLL):
                    cols = jnp.full((L,), d * UNROLL + u, jnp.int32)
                    va = plsc.load_gather(arows[b], [rows, cols])
                    vb = plsc.load_gather(brows[b], [rows, cols])
                    acc = acc + va * vb
                return acc

            acc = lax.fori_loop(0, D_HALF // UNROLL, d_body,
                                jnp.zeros((L,), jnp.float32))
            ov[b][pl.ds(g * L, L)] = acc
            return carry

        lax.fori_loop(0, CHUNK // L, g_body, 0)
        pltpu.async_copy(ov[b],
                         pout.at[pl.ds(base_o + cc * CHUNK, CHUNK)],
                         so[b])

    for b in range(NB):
        issue_idx(jnp.int32(NB + b), b)
    for b in range(NB):
        issue_idx(jnp.int32(b), NB + b)
    for b in range(NB):
        wait_idx(NB + b)
        issue_gather(NB + b, b)

    n_main = -(-(NCHUNK - NB) // NI)
    n_tail = NCHUNK - n_main * NI

    def turn(t, carry):
        for k in range(NI):
            b = k % NB
            cc = t * NI + k
            wait_gather(b)
            issue_idx(jnp.minimum(cc + NI, NCHUNK - 1), (k + NB) % NI)

            @pl.when(jnp.logical_or(t > 0, k >= NB))
            def _():
                wait_out(b)

            compute(cc, b)
            wait_idx(k)
            issue_gather(k, b)
        return carry

    lax.fori_loop(0, n_main, turn, 0)

    for b in range(n_tail):
        wait_gather(b)
        wait_out(b)
        compute(n_main * NI + b, b)
    for b in range(n_tail, NB):
        wait_gather(b)
        wait_out(b)
    for b in range(NB):
        wait_idx(b)
    for b in range(n_tail):
        wait_out(b)


def _combine(pout, out_hbm, v1, v2, vo):
    c_ax = lax.axis_index("c")
    s_ax = lax.axis_index("s")
    wid = s_ax * NUM_CORES + c_ax
    base = wid * (N_EDGES // NW)

    pltpu.sync_copy(pout.at[pl.ds(base, N_EDGES // NW)], v1)
    pltpu.sync_copy(pout.at[pl.ds(N_EDGES + base, N_EDGES // NW)], v2)

    def body(i, carry):
        v = v1[pl.ds(i * L, L)] + v2[pl.ds(i * L, L)]
        vo[pl.ds(i * L, L)] = 1.0 / (1.0 + jnp.exp(-v))
        return carry

    lax.fori_loop(0, (N_EDGES // NW) // L, body, 0)
    pltpu.sync_copy(vo, out_hbm.at[pl.ds(base, N_EDGES // NW)])


def kernel(z1, z2, edge_index):
    ei = edge_index.astype(jnp.int32).reshape(-1)
    z1a = z1[:, :D_HALF]
    z1b = z1[:, D_HALF:]
    z2a = z2[:, :D_HALF]
    z2b = z2[:, D_HALF:]
    mesh = plsc.VectorSubcoreMesh(core_axis_name="c", subcore_axis_name="s")
    params = pltpu.CompilerParams(needs_layout_passes=False)

    partials = functools.partial(
        pl.kernel,
        mesh=mesh,
        compiler_params=pltpu.CompilerParams(
            needs_layout_passes=False, use_tc_tiling_on_sc=False),
        out_type=jax.ShapeDtypeStruct((2 * N_EDGES,), jnp.float32),
        scratch_types=[
            pltpu.VMEM_SHARED((N_NODES, D_HALF), jnp.float32),
            pltpu.VMEM_SHARED((N_NODES, D_HALF), jnp.float32),
            [pltpu.VMEM((CHUNK,), jnp.int32) for _ in range(2 * NB)],
            [pltpu.VMEM((CHUNK,), jnp.int32) for _ in range(2 * NB)],
            [pltpu.VMEM((CHUNK, D_HALF), jnp.float32) for _ in range(NB)],
            [pltpu.VMEM((CHUNK, D_HALF), jnp.float32) for _ in range(NB)],
            [pltpu.VMEM((CHUNK,), jnp.float32) for _ in range(NB)],
            [pltpu.SemaphoreType.DMA for _ in range(NB)],
            [pltpu.SemaphoreType.DMA for _ in range(NB)],
            [pltpu.SemaphoreType.DMA for _ in range(NB)],
            [pltpu.SemaphoreType.DMA for _ in range(2 * NB)],
            [pltpu.SemaphoreType.DMA for _ in range(2 * NB)],
        ],
    )(_partial_dots)
    p = partials(z1a, z1b, z2a, z2b, ei)

    combine = functools.partial(
        pl.kernel,
        mesh=mesh,
        compiler_params=params,
        out_type=jax.ShapeDtypeStruct((N_EDGES,), jnp.float32),
        scratch_types=[
            pltpu.VMEM((N_EDGES // NW,), jnp.float32),
            pltpu.VMEM((N_EDGES // NW,), jnp.float32),
            pltpu.VMEM((N_EDGES // NW,), jnp.float32),
        ],
    )(_combine)
    return combine(p)

# --- scband reference (transcript-rebuilt; emitter-appended) ---
"""Pipeline reference for scband-inner-product-decoder-hetero-12077448036420 (READ-ONLY COPY).

The authoritative reference and input builder live on the scoring server;
editing this copy changes nothing except your own understanding.
"""

import jax, jax.numpy as jnp
import numpy as np

N_NODES = 10000
N_EDGES = 320000
D_FEAT = 128


def setup_inputs(seed: int = 0) -> dict:
    key = jax.random.key(seed)
    k1, k2, k3 = jax.random.split(key, 3)
    z1 = jax.random.normal(k1, (N_NODES, D_FEAT), dtype=jnp.float32)
    z2 = jax.random.normal(k2, (N_NODES, D_FEAT), dtype=jnp.float32)
    edge_index = jax.random.randint(k3, (2, N_EDGES), 0, N_NODES, dtype=jnp.int64 if jax.config.jax_enable_x64 else jnp.int32)
    return {"z1": z1, "z2": z2, "edge_index": edge_index}


def reference(z1, z2, edge_index):
    # z is a hetero dict {node_type1: z1, node_type2: z2}; node_type strings
    # just select the per-type latent matrices, so we pass them directly.
    src = jnp.take(z1, edge_index[0], axis=0)   # gather [E, d]
    dst = jnp.take(z2, edge_index[1], axis=0)   # gather [E, d]
    value = (src * dst).sum(axis=1)             # per-edge inner product [E]
    return jax.nn.sigmoid(value)                # sigmoid=True default

if __name__ == "__main__":
    import jax
    _d = setup_inputs()
    print(jax.jit(kernel)(*tuple(_d.values())))

</pallas_src>

<mosaic_0001>
#map = affine_map<(d0, d1) -> (0)>
module attributes {stable_mosaic.version = 14 : i64} {
  func.func @_combine(%arg0: i32, %arg1: i32, %arg2: memref<640000xf32, #tpu.memory_space<hbm>>, %arg3: memref<320000xf32, #tpu.memory_space<hbm>>, %arg4: memref<10000xf32, #tpu.memory_space<vmem>>, %arg5: memref<10000xf32, #tpu.memory_space<vmem>>, %arg6: memref<10000xf32, #tpu.memory_space<vmem>>) attributes {dimension_semantics = [#tpu.dimension_semantics<core_parallel>, #tpu.dimension_semantics<subcore_parallel>], iteration_bounds = array<i64: 2, 16>, scalar_prefetch = 0 : i64, scratch_operands = 3 : i64, tpu.core_type = #tpu.core_type<sc_vector_subcore>, window_params = [{transform_indices = #map}, {transform_indices = #map}]} {
    %mul3A = arith.constant 2 : i32
    %mul3A_0 = arith.muli %arg1, %mul3A : i32
    %add3A = arith.addi %mul3A_0, %arg0 : i32
    %mul3A_1 = arith.constant 10000 : i32
    %mul3A_2 = arith.muli %add3A, %mul3A_1 : i32
    "tpu.region"() ({
      %run_scoped3A = tpu.sem_alloc : memref<!tpu.dma_semaphore, #tpu.memory_space<semaphore_mem>>
      %dma_start3A = tpu.memref_slice %arg2[%mul3A_2] : memref<640000xf32, #tpu.memory_space<hbm>> -> memref<10000xf32, #tpu.memory_space<hbm>>
      %dma_start3A_10 = tpu.memref_slice %arg2[%mul3A_2] : memref<640000xf32, #tpu.memory_space<hbm>> -> memref<10000xf32, #tpu.memory_space<hbm>>
      tpu.enqueue_dma source(%dma_start3A_10 : memref<10000xf32, #tpu.memory_space<hbm>>) target(%arg4 : memref<10000xf32, #tpu.memory_space<vmem>>) target_semaphore(%run_scoped3A : memref<!tpu.dma_semaphore, #tpu.memory_space<semaphore_mem>>)
      %dma_wait3A = tpu.memref_slice %arg2[%mul3A_2] : memref<640000xf32, #tpu.memory_space<hbm>> -> memref<10000xf32, #tpu.memory_space<hbm>>
      %dma_wait3A_11 = tpu.memref_slice %arg2[%mul3A_2] : memref<640000xf32, #tpu.memory_space<hbm>> -> memref<10000xf32, #tpu.memory_space<hbm>>
      tpu.wait_dma2 semaphore(%run_scoped3A : memref<!tpu.dma_semaphore, #tpu.memory_space<semaphore_mem>>) src(%dma_wait3A_11 : memref<10000xf32, #tpu.memory_space<hbm>>) dst(%arg4 : memref<10000xf32, #tpu.memory_space<vmem>>)
      tpu.yield
    }) : () -> ()
    %add3A_3 = arith.constant 320000 : i32
    %add3A_4 = arith.addi %add3A_3, %mul3A_2 : i32
    "tpu.region"() ({
      %run_scoped3A = tpu.sem_alloc : memref<!tpu.dma_semaphore, #tpu.memory_space<semaphore_mem>>
      %dma_start3A = tpu.memref_slice %arg2[%add3A_4] : memref<640000xf32, #tpu.memory_space<hbm>> -> memref<10000xf32, #tpu.memory_space<hbm>>
      %dma_start3A_10 = tpu.memref_slice %arg2[%add3A_4] : memref<640000xf32, #tpu.memory_space<hbm>> -> memref<10000xf32, #tpu.memory_space<hbm>>
      tpu.enqueue_dma source(%dma_start3A_10 : memref<10000xf32, #tpu.memory_space<hbm>>) target(%arg5 : memref<10000xf32, #tpu.memory_space<vmem>>) target_semaphore(%run_scoped3A : memref<!tpu.dma_semaphore, #tpu.memory_space<semaphore_mem>>)
      %dma_wait3A = tpu.memref_slice %arg2[%add3A_4] : memref<640000xf32, #tpu.memory_space<hbm>> -> memref<10000xf32, #tpu.memory_space<hbm>>
      %dma_wait3A_11 = tpu.memref_slice %arg2[%add3A_4] : memref<640000xf32, #tpu.memory_space<hbm>> -> memref<10000xf32, #tpu.memory_space<hbm>>
      tpu.wait_dma2 semaphore(%run_scoped3A : memref<!tpu.dma_semaphore, #tpu.memory_space<semaphore_mem>>) src(%dma_wait3A_11 : memref<10000xf32, #tpu.memory_space<hbm>>) dst(%arg5 : memref<10000xf32, #tpu.memory_space<vmem>>)
      tpu.yield
    }) : () -> ()
    %scan3A = arith.constant 0 : i32
    %scan3A_5 = arith.constant 0 : i32
    %scan3A_6 = arith.constant 625 : i32
    %scan3A_7 = arith.addi %scan3A_5, %scan3A_6 : i32
    %scan3A_8 = arith.constant 1 : i32
    scf.for %scan3A_10 = %scan3A_5 to %scan3A_7 step %scan3A_8  : i32 {
      %mul3A_11 = arith.constant 16 : i32
      %mul3A_12 = arith.muli %scan3A_10, %mul3A_11 : i32
      %get3A = arith.index_cast %mul3A_12 : i32 to index
      %get3A_13 = tpu.vector_load %arg4[%get3A] {strides = array<i32>} : memref<10000xf32, #tpu.memory_space<vmem>>, vector<16xf32>,
      %mul3A_14 = arith.constant 16 : i32
      %mul3A_15 = arith.muli %scan3A_10, %mul3A_14 : i32
      %get3A_16 = arith.index_cast %mul3A_15 : i32 to index
      %get3A_17 = tpu.vector_load %arg5[%get3A_16] {strides = array<i32>} : memref<10000xf32, #tpu.memory_space<vmem>>, vector<16xf32>,
      %add3A_18 = arith.addf %get3A_13, %get3A_17 : vector<16xf32>
      %neg3A = arith.constant 0.000000e+00 : f32
      %neg3A_19 = vector.broadcast %neg3A : f32 to vector<16xf32>
      %neg3A_20 = arith.subf %neg3A_19, %add3A_18 : vector<16xf32>
      %exp3A = math.exp %neg3A_20 : vector<16xf32>
      %add3A_21 = arith.constant 1.000000e+00 : f32
      %add3A_22 = vector.broadcast %add3A_21 : f32 to vector<16xf32>
      %add3A_23 = arith.addf %add3A_22, %exp3A : vector<16xf32>
      %div3A = arith.constant 1.000000e+00 : f32
      %div3A_24 = vector.broadcast %div3A : f32 to vector<16xf32>
      %div3A_25 = arith.divf %div3A_24, %add3A_23 : vector<16xf32>
      %mul3A_26 = arith.constant 16 : i32
      %mul3A_27 = arith.muli %scan3A_10, %mul3A_26 : i32
      %swap3A = arith.index_cast %mul3A_27 : i32 to index
      %swap3A_28 = tpu.vector_load %arg6[%swap3A] {strides = array<i32>} : memref<10000xf32, #tpu.memory_space<vmem>>, vector<16xf32>,
      tpu.vector_store %arg6[%swap3A], %div3A_25 {strides = array<i32>} : memref<10000xf32, #tpu.memory_space<vmem>>, vector<16xf32>,
    }
    %scan3A_9 = arith.constant 625 : i32
    "tpu.region"() ({
      %run_scoped3A = tpu.sem_alloc : memref<!tpu.dma_semaphore, #tpu.memory_space<semaphore_mem>>
      %dma_start3A = tpu.memref_slice %arg3[%mul3A_2] : memref<320000xf32, #tpu.memory_space<hbm>> -> memref<10000xf32, #tpu.memory_space<hbm>>
      %dma_start3A_10 = tpu.memref_slice %arg3[%mul3A_2] : memref<320000xf32, #tpu.memory_space<hbm>> -> memref<10000xf32, #tpu.memory_space<hbm>>
      tpu.enqueue_dma source(%arg6 : memref<10000xf32, #tpu.memory_space<vmem>>) target(%dma_start3A_10 : memref<10000xf32, #tpu.memory_space<hbm>>) target_semaphore(%run_scoped3A : memref<!tpu.dma_semaphore, #tpu.memory_space<semaphore_mem>>)
      %dma_wait3A = tpu.memref_slice %arg3[%mul3A_2] : memref<320000xf32, #tpu.memory_space<hbm>> -> memref<10000xf32, #tpu.memory_space<hbm>>
      %dma_wait3A_11 = tpu.memref_slice %arg3[%mul3A_2] : memref<320000xf32, #tpu.memory_space<hbm>> -> memref<10000xf32, #tpu.memory_space<hbm>>
      tpu.wait_dma2 semaphore(%run_scoped3A : memref<!tpu.dma_semaphore, #tpu.memory_space<semaphore_mem>>) src(%arg6 : memref<10000xf32, #tpu.memory_space<vmem>>) dst(%dma_wait3A_11 : memref<10000xf32, #tpu.memory_space<hbm>>)
      tpu.yield
    }) : () -> ()
    return
  }
}

#map = affine_map<(d0, d1) -> (0, 0)>
#map1 = affine_map<(d0, d1) -> (0)>
module attributes {stable_mosaic.version = 14 : i64} {
  func.func @_partial_dots(%arg0: i32, %arg1: i32, %arg2: memref<10000x64xf32, #tpu.memory_space<hbm>>, %arg3: memref<10000x64xf32, #tpu.memory_space<hbm>>, %arg4: memref<10000x64xf32, #tpu.memory_space<hbm>>, %arg5: memref<10000x64xf32, #tpu.memory_space<hbm>>, %arg6: memref<640000xi32, #tpu.memory_space<hbm>>, %arg7: memref<640000xf32, #tpu.memory_space<hbm>>, %arg8: memref<10000x64xf32, #tpu.memory_space<vmem_shared>>, %arg9: memref<10000x64xf32, #tpu.memory_space<vmem_shared>>, %arg10: memref<80xi32, #tpu.memory_space<vmem>>, %arg11: memref<80xi32, #tpu.memory_space<vmem>>, %arg12: memref<80xi32, #tpu.memory_space<vmem>>, %arg13: memref<80xi32, #tpu.memory_space<vmem>>, %arg14: memref<80xi32, #tpu.memory_space<vmem>>, %arg15: memref<80xi32, #tpu.memory_space<vmem>>, %arg16: memref<80xi32, #tpu.memory_space<vmem>>, %arg17: memref<80xi32, #tpu.memory_space<vmem>>, %arg18: memref<80xi32, #tpu.memory_space<vmem>>, %arg19: memref<80xi32, #tpu.memory_space<vmem>>, %arg20: memref<80xi32, #tpu.memory_space<vmem>>, %arg21: memref<80xi32, #tpu.memory_space<vmem>>, %arg22: memref<80xi32, #tpu.memory_space<vmem>>, %arg23: memref<80xi32, #tpu.memory_space<vmem>>, %arg24: memref<80xi32, #tpu.memory_space<vmem>>, %arg25: memref<80xi32, #tpu.memory_space<vmem>>, %arg26: memref<80x64xf32, #tpu.memory_space<vmem>>, %arg27: memref<80x64xf32, #tpu.memory_space<vmem>>, %arg28: memref<80x64xf32, #tpu.memory_space<vmem>>, %arg29: memref<80x64xf32, #tpu.memory_space<vmem>>, %arg30: memref<80x64xf32, #tpu.memory_space<vmem>>, %arg31: memref<80x64xf32, #tpu.memory_space<vmem>>, %arg32: memref<80x64xf32, #tpu.memory_space<vmem>>, %arg33: memref<80x64xf32, #tpu.memory_space<vmem>>, %arg34: memref<80xf32, #tpu.memory_space<vmem>>, %arg35: memref<80xf32, #tpu.memory_space<vmem>>, %arg36: memref<80xf32, #tpu.memory_space<vmem>>, %arg37: memref<80xf32, #tpu.memory_space<vmem>>, %arg38: memref<!tpu.dma_semaphore, #tpu.memory_space<semaphore_mem>>, %arg39: memref<!tpu.dma_semaphore, #tpu.memory_space<semaphore_mem>>, %arg40: memref<!tpu.dma_semaphore, #tpu.memory_space<semaphore_mem>>, %arg41: memref<!tpu.dma_semaphore, #tpu.memory_space<semaphore_mem>>, %arg42: memref<!tpu.dma_semaphore, #tpu.memory_space<semaphore_mem>>, %arg43: memref<!tpu.dma_semaphore, #tpu.memory_space<semaphore_mem>>, %arg44: memref<!tpu.dma_semaphore, #tpu.memory_space<semaphore_mem>>, %arg45: memref<!tpu.dma_semaphore, #tpu.memory_space<semaphore_mem>>, %arg46: memref<!tpu.dma_semaphore, #tpu.memory_space<semaphore_mem>>, %arg47: memref<!tpu.dma_semaphore, #tpu.memory_space<semaphore_mem>>, %arg48: memref<!tpu.dma_semaphore, #tpu.memory_space<semaphore_mem>>, %arg49: memref<!tpu.dma_semaphore, #tpu.memory_space<semaphore_mem>>, %arg50: memref<!tpu.dma_semaphore, #tpu.memory_space<semaphore_mem>>, %arg51: memref<!tpu.dma_semaphore, #tpu.memory_space<semaphore_mem>>, %arg52: memref<!tpu.dma_semaphore, #tpu.memory_space<semaphore_mem>>, %arg53: memref<!tpu.dma_semaphore, #tpu.memory_space<semaphore_mem>>, %arg54: memref<!tpu.dma_semaphore, #tpu.memory_space<semaphore_mem>>, %arg55: memref<!tpu.dma_semaphore, #tpu.memory_space<semaphore_mem>>, %arg56: memref<!tpu.dma_semaphore, #tpu.memory_space<semaphore_mem>>, %arg57: memref<!tpu.dma_semaphore, #tpu.memory_space<semaphore_mem>>, %arg58: memref<!tpu.dma_semaphore, #tpu.memory_space<semaphore_mem>>, %arg59: memref<!tpu.dma_semaphore, #tpu.memory_space<semaphore_mem>>, %arg60: memref<!tpu.dma_semaphore, #tpu.memory_space<semaphore_mem>>, %arg61: memref<!tpu.dma_semaphore, #tpu.memory_space<semaphore_mem>>, %arg62: memref<!tpu.dma_semaphore, #tpu.memory_space<semaphore_mem>>, %arg63: memref<!tpu.dma_semaphore, #tpu.memory_space<semaphore_mem>>, %arg64: memref<!tpu.dma_semaphore, #tpu.memory_space<semaphore_mem>>, %arg65: memref<!tpu.dma_semaphore, #tpu.memory_space<semaphore_mem>>) attributes {dimension_semantics = [#tpu.dimension_semantics<core_parallel>, #tpu.dimension_semantics<subcore_parallel>], iteration_bounds = array<i64: 2, 16>, scalar_prefetch = 0 : i64, scratch_operands = 58 : i64, tpu.core_type = #tpu.core_type<sc_vector_subcore>, window_params = [{transform_indices = #map}, {transform_indices = #map}, {transform_indices = #map}, {transform_indices = #map}, {transform_indices = #map1}, {transform_indices = #map1}]} {
    %mul3A = arith.constant 20000 : i32
    %mul3A_0 = arith.muli %arg1, %mul3A : i32
    %mul3A_1 = arith.constant 320000 : i32
    %mul3A_2 = arith.muli %arg0, %mul3A_1 : i32
    %add3A = arith.addi %mul3A_2, %mul3A_0 : i32
    %eq3A = arith.constant 0 : i32
    %eq3A_3 = arith.cmpi eq, %arg1, %eq3A : i32
    %eq3A_4 = arith.constant 0 : i32
    %eq3A_5 = arith.cmpi eq, %arg0, %eq3A_4 : i32
    %and3A = arith.andi %eq3A_3, %eq3A_5 : i1
    %convert_element_type3A = arith.extui %and3A : i1 to i32
    %cond3A = arith.constant 0 : i32
    %cond3A_6 = arith.cmpi ne, %convert_element_type3A, %cond3A : i32
    scf.if %cond3A_6 {
      "tpu.region"() ({
        %run_scoped3A = tpu.sem_alloc : memref<!tpu.dma_semaphore, #tpu.memory_space<semaphore_mem>>
        tpu.enqueue_dma source(%arg2 : memref<10000x64xf32, #tpu.memory_space<hbm>>) target(%arg8 : memref<10000x64xf32, #tpu.memory_space<vmem_shared>>) target_semaphore(%run_scoped3A : memref<!tpu.dma_semaphore, #tpu.memory_space<semaphore_mem>>)
        tpu.wait_dma2 semaphore(%run_scoped3A : memref<!tpu.dma_semaphore, #tpu.memory_space<semaphore_mem>>) src(%arg2 : memref<10000x64xf32, #tpu.memory_space<hbm>>) dst(%arg8 : memref<10000x64xf32, #tpu.memory_space<vmem_shared>>)
        tpu.yield
      }) : () -> ()
      "tpu.region"() ({
        %run_scoped3A = tpu.sem_alloc : memref<!tpu.dma_semaphore, #tpu.memory_space<semaphore_mem>>
        tpu.enqueue_dma source(%arg4 : memref<10000x64xf32, #tpu.memory_space<hbm>>) target(%arg9 : memref<10000x64xf32, #tpu.memory_space<vmem_shared>>) target_semaphore(%run_scoped3A : memref<!tpu.dma_semaphore, #tpu.memory_space<semaphore_mem>>)
        tpu.wait_dma2 semaphore(%run_scoped3A : memref<!tpu.dma_semaphore, #tpu.memory_space<semaphore_mem>>) src(%arg4 : memref<10000x64xf32, #tpu.memory_space<hbm>>) dst(%arg9 : memref<10000x64xf32, #tpu.memory_space<vmem_shared>>)
        tpu.yield
      }) : () -> ()
    } else {
    }
    %eq3A_7 = arith.constant 0 : i32
    %eq3A_8 = arith.cmpi eq, %arg1, %eq3A_7 : i32
    %eq3A_9 = arith.constant 1 : i32
    %eq3A_10 = arith.cmpi eq, %arg0, %eq3A_9 : i32
    %and3A_11 = arith.andi %eq3A_8, %eq3A_10 : i1
    %convert_element_type3A_12 = arith.extui %and3A_11 : i1 to i32
    %cond3A_13 = arith.constant 0 : i32
    %cond3A_14 = arith.cmpi ne, %convert_element_type3A_12, %cond3A_13 : i32
    scf.if %cond3A_14 {
      "tpu.region"() ({
        %run_scoped3A = tpu.sem_alloc : memref<!tpu.dma_semaphore, #tpu.memory_space<semaphore_mem>>
        tpu.enqueue_dma source(%arg3 : memref<10000x64xf32, #tpu.memory_space<hbm>>) target(%arg8 : memref<10000x64xf32, #tpu.memory_space<vmem_shared>>) target_semaphore(%run_scoped3A : memref<!tpu.dma_semaphore, #tpu.memory_space<semaphore_mem>>)
        tpu.wait_dma2 semaphore(%run_scoped3A : memref<!tpu.dma_semaphore, #tpu.memory_space<semaphore_mem>>) src(%arg3 : memref<10000x64xf32, #tpu.memory_space<hbm>>) dst(%arg8 : memref<10000x64xf32, #tpu.memory_space<vmem_shared>>)
        tpu.yield
      }) : () -> ()
      "tpu.region"() ({
        %run_scoped3A = tpu.sem_alloc : memref<!tpu.dma_semaphore, #tpu.memory_space<semaphore_mem>>
        tpu.enqueue_dma source(%arg5 : memref<10000x64xf32, #tpu.memory_space<hbm>>) target(%arg9 : memref<10000x64xf32, #tpu.memory_space<vmem_shared>>) target_semaphore(%run_scoped3A : memref<!tpu.dma_semaphore, #tpu.memory_space<semaphore_mem>>)
        tpu.wait_dma2 semaphore(%run_scoped3A : memref<!tpu.dma_semaphore, #tpu.memory_space<semaphore_mem>>) src(%arg5 : memref<10000x64xf32, #tpu.memory_space<hbm>>) dst(%arg9 : memref<10000x64xf32, #tpu.memory_space<vmem_shared>>)
        tpu.yield
      }) : () -> ()
    } else {
    }
    %barrier3A = arith.constant 0 : index
    tpu.barrier barrier_id(%barrier3A)
    %mul3A_15 = arith.constant 4 : i32
    %mul3A_16 = arith.constant 80 : i32
    %mul3A_17 = arith.muli %mul3A_15, %mul3A_16 : i32
    %add3A_18 = arith.addi %mul3A_0, %mul3A_17 : i32
    %dma_start3A = tpu.memref_slice %arg6[%add3A_18] : memref<640000xi32, #tpu.memory_space<hbm>> -> memref<80xi32, #tpu.memory_space<hbm>>
    %dma_start3A_19 = tpu.memref_slice %arg6[%add3A_18] : memref<640000xi32, #tpu.memory_space<hbm>> -> memref<80xi32, #tpu.memory_space<hbm>>
    tpu.enqueue_dma source(%dma_start3A_19 : memref<80xi32, #tpu.memory_space<hbm>>) target(%arg10 : memref<80xi32, #tpu.memory_space<vmem>>) target_semaphore(%arg50 : memref<!tpu.dma_semaphore, #tpu.memory_space<semaphore_mem>>)
    %add3A_20 = arith.constant 320000 : i32
    %add3A_21 = arith.addi %add3A_20, %mul3A_0 : i32
    %mul3A_22 = arith.constant 4 : i32
    %mul3A_23 = arith.constant 80 : i32
    %mul3A_24 = arith.muli %mul3A_22, %mul3A_23 : i32
    %add3A_25 = arith.addi %add3A_21, %mul3A_24 : i32
    %dma_start3A_26 = tpu.memref_slice %arg6[%add3A_25] : memref<640000xi32, #tpu.memory_space<hbm>> -> memref<80xi32, #tpu.memory_space<hbm>>
    %dma_start3A_27 = tpu.memref_slice %arg6[%add3A_25] : memref<640000xi32, #tpu.memory_space<hbm>> -> memref<80xi32, #tpu.memory_space<hbm>>
    tpu.enqueue_dma source(%dma_start3A_27 : memref<80xi32, #tpu.memory_space<hbm>>) target(%arg18 : memref<80xi32, #tpu.memory_space<vmem>>) target_semaphore(%arg58 : memref<!tpu.dma_semaphore, #tpu.memory_space<semaphore_mem>>)
    %mul3A_28 = arith.constant 5 : i32
    %mul3A_29 = arith.constant 80 : i32
    %mul3A_30 = arith.muli %mul3A_28, %mul3A_29 : i32
    %add3A_31 = arith.addi %mul3A_0, %mul3A_30 : i32
    %dma_start3A_32 = tpu.memref_slice %arg6[%add3A_31] : memref<640000xi32, #tpu.memory_space<hbm>> -> memref<80xi32, #tpu.memory_space<hbm>>
    %dma_start3A_33 = tpu.memref_slice %arg6[%add3A_31] : memref<640000xi32, #tpu.memory_space<hbm>> -> memref<80xi32, #tpu.memory_space<hbm>>
    tpu.enqueue_dma source(%dma_start3A_33 : memref<80xi32, #tpu.memory_space<hbm>>) target(%arg11 : memref<80xi32, #tpu.memory_space<vmem>>) target_semaphore(%arg51 : memref<!tpu.dma_semaphore, #tpu.memory_space<semaphore_mem>>)
    %add3A_34 = arith.constant 320000 : i32
    %add3A_35 = arith.addi %add3A_34, %mul3A_0 : i32
    %mul3A_36 = arith.constant 5 : i32
    %mul3A_37 = arith.constant 80 : i32
    %mul3A_38 = arith.muli %mul3A_36, %mul3A_37 : i32
    %add3A_39 = arith.addi %add3A_35, %mul3A_38 : i32
    %dma_start3A_40 = tpu.memref_slice %arg6[%add3A_39] : memref<640000xi32, #tpu.memory_space<hbm>> -> memref<80xi32, #tpu.memory_space<hbm>>
    %dma_start3A_41 = tpu.memref_slice %arg6[%add3A_39] : memref<640000xi32, #tpu.memory_space<hbm>> -> memref<80xi32, #tpu.memory_space<hbm>>
    tpu.enqueue_dma source(%dma_start3A_41 : memref<80xi32, #tpu.memory_space<hbm>>) target(%arg19 : memref<80xi32, #tpu.memory_space<vmem>>) target_semaphore(%arg59 : memref<!tpu.dma_semaphore, #tpu.memory_space<semaphore_mem>>)
    %mul3A_42 = arith.constant 6 : i32
    %mul3A_43 = arith.constant 80 : i32
    %mul3A_44 = arith.muli %mul3A_42, %mul3A_43 : i32
    %add3A_45 = arith.addi %mul3A_0, %mul3A_44 : i32
    %dma_start3A_46 = tpu.memref_slice %arg6[%add3A_45] : memref<640000xi32, #tpu.memory_space<hbm>> -> memref<80xi32, #tpu.memory_space<hbm>>
    %dma_start3A_47 = tpu.memref_slice %arg6[%add3A_45] : memref<640000xi32, #tpu.memory_space<hbm>> -> memref<80xi32, #tpu.memory_space<hbm>>
    tpu.enqueue_dma source(%dma_start3A_47 : memref<80xi32, #tpu.memory_space<hbm>>) target(%arg12 : memref<80xi32, #tpu.memory_space<vmem>>) target_semaphore(%arg52 : memref<!tpu.dma_semaphore, #tpu.memory_space<semaphore_mem>>)
    %add3A_48 = arith.constant 320000 : i32
    %add3A_49 = arith.addi %add3A_48, %mul3A_0 : i32
    %mul3A_50 = arith.constant 6 : i32
    %mul3A_51 = arith.constant 80 : i32
    %mul3A_52 = arith.muli %mul3A_50, %mul3A_51 : i32
    %add3A_53 = arith.addi %add3A_49, %mul3A_52 : i32
    %dma_start3A_54 = tpu.memref_slice %arg6[%add3A_53] : memref<640000xi32, #tpu.memory_space<hbm>> -> memref<80xi32, #tpu.memory_space<hbm>>
    %dma_start3A_55 = tpu.memref_slice %arg6[%add3A_53] : memref<640000xi32, #tpu.memory_space<hbm>> -> memref<80xi32, #tpu.memory_space<hbm>>
    tpu.enqueue_dma source(%dma_start3A_55 : memref<80xi32, #tpu.memory_space<hbm>>) target(%arg20 : memref<80xi32, #tpu.memory_space<vmem>>) target_semaphore(%arg60 : memref<!tpu.dma_semaphore, #tpu.memory_space<semaphore_mem>>)
    %mul3A_56 = arith.constant 7 : i32
    %mul3A_57 = arith.constant 80 : i32
    %mul3A_58 = arith.muli %mul3A_56, %mul3A_57 : i32
    %add3A_59 = arith.addi %mul3A_0, %mul3A_58 : i32
    %dma_start3A_60 = tpu.memref_slice %arg6[%add3A_59] : memref<640000xi32, #tpu.memory_space<hbm>> -> memref<80xi32, #tpu.memory_space<hbm>>
    %dma_start3A_61 = tpu.memref_slice %arg6[%add3A_59] : memref<640000xi32, #tpu.memory_space<hbm>> -> memref<80xi32, #tpu.memory_space<hbm>>
    tpu.enqueue_dma source(%dma_start3A_61 : memref<80xi32, #tpu.memory_space<hbm>>) target(%arg13 : memref<80xi32, #tpu.memory_space<vmem>>) target_semaphore(%arg53 : memref<!tpu.dma_semaphore, #tpu.memory_space<semaphore_mem>>)
    %add3A_62 = arith.constant 320000 : i32
    %add3A_63 = arith.addi %add3A_62, %mul3A_0 : i32
    %mul3A_64 = arith.constant 7 : i32
    %mul3A_65 = arith.constant 80 : i32
    %mul3A_66 = arith.muli %mul3A_64, %mul3A_65 : i32
    %add3A_67 = arith.addi %add3A_63, %mul3A_66 : i32
    %dma_start3A_68 = tpu.memref_slice %arg6[%add3A_67] : memref<640000xi32, #tpu.memory_space<hbm>> -> memref<80xi32, #tpu.memory_space<hbm>>
    %dma_start3A_69 = tpu.memref_slice %arg6[%add3A_67] : memref<640000xi32, #tpu.memory_space<hbm>> -> memref<80xi32, #tpu.memory_space<hbm>>
    tpu.enqueue_dma source(%dma_start3A_69 : memref<80xi32, #tpu.memory_space<hbm>>) target(%arg21 : memref<80xi32, #tpu.memory_space<vmem>>) target_semaphore(%arg61 : memref<!tpu.dma_semaphore, #tpu.memory_space<semaphore_mem>>)
    %mul3A_70 = arith.constant 0 : i32
    %mul3A_71 = arith.constant 80 : i32
    %mul3A_72 = arith.muli %mul3A_70, %mul3A_71 : i32
    %add3A_73 = arith.addi %mul3A_0, %mul3A_72 : i32
    %dma_start3A_74 = tpu.memref_slice %arg6[%add3A_73] : memref<640000xi32, #tpu.memory_space<hbm>> -> memref<80xi32, #tpu.memory_space<hbm>>
    %dma_start3A_75 = tpu.memref_slice %arg6[%add3A_73] : memref<640000xi32, #tpu.memory_space<hbm>> -> memref<80xi32, #tpu.memory_space<hbm>>
    tpu.enqueue_dma source(%dma_start3A_75 : memref<80xi32, #tpu.memory_space<hbm>>) target(%arg14 : memref<80xi32, #tpu.memory_space<vmem>>) target_semaphore(%arg54 : memref<!tpu.dma_semaphore, #tpu.memory_space<semaphore_mem>>)
    %add3A_76 = arith.constant 320000 : i32
    %add3A_77 = arith.addi %add3A_76, %mul3A_0 : i32
    %mul3A_78 = arith.constant 0 : i32
    %mul3A_79 = arith.constant 80 : i32
    %mul3A_80 = arith.muli %mul3A_78, %mul3A_79 : i32
    %add3A_81 = arith.addi %add3A_77, %mul3A_80 : i32
    %dma_start3A_82 = tpu.memref_slice %arg6[%add3A_81] : memref<640000xi32, #tpu.memory_space<hbm>> -> memref<80xi32, #tpu.memory_space<hbm>>
    %dma_start3A_83 = tpu.memref_slice %arg6[%add3A_81] : memref<640000xi32, #tpu.memory_space<hbm>> -> memref<80xi32, #tpu.memory_space<hbm>>
    tpu.enqueue_dma source(%dma_start3A_83 : memref<80xi32, #tpu.memory_space<hbm>>) target(%arg22 : memref<80xi32, #tpu.memory_space<vmem>>) target_semaphore(%arg62 : memref<!tpu.dma_semaphore, #tpu.memory_space<semaphore_mem>>)
    %mul3A_84 = arith.constant 1 : i32
    %mul3A_85 = arith.constant 80 : i32
    %mul3A_86 = arith.muli %mul3A_84, %mul3A_85 : i32
    %add3A_87 = arith.addi %mul3A_0, %mul3A_86 : i32
    %dma_start3A_88 = tpu.memref_slice %arg6[%add3A_87] : memref<640000xi32, #tpu.memory_space<hbm>> -> memref<80xi32, #tpu.memory_space<hbm>>
    %dma_start3A_89 = tpu.memref_slice %arg6[%add3A_87] : memref<640000xi32, #tpu.memory_space<hbm>> -> memref<80xi32, #tpu.memory_space<hbm>>
    tpu.enqueue_dma source(%dma_start3A_89 : memref<80xi32, #tpu.memory_space<hbm>>) target(%arg15 : memref<80xi32, #tpu.memory_space<vmem>>) target_semaphore(%arg55 : memref<!tpu.dma_semaphore, #tpu.memory_space<semaphore_mem>>)
    %add3A_90 = arith.constant 320000 : i32
    %add3A_91 = arith.addi %add3A_90, %mul3A_0 : i32
    %mul3A_92 = arith.constant 1 : i32
    %mul3A_93 = arith.constant 80 : i32
    %mul3A_94 = arith.muli %mul3A_92, %mul3A_93 : i32
    %add3A_95 = arith.addi %add3A_91, %mul3A_94 : i32
    %dma_start3A_96 = tpu.memref_slice %arg6[%add3A_95] : memref<640000xi32, #tpu.memory_space<hbm>> -> memref<80xi32, #tpu.memory_space<hbm>>
    %dma_start3A_97 = tpu.memref_slice %arg6[%add3A_95] : memref<640000xi32, #tpu.memory_space<hbm>> -> memref<80xi32, #tpu.memory_space<hbm>>
    tpu.enqueue_dma source(%dma_start3A_97 : memref<80xi32, #tpu.memory_space<hbm>>) target(%arg23 : memref<80xi32, #tpu.memory_space<vmem>>) target_semaphore(%arg63 : memref<!tpu.dma_semaphore, #tpu.memory_space<semaphore_mem>>)
    %mul3A_98 = arith.constant 2 : i32
    %mul3A_99 = arith.constant 80 : i32
    %mul3A_100 = arith.muli %mul3A_98, %mul3A_99 : i32
    %add3A_101 = arith.addi %mul3A_0, %mul3A_100 : i32
    %dma_start3A_102 = tpu.memref_slice %arg6[%add3A_101] : memref<640000xi32, #tpu.memory_space<hbm>> -> memref<80xi32, #tpu.memory_space<hbm>>
    %dma_start3A_103 = tpu.memref_slice %arg6[%add3A_101] : memref<640000xi32, #tpu.memory_space<hbm>> -> memref<80xi32, #tpu.memory_space<hbm>>
    tpu.enqueue_dma source(%dma_start3A_103 : memref<80xi32, #tpu.memory_space<hbm>>) target(%arg16 : memref<80xi32, #tpu.memory_space<vmem>>) target_semaphore(%arg56 : memref<!tpu.dma_semaphore, #tpu.memory_space<semaphore_mem>>)
    %add3A_104 = arith.constant 320000 : i32
    %add3A_105 = arith.addi %add3A_104, %mul3A_0 : i32
    %mul3A_106 = arith.constant 2 : i32
    %mul3A_107 = arith.constant 80 : i32
    %mul3A_108 = arith.muli %mul3A_106, %mul3A_107 : i32
    %add3A_109 = arith.addi %add3A_105, %mul3A_108 : i32
    %dma_start3A_110 = tpu.memref_slice %arg6[%add3A_109] : memref<640000xi32, #tpu.memory_space<hbm>> -> memref<80xi32, #tpu.memory_space<hbm>>
    %dma_start3A_111 = tpu.memref_slice %arg6[%add3A_109] : memref<640000xi32, #tpu.memory_space<hbm>> -> memref<80xi32, #tpu.memory_space<hbm>>
    tpu.enqueue_dma source(%dma_start3A_111 : memref<80xi32, #tpu.memory_space<hbm>>) target(%arg24 : memref<80xi32, #tpu.memory_space<vmem>>) target_semaphore(%arg64 : memref<!tpu.dma_semaphore, #tpu.memory_space<semaphore_mem>>)
    %mul3A_112 = arith.constant 3 : i32
    %mul3A_113 = arith.constant 80 : i32
    %mul3A_114 = arith.muli %mul3A_112, %mul3A_113 : i32
    %add3A_115 = arith.addi %mul3A_0, %mul3A_114 : i32
    %dma_start3A_116 = tpu.memref_slice %arg6[%add3A_115] : memref<640000xi32, #tpu.memory_space<hbm>> -> memref<80xi32, #tpu.memory_space<hbm>>
    %dma_start3A_117 = tpu.memref_slice %arg6[%add3A_115] : memref<640000xi32, #tpu.memory_space<hbm>> -> memref<80xi32, #tpu.memory_space<hbm>>
    tpu.enqueue_dma source(%dma_start3A_117 : memref<80xi32, #tpu.memory_space<hbm>>) target(%arg17 : memref<80xi32, #tpu.memory_space<vmem>>) target_semaphore(%arg57 : memref<!tpu.dma_semaphore, #tpu.memory_space<semaphore_mem>>)
    %add3A_118 = arith.constant 320000 : i32
    %add3A_119 = arith.addi %add3A_118, %mul3A_0 : i32
    %mul3A_120 = arith.constant 3 : i32
    %mul3A_121 = arith.constant 80 : i32
    %mul3A_122 = arith.muli %mul3A_120, %mul3A_121 : i32
    %add3A_123 = arith.addi %add3A_119, %mul3A_122 : i32
    %dma_start3A_124 = tpu.memref_slice %arg6[%add3A_123] : memref<640000xi32, #tpu.memory_space<hbm>> -> memref<80xi32, #tpu.memory_space<hbm>>
    %dma_start3A_125 = tpu.memref_slice %arg6[%add3A_123] : memref<640000xi32, #tpu.memory_space<hbm>> -> memref<80xi32, #tpu.memory_space<hbm>>
    tpu.enqueue_dma source(%dma_start3A_125 : memref<80xi32, #tpu.memory_space<hbm>>) target(%arg25 : memref<80xi32, #tpu.memory_space<vmem>>) target_semaphore(%arg65 : memref<!tpu.dma_semaphore, #tpu.memory_space<semaphore_mem>>)
    %dma_wait3A = arith.constant 0 : i32
    %dma_wait3A_126 = tpu.memref_slice %arg6[%dma_wait3A] : memref<640000xi32, #tpu.memory_space<hbm>> -> memref<80xi32, #tpu.memory_space<hbm>>
    %dma_wait3A_127 = arith.constant 0 : i32
    %dma_wait3A_128 = tpu.memref_slice %arg6[%dma_wait3A_127] : memref<640000xi32, #tpu.memory_space<hbm>> -> memref<80xi32, #tpu.memory_space<hbm>>
    tpu.wait_dma2 semaphore(%arg54 : memref<!tpu.dma_semaphore, #tpu.memory_space<semaphore_mem>>) src(%dma_wait3A_128 : memref<80xi32, #tpu.memory_space<hbm>>) dst(%arg14 : memref<80xi32, #tpu.memory_space<vmem>>)
    %dma_wait3A_129 = arith.constant 0 : i32
    %dma_wait3A_130 = tpu.memref_slice %arg6[%dma_wait3A_129] : memref<640000xi32, #tpu.memory_space<hbm>> -> memref<80xi32, #tpu.memory_space<hbm>>
    %dma_wait3A_131 = arith.constant 0 : i32
    %dma_wait3A_132 = tpu.memref_slice %arg6[%dma_wait3A_131] : memref<640000xi32, #tpu.memory_space<hbm>> -> memref<80xi32, #tpu.memory_space<hbm>>
    tpu.wait_dma2 semaphore(%arg62 : memref<!tpu.dma_semaphore, #tpu.memory_space<semaphore_mem>>) src(%dma_wait3A_132 : memref<80xi32, #tpu.memory_space<hbm>>) dst(%arg22 : memref<80xi32, #tpu.memory_space<vmem>>)
    %dma_start3A_133 = arith.constant 0 : i32
    %dma_start3A_134 = arith.constant 0 : i32
    %dma_start3A_135 = tpu.memref_slice %arg8[%dma_start3A_133, %dma_start3A_134] : memref<10000x64xf32, #tpu.memory_space<vmem_shared>> -> memref<10000x64xf32, #tpu.memory_space<vmem_shared>>
    tpu.enqueue_indirect_dma source(%dma_start3A_135 : memref<10000x64xf32, #tpu.memory_space<vmem_shared>>) target(%arg26 : memref<80x64xf32, #tpu.memory_space<vmem>>) offsets(%arg14 : memref<80xi32, #tpu.memory_space<vmem>>) semaphore(%arg38 : memref<!tpu.dma_semaphore, #tpu.memory_space<semaphore_mem>>)
    %dma_start3A_136 = arith.constant 0 : i32
    %dma_start3A_137 = arith.constant 0 : i32
    %dma_start3A_138 = tpu.memref_slice %arg9[%dma_start3A_136, %dma_start3A_137] : memref<10000x64xf32, #tpu.memory_space<vmem_shared>> -> memref<10000x64xf32, #tpu.memory_space<vmem_shared>>
    tpu.enqueue_indirect_dma source(%dma_start3A_138 : memref<10000x64xf32, #tpu.memory_space<vmem_shared>>) target(%arg30 : memref<80x64xf32, #tpu.memory_space<vmem>>) offsets(%arg22 : memref<80xi32, #tpu.memory_space<vmem>>) semaphore(%arg42 : memref<!tpu.dma_semaphore, #tpu.memory_space<semaphore_mem>>)
    %dma_wait3A_139 = arith.constant 0 : i32
    %dma_wait3A_140 = tpu.memref_slice %arg6[%dma_wait3A_139] : memref<640000xi32, #tpu.memory_space<hbm>> -> memref<80xi32, #tpu.memory_space<hbm>>
    %dma_wait3A_141 = arith.constant 0 : i32
    %dma_wait3A_142 = tpu.memref_slice %arg6[%dma_wait3A_141] : memref<640000xi32, #tpu.memory_space<hbm>> -> memref<80xi32, #tpu.memory_space<hbm>>
    tpu.wait_dma2 semaphore(%arg55 : memref<!tpu.dma_semaphore, #tpu.memory_space<semaphore_mem>>) src(%dma_wait3A_142 : memref<80xi32, #tpu.memory_space<hbm>>) dst(%arg15 : memref<80xi32, #tpu.memory_space<vmem>>)
    %dma_wait3A_143 = arith.constant 0 : i32
    %dma_wait3A_144 = tpu.memref_slice %arg6[%dma_wait3A_143] : memref<640000xi32, #tpu.memory_space<hbm>> -> memref<80xi32, #tpu.memory_space<hbm>>
    %dma_wait3A_145 = arith.constant 0 : i32
    %dma_wait3A_146 = tpu.memref_slice %arg6[%dma_wait3A_145] : memref<640000xi32, #tpu.memory_space<hbm>> -> memref<80xi32, #tpu.memory_space<hbm>>
    tpu.wait_dma2 semaphore(%arg63 : memref<!tpu.dma_semaphore, #tpu.memory_space<semaphore_mem>>) src(%dma_wait3A_146 : memref<80xi32, #tpu.memory_space<hbm>>) dst(%arg23 : memref<80xi32, #tpu.memory_space<vmem>>)
    %dma_start3A_147 = arith.constant 0 : i32
    %dma_start3A_148 = arith.constant 0 : i32
    %dma_start3A_149 = tpu.memref_slice %arg8[%dma_start3A_147, %dma_start3A_148] : memref<10000x64xf32, #tpu.memory_space<vmem_shared>> -> memref<10000x64xf32, #tpu.memory_space<vmem_shared>>
    tpu.enqueue_indirect_dma source(%dma_start3A_149 : memref<10000x64xf32, #tpu.memory_space<vmem_shared>>) target(%arg27 : memref<80x64xf32, #tpu.memory_space<vmem>>) offsets(%arg15 : memref<80xi32, #tpu.memory_space<vmem>>) semaphore(%arg39 : memref<!tpu.dma_semaphore, #tpu.memory_space<semaphore_mem>>)
    %dma_start3A_150 = arith.constant 0 : i32
    %dma_start3A_151 = arith.constant 0 : i32
    %dma_start3A_152 = tpu.memref_slice %arg9[%dma_start3A_150, %dma_start3A_151] : memref<10000x64xf32, #tpu.memory_space<vmem_shared>> -> memref<10000x64xf32, #tpu.memory_space<vmem_shared>>
    tpu.enqueue_indirect_dma source(%dma_start3A_152 : memref<10000x64xf32, #tpu.memory_space<vmem_shared>>) target(%arg31 : memref<80x64xf32, #tpu.memory_space<vmem>>) offsets(%arg23 : memref<80xi32, #tpu.memory_space<vmem>>) semaphore(%arg43 : memref<!tpu.dma_semaphore, #tpu.memory_space<semaphore_mem>>)
    %dma_wait3A_153 = arith.constant 0 : i32
    %dma_wait3A_154 = tpu.memref_slice %arg6[%dma_wait3A_153] : memref<640000xi32, #tpu.memory_space<hbm>> -> memref<80xi32, #tpu.memory_space<hbm>>
    %dma_wait3A_155 = arith.constant 0 : i32
    %dma_wait3A_156 = tpu.memref_slice %arg6[%dma_wait3A_155] : memref<640000xi32, #tpu.memory_space<hbm>> -> memref<80xi32, #tpu.memory_space<hbm>>
    tpu.wait_dma2 semaphore(%arg56 : memref<!tpu.dma_semaphore, #tpu.memory_space<semaphore_mem>>) src(%dma_wait3A_156 : memref<80xi32, #tpu.memory_space<hbm>>) dst(%arg16 : memref<80xi32, #tpu.memory_space<vmem>>)
    %dma_wait3A_157 = arith.constant 0 : i32
    %dma_wait3A_158 = tpu.memref_slice %arg6[%dma_wait3A_157] : memref<640000xi32, #tpu.memory_space<hbm>> -> memref<80xi32, #tpu.memory_space<hbm>>
    %dma_wait3A_159 = arith.constant 0 : i32
    %dma_wait3A_160 = tpu.memref_slice %arg6[%dma_wait3A_159] : memref<640000xi32, #tpu.memory_space<hbm>> -> memref<80xi32, #tpu.memory_space<hbm>>
    tpu.wait_dma2 semaphore(%arg64 : memref<!tpu.dma_semaphore, #tpu.memory_space<semaphore_mem>>) src(%dma_wait3A_160 : memref<80xi32, #tpu.memory_space<hbm>>) dst(%arg24 : memref<80xi32, #tpu.memory_space<vmem>>)
    %dma_start3A_161 = arith.constant 0 : i32
    %dma_start3A_162 = arith.constant 0 : i32
    %dma_start3A_163 = tpu.memref_slice %arg8[%dma_start3A_161, %dma_start3A_162] : memref<10000x64xf32, #tpu.memory_space<vmem_shared>> -> memref<10000x64xf32, #tpu.memory_space<vmem_shared>>
    tpu.enqueue_indirect_dma source(%dma_start3A_163 : memref<10000x64xf32, #tpu.memory_space<vmem_shared>>) target(%arg28 : memref<80x64xf32, #tpu.memory_space<vmem>>) offsets(%arg16 : memref<80xi32, #tpu.memory_space<vmem>>) semaphore(%arg40 : memref<!tpu.dma_semaphore, #tpu.memory_space<semaphore_mem>>)
    %dma_start3A_164 = arith.constant 0 : i32
    %dma_start3A_165 = arith.constant 0 : i32
    %dma_start3A_166 = tpu.memref_slice %arg9[%dma_start3A_164, %dma_start3A_165] : memref<10000x64xf32, #tpu.memory_space<vmem_shared>> -> memref<10000x64xf32, #tpu.memory_space<vmem_shared>>
    tpu.enqueue_indirect_dma source(%dma_start3A_166 : memref<10000x64xf32, #tpu.memory_space<vmem_shared>>) target(%arg32 : memref<80x64xf32, #tpu.memory_space<vmem>>) offsets(%arg24 : memref<80xi32, #tpu.memory_space<vmem>>) semaphore(%arg44 : memref<!tpu.dma_semaphore, #tpu.memory_space<semaphore_mem>>)
    %dma_wait3A_167 = arith.constant 0 : i32
    %dma_wait3A_168 = tpu.memref_slice %arg6[%dma_wait3A_167] : memref<640000xi32, #tpu.memory_space<hbm>> -> memref<80xi32, #tpu.memory_space<hbm>>
    %dma_wait3A_169 = arith.constant 0 : i32
    %dma_wait3A_170 = tpu.memref_slice %arg6[%dma_wait3A_169] : memref<640000xi32, #tpu.memory_space<hbm>> -> memref<80xi32, #tpu.memory_space<hbm>>
    tpu.wait_dma2 semaphore(%arg57 : memref<!tpu.dma_semaphore, #tpu.memory_space<semaphore_mem>>) src(%dma_wait3A_170 : memref<80xi32, #tpu.memory_space<hbm>>) dst(%arg17 : memref<80xi32, #tpu.memory_space<vmem>>)
    %dma_wait3A_171 = arith.constant 0 : i32
    %dma_wait3A_172 = tpu.memref_slice %arg6[%dma_wait3A_171] : memref<640000xi32, #tpu.memory_space<hbm>> -> memref<80xi32, #tpu.memory_space<hbm>>
    %dma_wait3A_173 = arith.constant 0 : i32
    %dma_wait3A_174 = tpu.memref_slice %arg6[%dma_wait3A_173] : memref<640000xi32, #tpu.memory_space<hbm>> -> memref<80xi32, #tpu.memory_space<hbm>>
    tpu.wait_dma2 semaphore(%arg65 : memref<!tpu.dma_semaphore, #tpu.memory_space<semaphore_mem>>) src(%dma_wait3A_174 : memref<80xi32, #tpu.memory_space<hbm>>) dst(%arg25 : memref<80xi32, #tpu.memory_space<vmem>>)
    %dma_start3A_175 = arith.constant 0 : i32
    %dma_start3A_176 = arith.constant 0 : i32
    %dma_start3A_177 = tpu.memref_slice %arg8[%dma_start3A_175, %dma_start3A_176] : memref<10000x64xf32, #tpu.memory_space<vmem_shared>> -> memref<10000x64xf32, #tpu.memory_space<vmem_shared>>
    tpu.enqueue_indirect_dma source(%dma_start3A_177 : memref<10000x64xf32, #tpu.memory_space<vmem_shared>>) target(%arg29 : memref<80x64xf32, #tpu.memory_space<vmem>>) offsets(%arg17 : memref<80xi32, #tpu.memory_space<vmem>>) semaphore(%arg41 : memref<!tpu.dma_semaphore, #tpu.memory_space<semaphore_mem>>)
    %dma_start3A_178 = arith.constant 0 : i32
    %dma_start3A_179 = arith.constant 0 : i32
    %dma_start3A_180 = tpu.memref_slice %arg9[%dma_start3A_178, %dma_start3A_179] : memref<10000x64xf32, #tpu.memory_space<vmem_shared>> -> memref<10000x64xf32, #tpu.memory_space<vmem_shared>>
    tpu.enqueue_indirect_dma source(%dma_start3A_180 : memref<10000x64xf32, #tpu.memory_space<vmem_shared>>) target(%arg33 : memref<80x64xf32, #tpu.memory_space<vmem>>) offsets(%arg25 : memref<80xi32, #tpu.memory_space<vmem>>) semaphore(%arg45 : memref<!tpu.dma_semaphore, #tpu.memory_space<semaphore_mem>>)
    %scan3A = arith.constant 0 : i32
    %scan3A_181 = arith.constant 0 : i32
    %scan3A_182 = arith.constant 31 : i32
    %scan3A_183 = arith.addi %scan3A_181, %scan3A_182 : i32
    %scan3A_184 = arith.constant 1 : i32
    scf.for %scan3A_298 = %scan3A_181 to %scan3A_183 step %scan3A_184  : i32 {
      %mul3A_299 = arith.constant 8 : i32
      %mul3A_300 = arith.muli %scan3A_298, %mul3A_299 : i32
      %add3A_301 = arith.constant 0 : i32
      %add3A_302 = arith.addi %mul3A_300, %add3A_301 : i32
      %dma_wait3A_303 = arith.constant 0 : i32
      %dma_wait3A_304 = arith.constant 0 : i32
      %dma_wait3A_305 = tpu.memref_slice %arg2[%dma_wait3A_303, %dma_wait3A_304] : memref<10000x64xf32, #tpu.memory_space<hbm>> -> memref<80x64xf32, #tpu.memory_space<hbm>>
      %dma_wait3A_306 = arith.constant 0 : i32
      %dma_wait3A_307 = arith.constant 0 : i32
      %dma_wait3A_308 = tpu.memref_slice %arg2[%dma_wait3A_306, %dma_wait3A_307] : memref<10000x64xf32, #tpu.memory_space<hbm>> -> memref<80x64xf32, #tpu.memory_space<hbm>>
      tpu.wait_dma2 semaphore(%arg38 : memref<!tpu.dma_semaphore, #tpu.memory_space<semaphore_mem>>) src(%dma_wait3A_308 : memref<80x64xf32, #tpu.memory_space<hbm>>) dst(%arg26 : memref<80x64xf32, #tpu.memory_space<vmem>>)
      %dma_wait3A_309 = arith.constant 0 : i32
      %dma_wait3A_310 = arith.constant 0 : i32
      %dma_wait3A_311 = tpu.memref_slice %arg4[%dma_wait3A_309, %dma_wait3A_310] : memref<10000x64xf32, #tpu.memory_space<hbm>> -> memref<80x64xf32, #tpu.memory_space<hbm>>
      %dma_wait3A_312 = arith.constant 0 : i32
      %dma_wait3A_313 = arith.constant 0 : i32
      %dma_wait3A_314 = tpu.memref_slice %arg4[%dma_wait3A_312, %dma_wait3A_313] : memref<10000x64xf32, #tpu.memory_space<hbm>> -> memref<80x64xf32, #tpu.memory_space<hbm>>
      tpu.wait_dma2 semaphore(%arg42 : memref<!tpu.dma_semaphore, #tpu.memory_space<semaphore_mem>>) src(%dma_wait3A_314 : memref<80x64xf32, #tpu.memory_space<hbm>>) dst(%arg30 : memref<80x64xf32, #tpu.memory_space<vmem>>)
      %add3A_315 = arith.constant 8 : i32
      %add3A_316 = arith.addi %add3A_302, %add3A_315 : i32
      %min3A = arith.constant 249 : i32
      %min3A_317 = arith.minsi %add3A_316, %min3A : i32
      %mul3A_318 = arith.constant 80 : i32
      %mul3A_319 = arith.muli %min3A_317, %mul3A_318 : i32
      %add3A_320 = arith.addi %mul3A_0, %mul3A_319 : i32
      %dma_start3A_321 = tpu.memref_slice %arg6[%add3A_320] : memref<640000xi32, #tpu.memory_space<hbm>> -> memref<80xi32, #tpu.memory_space<hbm>>
      %dma_start3A_322 = tpu.memref_slice %arg6[%add3A_320] : memref<640000xi32, #tpu.memory_space<hbm>> -> memref<80xi32, #tpu.memory_space<hbm>>
      tpu.enqueue_dma source(%dma_start3A_322 : memref<80xi32, #tpu.memory_space<hbm>>) target(%arg14 : memref<80xi32, #tpu.memory_space<vmem>>) target_semaphore(%arg54 : memref<!tpu.dma_semaphore, #tpu.memory_space<semaphore_mem>>)
      %add3A_323 = arith.constant 320000 : i32
      %add3A_324 = arith.addi %add3A_323, %mul3A_0 : i32
      %mul3A_325 = arith.constant 80 : i32
      %mul3A_326 = arith.muli %min3A_317, %mul3A_325 : i32
      %add3A_327 = arith.addi %add3A_324, %mul3A_326 : i32
      %dma_start3A_328 = tpu.memref_slice %arg6[%add3A_327] : memref<640000xi32, #tpu.memory_space<hbm>> -> memref<80xi32, #tpu.memory_space<hbm>>
      %dma_start3A_329 = tpu.memref_slice %arg6[%add3A_327] : memref<640000xi32, #tpu.memory_space<hbm>> -> memref<80xi32, #tpu.memory_space<hbm>>
      tpu.enqueue_dma source(%dma_start3A_329 : memref<80xi32, #tpu.memory_space<hbm>>) target(%arg22 : memref<80xi32, #tpu.memory_space<vmem>>) target_semaphore(%arg62 : memref<!tpu.dma_semaphore, #tpu.memory_space<semaphore_mem>>)
      %gt3A = arith.constant 0 : i32
      %gt3A_330 = arith.cmpi sgt, %scan3A_298, %gt3A : i32
      %or3A = arith.constant false
      %or3A_331 = arith.ori %gt3A_330, %or3A : i1
      %convert_element_type3A_332 = arith.extui %or3A_331 : i1 to i32
      %cond3A_333 = arith.constant 0 : i32
      %cond3A_334 = arith.cmpi ne, %convert_element_type3A_332, %cond3A_333 : i32
      scf.if %cond3A_334 {
        %dma_wait3A_808 = tpu.memref_slice %arg7[%add3A] : memref<640000xf32, #tpu.memory_space<hbm>> -> memref<80xf32, #tpu.memory_space<hbm>>
        %dma_wait3A_809 = tpu.memref_slice %arg7[%add3A] : memref<640000xf32, #tpu.memory_space<hbm>> -> memref<80xf32, #tpu.memory_space<hbm>>
        tpu.wait_dma2 semaphore(%arg46 : memref<!tpu.dma_semaphore, #tpu.memory_space<semaphore_mem>>) src(%arg34 : memref<80xf32, #tpu.memory_space<vmem>>) dst(%dma_wait3A_809 : memref<80xf32, #tpu.memory_space<hbm>>)
      } else {
      }
      %scan3A_335 = arith.constant 0 : i32
      %scan3A_336 = arith.constant 0 : i32
      %scan3A_337 = arith.constant 5 : i32
      %scan3A_338 = arith.addi %scan3A_336, %scan3A_337 : i32
      %scan3A_339 = arith.constant 1 : i32
      scf.for %scan3A_808 = %scan3A_336 to %scan3A_338 step %scan3A_339  : i32 {
        %iota3A = tpu.iota {dimensions = array<i32: 0>} : vector<16xi32>
        %mul3A_809 = arith.constant 16 : i32
        %mul3A_810 = arith.muli %scan3A_808, %mul3A_809 : i32
        %add3A_811 = vector.broadcast %mul3A_810 : i32 to vector<16xi32>
        %add3A_812 = arith.addi %iota3A, %add3A_811 : vector<16xi32>
        %broadcast_in_dim3A = arith.constant 0.000000e+00 : f32
        %broadcast_in_dim3A_813 = vector.broadcast %broadcast_in_dim3A : f32 to vector<16xf32>
        %scan3A_814 = arith.constant 0 : i32
        %scan3A_815 = arith.constant 8 : i32
        %scan3A_816 = arith.addi %scan3A_814, %scan3A_815 : i32
        %scan3A_817 = arith.constant 1 : i32
        %scan3A_818 = scf.for %scan3A_823 = %scan3A_814 to %scan3A_816 step %scan3A_817 iter_args(%scan3A_824 = %broadcast_in_dim3A_813) -> (vector<16xf32>)  : i32 {
          %mul3A_825 = arith.constant 8 : i32
          %mul3A_826 = arith.muli %scan3A_823, %mul3A_825 : i32
          %add3A_827 = arith.constant 0 : i32
          %add3A_828 = arith.addi %mul3A_826, %add3A_827 : i32
          %broadcast_in_dim3A_829 = vector.broadcast %add3A_828 : i32 to vector<16xi32>
          %gather3A = tpu.vector_load_idx %arg26[%add3A_812, %broadcast_in_dim3A_829] : memref<80x64xf32, #tpu.memory_space<vmem>>[vector<16xi32>, vector<16xi32>], vector<16xf32>,
          %gather3A_830 = tpu.vector_load_idx %arg30[%add3A_812, %broadcast_in_dim3A_829] : memref<80x64xf32, #tpu.memory_space<vmem>>[vector<16xi32>, vector<16xi32>], vector<16xf32>,
          %mul3A_831 = arith.mulf %gather3A, %gather3A_830 : vector<16xf32>
          %add3A_832 = arith.addf %scan3A_824, %mul3A_831 : vector<16xf32>
          %mul3A_833 = arith.constant 8 : i32
          %mul3A_834 = arith.muli %scan3A_823, %mul3A_833 : i32
          %add3A_835 = arith.constant 1 : i32
          %add3A_836 = arith.addi %mul3A_834, %add3A_835 : i32
          %broadcast_in_dim3A_837 = vector.broadcast %add3A_836 : i32 to vector<16xi32>
          %gather3A_838 = tpu.vector_load_idx %arg26[%add3A_812, %broadcast_in_dim3A_837] : memref<80x64xf32, #tpu.memory_space<vmem>>[vector<16xi32>, vector<16xi32>], vector<16xf32>,
          %gather3A_839 = tpu.vector_load_idx %arg30[%add3A_812, %broadcast_in_dim3A_837] : memref<80x64xf32, #tpu.memory_space<vmem>>[vector<16xi32>, vector<16xi32>], vector<16xf32>,
          %mul3A_840 = arith.mulf %gather3A_838, %gather3A_839 : vector<16xf32>
          %add3A_841 = arith.addf %add3A_832, %mul3A_840 : vector<16xf32>
          %mul3A_842 = arith.constant 8 : i32
          %mul3A_843 = arith.muli %scan3A_823, %mul3A_842 : i32
          %add3A_844 = arith.constant 2 : i32
          %add3A_845 = arith.addi %mul3A_843, %add3A_844 : i32
          %broadcast_in_dim3A_846 = vector.broadcast %add3A_845 : i32 to vector<16xi32>
          %gather3A_847 = tpu.vector_load_idx %arg26[%add3A_812, %broadcast_in_dim3A_846] : memref<80x64xf32, #tpu.memory_space<vmem>>[vector<16xi32>, vector<16xi32>], vector<16xf32>,
          %gather3A_848 = tpu.vector_load_idx %arg30[%add3A_812, %broadcast_in_dim3A_846] : memref<80x64xf32, #tpu.memory_space<vmem>>[vector<16xi32>, vector<16xi32>], vector<16xf32>,
          %mul3A_849 = arith.mulf %gather3A_847, %gather3A_848 : vector<16xf32>
          %add3A_850 = arith.addf %add3A_841, %mul3A_849 : vector<16xf32>
          %mul3A_851 = arith.constant 8 : i32
          %mul3A_852 = arith.muli %scan3A_823, %mul3A_851 : i32
          %add3A_853 = arith.constant 3 : i32
          %add3A_854 = arith.addi %mul3A_852, %add3A_853 : i32
          %broadcast_in_dim3A_855 = vector.broadcast %add3A_854 : i32 to vector<16xi32>
          %gather3A_856 = tpu.vector_load_idx %arg26[%add3A_812, %broadcast_in_dim3A_855] : memref<80x64xf32, #tpu.memory_space<vmem>>[vector<16xi32>, vector<16xi32>], vector<16xf32>,
          %gather3A_857 = tpu.vector_load_idx %arg30[%add3A_812, %broadcast_in_dim3A_855] : memref<80x64xf32, #tpu.memory_space<vmem>>[vector<16xi32>, vector<16xi32>], vector<16xf32>,
          %mul3A_858 = arith.mulf %gather3A_856, %gather3A_857 : vector<16xf32>
          %add3A_859 = arith.addf %add3A_850, %mul3A_858 : vector<16xf32>
          %mul3A_860 = arith.constant 8 : i32
          %mul3A_861 = arith.muli %scan3A_823, %mul3A_860 : i32
          %add3A_862 = arith.constant 4 : i32
          %add3A_863 = arith.addi %mul3A_861, %add3A_862 : i32
          %broadcast_in_dim3A_864 = vector.broadcast %add3A_863 : i32 to vector<16xi32>
          %gather3A_865 = tpu.vector_load_idx %arg26[%add3A_812, %broadcast_in_dim3A_864] : memref<80x64xf32, #tpu.memory_space<vmem>>[vector<16xi32>, vector<16xi32>], vector<16xf32>,
          %gather3A_866 = tpu.vector_load_idx %arg30[%add3A_812, %broadcast_in_dim3A_864] : memref<80x64xf32, #tpu.memory_space<vmem>>[vector<16xi32>, vector<16xi32>], vector<16xf32>,
          %mul3A_867 = arith.mulf %gather3A_865, %gather3A_866 : vector<16xf32>
          %add3A_868 = arith.addf %add3A_859, %mul3A_867 : vector<16xf32>
          %mul3A_869 = arith.constant 8 : i32
          %mul3A_870 = arith.muli %scan3A_823, %mul3A_869 : i32
          %add3A_871 = arith.constant 5 : i32
          %add3A_872 = arith.addi %mul3A_870, %add3A_871 : i32
          %broadcast_in_dim3A_873 = vector.broadcast %add3A_872 : i32 to vector<16xi32>
          %gather3A_874 = tpu.vector_load_idx %arg26[%add3A_812, %broadcast_in_dim3A_873] : memref<80x64xf32, #tpu.memory_space<vmem>>[vector<16xi32>, vector<16xi32>], vector<16xf32>,
          %gather3A_875 = tpu.vector_load_idx %arg30[%add3A_812, %broadcast_in_dim3A_873] : memref<80x64xf32, #tpu.memory_space<vmem>>[vector<16xi32>, vector<16xi32>], vector<16xf32>,
          %mul3A_876 = arith.mulf %gather3A_874, %gather3A_875 : vector<16xf32>
          %add3A_877 = arith.addf %add3A_868, %mul3A_876 : vector<16xf32>
          %mul3A_878 = arith.constant 8 : i32
          %mul3A_879 = arith.muli %scan3A_823, %mul3A_878 : i32
          %add3A_880 = arith.constant 6 : i32
          %add3A_881 = arith.addi %mul3A_879, %add3A_880 : i32
          %broadcast_in_dim3A_882 = vector.broadcast %add3A_881 : i32 to vector<16xi32>
          %gather3A_883 = tpu.vector_load_idx %arg26[%add3A_812, %broadcast_in_dim3A_882] : memref<80x64xf32, #tpu.memory_space<vmem>>[vector<16xi32>, vector<16xi32>], vector<16xf32>,
          %gather3A_884 = tpu.vector_load_idx %arg30[%add3A_812, %broadcast_in_dim3A_882] : memref<80x64xf32, #tpu.memory_space<vmem>>[vector<16xi32>, vector<16xi32>], vector<16xf32>,
          %mul3A_885 = arith.mulf %gather3A_883, %gather3A_884 : vector<16xf32>
          %add3A_886 = arith.addf %add3A_877, %mul3A_885 : vector<16xf32>
          %mul3A_887 = arith.constant 8 : i32
          %mul3A_888 = arith.muli %scan3A_823, %mul3A_887 : i32
          %add3A_889 = arith.constant 7 : i32
          %add3A_890 = arith.addi %mul3A_888, %add3A_889 : i32
          %broadcast_in_dim3A_891 = vector.broadcast %add3A_890 : i32 to vector<16xi32>
          %gather3A_892 = tpu.vector_load_idx %arg26[%add3A_812, %broadcast_in_dim3A_891] : memref<80x64xf32, #tpu.memory_space<vmem>>[vector<16xi32>, vector<16xi32>], vector<16xf32>,
          %gather3A_893 = tpu.vector_load_idx %arg30[%add3A_812, %broadcast_in_dim3A_891] : memref<80x64xf32, #tpu.memory_space<vmem>>[vector<16xi32>, vector<16xi32>], vector<16xf32>,
          %mul3A_894 = arith.mulf %gather3A_892, %gather3A_893 : vector<16xf32>
          %add3A_895 = arith.addf %add3A_886, %mul3A_894 : vector<16xf32>
          scf.yield %add3A_895 : vector<16xf32>
        }
        %scan3A_819 = arith.constant 8 : i32
        %mul3A_820 = arith.constant 16 : i32
        %mul3A_821 = arith.muli %scan3A_808, %mul3A_820 : i32
        %swap3A = arith.index_cast %mul3A_821 : i32 to index
        %swap3A_822 = tpu.vector_load %arg34[%swap3A] {strides = array<i32>} : memref<80xf32, #tpu.memory_space<vmem>>, vector<16xf32>,
        tpu.vector_store %arg34[%swap3A], %scan3A_818 {strides = array<i32>} : memref<80xf32, #tpu.memory_space<vmem>>, vector<16xf32>,
      }
      %scan3A_340 = arith.constant 5 : i32
      %mul3A_341 = arith.constant 80 : i32
      %mul3A_342 = arith.muli %add3A_302, %mul3A_341 : i32
      %add3A_343 = arith.addi %add3A, %mul3A_342 : i32
      %dma_start3A_344 = tpu.memref_slice %arg7[%add3A_343] : memref<640000xf32, #tpu.memory_space<hbm>> -> memref<80xf32, #tpu.memory_space<hbm>>
      %dma_start3A_345 = tpu.memref_slice %arg7[%add3A_343] : memref<640000xf32, #tpu.memory_space<hbm>> -> memref<80xf32, #tpu.memory_space<hbm>>
      tpu.enqueue_dma source(%arg34 : memref<80xf32, #tpu.memory_space<vmem>>) target(%dma_start3A_345 : memref<80xf32, #tpu.memory_space<hbm>>) target_semaphore(%arg46 : memref<!tpu.dma_semaphore, #tpu.memory_space<semaphore_mem>>)
      %dma_wait3A_346 = arith.constant 0 : i32
      %dma_wait3A_347 = tpu.memref_slice %arg6[%dma_wait3A_346] : memref<640000xi32, #tpu.memory_space<hbm>> -> memref<80xi32, #tpu.memory_space<hbm>>
      %dma_wait3A_348 = arith.constant 0 : i32
      %dma_wait3A_349 = tpu.memref_slice %arg6[%dma_wait3A_348] : memref<640000xi32, #tpu.memory_space<hbm>> -> memref<80xi32, #tpu.memory_space<hbm>>
      tpu.wait_dma2 semaphore(%arg50 : memref<!tpu.dma_semaphore, #tpu.memory_space<semaphore_mem>>) src(%dma_wait3A_349 : memref<80xi32, #tpu.memory_space<hbm>>) dst(%arg10 : memref<80xi32, #tpu.memory_space<vmem>>)
      %dma_wait3A_350 = arith.constant 0 : i32
      %dma_wait3A_351 = tpu.memref_slice %arg6[%dma_wait3A_350] : memref<640000xi32, #tpu.memory_space<hbm>> -> memref<80xi32, #tpu.memory_space<hbm>>
      %dma_wait3A_352 = arith.constant 0 : i32
      %dma_wait3A_353 = tpu.memref_slice %arg6[%dma_wait3A_352] : memref<640000xi32, #tpu.memory_space<hbm>> -> memref<80xi32, #tpu.memory_space<hbm>>
      tpu.wait_dma2 semaphore(%arg58 : memref<!tpu.dma_semaphore, #tpu.memory_space<semaphore_mem>>) src(%dma_wait3A_353 : memref<80xi32, #tpu.memory_space<hbm>>) dst(%arg18 : memref<80xi32, #tpu.memory_space<vmem>>)
      %dma_start3A_354 = arith.constant 0 : i32
      %dma_start3A_355 = arith.constant 0 : i32
      %dma_start3A_356 = tpu.memref_slice %arg8[%dma_start3A_354, %dma_start3A_355] : memref<10000x64xf32, #tpu.memory_space<vmem_shared>> -> memref<10000x64xf32, #tpu.memory_space<vmem_shared>>
      tpu.enqueue_indirect_dma source(%dma_start3A_356 : memref<10000x64xf32, #tpu.memory_space<vmem_shared>>) target(%arg26 : memref<80x64xf32, #tpu.memory_space<vmem>>) offsets(%arg10 : memref<80xi32, #tpu.memory_space<vmem>>) semaphore(%arg38 : memref<!tpu.dma_semaphore, #tpu.memory_space<semaphore_mem>>)
      %dma_start3A_357 = arith.constant 0 : i32
      %dma_start3A_358 = arith.constant 0 : i32
      %dma_start3A_359 = tpu.memref_slice %arg9[%dma_start3A_357, %dma_start3A_358] : memref<10000x64xf32, #tpu.memory_space<vmem_shared>> -> memref<10000x64xf32, #tpu.memory_space<vmem_shared>>
      tpu.enqueue_indirect_dma source(%dma_start3A_359 : memref<10000x64xf32, #tpu.memory_space<vmem_shared>>) target(%arg30 : memref<80x64xf32, #tpu.memory_space<vmem>>) offsets(%arg18 : memref<80xi32, #tpu.memory_space<vmem>>) semaphore(%arg42 : memref<!tpu.dma_semaphore, #tpu.memory_space<semaphore_mem>>)
      %mul3A_360 = arith.constant 8 : i32
      %mul3A_361 = arith.muli %scan3A_298, %mul3A_360 : i32
      %add3A_362 = arith.constant 1 : i32
      %add3A_363 = arith.addi %mul3A_361, %add3A_362 : i32
      %dma_wait3A_364 = arith.constant 0 : i32
      %dma_wait3A_365 = arith.constant 0 : i32
      %dma_wait3A_366 = tpu.memref_slice %arg2[%dma_wait3A_364, %dma_wait3A_365] : memref<10000x64xf32, #tpu.memory_space<hbm>> -> memref<80x64xf32, #tpu.memory_space<hbm>>
      %dma_wait3A_367 = arith.constant 0 : i32
      %dma_wait3A_368 = arith.constant 0 : i32
      %dma_wait3A_369 = tpu.memref_slice %arg2[%dma_wait3A_367, %dma_wait3A_368] : memref<10000x64xf32, #tpu.memory_space<hbm>> -> memref<80x64xf32, #tpu.memory_space<hbm>>
      tpu.wait_dma2 semaphore(%arg39 : memref<!tpu.dma_semaphore, #tpu.memory_space<semaphore_mem>>) src(%dma_wait3A_369 : memref<80x64xf32, #tpu.memory_space<hbm>>) dst(%arg27 : memref<80x64xf32, #tpu.memory_space<vmem>>)
      %dma_wait3A_370 = arith.constant 0 : i32
      %dma_wait3A_371 = arith.constant 0 : i32
      %dma_wait3A_372 = tpu.memref_slice %arg4[%dma_wait3A_370, %dma_wait3A_371] : memref<10000x64xf32, #tpu.memory_space<hbm>> -> memref<80x64xf32, #tpu.memory_space<hbm>>
      %dma_wait3A_373 = arith.constant 0 : i32
      %dma_wait3A_374 = arith.constant 0 : i32
      %dma_wait3A_375 = tpu.memref_slice %arg4[%dma_wait3A_373, %dma_wait3A_374] : memref<10000x64xf32, #tpu.memory_space<hbm>> -> memref<80x64xf32, #tpu.memory_space<hbm>>
      tpu.wait_dma2 semaphore(%arg43 : memref<!tpu.dma_semaphore, #tpu.memory_space<semaphore_mem>>) src(%dma_wait3A_375 : memref<80x64xf32, #tpu.memory_space<hbm>>) dst(%arg31 : memref<80x64xf32, #tpu.memory_space<vmem>>)
      %add3A_376 = arith.constant 8 : i32
      %add3A_377 = arith.addi %add3A_363, %add3A_376 : i32
      %min3A_378 = arith.constant 249 : i32
      %min3A_379 = arith.minsi %add3A_377, %min3A_378 : i32
      %mul3A_380 = arith.constant 80 : i32
      %mul3A_381 = arith.muli %min3A_379, %mul3A_380 : i32
      %add3A_382 = arith.addi %mul3A_0, %mul3A_381 : i32
      %dma_start3A_383 = tpu.memref_slice %arg6[%add3A_382] : memref<640000xi32, #tpu.memory_space<hbm>> -> memref<80xi32, #tpu.memory_space<hbm>>
      %dma_start3A_384 = tpu.memref_slice %arg6[%add3A_382] : memref<640000xi32, #tpu.memory_space<hbm>> -> memref<80xi32, #tpu.memory_space<hbm>>
      tpu.enqueue_dma source(%dma_start3A_384 : memref<80xi32, #tpu.memory_space<hbm>>) target(%arg15 : memref<80xi32, #tpu.memory_space<vmem>>) target_semaphore(%arg55 : memref<!tpu.dma_semaphore, #tpu.memory_space<semaphore_mem>>)
      %add3A_385 = arith.constant 320000 : i32
      %add3A_386 = arith.addi %add3A_385, %mul3A_0 : i32
      %mul3A_387 = arith.constant 80 : i32
      %mul3A_388 = arith.muli %min3A_379, %mul3A_387 : i32
      %add3A_389 = arith.addi %add3A_386, %mul3A_388 : i32
      %dma_start3A_390 = tpu.memref_slice %arg6[%add3A_389] : memref<640000xi32, #tpu.memory_space<hbm>> -> memref<80xi32, #tpu.memory_space<hbm>>
      %dma_start3A_391 = tpu.memref_slice %arg6[%add3A_389] : memref<640000xi32, #tpu.memory_space<hbm>> -> memref<80xi32, #tpu.memory_space<hbm>>
      tpu.enqueue_dma source(%dma_start3A_391 : memref<80xi32, #tpu.memory_space<hbm>>) target(%arg23 : memref<80xi32, #tpu.memory_space<vmem>>) target_semaphore(%arg63 : memref<!tpu.dma_semaphore, #tpu.memory_space<semaphore_mem>>)
      %gt3A_392 = arith.constant 0 : i32
      %gt3A_393 = arith.cmpi sgt, %scan3A_298, %gt3A_392 : i32
      %or3A_394 = arith.constant false
      %or3A_395 = arith.ori %gt3A_393, %or3A_394 : i1
      %convert_element_type3A_396 = arith.extui %or3A_395 : i1 to i32
      %cond3A_397 = arith.constant 0 : i32
      %cond3A_398 = arith.cmpi ne, %convert_element_type3A_396, %cond3A_397 : i32
      scf.if %cond3A_398 {
        %dma_wait3A_808 = tpu.memref_slice %arg7[%add3A] : memref<640000xf32, #tpu.memory_space<hbm>> -> memref<80xf32, #tpu.memory_space<hbm>>
        %dma_wait3A_809 = tpu.memref_slice %arg7[%add3A] : memref<640000xf32, #tpu.memory_space<hbm>> -> memref<80xf32, #tpu.memory_space<hbm>>
        tpu.wait_dma2 semaphore(%arg47 : memref<!tpu.dma_semaphore, #tpu.memory_space<semaphore_mem>>) src(%arg35 : memref<80xf32, #tpu.memory_space<vmem>>) dst(%dma_wait3A_809 : memref<80xf32, #tpu.memory_space<hbm>>)
      } else {
      }
      %scan3A_399 = arith.constant 0 : i32
      %scan3A_400 = arith.constant 0 : i32
      %scan3A_401 = arith.constant 5 : i32
      %scan3A_402 = arith.addi %scan3A_400, %scan3A_401 : i32
      %scan3A_403 = arith.constant 1 : i32
      scf.for %scan3A_808 = %scan3A_400 to %scan3A_402 step %scan3A_403  : i32 {
        %iota3A = tpu.iota {dimensions = array<i32: 0>} : vector<16xi32>
        %mul3A_809 = arith.constant 16 : i32
        %mul3A_810 = arith.muli %scan3A_808, %mul3A_809 : i32
        %add3A_811 = vector.broadcast %mul3A_810 : i32 to vector<16xi32>
        %add3A_812 = arith.addi %iota3A, %add3A_811 : vector<16xi32>
        %broadcast_in_dim3A = arith.constant 0.000000e+00 : f32
        %broadcast_in_dim3A_813 = vector.broadcast %broadcast_in_dim3A : f32 to vector<16xf32>
        %scan3A_814 = arith.constant 0 : i32
        %scan3A_815 = arith.constant 8 : i32
        %scan3A_816 = arith.addi %scan3A_814, %scan3A_815 : i32
        %scan3A_817 = arith.constant 1 : i32
        %scan3A_818 = scf.for %scan3A_823 = %scan3A_814 to %scan3A_816 step %scan3A_817 iter_args(%scan3A_824 = %broadcast_in_dim3A_813) -> (vector<16xf32>)  : i32 {
          %mul3A_825 = arith.constant 8 : i32
          %mul3A_826 = arith.muli %scan3A_823, %mul3A_825 : i32
          %add3A_827 = arith.constant 0 : i32
          %add3A_828 = arith.addi %mul3A_826, %add3A_827 : i32
          %broadcast_in_dim3A_829 = vector.broadcast %add3A_828 : i32 to vector<16xi32>
          %gather3A = tpu.vector_load_idx %arg27[%add3A_812, %broadcast_in_dim3A_829] : memref<80x64xf32, #tpu.memory_space<vmem>>[vector<16xi32>, vector<16xi32>], vector<16xf32>,
          %gather3A_830 = tpu.vector_load_idx %arg31[%add3A_812, %broadcast_in_dim3A_829] : memref<80x64xf32, #tpu.memory_space<vmem>>[vector<16xi32>, vector<16xi32>], vector<16xf32>,
          %mul3A_831 = arith.mulf %gather3A, %gather3A_830 : vector<16xf32>
          %add3A_832 = arith.addf %scan3A_824, %mul3A_831 : vector<16xf32>
          %mul3A_833 = arith.constant 8 : i32
          %mul3A_834 = arith.muli %scan3A_823, %mul3A_833 : i32
          %add3A_835 = arith.constant 1 : i32
          %add3A_836 = arith.addi %mul3A_834, %add3A_835 : i32
          %broadcast_in_dim3A_837 = vector.broadcast %add3A_836 : i32 to vector<16xi32>
          %gather3A_838 = tpu.vector_load_idx %arg27[%add3A_812, %broadcast_in_dim3A_837] : memref<80x64xf32, #tpu.memory_space<vmem>>[vector<16xi32>, vector<16xi32>], vector<16xf32>,
          %gather3A_839 = tpu.vector_load_idx %arg31[%add3A_812, %broadcast_in_dim3A_837] : memref<80x64xf32, #tpu.memory_space<vmem>>[vector<16xi32>, vector<16xi32>], vector<16xf32>,
          %mul3A_840 = arith.mulf %gather3A_838, %gather3A_839 : vector<16xf32>
          %add3A_841 = arith.addf %add3A_832, %mul3A_840 : vector<16xf32>
          %mul3A_842 = arith.constant 8 : i32
          %mul3A_843 = arith.muli %scan3A_823, %mul3A_842 : i32
          %add3A_844 = arith.constant 2 : i32
          %add3A_845 = arith.addi %mul3A_843, %add3A_844 : i32
          %broadcast_in_dim3A_846 = vector.broadcast %add3A_845 : i32 to vector<16xi32>
          %gather3A_847 = tpu.vector_load_idx %arg27[%add3A_812, %broadcast_in_dim3A_846] : memref<80x64xf32, #tpu.memory_space<vmem>>[vector<16xi32>, vector<16xi32>], vector<16xf32>,
          %gather3A_848 = tpu.vector_load_idx %arg31[%add3A_812, %broadcast_in_dim3A_846] : memref<80x64xf32, #tpu.memory_space<vmem>>[vector<16xi32>, vector<16xi32>], vector<16xf32>,
          %mul3A_849 = arith.mulf %gather3A_847, %gather3A_848 : vector<16xf32>
          %add3A_850 = arith.addf %add3A_841, %mul3A_849 : vector<16xf32>
          %mul3A_851 = arith.constant 8 : i32
          %mul3A_852 = arith.muli %scan3A_823, %mul3A_851 : i32
          %add3A_853 = arith.constant 3 : i32
          %add3A_854 = arith.addi %mul3A_852, %add3A_853 : i32
          %broadcast_in_dim3A_855 = vector.broadcast %add3A_854 : i32 to vector<16xi32>
          %gather3A_856 = tpu.vector_load_idx %arg27[%add3A_812, %broadcast_in_dim3A_855] : memref<80x64xf32, #tpu.memory_space<vmem>>[vector<16xi32>, vector<16xi32>], vector<16xf32>,
          %gather3A_857 = tpu.vector_load_idx %arg31[%add3A_812, %broadcast_in_dim3A_855] : memref<80x64xf32, #tpu.memory_space<vmem>>[vector<16xi32>, vector<16xi32>], vector<16xf32>,
          %mul3A_858 = arith.mulf %gather3A_856, %gather3A_857 : vector<16xf32>
          %add3A_859 = arith.addf %add3A_850, %mul3A_858 : vector<16xf32>
          %mul3A_860 = arith.constant 8 : i32
          %mul3A_861 = arith.muli %scan3A_823, %mul3A_860 : i32
          %add3A_862 = arith.constant 4 : i32
          %add3A_863 = arith.addi %mul3A_861, %add3A_862 : i32
          %broadcast_in_dim3A_864 = vector.broadcast %add3A_863 : i32 to vector<16xi32>
          %gather3A_865 = tpu.vector_load_idx %arg27[%add3A_812, %broadcast_in_dim3A_864] : memref<80x64xf32, #tpu.memory_space<vmem>>[vector<16xi32>, vector<16xi32>], vector<16xf32>,
          %gather3A_866 = tpu.vector_load_idx %arg31[%add3A_812, %broadcast_in_dim3A_864] : memref<80x64xf32, #tpu.memory_space<vmem>>[vector<16xi32>, vector<16xi32>], vector<16xf32>,
          %mul3A_867 = arith.mulf %gather3A_865, %gather3A_866 : vector<16xf32>
          %add3A_868 = arith.addf %add3A_859, %mul3A_867 : vector<16xf32>
          %mul3A_869 = arith.constant 8 : i32
          %mul3A_870 = arith.muli %scan3A_823, %mul3A_869 : i32
          %add3A_871 = arith.constant 5 : i32
          %add3A_872 = arith.addi %mul3A_870, %add3A_871 : i32
          %broadcast_in_dim3A_873 = vector.broadcast %add3A_872 : i32 to vector<16xi32>
          %gather3A_874 = tpu.vector_load_idx %arg27[%add3A_812, %broadcast_in_dim3A_873] : memref<80x64xf32, #tpu.memory_space<vmem>>[vector<16xi32>, vector<16xi32>], vector<16xf32>,
          %gather3A_875 = tpu.vector_load_idx %arg31[%add3A_812, %broadcast_in_dim3A_873] : memref<80x64xf32, #tpu.memory_space<vmem>>[vector<16xi32>, vector<16xi32>], vector<16xf32>,
          %mul3A_876 = arith.mulf %gather3A_874, %gather3A_875 : vector<16xf32>
          %add3A_877 = arith.addf %add3A_868, %mul3A_876 : vector<16xf32>
          %mul3A_878 = arith.constant 8 : i32
          %mul3A_879 = arith.muli %scan3A_823, %mul3A_878 : i32
          %add3A_880 = arith.constant 6 : i32
          %add3A_881 = arith.addi %mul3A_879, %add3A_880 : i32
          %broadcast_in_dim3A_882 = vector.broadcast %add3A_881 : i32 to vector<16xi32>
          %gather3A_883 = tpu.vector_load_idx %arg27[%add3A_812, %broadcast_in_dim3A_882] : memref<80x64xf32, #tpu.memory_space<vmem>>[vector<16xi32>, vector<16xi32>], vector<16xf32>,
          %gather3A_884 = tpu.vector_load_idx %arg31[%add3A_812, %broadcast_in_dim3A_882] : memref<80x64xf32, #tpu.memory_space<vmem>>[vector<16xi32>, vector<16xi32>], vector<16xf32>,
          %mul3A_885 = arith.mulf %gather3A_883, %gather3A_884 : vector<16xf32>
          %add3A_886 = arith.addf %add3A_877, %mul3A_885 : vector<16xf32>
          %mul3A_887 = arith.constant 8 : i32
          %mul3A_888 = arith.muli %scan3A_823, %mul3A_887 : i32
          %add3A_889 = arith.constant 7 : i32
          %add3A_890 = arith.addi %mul3A_888, %add3A_889 : i32
          %broadcast_in_dim3A_891 = vector.broadcast %add3A_890 : i32 to vector<16xi32>
          %gather3A_892 = tpu.vector_load_idx %arg27[%add3A_812, %broadcast_in_dim3A_891] : memref<80x64xf32, #tpu.memory_space<vmem>>[vector<16xi32>, vector<16xi32>], vector<16xf32>,
          %gather3A_893 = tpu.vector_load_idx %arg31[%add3A_812, %broadcast_in_dim3A_891] : memref<80x64xf32, #tpu.memory_space<vmem>>[vector<16xi32>, vector<16xi32>], vector<16xf32>,
          %mul3A_894 = arith.mulf %gather3A_892, %gather3A_893 : vector<16xf32>
          %add3A_895 = arith.addf %add3A_886, %mul3A_894 : vector<16xf32>
          scf.yield %add3A_895 : vector<16xf32>
        }
        %scan3A_819 = arith.constant 8 : i32
        %mul3A_820 = arith.constant 16 : i32
        %mul3A_821 = arith.muli %scan3A_808, %mul3A_820 : i32
        %swap3A = arith.index_cast %mul3A_821 : i32 to index
        %swap3A_822 = tpu.vector_load %arg35[%swap3A] {strides = array<i32>} : memref<80xf32, #tpu.memory_space<vmem>>, vector<16xf32>,
        tpu.vector_store %arg35[%swap3A], %scan3A_818 {strides = array<i32>} : memref<80xf32, #tpu.memory_space<vmem>>, vector<16xf32>,
      }
      %scan3A_404 = arith.constant 5 : i32
      %mul3A_405 = arith.constant 80 : i32
      %mul3A_406 = arith.muli %add3A_363, %mul3A_405 : i32
      %add3A_407 = arith.addi %add3A, %mul3A_406 : i32
      %dma_start3A_408 = tpu.memref_slice %arg7[%add3A_407] : memref<640000xf32, #tpu.memory_space<hbm>> -> memref<80xf32, #tpu.memory_space<hbm>>
      %dma_start3A_409 = tpu.memref_slice %arg7[%add3A_407] : memref<640000xf32, #tpu.memory_space<hbm>> -> memref<80xf32, #tpu.memory_space<hbm>>
      tpu.enqueue_dma source(%arg35 : memref<80xf32, #tpu.memory_space<vmem>>) target(%dma_start3A_409 : memref<80xf32, #tpu.memory_space<hbm>>) target_semaphore(%arg47 : memref<!tpu.dma_semaphore, #tpu.memory_space<semaphore_mem>>)
      %dma_wait3A_410 = arith.constant 0 : i32
      %dma_wait3A_411 = tpu.memref_slice %arg6[%dma_wait3A_410] : memref<640000xi32, #tpu.memory_space<hbm>> -> memref<80xi32, #tpu.memory_space<hbm>>
      %dma_wait3A_412 = arith.constant 0 : i32
      %dma_wait3A_413 = tpu.memref_slice %arg6[%dma_wait3A_412] : memref<640000xi32, #tpu.memory_space<hbm>> -> memref<80xi32, #tpu.memory_space<hbm>>
      tpu.wait_dma2 semaphore(%arg51 : memref<!tpu.dma_semaphore, #tpu.memory_space<semaphore_mem>>) src(%dma_wait3A_413 : memref<80xi32, #tpu.memory_space<hbm>>) dst(%arg11 : memref<80xi32, #tpu.memory_space<vmem>>)
      %dma_wait3A_414 = arith.constant 0 : i32
      %dma_wait3A_415 = tpu.memref_slice %arg6[%dma_wait3A_414] : memref<640000xi32, #tpu.memory_space<hbm>> -> memref<80xi32, #tpu.memory_space<hbm>>
      %dma_wait3A_416 = arith.constant 0 : i32
      %dma_wait3A_417 = tpu.memref_slice %arg6[%dma_wait3A_416] : memref<640000xi32, #tpu.memory_space<hbm>> -> memref<80xi32, #tpu.memory_space<hbm>>
      tpu.wait_dma2 semaphore(%arg59 : memref<!tpu.dma_semaphore, #tpu.memory_space<semaphore_mem>>) src(%dma_wait3A_417 : memref<80xi32, #tpu.memory_space<hbm>>) dst(%arg19 : memref<80xi32, #tpu.memory_space<vmem>>)
      %dma_start3A_418 = arith.constant 0 : i32
      %dma_start3A_419 = arith.constant 0 : i32
      %dma_start3A_420 = tpu.memref_slice %arg8[%dma_start3A_418, %dma_start3A_419] : memref<10000x64xf32, #tpu.memory_space<vmem_shared>> -> memref<10000x64xf32, #tpu.memory_space<vmem_shared>>
      tpu.enqueue_indirect_dma source(%dma_start3A_420 : memref<10000x64xf32, #tpu.memory_space<vmem_shared>>) target(%arg27 : memref<80x64xf32, #tpu.memory_space<vmem>>) offsets(%arg11 : memref<80xi32, #tpu.memory_space<vmem>>) semaphore(%arg39 : memref<!tpu.dma_semaphore, #tpu.memory_space<semaphore_mem>>)
      %dma_start3A_421 = arith.constant 0 : i32
      %dma_start3A_422 = arith.constant 0 : i32
      %dma_start3A_423 = tpu.memref_slice %arg9[%dma_start3A_421, %dma_start3A_422] : memref<10000x64xf32, #tpu.memory_space<vmem_shared>> -> memref<10000x64xf32, #tpu.memory_space<vmem_shared>>
      tpu.enqueue_indirect_dma source(%dma_start3A_423 : memref<10000x64xf32, #tpu.memory_space<vmem_shared>>) target(%arg31 : memref<80x64xf32, #tpu.memory_space<vmem>>) offsets(%arg19 : memref<80xi32, #tpu.memory_space<vmem>>) semaphore(%arg43 : memref<!tpu.dma_semaphore, #tpu.memory_space<semaphore_mem>>)
      %mul3A_424 = arith.constant 8 : i32
      %mul3A_425 = arith.muli %scan3A_298, %mul3A_424 : i32
      %add3A_426 = arith.constant 2 : i32
      %add3A_427 = arith.addi %mul3A_425, %add3A_426 : i32
      %dma_wait3A_428 = arith.constant 0 : i32
      %dma_wait3A_429 = arith.constant 0 : i32
      %dma_wait3A_430 = tpu.memref_slice %arg2[%dma_wait3A_428, %dma_wait3A_429] : memref<10000x64xf32, #tpu.memory_space<hbm>> -> memref<80x64xf32, #tpu.memory_space<hbm>>
      %dma_wait3A_431 = arith.constant 0 : i32
      %dma_wait3A_432 = arith.constant 0 : i32
      %dma_wait3A_433 = tpu.memref_slice %arg2[%dma_wait3A_431, %dma_wait3A_432] : memref<10000x64xf32, #tpu.memory_space<hbm>> -> memref<80x64xf32, #tpu.memory_space<hbm>>
      tpu.wait_dma2 semaphore(%arg40 : memref<!tpu.dma_semaphore, #tpu.memory_space<semaphore_mem>>) src(%dma_wait3A_433 : memref<80x64xf32, #tpu.memory_space<hbm>>) dst(%arg28 : memref<80x64xf32, #tpu.memory_space<vmem>>)
      %dma_wait3A_434 = arith.constant 0 : i32
      %dma_wait3A_435 = arith.constant 0 : i32
      %dma_wait3A_436 = tpu.memref_slice %arg4[%dma_wait3A_434, %dma_wait3A_435] : memref<10000x64xf32, #tpu.memory_space<hbm>> -> memref<80x64xf32, #tpu.memory_space<hbm>>
      %dma_wait3A_437 = arith.constant 0 : i32
      %dma_wait3A_438 = arith.constant 0 : i32
      %dma_wait3A_439 = tpu.memref_slice %arg4[%dma_wait3A_437, %dma_wait3A_438] : memref<10000x64xf32, #tpu.memory_space<hbm>> -> memref<80x64xf32, #tpu.memory_space<hbm>>
      tpu.wait_dma2 semaphore(%arg44 : memref<!tpu.dma_semaphore, #tpu.memory_space<semaphore_mem>>) src(%dma_wait3A_439 : memref<80x64xf32, #tpu.memory_space<hbm>>) dst(%arg32 : memref<80x64xf32, #tpu.memory_space<vmem>>)
      %add3A_440 = arith.constant 8 : i32
      %add3A_441 = arith.addi %add3A_427, %add3A_440 : i32
      %min3A_442 = arith.constant 249 : i32
      %min3A_443 = arith.minsi %add3A_441, %min3A_442 : i32
      %mul3A_444 = arith.constant 80 : i32
      %mul3A_445 = arith.muli %min3A_443, %mul3A_444 : i32
      %add3A_446 = arith.addi %mul3A_0, %mul3A_445 : i32
      %dma_start3A_447 = tpu.memref_slice %arg6[%add3A_446] : memref<640000xi32, #tpu.memory_space<hbm>> -> memref<80xi32, #tpu.memory_space<hbm>>
      %dma_start3A_448 = tpu.memref_slice %arg6[%add3A_446] : memref<640000xi32, #tpu.memory_space<hbm>> -> memref<80xi32, #tpu.memory_space<hbm>>
      tpu.enqueue_dma source(%dma_start3A_448 : memref<80xi32, #tpu.memory_space<hbm>>) target(%arg16 : memref<80xi32, #tpu.memory_space<vmem>>) target_semaphore(%arg56 : memref<!tpu.dma_semaphore, #tpu.memory_space<semaphore_mem>>)
      %add3A_449 = arith.constant 320000 : i32
      %add3A_450 = arith.addi %add3A_449, %mul3A_0 : i32
      %mul3A_451 = arith.constant 80 : i32
      %mul3A_452 = arith.muli %min3A_443, %mul3A_451 : i32
      %add3A_453 = arith.addi %add3A_450, %mul3A_452 : i32
      %dma_start3A_454 = tpu.memref_slice %arg6[%add3A_453] : memref<640000xi32, #tpu.memory_space<hbm>> -> memref<80xi32, #tpu.memory_space<hbm>>
      %dma_start3A_455 = tpu.memref_slice %arg6[%add3A_453] : memref<640000xi32, #tpu.memory_space<hbm>> -> memref<80xi32, #tpu.memory_space<hbm>>
      tpu.enqueue_dma source(%dma_start3A_455 : memref<80xi32, #tpu.memory_space<hbm>>) target(%arg24 : memref<80xi32, #tpu.memory_space<vmem>>) target_semaphore(%arg64 : memref<!tpu.dma_semaphore, #tpu.memory_space<semaphore_mem>>)
      %gt3A_456 = arith.constant 0 : i32
      %gt3A_457 = arith.cmpi sgt, %scan3A_298, %gt3A_456 : i32
      %or3A_458 = arith.constant false
      %or3A_459 = arith.ori %gt3A_457, %or3A_458 : i1
      %convert_element_type3A_460 = arith.extui %or3A_459 : i1 to i32
      %cond3A_461 = arith.constant 0 : i32
      %cond3A_462 = arith.cmpi ne, %convert_element_type3A_460, %cond3A_461 : i32
      scf.if %cond3A_462 {
        %dma_wait3A_808 = tpu.memref_slice %arg7[%add3A] : memref<640000xf32, #tpu.memory_space<hbm>> -> memref<80xf32, #tpu.memory_space<hbm>>
        %dma_wait3A_809 = tpu.memref_slice %arg7[%add3A] : memref<640000xf32, #tpu.memory_space<hbm>> -> memref<80xf32, #tpu.memory_space<hbm>>
        tpu.wait_dma2 semaphore(%arg48 : memref<!tpu.dma_semaphore, #tpu.memory_space<semaphore_mem>>) src(%arg36 : memref<80xf32, #tpu.memory_space<vmem>>) dst(%dma_wait3A_809 : memref<80xf32, #tpu.memory_space<hbm>>)
      } else {
      }
      %scan3A_463 = arith.constant 0 : i32
      %scan3A_464 = arith.constant 0 : i32
      %scan3A_465 = arith.constant 5 : i32
      %scan3A_466 = arith.addi %scan3A_464, %scan3A_465 : i32
      %scan3A_467 = arith.constant 1 : i32
      scf.for %scan3A_808 = %scan3A_464 to %scan3A_466 step %scan3A_467  : i32 {
        %iota3A = tpu.iota {dimensions = array<i32: 0>} : vector<16xi32>
        %mul3A_809 = arith.constant 16 : i32
        %mul3A_810 = arith.muli %scan3A_808, %mul3A_809 : i32
        %add3A_811 = vector.broadcast %mul3A_810 : i32 to vector<16xi32>
        %add3A_812 = arith.addi %iota3A, %add3A_811 : vector<16xi32>
        %broadcast_in_dim3A = arith.constant 0.000000e+00 : f32
        %broadcast_in_dim3A_813 = vector.broadcast %broadcast_in_dim3A : f32 to vector<16xf32>
        %scan3A_814 = arith.constant 0 : i32
        %scan3A_815 = arith.constant 8 : i32
        %scan3A_816 = arith.addi %scan3A_814, %scan3A_815 : i32
        %scan3A_817 = arith.constant 1 : i32
        %scan3A_818 = scf.for %scan3A_823 = %scan3A_814 to %scan3A_816 step %scan3A_817 iter_args(%scan3A_824 = %broadcast_in_dim3A_813) -> (vector<16xf32>)  : i32 {
          %mul3A_825 = arith.constant 8 : i32
          %mul3A_826 = arith.muli %scan3A_823, %mul3A_825 : i32
          %add3A_827 = arith.constant 0 : i32
          %add3A_828 = arith.addi %mul3A_826, %add3A_827 : i32
          %broadcast_in_dim3A_829 = vector.broadcast %add3A_828 : i32 to vector<16xi32>
          %gather3A = tpu.vector_load_idx %arg28[%add3A_812, %broadcast_in_dim3A_829] : memref<80x64xf32, #tpu.memory_space<vmem>>[vector<16xi32>, vector<16xi32>], vector<16xf32>,
          %gather3A_830 = tpu.vector_load_idx %arg32[%add3A_812, %broadcast_in_dim3A_829] : memref<80x64xf32, #tpu.memory_space<vmem>>[vector<16xi32>, vector<16xi32>], vector<16xf32>,
          %mul3A_831 = arith.mulf %gather3A, %gather3A_830 : vector<16xf32>
          %add3A_832 = arith.addf %scan3A_824, %mul3A_831 : vector<16xf32>
          %mul3A_833 = arith.constant 8 : i32
          %mul3A_834 = arith.muli %scan3A_823, %mul3A_833 : i32
          %add3A_835 = arith.constant 1 : i32
          %add3A_836 = arith.addi %mul3A_834, %add3A_835 : i32
          %broadcast_in_dim3A_837 = vector.broadcast %add3A_836 : i32 to vector<16xi32>
          %gather3A_838 = tpu.vector_load_idx %arg28[%add3A_812, %broadcast_in_dim3A_837] : memref<80x64xf32, #tpu.memory_space<vmem>>[vector<16xi32>, vector<16xi32>], vector<16xf32>,
          %gather3A_839 = tpu.vector_load_idx %arg32[%add3A_812, %broadcast_in_dim3A_837] : memref<80x64xf32, #tpu.memory_space<vmem>>[vector<16xi32>, vector<16xi32>], vector<16xf32>,
          %mul3A_840 = arith.mulf %gather3A_838, %gather3A_839 : vector<16xf32>
          %add3A_841 = arith.addf %add3A_832, %mul3A_840 : vector<16xf32>
          %mul3A_842 = arith.constant 8 : i32
          %mul3A_843 = arith.muli %scan3A_823, %mul3A_842 : i32
          %add3A_844 = arith.constant 2 : i32
          %add3A_845 = arith.addi %mul3A_843, %add3A_844 : i32
          %broadcast_in_dim3A_846 = vector.broadcast %add3A_845 : i32 to vector<16xi32>
          %gather3A_847 = tpu.vector_load_idx %arg28[%add3A_812, %broadcast_in_dim3A_846] : memref<80x64xf32, #tpu.memory_space<vmem>>[vector<16xi32>, vector<16xi32>], vector<16xf32>,
          %gather3A_848 = tpu.vector_load_idx %arg32[%add3A_812, %broadcast_in_dim3A_846] : memref<80x64xf32, #tpu.memory_space<vmem>>[vector<16xi32>, vector<16xi32>], vector<16xf32>,
          %mul3A_849 = arith.mulf %gather3A_847, %gather3A_848 : vector<16xf32>
          %add3A_850 = arith.addf %add3A_841, %mul3A_849 : vector<16xf32>
          %mul3A_851 = arith.constant 8 : i32
          %mul3A_852 = arith.muli %scan3A_823, %mul3A_851 : i32
          %add3A_853 = arith.constant 3 : i32
          %add3A_854 = arith.addi %mul3A_852, %add3A_853 : i32
          %broadcast_in_dim3A_855 = vector.broadcast %add3A_854 : i32 to vector<16xi32>
          %gather3A_856 = tpu.vector_load_idx %arg28[%add3A_812, %broadcast_in_dim3A_855] : memref<80x64xf32, #tpu.memory_space<vmem>>[vector<16xi32>, vector<16xi32>], vector<16xf32>,
          %gather3A_857 = tpu.vector_load_idx %arg32[%add3A_812, %broadcast_in_dim3A_855] : memref<80x64xf32, #tpu.memory_space<vmem>>[vector<16xi32>, vector<16xi32>], vector<16xf32>,
          %mul3A_858 = arith.mulf %gather3A_856, %gather3A_857 : vector<16xf32>
          %add3A_859 = arith.addf %add3A_850, %mul3A_858 : vector<16xf32>
          %mul3A_860 = arith.constant 8 : i32
          %mul3A_861 = arith.muli %scan3A_823, %mul3A_860 : i32
          %add3A_862 = arith.constant 4 : i32
          %add3A_863 = arith.addi %mul3A_861, %add3A_862 : i32
          %broadcast_in_dim3A_864 = vector.broadcast %add3A_863 : i32 to vector<16xi32>
          %gather3A_865 = tpu.vector_load_idx %arg28[%add3A_812, %broadcast_in_dim3A_864] : memref<80x64xf32, #tpu.memory_space<vmem>>[vector<16xi32>, vector<16xi32>], vector<16xf32>,
          %gather3A_866 = tpu.vector_load_idx %arg32[%add3A_812, %broadcast_in_dim3A_864] : memref<80x64xf32, #tpu.memory_space<vmem>>[vector<16xi32>, vector<16xi32>], vector<16xf32>,
          %mul3A_867 = arith.mulf %gather3A_865, %gather3A_866 : vector<16xf32>
          %add3A_868 = arith.addf %add3A_859, %mul3A_867 : vector<16xf32>
          %mul3A_869 = arith.constant 8 : i32
          %mul3A_870 = arith.muli %scan3A_823, %mul3A_869 : i32
          %add3A_871 = arith.constant 5 : i32
          %add3A_872 = arith.addi %mul3A_870, %add3A_871 : i32
          %broadcast_in_dim3A_873 = vector.broadcast %add3A_872 : i32 to vector<16xi32>
          %gather3A_874 = tpu.vector_load_idx %arg28[%add3A_812, %broadcast_in_dim3A_873] : memref<80x64xf32, #tpu.memory_space<vmem>>[vector<16xi32>, vector<16xi32>], vector<16xf32>,
          %gather3A_875 = tpu.vector_load_idx %arg32[%add3A_812, %broadcast_in_dim3A_873] : memref<80x64xf32, #tpu.memory_space<vmem>>[vector<16xi32>, vector<16xi32>], vector<16xf32>,
          %mul3A_876 = arith.mulf %gather3A_874, %gather3A_875 : vector<16xf32>
          %add3A_877 = arith.addf %add3A_868, %mul3A_876 : vector<16xf32>
          %mul3A_878 = arith.constant 8 : i32
          %mul3A_879 = arith.muli %scan3A_823, %mul3A_878 : i32
          %add3A_880 = arith.constant 6 : i32
          %add3A_881 = arith.addi %mul3A_879, %add3A_880 : i32
          %broadcast_in_dim3A_882 = vector.broadcast %add3A_881 : i32 to vector<16xi32>
          %gather3A_883 = tpu.vector_load_idx %arg28[%add3A_812, %broadcast_in_dim3A_882] : memref<80x64xf32, #tpu.memory_space<vmem>>[vector<16xi32>, vector<16xi32>], vector<16xf32>,
          %gather3A_884 = tpu.vector_load_idx %arg32[%add3A_812, %broadcast_in_dim3A_882] : memref<80x64xf32, #tpu.memory_space<vmem>>[vector<16xi32>, vector<16xi32>], vector<16xf32>,
          %mul3A_885 = arith.mulf %gather3A_883, %gather3A_884 : vector<16xf32>
          %add3A_886 = arith.addf %add3A_877, %mul3A_885 : vector<16xf32>
          %mul3A_887 = arith.constant 8 : i32
          %mul3A_888 = arith.muli %scan3A_823, %mul3A_887 : i32
          %add3A_889 = arith.constant 7 : i32
          %add3A_890 = arith.addi %mul3A_888, %add3A_889 : i32
          %broadcast_in_dim3A_891 = vector.broadcast %add3A_890 : i32 to vector<16xi32>
          %gather3A_892 = tpu.vector_load_idx %arg28[%add3A_812, %broadcast_in_dim3A_891] : memref<80x64xf32, #tpu.memory_space<vmem>>[vector<16xi32>, vector<16xi32>], vector<16xf32>,
          %gather3A_893 = tpu.vector_load_idx %arg32[%add3A_812, %broadcast_in_dim3A_891] : memref<80x64xf32, #tpu.memory_space<vmem>>[vector<16xi32>, vector<16xi32>], vector<16xf32>,
          %mul3A_894 = arith.mulf %gather3A_892, %gather3A_893 : vector<16xf32>
          %add3A_895 = arith.addf %add3A_886, %mul3A_894 : vector<16xf32>
          scf.yield %add3A_895 : vector<16xf32>
        }
        %scan3A_819 = arith.constant 8 : i32
        %mul3A_820 = arith.constant 16 : i32
        %mul3A_821 = arith.muli %scan3A_808, %mul3A_820 : i32
        %swap3A = arith.index_cast %mul3A_821 : i32 to index
        %swap3A_822 = tpu.vector_load %arg36[%swap3A] {strides = array<i32>} : memref<80xf32, #tpu.memory_space<vmem>>, vector<16xf32>,
        tpu.vector_store %arg36[%swap3A], %scan3A_818 {strides = array<i32>} : memref<80xf32, #tpu.memory_space<vmem>>, vector<16xf32>,
      }
      %scan3A_468 = arith.constant 5 : i32
      %mul3A_469 = arith.constant 80 : i32
      %mul3A_470 = arith.muli %add3A_427, %mul3A_469 : i32
      %add3A_471 = arith.addi %add3A, %mul3A_470 : i32
      %dma_start3A_472 = tpu.memref_slice %arg7[%add3A_471] : memref<640000xf32, #tpu.memory_space<hbm>> -> memref<80xf32, #tpu.memory_space<hbm>>
      %dma_start3A_473 = tpu.memref_slice %arg7[%add3A_471] : memref<640000xf32, #tpu.memory_space<hbm>> -> memref<80xf32, #tpu.memory_space<hbm>>
      tpu.enqueue_dma source(%arg36 : memref<80xf32, #tpu.memory_space<vmem>>) target(%dma_start3A_473 : memref<80xf32, #tpu.memory_space<hbm>>) target_semaphore(%arg48 : memref<!tpu.dma_semaphore, #tpu.memory_space<semaphore_mem>>)
      %dma_wait3A_474 = arith.constant 0 : i32
      %dma_wait3A_475 = tpu.memref_slice %arg6[%dma_wait3A_474] : memref<640000xi32, #tpu.memory_space<hbm>> -> memref<80xi32, #tpu.memory_space<hbm>>
      %dma_wait3A_476 = arith.constant 0 : i32
      %dma_wait3A_477 = tpu.memref_slice %arg6[%dma_wait3A_476] : memref<640000xi32, #tpu.memory_space<hbm>> -> memref<80xi32, #tpu.memory_space<hbm>>
      tpu.wait_dma2 semaphore(%arg52 : memref<!tpu.dma_semaphore, #tpu.memory_space<semaphore_mem>>) src(%dma_wait3A_477 : memref<80xi32, #tpu.memory_space<hbm>>) dst(%arg12 : memref<80xi32, #tpu.memory_space<vmem>>)
      %dma_wait3A_478 = arith.constant 0 : i32
      %dma_wait3A_479 = tpu.memref_slice %arg6[%dma_wait3A_478] : memref<640000xi32, #tpu.memory_space<hbm>> -> memref<80xi32, #tpu.memory_space<hbm>>
      %dma_wait3A_480 = arith.constant 0 : i32
      %dma_wait3A_481 = tpu.memref_slice %arg6[%dma_wait3A_480] : memref<640000xi32, #tpu.memory_space<hbm>> -> memref<80xi32, #tpu.memory_space<hbm>>
      tpu.wait_dma2 semaphore(%arg60 : memref<!tpu.dma_semaphore, #tpu.memory_space<semaphore_mem>>) src(%dma_wait3A_481 : memref<80xi32, #tpu.memory_space<hbm>>) dst(%arg20 : memref<80xi32, #tpu.memory_space<vmem>>)
      %dma_start3A_482 = arith.constant 0 : i32
      %dma_start3A_483 = arith.constant 0 : i32
      %dma_start3A_484 = tpu.memref_slice %arg8[%dma_start3A_482, %dma_start3A_483] : memref<10000x64xf32, #tpu.memory_space<vmem_shared>> -> memref<10000x64xf32, #tpu.memory_space<vmem_shared>>
      tpu.enqueue_indirect_dma source(%dma_start3A_484 : memref<10000x64xf32, #tpu.memory_space<vmem_shared>>) target(%arg28 : memref<80x64xf32, #tpu.memory_space<vmem>>) offsets(%arg12 : memref<80xi32, #tpu.memory_space<vmem>>) semaphore(%arg40 : memref<!tpu.dma_semaphore, #tpu.memory_space<semaphore_mem>>)
      %dma_start3A_485 = arith.constant 0 : i32
      %dma_start3A_486 = arith.constant 0 : i32
      %dma_start3A_487 = tpu.memref_slice %arg9[%dma_start3A_485, %dma_start3A_486] : memref<10000x64xf32, #tpu.memory_space<vmem_shared>> -> memref<10000x64xf32, #tpu.memory_space<vmem_shared>>
      tpu.enqueue_indirect_dma source(%dma_start3A_487 : memref<10000x64xf32, #tpu.memory_space<vmem_shared>>) target(%arg32 : memref<80x64xf32, #tpu.memory_space<vmem>>) offsets(%arg20 : memref<80xi32, #tpu.memory_space<vmem>>) semaphore(%arg44 : memref<!tpu.dma_semaphore, #tpu.memory_space<semaphore_mem>>)
      %mul3A_488 = arith.constant 8 : i32
      %mul3A_489 = arith.muli %scan3A_298, %mul3A_488 : i32
      %add3A_490 = arith.constant 3 : i32
      %add3A_491 = arith.addi %mul3A_489, %add3A_490 : i32
      %dma_wait3A_492 = arith.constant 0 : i32
      %dma_wait3A_493 = arith.constant 0 : i32
      %dma_wait3A_494 = tpu.memref_slice %arg2[%dma_wait3A_492, %dma_wait3A_493] : memref<10000x64xf32, #tpu.memory_space<hbm>> -> memref<80x64xf32, #tpu.memory_space<hbm>>
      %dma_wait3A_495 = arith.constant 0 : i32
      %dma_wait3A_496 = arith.constant 0 : i32
      %dma_wait3A_497 = tpu.memref_slice %arg2[%dma_wait3A_495, %dma_wait3A_496] : memref<10000x64xf32, #tpu.memory_space<hbm>> -> memref<80x64xf32, #tpu.memory_space<hbm>>
      tpu.wait_dma2 semaphore(%arg41 : memref<!tpu.dma_semaphore, #tpu.memory_space<semaphore_mem>>) src(%dma_wait3A_497 : memref<80x64xf32, #tpu.memory_space<hbm>>) dst(%arg29 : memref<80x64xf32, #tpu.memory_space<vmem>>)
      %dma_wait3A_498 = arith.constant 0 : i32
      %dma_wait3A_499 = arith.constant 0 : i32
      %dma_wait3A_500 = tpu.memref_slice %arg4[%dma_wait3A_498, %dma_wait3A_499] : memref<10000x64xf32, #tpu.memory_space<hbm>> -> memref<80x64xf32, #tpu.memory_space<hbm>>
      %dma_wait3A_501 = arith.constant 0 : i32
      %dma_wait3A_502 = arith.constant 0 : i32
      %dma_wait3A_503 = tpu.memref_slice %arg4[%dma_wait3A_501, %dma_wait3A_502] : memref<10000x64xf32, #tpu.memory_space<hbm>> -> memref<80x64xf32, #tpu.memory_space<hbm>>
      tpu.wait_dma2 semaphore(%arg45 : memref<!tpu.dma_semaphore, #tpu.memory_space<semaphore_mem>>) src(%dma_wait3A_503 : memref<80x64xf32, #tpu.memory_space<hbm>>) dst(%arg33 : memref<80x64xf32, #tpu.memory_space<vmem>>)
      %add3A_504 = arith.constant 8 : i32
      %add3A_505 = arith.addi %add3A_491, %add3A_504 : i32
      %min3A_506 = arith.constant 249 : i32
      %min3A_507 = arith.minsi %add3A_505, %min3A_506 : i32
      %mul3A_508 = arith.constant 80 : i32
      %mul3A_509 = arith.muli %min3A_507, %mul3A_508 : i32
      %add3A_510 = arith.addi %mul3A_0, %mul3A_509 : i32
      %dma_start3A_511 = tpu.memref_slice %arg6[%add3A_510] : memref<640000xi32, #tpu.memory_space<hbm>> -> memref<80xi32, #tpu.memory_space<hbm>>
      %dma_start3A_512 = tpu.memref_slice %arg6[%add3A_510] : memref<640000xi32, #tpu.memory_space<hbm>> -> memref<80xi32, #tpu.memory_space<hbm>>
      tpu.enqueue_dma source(%dma_start3A_512 : memref<80xi32, #tpu.memory_space<hbm>>) target(%arg17 : memref<80xi32, #tpu.memory_space<vmem>>) target_semaphore(%arg57 : memref<!tpu.dma_semaphore, #tpu.memory_space<semaphore_mem>>)
      %add3A_513 = arith.constant 320000 : i32
      %add3A_514 = arith.addi %add3A_513, %mul3A_0 : i32
      %mul3A_515 = arith.constant 80 : i32
      %mul3A_516 = arith.muli %min3A_507, %mul3A_515 : i32
      %add3A_517 = arith.addi %add3A_514, %mul3A_516 : i32
      %dma_start3A_518 = tpu.memref_slice %arg6[%add3A_517] : memref<640000xi32, #tpu.memory_space<hbm>> -> memref<80xi32, #tpu.memory_space<hbm>>
      %dma_start3A_519 = tpu.memref_slice %arg6[%add3A_517] : memref<640000xi32, #tpu.memory_space<hbm>> -> memref<80xi32, #tpu.memory_space<hbm>>
      tpu.enqueue_dma source(%dma_start3A_519 : memref<80xi32, #tpu.memory_space<hbm>>) target(%arg25 : memref<80xi32, #tpu.memory_space<vmem>>) target_semaphore(%arg65 : memref<!tpu.dma_semaphore, #tpu.memory_space<semaphore_mem>>)
      %gt3A_520 = arith.constant 0 : i32
      %gt3A_521 = arith.cmpi sgt, %scan3A_298, %gt3A_520 : i32
      %or3A_522 = arith.constant false
      %or3A_523 = arith.ori %gt3A_521, %or3A_522 : i1
      %convert_element_type3A_524 = arith.extui %or3A_523 : i1 to i32
      %cond3A_525 = arith.constant 0 : i32
      %cond3A_526 = arith.cmpi ne, %convert_element_type3A_524, %cond3A_525 : i32
      scf.if %cond3A_526 {
        %dma_wait3A_808 = tpu.memref_slice %arg7[%add3A] : memref<640000xf32, #tpu.memory_space<hbm>> -> memref<80xf32, #tpu.memory_space<hbm>>
        %dma_wait3A_809 = tpu.memref_slice %arg7[%add3A] : memref<640000xf32, #tpu.memory_space<hbm>> -> memref<80xf32, #tpu.memory_space<hbm>>
        tpu.wait_dma2 semaphore(%arg49 : memref<!tpu.dma_semaphore, #tpu.memory_space<semaphore_mem>>) src(%arg37 : memref<80xf32, #tpu.memory_space<vmem>>) dst(%dma_wait3A_809 : memref<80xf32, #tpu.memory_space<hbm>>)
      } else {
      }
      %scan3A_527 = arith.constant 0 : i32
      %scan3A_528 = arith.constant 0 : i32
      %scan3A_529 = arith.constant 5 : i32
      %scan3A_530 = arith.addi %scan3A_528, %scan3A_529 : i32
      %scan3A_531 = arith.constant 1 : i32
      scf.for %scan3A_808 = %scan3A_528 to %scan3A_530 step %scan3A_531  : i32 {
        %iota3A = tpu.iota {dimensions = array<i32: 0>} : vector<16xi32>
        %mul3A_809 = arith.constant 16 : i32
        %mul3A_810 = arith.muli %scan3A_808, %mul3A_809 : i32
        %add3A_811 = vector.broadcast %mul3A_810 : i32 to vector<16xi32>
        %add3A_812 = arith.addi %iota3A, %add3A_811 : vector<16xi32>
        %broadcast_in_dim3A = arith.constant 0.000000e+00 : f32
        %broadcast_in_dim3A_813 = vector.broadcast %broadcast_in_dim3A : f32 to vector<16xf32>
        %scan3A_814 = arith.constant 0 : i32
        %scan3A_815 = arith.constant 8 : i32
        %scan3A_816 = arith.addi %scan3A_814, %scan3A_815 : i32
        %scan3A_817 = arith.constant 1 : i32
        %scan3A_818 = scf.for %scan3A_823 = %scan3A_814 to %scan3A_816 step %scan3A_817 iter_args(%scan3A_824 = %broadcast_in_dim3A_813) -> (vector<16xf32>)  : i32 {
          %mul3A_825 = arith.constant 8 : i32
          %mul3A_826 = arith.muli %scan3A_823, %mul3A_825 : i32
          %add3A_827 = arith.constant 0 : i32
          %add3A_828 = arith.addi %mul3A_826, %add3A_827 : i32
          %broadcast_in_dim3A_829 = vector.broadcast %add3A_828 : i32 to vector<16xi32>
          %gather3A = tpu.vector_load_idx %arg29[%add3A_812, %broadcast_in_dim3A_829] : memref<80x64xf32, #tpu.memory_space<vmem>>[vector<16xi32>, vector<16xi32>], vector<16xf32>,
          %gather3A_830 = tpu.vector_load_idx %arg33[%add3A_812, %broadcast_in_dim3A_829] : memref<80x64xf32, #tpu.memory_space<vmem>>[vector<16xi32>, vector<16xi32>], vector<16xf32>,
          %mul3A_831 = arith.mulf %gather3A, %gather3A_830 : vector<16xf32>
          %add3A_832 = arith.addf %scan3A_824, %mul3A_831 : vector<16xf32>
          %mul3A_833 = arith.constant 8 : i32
          %mul3A_834 = arith.muli %scan3A_823, %mul3A_833 : i32
          %add3A_835 = arith.constant 1 : i32
          %add3A_836 = arith.addi %mul3A_834, %add3A_835 : i32
          %broadcast_in_dim3A_837 = vector.broadcast %add3A_836 : i32 to vector<16xi32>
          %gather3A_838 = tpu.vector_load_idx %arg29[%add3A_812, %broadcast_in_dim3A_837] : memref<80x64xf32, #tpu.memory_space<vmem>>[vector<16xi32>, vector<16xi32>], vector<16xf32>,
          %gather3A_839 = tpu.vector_load_idx %arg33[%add3A_812, %broadcast_in_dim3A_837] : memref<80x64xf32, #tpu.memory_space<vmem>>[vector<16xi32>, vector<16xi32>], vector<16xf32>,
          %mul3A_840 = arith.mulf %gather3A_838, %gather3A_839 : vector<16xf32>
          %add3A_841 = arith.addf %add3A_832, %mul3A_840 : vector<16xf32>
          %mul3A_842 = arith.constant 8 : i32
          %mul3A_843 = arith.muli %scan3A_823, %mul3A_842 : i32
          %add3A_844 = arith.constant 2 : i32
          %add3A_845 = arith.addi %mul3A_843, %add3A_844 : i32
          %broadcast_in_dim3A_846 = vector.broadcast %add3A_845 : i32 to vector<16xi32>
          %gather3A_847 = tpu.vector_load_idx %arg29[%add3A_812, %broadcast_in_dim3A_846] : memref<80x64xf32, #tpu.memory_space<vmem>>[vector<16xi32>, vector<16xi32>], vector<16xf32>,
          %gather3A_848 = tpu.vector_load_idx %arg33[%add3A_812, %broadcast_in_dim3A_846] : memref<80x64xf32, #tpu.memory_space<vmem>>[vector<16xi32>, vector<16xi32>], vector<16xf32>,
          %mul3A_849 = arith.mulf %gather3A_847, %gather3A_848 : vector<16xf32>
          %add3A_850 = arith.addf %add3A_841, %mul3A_849 : vector<16xf32>
          %mul3A_851 = arith.constant 8 : i32
          %mul3A_852 = arith.muli %scan3A_823, %mul3A_851 : i32
          %add3A_853 = arith.constant 3 : i32
          %add3A_854 = arith.addi %mul3A_852, %add3A_853 : i32
          %broadcast_in_dim3A_855 = vector.broadcast %add3A_854 : i32 to vector<16xi32>
          %gather3A_856 = tpu.vector_load_idx %arg29[%add3A_812, %broadcast_in_dim3A_855] : memref<80x64xf32, #tpu.memory_space<vmem>>[vector<16xi32>, vector<16xi32>], vector<16xf32>,
          %gather3A_857 = tpu.vector_load_idx %arg33[%add3A_812, %broadcast_in_dim3A_855] : memref<80x64xf32, #tpu.memory_space<vmem>>[vector<16xi32>, vector<16xi32>], vector<16xf32>,
          %mul3A_858 = arith.mulf %gather3A_856, %gather3A_857 : vector<16xf32>
          %add3A_859 = arith.addf %add3A_850, %mul3A_858 : vector<16xf32>
          %mul3A_860 = arith.constant 8 : i32
          %mul3A_861 = arith.muli %scan3A_823, %mul3A_860 : i32
          %add3A_862 = arith.constant 4 : i32
          %add3A_863 = arith.addi %mul3A_861, %add3A_862 : i32
          %broadcast_in_dim3A_864 = vector.broadcast %add3A_863 : i32 to vector<16xi32>
          %gather3A_865 = tpu.vector_load_idx %arg29[%add3A_812, %broadcast_in_dim3A_864] : memref<80x64xf32, #tpu.memory_space<vmem>>[vector<16xi32>, vector<16xi32>], vector<16xf32>,
          %gather3A_866 = tpu.vector_load_idx %arg33[%add3A_812, %broadcast_in_dim3A_864] : memref<80x64xf32, #tpu.memory_space<vmem>>[vector<16xi32>, vector<16xi32>], vector<16xf32>,
          %mul3A_867 = arith.mulf %gather3A_865, %gather3A_866 : vector<16xf32>
          %add3A_868 = arith.addf %add3A_859, %mul3A_867 : vector<16xf32>
          %mul3A_869 = arith.constant 8 : i32
          %mul3A_870 = arith.muli %scan3A_823, %mul3A_869 : i32
          %add3A_871 = arith.constant 5 : i32
          %add3A_872 = arith.addi %mul3A_870, %add3A_871 : i32
          %broadcast_in_dim3A_873 = vector.broadcast %add3A_872 : i32 to vector<16xi32>
          %gather3A_874 = tpu.vector_load_idx %arg29[%add3A_812, %broadcast_in_dim3A_873] : memref<80x64xf32, #tpu.memory_space<vmem>>[vector<16xi32>, vector<16xi32>], vector<16xf32>,
          %gather3A_875 = tpu.vector_load_idx %arg33[%add3A_812, %broadcast_in_dim3A_873] : memref<80x64xf32, #tpu.memory_space<vmem>>[vector<16xi32>, vector<16xi32>], vector<16xf32>,
          %mul3A_876 = arith.mulf %gather3A_874, %gather3A_875 : vector<16xf32>
          %add3A_877 = arith.addf %add3A_868, %mul3A_876 : vector<16xf32>
          %mul3A_878 = arith.constant 8 : i32
          %mul3A_879 = arith.muli %scan3A_823, %mul3A_878 : i32
          %add3A_880 = arith.constant 6 : i32
          %add3A_881 = arith.addi %mul3A_879, %add3A_880 : i32
          %broadcast_in_dim3A_882 = vector.broadcast %add3A_881 : i32 to vector<16xi32>
          %gather3A_883 = tpu.vector_load_idx %arg29[%add3A_812, %broadcast_in_dim3A_882] : memref<80x64xf32, #tpu.memory_space<vmem>>[vector<16xi32>, vector<16xi32>], vector<16xf32>,
          %gather3A_884 = tpu.vector_load_idx %arg33[%add3A_812, %broadcast_in_dim3A_882] : memref<80x64xf32, #tpu.memory_space<vmem>>[vector<16xi32>, vector<16xi32>], vector<16xf32>,
          %mul3A_885 = arith.mulf %gather3A_883, %gather3A_884 : vector<16xf32>
          %add3A_886 = arith.addf %add3A_877, %mul3A_885 : vector<16xf32>
          %mul3A_887 = arith.constant 8 : i32
          %mul3A_888 = arith.muli %scan3A_823, %mul3A_887 : i32
          %add3A_889 = arith.constant 7 : i32
          %add3A_890 = arith.addi %mul3A_888, %add3A_889 : i32
          %broadcast_in_dim3A_891 = vector.broadcast %add3A_890 : i32 to vector<16xi32>
          %gather3A_892 = tpu.vector_load_idx %arg29[%add3A_812, %broadcast_in_dim3A_891] : memref<80x64xf32, #tpu.memory_space<vmem>>[vector<16xi32>, vector<16xi32>], vector<16xf32>,
          %gather3A_893 = tpu.vector_load_idx %arg33[%add3A_812, %broadcast_in_dim3A_891] : memref<80x64xf32, #tpu.memory_space<vmem>>[vector<16xi32>, vector<16xi32>], vector<16xf32>,
          %mul3A_894 = arith.mulf %gather3A_892, %gather3A_893 : vector<16xf32>
          %add3A_895 = arith.addf %add3A_886, %mul3A_894 : vector<16xf32>
          scf.yield %add3A_895 : vector<16xf32>
        }
        %scan3A_819 = arith.constant 8 : i32
        %mul3A_820 = arith.constant 16 : i32
        %mul3A_821 = arith.muli %scan3A_808, %mul3A_820 : i32
        %swap3A = arith.index_cast %mul3A_821 : i32 to index
        %swap3A_822 = tpu.vector_load %arg37[%swap3A] {strides = array<i32>} : memref<80xf32, #tpu.memory_space<vmem>>, vector<16xf32>,
        tpu.vector_store %arg37[%swap3A], %scan3A_818 {strides = array<i32>} : memref<80xf32, #tpu.memory_space<vmem>>, vector<16xf32>,
      }
      %scan3A_532 = arith.constant 5 : i32
      %mul3A_533 = arith.constant 80 : i32
      %mul3A_534 = arith.muli %add3A_491, %mul3A_533 : i32
      %add3A_535 = arith.addi %add3A, %mul3A_534 : i32
      %dma_start3A_536 = tpu.memref_slice %arg7[%add3A_535] : memref<640000xf32, #tpu.memory_space<hbm>> -> memref<80xf32, #tpu.memory_space<hbm>>
      %dma_start3A_537 = tpu.memref_slice %arg7[%add3A_535] : memref<640000xf32, #tpu.memory_space<hbm>> -> memref<80xf32, #tpu.memory_space<hbm>>
      tpu.enqueue_dma source(%arg37 : memref<80xf32, #tpu.memory_space<vmem>>) target(%dma_start3A_537 : memref<80xf32, #tpu.memory_space<hbm>>) target_semaphore(%arg49 : memref<!tpu.dma_semaphore, #tpu.memory_space<semaphore_mem>>)
      %dma_wait3A_538 = arith.constant 0 : i32
      %dma_wait3A_539 = tpu.memref_slice %arg6[%dma_wait3A_538] : memref<640000xi32, #tpu.memory_space<hbm>> -> memref<80xi32, #tpu.memory_space<hbm>>
      %dma_wait3A_540 = arith.constant 0 : i32
      %dma_wait3A_541 = tpu.memref_slice %arg6[%dma_wait3A_540] : memref<640000xi32, #tpu.memory_space<hbm>> -> memref<80xi32, #tpu.memory_space<hbm>>
      tpu.wait_dma2 semaphore(%arg53 : memref<!tpu.dma_semaphore, #tpu.memory_space<semaphore_mem>>) src(%dma_wait3A_541 : memref<80xi32, #tpu.memory_space<hbm>>) dst(%arg13 : memref<80xi32, #tpu.memory_space<vmem>>)
      %dma_wait3A_542 = arith.constant 0 : i32
      %dma_wait3A_543 = tpu.memref_slice %arg6[%dma_wait3A_542] : memref<640000xi32, #tpu.memory_space<hbm>> -> memref<80xi32, #tpu.memory_space<hbm>>
      %dma_wait3A_544 = arith.constant 0 : i32
      %dma_wait3A_545 = tpu.memref_slice %arg6[%dma_wait3A_544] : memref<640000xi32, #tpu.memory_space<hbm>> -> memref<80xi32, #tpu.memory_space<hbm>>
      tpu.wait_dma2 semaphore(%arg61 : memref<!tpu.dma_semaphore, #tpu.memory_space<semaphore_mem>>) src(%dma_wait3A_545 : memref<80xi32, #tpu.memory_space<hbm>>) dst(%arg21 : memref<80xi32, #tpu.memory_space<vmem>>)
      %dma_start3A_546 = arith.constant 0 : i32
      %dma_start3A_547 = arith.constant 0 : i32
      %dma_start3A_548 = tpu.memref_slice %arg8[%dma_start3A_546, %dma_start3A_547] : memref<10000x64xf32, #tpu.memory_space<vmem_shared>> -> memref<10000x64xf32, #tpu.memory_space<vmem_shared>>
      tpu.enqueue_indirect_dma source(%dma_start3A_548 : memref<10000x64xf32, #tpu.memory_space<vmem_shared>>) target(%arg29 : memref<80x64xf32, #tpu.memory_space<vmem>>) offsets(%arg13 : memref<80xi32, #tpu.memory_space<vmem>>) semaphore(%arg41 : memref<!tpu.dma_semaphore, #tpu.memory_space<semaphore_mem>>)
      %dma_start3A_549 = arith.constant 0 : i32
      %dma_start3A_550 = arith.constant 0 : i32
      %dma_start3A_551 = tpu.memref_slice %arg9[%dma_start3A_549, %dma_start3A_550] : memref<10000x64xf32, #tpu.memory_space<vmem_shared>> -> memref<10000x64xf32, #tpu.memory_space<vmem_shared>>
      tpu.enqueue_indirect_dma source(%dma_start3A_551 : memref<10000x64xf32, #tpu.memory_space<vmem_shared>>) target(%arg33 : memref<80x64xf32, #tpu.memory_space<vmem>>) offsets(%arg21 : memref<80xi32, #tpu.memory_space<vmem>>) semaphore(%arg45 : memref<!tpu.dma_semaphore, #tpu.memory_space<semaphore_mem>>)
      %mul3A_552 = arith.constant 8 : i32
      %mul3A_553 = arith.muli %scan3A_298, %mul3A_552 : i32
      %add3A_554 = arith.constant 4 : i32
      %add3A_555 = arith.addi %mul3A_553, %add3A_554 : i32
      %dma_wait3A_556 = arith.constant 0 : i32
      %dma_wait3A_557 = arith.constant 0 : i32
      %dma_wait3A_558 = tpu.memref_slice %arg2[%dma_wait3A_556, %dma_wait3A_557] : memref<10000x64xf32, #tpu.memory_space<hbm>> -> memref<80x64xf32, #tpu.memory_space<hbm>>
      %dma_wait3A_559 = arith.constant 0 : i32
      %dma_wait3A_560 = arith.constant 0 : i32
      %dma_wait3A_561 = tpu.memref_slice %arg2[%dma_wait3A_559, %dma_wait3A_560] : memref<10000x64xf32, #tpu.memory_space<hbm>> -> memref<80x64xf32, #tpu.memory_space<hbm>>
      tpu.wait_dma2 semaphore(%arg38 : memref<!tpu.dma_semaphore, #tpu.memory_space<semaphore_mem>>) src(%dma_wait3A_561 : memref<80x64xf32, #tpu.memory_space<hbm>>) dst(%arg26 : memref<80x64xf32, #tpu.memory_space<vmem>>)
      %dma_wait3A_562 = arith.constant 0 : i32
      %dma_wait3A_563 = arith.constant 0 : i32
      %dma_wait3A_564 = tpu.memref_slice %arg4[%dma_wait3A_562, %dma_wait3A_563] : memref<10000x64xf32, #tpu.memory_space<hbm>> -> memref<80x64xf32, #tpu.memory_space<hbm>>
      %dma_wait3A_565 = arith.constant 0 : i32
      %dma_wait3A_566 = arith.constant 0 : i32
      %dma_wait3A_567 = tpu.memref_slice %arg4[%dma_wait3A_565, %dma_wait3A_566] : memref<10000x64xf32, #tpu.memory_space<hbm>> -> memref<80x64xf32, #tpu.memory_space<hbm>>
      tpu.wait_dma2 semaphore(%arg42 : memref<!tpu.dma_semaphore, #tpu.memory_space<semaphore_mem>>) src(%dma_wait3A_567 : memref<80x64xf32, #tpu.memory_space<hbm>>) dst(%arg30 : memref<80x64xf32, #tpu.memory_space<vmem>>)
      %add3A_568 = arith.constant 8 : i32
      %add3A_569 = arith.addi %add3A_555, %add3A_568 : i32
      %min3A_570 = arith.constant 249 : i32
      %min3A_571 = arith.minsi %add3A_569, %min3A_570 : i32
      %mul3A_572 = arith.constant 80 : i32
      %mul3A_573 = arith.muli %min3A_571, %mul3A_572 : i32
      %add3A_574 = arith.addi %mul3A_0, %mul3A_573 : i32
      %dma_start3A_575 = tpu.memref_slice %arg6[%add3A_574] : memref<640000xi32, #tpu.memory_space<hbm>> -> memref<80xi32, #tpu.memory_space<hbm>>
      %dma_start3A_576 = tpu.memref_slice %arg6[%add3A_574] : memref<640000xi32, #tpu.memory_space<hbm>> -> memref<80xi32, #tpu.memory_space<hbm>>
      tpu.enqueue_dma source(%dma_start3A_576 : memref<80xi32, #tpu.memory_space<hbm>>) target(%arg10 : memref<80xi32, #tpu.memory_space<vmem>>) target_semaphore(%arg50 : memref<!tpu.dma_semaphore, #tpu.memory_space<semaphore_mem>>)
      %add3A_577 = arith.constant 320000 : i32
      %add3A_578 = arith.addi %add3A_577, %mul3A_0 : i32
      %mul3A_579 = arith.constant 80 : i32
      %mul3A_580 = arith.muli %min3A_571, %mul3A_579 : i32
      %add3A_581 = arith.addi %add3A_578, %mul3A_580 : i32
      %dma_start3A_582 = tpu.memref_slice %arg6[%add3A_581] : memref<640000xi32, #tpu.memory_space<hbm>> -> memref<80xi32, #tpu.memory_space<hbm>>
      %dma_start3A_583 = tpu.memref_slice %arg6[%add3A_581] : memref<640000xi32, #tpu.memory_space<hbm>> -> memref<80xi32, #tpu.memory_space<hbm>>
      tpu.enqueue_dma source(%dma_start3A_583 : memref<80xi32, #tpu.memory_space<hbm>>) target(%arg18 : memref<80xi32, #tpu.memory_space<vmem>>) target_semaphore(%arg58 : memref<!tpu.dma_semaphore, #tpu.memory_space<semaphore_mem>>)
      %gt3A_584 = arith.constant 0 : i32
      %gt3A_585 = arith.cmpi sgt, %scan3A_298, %gt3A_584 : i32
      %or3A_586 = arith.constant true
      %or3A_587 = arith.ori %gt3A_585, %or3A_586 : i1
      %convert_element_type3A_588 = arith.extui %or3A_587 : i1 to i32
      %cond3A_589 = arith.constant 0 : i32
      %cond3A_590 = arith.cmpi ne, %convert_element_type3A_588, %cond3A_589 : i32
      scf.if %cond3A_590 {
        %dma_wait3A_808 = tpu.memref_slice %arg7[%add3A] : memref<640000xf32, #tpu.memory_space<hbm>> -> memref<80xf32, #tpu.memory_space<hbm>>
        %dma_wait3A_809 = tpu.memref_slice %arg7[%add3A] : memref<640000xf32, #tpu.memory_space<hbm>> -> memref<80xf32, #tpu.memory_space<hbm>>
        tpu.wait_dma2 semaphore(%arg46 : memref<!tpu.dma_semaphore, #tpu.memory_space<semaphore_mem>>) src(%arg34 : memref<80xf32, #tpu.memory_space<vmem>>) dst(%dma_wait3A_809 : memref<80xf32, #tpu.memory_space<hbm>>)
      } else {
      }
      %scan3A_591 = arith.constant 0 : i32
      %scan3A_592 = arith.constant 0 : i32
      %scan3A_593 = arith.constant 5 : i32
      %scan3A_594 = arith.addi %scan3A_592, %scan3A_593 : i32
      %scan3A_595 = arith.constant 1 : i32
      scf.for %scan3A_808 = %scan3A_592 to %scan3A_594 step %scan3A_595  : i32 {
        %iota3A = tpu.iota {dimensions = array<i32: 0>} : vector<16xi32>
        %mul3A_809 = arith.constant 16 : i32
        %mul3A_810 = arith.muli %scan3A_808, %mul3A_809 : i32
        %add3A_811 = vector.broadcast %mul3A_810 : i32 to vector<16xi32>
        %add3A_812 = arith.addi %iota3A, %add3A_811 : vector<16xi32>
        %broadcast_in_dim3A = arith.constant 0.000000e+00 : f32
        %broadcast_in_dim3A_813 = vector.broadcast %broadcast_in_dim3A : f32 to vector<16xf32>
        %scan3A_814 = arith.constant 0 : i32
        %scan3A_815 = arith.constant 8 : i32
        %scan3A_816 = arith.addi %scan3A_814, %scan3A_815 : i32
        %scan3A_817 = arith.constant 1 : i32
        %scan3A_818 = scf.for %scan3A_823 = %scan3A_814 to %scan3A_816 step %scan3A_817 iter_args(%scan3A_824 = %broadcast_in_dim3A_813) -> (vector<16xf32>)  : i32 {
          %mul3A_825 = arith.constant 8 : i32
          %mul3A_826 = arith.muli %scan3A_823, %mul3A_825 : i32
          %add3A_827 = arith.constant 0 : i32
          %add3A_828 = arith.addi %mul3A_826, %add3A_827 : i32
          %broadcast_in_dim3A_829 = vector.broadcast %add3A_828 : i32 to vector<16xi32>
          %gather3A = tpu.vector_load_idx %arg26[%add3A_812, %broadcast_in_dim3A_829] : memref<80x64xf32, #tpu.memory_space<vmem>>[vector<16xi32>, vector<16xi32>], vector<16xf32>,
          %gather3A_830 = tpu.vector_load_idx %arg30[%add3A_812, %broadcast_in_dim3A_829] : memref<80x64xf32, #tpu.memory_space<vmem>>[vector<16xi32>, vector<16xi32>], vector<16xf32>,
          %mul3A_831 = arith.mulf %gather3A, %gather3A_830 : vector<16xf32>
          %add3A_832 = arith.addf %scan3A_824, %mul3A_831 : vector<16xf32>
          %mul3A_833 = arith.constant 8 : i32
          %mul3A_834 = arith.muli %scan3A_823, %mul3A_833 : i32
          %add3A_835 = arith.constant 1 : i32
          %add3A_836 = arith.addi %mul3A_834, %add3A_835 : i32
          %broadcast_in_dim3A_837 = vector.broadcast %add3A_836 : i32 to vector<16xi32>
          %gather3A_838 = tpu.vector_load_idx %arg26[%add3A_812, %broadcast_in_dim3A_837] : memref<80x64xf32, #tpu.memory_space<vmem>>[vector<16xi32>, vector<16xi32>], vector<16xf32>,
          %gather3A_839 = tpu.vector_load_idx %arg30[%add3A_812, %broadcast_in_dim3A_837] : memref<80x64xf32, #tpu.memory_space<vmem>>[vector<16xi32>, vector<16xi32>], vector<16xf32>,
          %mul3A_840 = arith.mulf %gather3A_838, %gather3A_839 : vector<16xf32>
          %add3A_841 = arith.addf %add3A_832, %mul3A_840 : vector<16xf32>
          %mul3A_842 = arith.constant 8 : i32
          %mul3A_843 = arith.muli %scan3A_823, %mul3A_842 : i32
          %add3A_844 = arith.constant 2 : i32
          %add3A_845 = arith.addi %mul3A_843, %add3A_844 : i32
          %broadcast_in_dim3A_846 = vector.broadcast %add3A_845 : i32 to vector<16xi32>
          %gather3A_847 = tpu.vector_load_idx %arg26[%add3A_812, %broadcast_in_dim3A_846] : memref<80x64xf32, #tpu.memory_space<vmem>>[vector<16xi32>, vector<16xi32>], vector<16xf32>,
          %gather3A_848 = tpu.vector_load_idx %arg30[%add3A_812, %broadcast_in_dim3A_846] : memref<80x64xf32, #tpu.memory_space<vmem>>[vector<16xi32>, vector<16xi32>], vector<16xf32>,
          %mul3A_849 = arith.mulf %gather3A_847, %gather3A_848 : vector<16xf32>
          %add3A_850 = arith.addf %add3A_841, %mul3A_849 : vector<16xf32>
          %mul3A_851 = arith.constant 8 : i32
          %mul3A_852 = arith.muli %scan3A_823, %mul3A_851 : i32
          %add3A_853 = arith.constant 3 : i32
          %add3A_854 = arith.addi %mul3A_852, %add3A_853 : i32
          %broadcast_in_dim3A_855 = vector.broadcast %add3A_854 : i32 to vector<16xi32>
          %gather3A_856 = tpu.vector_load_idx %arg26[%add3A_812, %broadcast_in_dim3A_855] : memref<80x64xf32, #tpu.memory_space<vmem>>[vector<16xi32>, vector<16xi32>], vector<16xf32>,
          %gather3A_857 = tpu.vector_load_idx %arg30[%add3A_812, %broadcast_in_dim3A_855] : memref<80x64xf32, #tpu.memory_space<vmem>>[vector<16xi32>, vector<16xi32>], vector<16xf32>,
          %mul3A_858 = arith.mulf %gather3A_856, %gather3A_857 : vector<16xf32>
          %add3A_859 = arith.addf %add3A_850, %mul3A_858 : vector<16xf32>
          %mul3A_860 = arith.constant 8 : i32
          %mul3A_861 = arith.muli %scan3A_823, %mul3A_860 : i32
          %add3A_862 = arith.constant 4 : i32
          %add3A_863 = arith.addi %mul3A_861, %add3A_862 : i32
          %broadcast_in_dim3A_864 = vector.broadcast %add3A_863 : i32 to vector<16xi32>
          %gather3A_865 = tpu.vector_load_idx %arg26[%add3A_812, %broadcast_in_dim3A_864] : memref<80x64xf32, #tpu.memory_space<vmem>>[vector<16xi32>, vector<16xi32>], vector<16xf32>,
          %gather3A_866 = tpu.vector_load_idx %arg30[%add3A_812, %broadcast_in_dim3A_864] : memref<80x64xf32, #tpu.memory_space<vmem>>[vector<16xi32>, vector<16xi32>], vector<16xf32>,
          %mul3A_867 = arith.mulf %gather3A_865, %gather3A_866 : vector<16xf32>
          %add3A_868 = arith.addf %add3A_859, %mul3A_867 : vector<16xf32>
          %mul3A_869 = arith.constant 8 : i32
          %mul3A_870 = arith.muli %scan3A_823, %mul3A_869 : i32
          %add3A_871 = arith.constant 5 : i32
          %add3A_872 = arith.addi %mul3A_870, %add3A_871 : i32
          %broadcast_in_dim3A_873 = vector.broadcast %add3A_872 : i32 to vector<16xi32>
          %gather3A_874 = tpu.vector_load_idx %arg26[%add3A_812, %broadcast_in_dim3A_873] : memref<80x64xf32, #tpu.memory_space<vmem>>[vector<16xi32>, vector<16xi32>], vector<16xf32>,
          %gather3A_875 = tpu.vector_load_idx %arg30[%add3A_812, %broadcast_in_dim3A_873] : memref<80x64xf32, #tpu.memory_space<vmem>>[vector<16xi32>, vector<16xi32>], vector<16xf32>,
          %mul3A_876 = arith.mulf %gather3A_874, %gather3A_875 : vector<16xf32>
          %add3A_877 = arith.addf %add3A_868, %mul3A_876 : vector<16xf32>
          %mul3A_878 = arith.constant 8 : i32
          %mul3A_879 = arith.muli %scan3A_823, %mul3A_878 : i32
          %add3A_880 = arith.constant 6 : i32
          %add3A_881 = arith.addi %mul3A_879, %add3A_880 : i32
          %broadcast_in_dim3A_882 = vector.broadcast %add3A_881 : i32 to vector<16xi32>
          %gather3A_883 = tpu.vector_load_idx %arg26[%add3A_812, %broadcast_in_dim3A_882] : memref<80x64xf32, #tpu.memory_space<vmem>>[vector<16xi32>, vector<16xi32>], vector<16xf32>,
          %gather3A_884 = tpu.vector_load_idx %arg30[%add3A_812, %broadcast_in_dim3A_882] : memref<80x64xf32, #tpu.memory_space<vmem>>[vector<16xi32>, vector<16xi32>], vector<16xf32>,
          %mul3A_885 = arith.mulf %gather3A_883, %gather3A_884 : vector<16xf32>
          %add3A_886 = arith.addf %add3A_877, %mul3A_885 : vector<16xf32>
          %mul3A_887 = arith.constant 8 : i32
          %mul3A_888 = arith.muli %scan3A_823, %mul3A_887 : i32
          %add3A_889 = arith.constant 7 : i32
          %add3A_890 = arith.addi %mul3A_888, %add3A_889 : i32
          %broadcast_in_dim3A_891 = vector.broadcast %add3A_890 : i32 to vector<16xi32>
          %gather3A_892 = tpu.vector_load_idx %arg26[%add3A_812, %broadcast_in_dim3A_891] : memref<80x64xf32, #tpu.memory_space<vmem>>[vector<16xi32>, vector<16xi32>], vector<16xf32>,
          %gather3A_893 = tpu.vector_load_idx %arg30[%add3A_812, %broadcast_in_dim3A_891] : memref<80x64xf32, #tpu.memory_space<vmem>>[vector<16xi32>, vector<16xi32>], vector<16xf32>,
          %mul3A_894 = arith.mulf %gather3A_892, %gather3A_893 : vector<16xf32>
          %add3A_895 = arith.addf %add3A_886, %mul3A_894 : vector<16xf32>
          scf.yield %add3A_895 : vector<16xf32>
        }
        %scan3A_819 = arith.constant 8 : i32
        %mul3A_820 = arith.constant 16 : i32
        %mul3A_821 = arith.muli %scan3A_808, %mul3A_820 : i32
        %swap3A = arith.index_cast %mul3A_821 : i32 to index
        %swap3A_822 = tpu.vector_load %arg34[%swap3A] {strides = array<i32>} : memref<80xf32, #tpu.memory_space<vmem>>, vector<16xf32>,
        tpu.vector_store %arg34[%swap3A], %scan3A_818 {strides = array<i32>} : memref<80xf32, #tpu.memory_space<vmem>>, vector<16xf32>,
      }
      %scan3A_596 = arith.constant 5 : i32
      %mul3A_597 = arith.constant 80 : i32
      %mul3A_598 = arith.muli %add3A_555, %mul3A_597 : i32
      %add3A_599 = arith.addi %add3A, %mul3A_598 : i32
      %dma_start3A_600 = tpu.memref_slice %arg7[%add3A_599] : memref<640000xf32, #tpu.memory_space<hbm>> -> memref<80xf32, #tpu.memory_space<hbm>>
      %dma_start3A_601 = tpu.memref_slice %arg7[%add3A_599] : memref<640000xf32, #tpu.memory_space<hbm>> -> memref<80xf32, #tpu.memory_space<hbm>>
      tpu.enqueue_dma source(%arg34 : memref<80xf32, #tpu.memory_space<vmem>>) target(%dma_start3A_601 : memref<80xf32, #tpu.memory_space<hbm>>) target_semaphore(%arg46 : memref<!tpu.dma_semaphore, #tpu.memory_space<semaphore_mem>>)
      %dma_wait3A_602 = arith.constant 0 : i32
      %dma_wait3A_603 = tpu.memref_slice %arg6[%dma_wait3A_602] : memref<640000xi32, #tpu.memory_space<hbm>> -> memref<80xi32, #tpu.memory_space<hbm>>
      %dma_wait3A_604 = arith.constant 0 : i32
      %dma_wait3A_605 = tpu.memref_slice %arg6[%dma_wait3A_604] : memref<640000xi32, #tpu.memory_space<hbm>> -> memref<80xi32, #tpu.memory_space<hbm>>
      tpu.wait_dma2 semaphore(%arg54 : memref<!tpu.dma_semaphore, #tpu.memory_space<semaphore_mem>>) src(%dma_wait3A_605 : memref<80xi32, #tpu.memory_space<hbm>>) dst(%arg14 : memref<80xi32, #tpu.memory_space<vmem>>)
      %dma_wait3A_606 = arith.constant 0 : i32
      %dma_wait3A_607 = tpu.memref_slice %arg6[%dma_wait3A_606] : memref<640000xi32, #tpu.memory_space<hbm>> -> memref<80xi32, #tpu.memory_space<hbm>>
      %dma_wait3A_608 = arith.constant 0 : i32
      %dma_wait3A_609 = tpu.memref_slice %arg6[%dma_wait3A_608] : memref<640000xi32, #tpu.memory_space<hbm>> -> memref<80xi32, #tpu.memory_space<hbm>>
      tpu.wait_dma2 semaphore(%arg62 : memref<!tpu.dma_semaphore, #tpu.memory_space<semaphore_mem>>) src(%dma_wait3A_609 : memref<80xi32, #tpu.memory_space<hbm>>) dst(%arg22 : memref<80xi32, #tpu.memory_space<vmem>>)
      %dma_start3A_610 = arith.constant 0 : i32
      %dma_start3A_611 = arith.constant 0 : i32
      %dma_start3A_612 = tpu.memref_slice %arg8[%dma_start3A_610, %dma_start3A_611] : memref<10000x64xf32, #tpu.memory_space<vmem_shared>> -> memref<10000x64xf32, #tpu.memory_space<vmem_shared>>
      tpu.enqueue_indirect_dma source(%dma_start3A_612 : memref<10000x64xf32, #tpu.memory_space<vmem_shared>>) target(%arg26 : memref<80x64xf32, #tpu.memory_space<vmem>>) offsets(%arg14 : memref<80xi32, #tpu.memory_space<vmem>>) semaphore(%arg38 : memref<!tpu.dma_semaphore, #tpu.memory_space<semaphore_mem>>)
      %dma_start3A_613 = arith.constant 0 : i32
      %dma_start3A_614 = arith.constant 0 : i32
      %dma_start3A_615 = tpu.memref_slice %arg9[%dma_start3A_613, %dma_start3A_614] : memref<10000x64xf32, #tpu.memory_space<vmem_shared>> -> memref<10000x64xf32, #tpu.memory_space<vmem_shared>>
      tpu.enqueue_indirect_dma source(%dma_start3A_615 : memref<10000x64xf32, #tpu.memory_space<vmem_shared>>) target(%arg30 : memref<80x64xf32, #tpu.memory_space<vmem>>) offsets(%arg22 : memref<80xi32, #tpu.memory_space<vmem>>) semaphore(%arg42 : memref<!tpu.dma_semaphore, #tpu.memory_space<semaphore_mem>>)
      %mul3A_616 = arith.constant 8 : i32
      %mul3A_617 = arith.muli %scan3A_298, %mul3A_616 : i32
      %add3A_618 = arith.constant 5 : i32
      %add3A_619 = arith.addi %mul3A_617, %add3A_618 : i32
      %dma_wait3A_620 = arith.constant 0 : i32
      %dma_wait3A_621 = arith.constant 0 : i32
      %dma_wait3A_622 = tpu.memref_slice %arg2[%dma_wait3A_620, %dma_wait3A_621] : memref<10000x64xf32, #tpu.memory_space<hbm>> -> memref<80x64xf32, #tpu.memory_space<hbm>>
      %dma_wait3A_623 = arith.constant 0 : i32
      %dma_wait3A_624 = arith.constant 0 : i32
      %dma_wait3A_625 = tpu.memref_slice %arg2[%dma_wait3A_623, %dma_wait3A_624] : memref<10000x64xf32, #tpu.memory_space<hbm>> -> memref<80x64xf32, #tpu.memory_space<hbm>>
      tpu.wait_dma2 semaphore(%arg39 : memref<!tpu.dma_semaphore, #tpu.memory_space<semaphore_mem>>) src(%dma_wait3A_625 : memref<80x64xf32, #tpu.memory_space<hbm>>) dst(%arg27 : memref<80x64xf32, #tpu.memory_space<vmem>>)
      %dma_wait3A_626 = arith.constant 0 : i32
      %dma_wait3A_627 = arith.constant 0 : i32
      %dma_wait3A_628 = tpu.memref_slice %arg4[%dma_wait3A_626, %dma_wait3A_627] : memref<10000x64xf32, #tpu.memory_space<hbm>> -> memref<80x64xf32, #tpu.memory_space<hbm>>
      %dma_wait3A_629 = arith.constant 0 : i32
      %dma_wait3A_630 = arith.constant 0 : i32
      %dma_wait3A_631 = tpu.memref_slice %arg4[%dma_wait3A_629, %dma_wait3A_630] : memref<10000x64xf32, #tpu.memory_space<hbm>> -> memref<80x64xf32, #tpu.memory_space<hbm>>
      tpu.wait_dma2 semaphore(%arg43 : memref<!tpu.dma_semaphore, #tpu.memory_space<semaphore_mem>>) src(%dma_wait3A_631 : memref<80x64xf32, #tpu.memory_space<hbm>>) dst(%arg31 : memref<80x64xf32, #tpu.memory_space<vmem>>)
      %add3A_632 = arith.constant 8 : i32
      %add3A_633 = arith.addi %add3A_619, %add3A_632 : i32
      %min3A_634 = arith.constant 249 : i32
      %min3A_635 = arith.minsi %add3A_633, %min3A_634 : i32
      %mul3A_636 = arith.constant 80 : i32
      %mul3A_637 = arith.muli %min3A_635, %mul3A_636 : i32
      %add3A_638 = arith.addi %mul3A_0, %mul3A_637 : i32
      %dma_start3A_639 = tpu.memref_slice %arg6[%add3A_638] : memref<640000xi32, #tpu.memory_space<hbm>> -> memref<80xi32, #tpu.memory_space<hbm>>
      %dma_start3A_640 = tpu.memref_slice %arg6[%add3A_638] : memref<640000xi32, #tpu.memory_space<hbm>> -> memref<80xi32, #tpu.memory_space<hbm>>
      tpu.enqueue_dma source(%dma_start3A_640 : memref<80xi32, #tpu.memory_space<hbm>>) target(%arg11 : memref<80xi32, #tpu.memory_space<vmem>>) target_semaphore(%arg51 : memref<!tpu.dma_semaphore, #tpu.memory_space<semaphore_mem>>)
      %add3A_641 = arith.constant 320000 : i32
      %add3A_642 = arith.addi %add3A_641, %mul3A_0 : i32
      %mul3A_643 = arith.constant 80 : i32
      %mul3A_644 = arith.muli %min3A_635, %mul3A_643 : i32
      %add3A_645 = arith.addi %add3A_642, %mul3A_644 : i32
      %dma_start3A_646 = tpu.memref_slice %arg6[%add3A_645] : memref<640000xi32, #tpu.memory_space<hbm>> -> memref<80xi32, #tpu.memory_space<hbm>>
      %dma_start3A_647 = tpu.memref_slice %arg6[%add3A_645] : memref<640000xi32, #tpu.memory_space<hbm>> -> memref<80xi32, #tpu.memory_space<hbm>>
      tpu.enqueue_dma source(%dma_start3A_647 : memref<80xi32, #tpu.memory_space<hbm>>) target(%arg19 : memref<80xi32, #tpu.memory_space<vmem>>) target_semaphore(%arg59 : memref<!tpu.dma_semaphore, #tpu.memory_space<semaphore_mem>>)
      %gt3A_648 = arith.constant 0 : i32
      %gt3A_649 = arith.cmpi sgt, %scan3A_298, %gt3A_648 : i32
      %or3A_650 = arith.constant true
      %or3A_651 = arith.ori %gt3A_649, %or3A_650 : i1
      %convert_element_type3A_652 = arith.extui %or3A_651 : i1 to i32
      %cond3A_653 = arith.constant 0 : i32
      %cond3A_654 = arith.cmpi ne, %convert_element_type3A_652, %cond3A_653 : i32
      scf.if %cond3A_654 {
        %dma_wait3A_808 = tpu.memref_slice %arg7[%add3A] : memref<640000xf32, #tpu.memory_space<hbm>> -> memref<80xf32, #tpu.memory_space<hbm>>
        %dma_wait3A_809 = tpu.memref_slice %arg7[%add3A] : memref<640000xf32, #tpu.memory_space<hbm>> -> memref<80xf32, #tpu.memory_space<hbm>>
        tpu.wait_dma2 semaphore(%arg47 : memref<!tpu.dma_semaphore, #tpu.memory_space<semaphore_mem>>) src(%arg35 : memref<80xf32, #tpu.memory_space<vmem>>) dst(%dma_wait3A_809 : memref<80xf32, #tpu.memory_space<hbm>>)
      } else {
      }
      %scan3A_655 = arith.constant 0 : i32
      %scan3A_656 = arith.constant 0 : i32
      %scan3A_657 = arith.constant 5 : i32
      %scan3A_658 = arith.addi %scan3A_656, %scan3A_657 : i32
      %scan3A_659 = arith.constant 1 : i32
      scf.for %scan3A_808 = %scan3A_656 to %scan3A_658 step %scan3A_659  : i32 {
        %iota3A = tpu.iota {dimensions = array<i32: 0>} : vector<16xi32>
        %mul3A_809 = arith.constant 16 : i32
        %mul3A_810 = arith.muli %scan3A_808, %mul3A_809 : i32
        %add3A_811 = vector.broadcast %mul3A_810 : i32 to vector<16xi32>
        %add3A_812 = arith.addi %iota3A, %add3A_811 : vector<16xi32>
        %broadcast_in_dim3A = arith.constant 0.000000e+00 : f32
        %broadcast_in_dim3A_813 = vector.broadcast %broadcast_in_dim3A : f32 to vector<16xf32>
        %scan3A_814 = arith.constant 0 : i32
        %scan3A_815 = arith.constant 8 : i32
        %scan3A_816 = arith.addi %scan3A_814, %scan3A_815 : i32
        %scan3A_817 = arith.constant 1 : i32
        %scan3A_818 = scf.for %scan3A_823 = %scan3A_814 to %scan3A_816 step %scan3A_817 iter_args(%scan3A_824 = %broadcast_in_dim3A_813) -> (vector<16xf32>)  : i32 {
          %mul3A_825 = arith.constant 8 : i32
          %mul3A_826 = arith.muli %scan3A_823, %mul3A_825 : i32
          %add3A_827 = arith.constant 0 : i32
          %add3A_828 = arith.addi %mul3A_826, %add3A_827 : i32
          %broadcast_in_dim3A_829 = vector.broadcast %add3A_828 : i32 to vector<16xi32>
          %gather3A = tpu.vector_load_idx %arg27[%add3A_812, %broadcast_in_dim3A_829] : memref<80x64xf32, #tpu.memory_space<vmem>>[vector<16xi32>, vector<16xi32>], vector<16xf32>,
          %gather3A_830 = tpu.vector_load_idx %arg31[%add3A_812, %broadcast_in_dim3A_829] : memref<80x64xf32, #tpu.memory_space<vmem>>[vector<16xi32>, vector<16xi32>], vector<16xf32>,
          %mul3A_831 = arith.mulf %gather3A, %gather3A_830 : vector<16xf32>
          %add3A_832 = arith.addf %scan3A_824, %mul3A_831 : vector<16xf32>
          %mul3A_833 = arith.constant 8 : i32
          %mul3A_834 = arith.muli %scan3A_823, %mul3A_833 : i32
          %add3A_835 = arith.constant 1 : i32
          %add3A_836 = arith.addi %mul3A_834, %add3A_835 : i32
          %broadcast_in_dim3A_837 = vector.broadcast %add3A_836 : i32 to vector<16xi32>
          %gather3A_838 = tpu.vector_load_idx %arg27[%add3A_812, %broadcast_in_dim3A_837] : memref<80x64xf32, #tpu.memory_space<vmem>>[vector<16xi32>, vector<16xi32>], vector<16xf32>,
          %gather3A_839 = tpu.vector_load_idx %arg31[%add3A_812, %broadcast_in_dim3A_837] : memref<80x64xf32, #tpu.memory_space<vmem>>[vector<16xi32>, vector<16xi32>], vector<16xf32>,
          %mul3A_840 = arith.mulf %gather3A_838, %gather3A_839 : vector<16xf32>
          %add3A_841 = arith.addf %add3A_832, %mul3A_840 : vector<16xf32>
          %mul3A_842 = arith.constant 8 : i32
          %mul3A_843 = arith.muli %scan3A_823, %mul3A_842 : i32
          %add3A_844 = arith.constant 2 : i32
          %add3A_845 = arith.addi %mul3A_843, %add3A_844 : i32
          %broadcast_in_dim3A_846 = vector.broadcast %add3A_845 : i32 to vector<16xi32>
          %gather3A_847 = tpu.vector_load_idx %arg27[%add3A_812, %broadcast_in_dim3A_846] : memref<80x64xf32, #tpu.memory_space<vmem>>[vector<16xi32>, vector<16xi32>], vector<16xf32>,
          %gather3A_848 = tpu.vector_load_idx %arg31[%add3A_812, %broadcast_in_dim3A_846] : memref<80x64xf32, #tpu.memory_space<vmem>>[vector<16xi32>, vector<16xi32>], vector<16xf32>,
          %mul3A_849 = arith.mulf %gather3A_847, %gather3A_848 : vector<16xf32>
          %add3A_850 = arith.addf %add3A_841, %mul3A_849 : vector<16xf32>
          %mul3A_851 = arith.constant 8 : i32
          %mul3A_852 = arith.muli %scan3A_823, %mul3A_851 : i32
          %add3A_853 = arith.constant 3 : i32
          %add3A_854 = arith.addi %mul3A_852, %add3A_853 : i32
          %broadcast_in_dim3A_855 = vector.broadcast %add3A_854 : i32 to vector<16xi32>
          %gather3A_856 = tpu.vector_load_idx %arg27[%add3A_812, %broadcast_in_dim3A_855] : memref<80x64xf32, #tpu.memory_space<vmem>>[vector<16xi32>, vector<16xi32>], vector<16xf32>,
          %gather3A_857 = tpu.vector_load_idx %arg31[%add3A_812, %broadcast_in_dim3A_855] : memref<80x64xf32, #tpu.memory_space<vmem>>[vector<16xi32>, vector<16xi32>], vector<16xf32>,
          %mul3A_858 = arith.mulf %gather3A_856, %gather3A_857 : vector<16xf32>
          %add3A_859 = arith.addf %add3A_850, %mul3A_858 : vector<16xf32>
          %mul3A_860 = arith.constant 8 : i32
          %mul3A_861 = arith.muli %scan3A_823, %mul3A_860 : i32
          %add3A_862 = arith.constant 4 : i32
          %add3A_863 = arith.addi %mul3A_861, %add3A_862 : i32
          %broadcast_in_dim3A_864 = vector.broadcast %add3A_863 : i32 to vector<16xi32>
          %gather3A_865 = tpu.vector_load_idx %arg27[%add3A_812, %broadcast_in_dim3A_864] : memref<80x64xf32, #tpu.memory_space<vmem>>[vector<16xi32>, vector<16xi32>], vector<16xf32>,
          %gather3A_866 = tpu.vector_load_idx %arg31[%add3A_812, %broadcast_in_dim3A_864] : memref<80x64xf32, #tpu.memory_space<vmem>>[vector<16xi32>, vector<16xi32>], vector<16xf32>,
          %mul3A_867 = arith.mulf %gather3A_865, %gather3A_866 : vector<16xf32>
          %add3A_868 = arith.addf %add3A_859, %mul3A_867 : vector<16xf32>
          %mul3A_869 = arith.constant 8 : i32
          %mul3A_870 = arith.muli %scan3A_823, %mul3A_869 : i32
          %add3A_871 = arith.constant 5 : i32
          %add3A_872 = arith.addi %mul3A_870, %add3A_871 : i32
          %broadcast_in_dim3A_873 = vector.broadcast %add3A_872 : i32 to vector<16xi32>
          %gather3A_874 = tpu.vector_load_idx %arg27[%add3A_812, %broadcast_in_dim3A_873] : memref<80x64xf32, #tpu.memory_space<vmem>>[vector<16xi32>, vector<16xi32>], vector<16xf32>,
          %gather3A_875 = tpu.vector_load_idx %arg31[%add3A_812, %broadcast_in_dim3A_873] : memref<80x64xf32, #tpu.memory_space<vmem>>[vector<16xi32>, vector<16xi32>], vector<16xf32>,
          %mul3A_876 = arith.mulf %gather3A_874, %gather3A_875 : vector<16xf32>
          %add3A_877 = arith.addf %add3A_868, %mul3A_876 : vector<16xf32>
          %mul3A_878 = arith.constant 8 : i32
          %mul3A_879 = arith.muli %scan3A_823, %mul3A_878 : i32
          %add3A_880 = arith.constant 6 : i32
          %add3A_881 = arith.addi %mul3A_879, %add3A_880 : i32
          %broadcast_in_dim3A_882 = vector.broadcast %add3A_881 : i32 to vector<16xi32>
          %gather3A_883 = tpu.vector_load_idx %arg27[%add3A_812, %broadcast_in_dim3A_882] : memref<80x64xf32, #tpu.memory_space<vmem>>[vector<16xi32>, vector<16xi32>], vector<16xf32>,
          %gather3A_884 = tpu.vector_load_idx %arg31[%add3A_812, %broadcast_in_dim3A_882] : memref<80x64xf32, #tpu.memory_space<vmem>>[vector<16xi32>, vector<16xi32>], vector<16xf32>,
          %mul3A_885 = arith.mulf %gather3A_883, %gather3A_884 : vector<16xf32>
          %add3A_886 = arith.addf %add3A_877, %mul3A_885 : vector<16xf32>
          %mul3A_887 = arith.constant 8 : i32
          %mul3A_888 = arith.muli %scan3A_823, %mul3A_887 : i32
          %add3A_889 = arith.constant 7 : i32
          %add3A_890 = arith.addi %mul3A_888, %add3A_889 : i32
          %broadcast_in_dim3A_891 = vector.broadcast %add3A_890 : i32 to vector<16xi32>
          %gather3A_892 = tpu.vector_load_idx %arg27[%add3A_812, %broadcast_in_dim3A_891] : memref<80x64xf32, #tpu.memory_space<vmem>>[vector<16xi32>, vector<16xi32>], vector<16xf32>,
          %gather3A_893 = tpu.vector_load_idx %arg31[%add3A_812, %broadcast_in_dim3A_891] : memref<80x64xf32, #tpu.memory_space<vmem>>[vector<16xi32>, vector<16xi32>], vector<16xf32>,
          %mul3A_894 = arith.mulf %gather3A_892, %gather3A_893 : vector<16xf32>
          %add3A_895 = arith.addf %add3A_886, %mul3A_894 : vector<16xf32>
          scf.yield %add3A_895 : vector<16xf32>
        }
        %scan3A_819 = arith.constant 8 : i32
        %mul3A_820 = arith.constant 16 : i32
        %mul3A_821 = arith.muli %scan3A_808, %mul3A_820 : i32
        %swap3A = arith.index_cast %mul3A_821 : i32 to index
        %swap3A_822 = tpu.vector_load %arg35[%swap3A] {strides = array<i32>} : memref<80xf32, #tpu.memory_space<vmem>>, vector<16xf32>,
        tpu.vector_store %arg35[%swap3A], %scan3A_818 {strides = array<i32>} : memref<80xf32, #tpu.memory_space<vmem>>, vector<16xf32>,
      }
      %scan3A_660 = arith.constant 5 : i32
      %mul3A_661 = arith.constant 80 : i32
      %mul3A_662 = arith.muli %add3A_619, %mul3A_661 : i32
      %add3A_663 = arith.addi %add3A, %mul3A_662 : i32
      %dma_start3A_664 = tpu.memref_slice %arg7[%add3A_663] : memref<640000xf32, #tpu.memory_space<hbm>> -> memref<80xf32, #tpu.memory_space<hbm>>
      %dma_start3A_665 = tpu.memref_slice %arg7[%add3A_663] : memref<640000xf32, #tpu.memory_space<hbm>> -> memref<80xf32, #tpu.memory_space<hbm>>
      tpu.enqueue_dma source(%arg35 : memref<80xf32, #tpu.memory_space<vmem>>) target(%dma_start3A_665 : memref<80xf32, #tpu.memory_space<hbm>>) target_semaphore(%arg47 : memref<!tpu.dma_semaphore, #tpu.memory_space<semaphore_mem>>)
      %dma_wait3A_666 = arith.constant 0 : i32
      %dma_wait3A_667 = tpu.memref_slice %arg6[%dma_wait3A_666] : memref<640000xi32, #tpu.memory_space<hbm>> -> memref<80xi32, #tpu.memory_space<hbm>>
      %dma_wait3A_668 = arith.constant 0 : i32
      %dma_wait3A_669 = tpu.memref_slice %arg6[%dma_wait3A_668] : memref<640000xi32, #tpu.memory_space<hbm>> -> memref<80xi32, #tpu.memory_space<hbm>>
      tpu.wait_dma2 semaphore(%arg55 : memref<!tpu.dma_semaphore, #tpu.memory_space<semaphore_mem>>) src(%dma_wait3A_669 : memref<80xi32, #tpu.memory_space<hbm>>) dst(%arg15 : memref<80xi32, #tpu.memory_space<vmem>>)
      %dma_wait3A_670 = arith.constant 0 : i32
      %dma_wait3A_671 = tpu.memref_slice %arg6[%dma_wait3A_670] : memref<640000xi32, #tpu.memory_space<hbm>> -> memref<80xi32, #tpu.memory_space<hbm>>
      %dma_wait3A_672 = arith.constant 0 : i32
      %dma_wait3A_673 = tpu.memref_slice %arg6[%dma_wait3A_672] : memref<640000xi32, #tpu.memory_space<hbm>> -> memref<80xi32, #tpu.memory_space<hbm>>
      tpu.wait_dma2 semaphore(%arg63 : memref<!tpu.dma_semaphore, #tpu.memory_space<semaphore_mem>>) src(%dma_wait3A_673 : memref<80xi32, #tpu.memory_space<hbm>>) dst(%arg23 : memref<80xi32, #tpu.memory_space<vmem>>)
      %dma_start3A_674 = arith.constant 0 : i32
      %dma_start3A_675 = arith.constant 0 : i32
      %dma_start3A_676 = tpu.memref_slice %arg8[%dma_start3A_674, %dma_start3A_675] : memref<10000x64xf32, #tpu.memory_space<vmem_shared>> -> memref<10000x64xf32, #tpu.memory_space<vmem_shared>>
      tpu.enqueue_indirect_dma source(%dma_start3A_676 : memref<10000x64xf32, #tpu.memory_space<vmem_shared>>) target(%arg27 : memref<80x64xf32, #tpu.memory_space<vmem>>) offsets(%arg15 : memref<80xi32, #tpu.memory_space<vmem>>) semaphore(%arg39 : memref<!tpu.dma_semaphore, #tpu.memory_space<semaphore_mem>>)
      %dma_start3A_677 = arith.constant 0 : i32
      %dma_start3A_678 = arith.constant 0 : i32
      %dma_start3A_679 = tpu.memref_slice %arg9[%dma_start3A_677, %dma_start3A_678] : memref<10000x64xf32, #tpu.memory_space<vmem_shared>> -> memref<10000x64xf32, #tpu.memory_space<vmem_shared>>
      tpu.enqueue_indirect_dma source(%dma_start3A_679 : memref<10000x64xf32, #tpu.memory_space<vmem_shared>>) target(%arg31 : memref<80x64xf32, #tpu.memory_space<vmem>>) offsets(%arg23 : memref<80xi32, #tpu.memory_space<vmem>>) semaphore(%arg43 : memref<!tpu.dma_semaphore, #tpu.memory_space<semaphore_mem>>)
      %mul3A_680 = arith.constant 8 : i32
      %mul3A_681 = arith.muli %scan3A_298, %mul3A_680 : i32
      %add3A_682 = arith.constant 6 : i32
      %add3A_683 = arith.addi %mul3A_681, %add3A_682 : i32
      %dma_wait3A_684 = arith.constant 0 : i32
      %dma_wait3A_685 = arith.constant 0 : i32
      %dma_wait3A_686 = tpu.memref_slice %arg2[%dma_wait3A_684, %dma_wait3A_685] : memref<10000x64xf32, #tpu.memory_space<hbm>> -> memref<80x64xf32, #tpu.memory_space<hbm>>
      %dma_wait3A_687 = arith.constant 0 : i32
      %dma_wait3A_688 = arith.constant 0 : i32
      %dma_wait3A_689 = tpu.memref_slice %arg2[%dma_wait3A_687, %dma_wait3A_688] : memref<10000x64xf32, #tpu.memory_space<hbm>> -> memref<80x64xf32, #tpu.memory_space<hbm>>
      tpu.wait_dma2 semaphore(%arg40 : memref<!tpu.dma_semaphore, #tpu.memory_space<semaphore_mem>>) src(%dma_wait3A_689 : memref<80x64xf32, #tpu.memory_space<hbm>>) dst(%arg28 : memref<80x64xf32, #tpu.memory_space<vmem>>)
      %dma_wait3A_690 = arith.constant 0 : i32
      %dma_wait3A_691 = arith.constant 0 : i32
      %dma_wait3A_692 = tpu.memref_slice %arg4[%dma_wait3A_690, %dma_wait3A_691] : memref<10000x64xf32, #tpu.memory_space<hbm>> -> memref<80x64xf32, #tpu.memory_space<hbm>>
      %dma_wait3A_693 = arith.constant 0 : i32
      %dma_wait3A_694 = arith.constant 0 : i32
      %dma_wait3A_695 = tpu.memref_slice %arg4[%dma_wait3A_693, %dma_wait3A_694] : memref<10000x64xf32, #tpu.memory_space<hbm>> -> memref<80x64xf32, #tpu.memory_space<hbm>>
      tpu.wait_dma2 semaphore(%arg44 : memref<!tpu.dma_semaphore, #tpu.memory_space<semaphore_mem>>) src(%dma_wait3A_695 : memref<80x64xf32, #tpu.memory_space<hbm>>) dst(%arg32 : memref<80x64xf32, #tpu.memory_space<vmem>>)
      %add3A_696 = arith.constant 8 : i32
      %add3A_697 = arith.addi %add3A_683, %add3A_696 : i32
      %min3A_698 = arith.constant 249 : i32
      %min3A_699 = arith.minsi %add3A_697, %min3A_698 : i32
      %mul3A_700 = arith.constant 80 : i32
      %mul3A_701 = arith.muli %min3A_699, %mul3A_700 : i32
      %add3A_702 = arith.addi %mul3A_0, %mul3A_701 : i32
      %dma_start3A_703 = tpu.memref_slice %arg6[%add3A_702] : memref<640000xi32, #tpu.memory_space<hbm>> -> memref<80xi32, #tpu.memory_space<hbm>>
      %dma_start3A_704 = tpu.memref_slice %arg6[%add3A_702] : memref<640000xi32, #tpu.memory_space<hbm>> -> memref<80xi32, #tpu.memory_space<hbm>>
      tpu.enqueue_dma source(%dma_start3A_704 : memref<80xi32, #tpu.memory_space<hbm>>) target(%arg12 : memref<80xi32, #tpu.memory_space<vmem>>) target_semaphore(%arg52 : memref<!tpu.dma_semaphore, #tpu.memory_space<semaphore_mem>>)
      %add3A_705 = arith.constant 320000 : i32
      %add3A_706 = arith.addi %add3A_705, %mul3A_0 : i32
      %mul3A_707 = arith.constant 80 : i32
      %mul3A_708 = arith.muli %min3A_699, %mul3A_707 : i32
      %add3A_709 = arith.addi %add3A_706, %mul3A_708 : i32
      %dma_start3A_710 = tpu.memref_slice %arg6[%add3A_709] : memref<640000xi32, #tpu.memory_space<hbm>> -> memref<80xi32, #tpu.memory_space<hbm>>
      %dma_start3A_711 = tpu.memref_slice %arg6[%add3A_709] : memref<640000xi32, #tpu.memory_space<hbm>> -> memref<80xi32, #tpu.memory_space<hbm>>
      tpu.enqueue_dma source(%dma_start3A_711 : memref<80xi32, #tpu.memory_space<hbm>>) target(%arg20 : memref<80xi32, #tpu.memory_space<vmem>>) target_semaphore(%arg60 : memref<!tpu.dma_semaphore, #tpu.memory_space<semaphore_mem>>)
      %gt3A_712 = arith.constant 0 : i32
      %gt3A_713 = arith.cmpi sgt, %scan3A_298, %gt3A_712 : i32
      %or3A_714 = arith.constant true
      %or3A_715 = arith.ori %gt3A_713, %or3A_714 : i1
      %convert_element_type3A_716 = arith.extui %or3A_715 : i1 to i32
      %cond3A_717 = arith.constant 0 : i32
      %cond3A_718 = arith.cmpi ne, %convert_element_type3A_716, %cond3A_717 : i32
      scf.if %cond3A_718 {
        %dma_wait3A_808 = tpu.memref_slice %arg7[%add3A] : memref<640000xf32, #tpu.memory_space<hbm>> -> memref<80xf32, #tpu.memory_space<hbm>>
        %dma_wait3A_809 = tpu.memref_slice %arg7[%add3A] : memref<640000xf32, #tpu.memory_space<hbm>> -> memref<80xf32, #tpu.memory_space<hbm>>
        tpu.wait_dma2 semaphore(%arg48 : memref<!tpu.dma_semaphore, #tpu.memory_space<semaphore_mem>>) src(%arg36 : memref<80xf32, #tpu.memory_space<vmem>>) dst(%dma_wait3A_809 : memref<80xf32, #tpu.memory_space<hbm>>)
      } else {
      }
      %scan3A_719 = arith.constant 0 : i32
      %scan3A_720 = arith.constant 0 : i32
      %scan3A_721 = arith.constant 5 : i32
      %scan3A_722 = arith.addi %scan3A_720, %scan3A_721 : i32
      %scan3A_723 = arith.constant 1 : i32
      scf.for %scan3A_808 = %scan3A_720 to %scan3A_722 step %scan3A_723  : i32 {
        %iota3A = tpu.iota {dimensions = array<i32: 0>} : vector<16xi32>
        %mul3A_809 = arith.constant 16 : i32
        %mul3A_810 = arith.muli %scan3A_808, %mul3A_809 : i32
        %add3A_811 = vector.broadcast %mul3A_810 : i32 to vector<16xi32>
        %add3A_812 = arith.addi %iota3A, %add3A_811 : vector<16xi32>
        %broadcast_in_dim3A = arith.constant 0.000000e+00 : f32
        %broadcast_in_dim3A_813 = vector.broadcast %broadcast_in_dim3A : f32 to vector<16xf32>
        %scan3A_814 = arith.constant 0 : i32
        %scan3A_815 = arith.constant 8 : i32
        %scan3A_816 = arith.addi %scan3A_814, %scan3A_815 : i32
        %scan3A_817 = arith.constant 1 : i32
        %scan3A_818 = scf.for %scan3A_823 = %scan3A_814 to %scan3A_816 step %scan3A_817 iter_args(%scan3A_824 = %broadcast_in_dim3A_813) -> (vector<16xf32>)  : i32 {
          %mul3A_825 = arith.constant 8 : i32
          %mul3A_826 = arith.muli %scan3A_823, %mul3A_825 : i32
          %add3A_827 = arith.constant 0 : i32
          %add3A_828 = arith.addi %mul3A_826, %add3A_827 : i32
          %broadcast_in_dim3A_829 = vector.broadcast %add3A_828 : i32 to vector<16xi32>
          %gather3A = tpu.vector_load_idx %arg28[%add3A_812, %broadcast_in_dim3A_829] : memref<80x64xf32, #tpu.memory_space<vmem>>[vector<16xi32>, vector<16xi32>], vector<16xf32>,
          %gather3A_830 = tpu.vector_load_idx %arg32[%add3A_812, %broadcast_in_dim3A_829] : memref<80x64xf32, #tpu.memory_space<vmem>>[vector<16xi32>, vector<16xi32>], vector<16xf32>,
          %mul3A_831 = arith.mulf %gather3A, %gather3A_830 : vector<16xf32>
          %add3A_832 = arith.addf %scan3A_824, %mul3A_831 : vector<16xf32>
          %mul3A_833 = arith.constant 8 : i32
          %mul3A_834 = arith.muli %scan3A_823, %mul3A_833 : i32
          %add3A_835 = arith.constant 1 : i32
          %add3A_836 = arith.addi %mul3A_834, %add3A_835 : i32
          %broadcast_in_dim3A_837 = vector.broadcast %add3A_836 : i32 to vector<16xi32>
          %gather3A_838 = tpu.vector_load_idx %arg28[%add3A_812, %broadcast_in_dim3A_837] : memref<80x64xf32, #tpu.memory_space<vmem>>[vector<16xi32>, vector<16xi32>], vector<16xf32>,
          %gather3A_839 = tpu.vector_load_idx %arg32[%add3A_812, %broadcast_in_dim3A_837] : memref<80x64xf32, #tpu.memory_space<vmem>>[vector<16xi32>, vector<16xi32>], vector<16xf32>,
          %mul3A_840 = arith.mulf %gather3A_838, %gather3A_839 : vector<16xf32>
          %add3A_841 = arith.addf %add3A_832, %mul3A_840 : vector<16xf32>
          %mul3A_842 = arith.constant 8 : i32
          %mul3A_843 = arith.muli %scan3A_823, %mul3A_842 : i32
          %add3A_844 = arith.constant 2 : i32
          %add3A_845 = arith.addi %mul3A_843, %add3A_844 : i32
          %broadcast_in_dim3A_846 = vector.broadcast %add3A_845 : i32 to vector<16xi32>
          %gather3A_847 = tpu.vector_load_idx %arg28[%add3A_812, %broadcast_in_dim3A_846] : memref<80x64xf32, #tpu.memory_space<vmem>>[vector<16xi32>, vector<16xi32>], vector<16xf32>,
          %gather3A_848 = tpu.vector_load_idx %arg32[%add3A_812, %broadcast_in_dim3A_846] : memref<80x64xf32, #tpu.memory_space<vmem>>[vector<16xi32>, vector<16xi32>], vector<16xf32>,
          %mul3A_849 = arith.mulf %gather3A_847, %gather3A_848 : vector<16xf32>
          %add3A_850 = arith.addf %add3A_841, %mul3A_849 : vector<16xf32>
          %mul3A_851 = arith.constant 8 : i32
          %mul3A_852 = arith.muli %scan3A_823, %mul3A_851 : i32
          %add3A_853 = arith.constant 3 : i32
          %add3A_854 = arith.addi %mul3A_852, %add3A_853 : i32
          %broadcast_in_dim3A_855 = vector.broadcast %add3A_854 : i32 to vector<16xi32>
          %gather3A_856 = tpu.vector_load_idx %arg28[%add3A_812, %broadcast_in_dim3A_855] : memref<80x64xf32, #tpu.memory_space<vmem>>[vector<16xi32>, vector<16xi32>], vector<16xf32>,
          %gather3A_857 = tpu.vector_load_idx %arg32[%add3A_812, %broadcast_in_dim3A_855] : memref<80x64xf32, #tpu.memory_space<vmem>>[vector<16xi32>, vector<16xi32>], vector<16xf32>,
          %mul3A_858 = arith.mulf %gather3A_856, %gather3A_857 : vector<16xf32>
          %add3A_859 = arith.addf %add3A_850, %mul3A_858 : vector<16xf32>
          %mul3A_860 = arith.constant 8 : i32
          %mul3A_861 = arith.muli %scan3A_823, %mul3A_860 : i32
          %add3A_862 = arith.constant 4 : i32
          %add3A_863 = arith.addi %mul3A_861, %add3A_862 : i32
          %broadcast_in_dim3A_864 = vector.broadcast %add3A_863 : i32 to vector<16xi32>
          %gather3A_865 = tpu.vector_load_idx %arg28[%add3A_812, %broadcast_in_dim3A_864] : memref<80x64xf32, #tpu.memory_space<vmem>>[vector<16xi32>, vector<16xi32>], vector<16xf32>,
          %gather3A_866 = tpu.vector_load_idx %arg32[%add3A_812, %broadcast_in_dim3A_864] : memref<80x64xf32, #tpu.memory_space<vmem>>[vector<16xi32>, vector<16xi32>], vector<16xf32>,
          %mul3A_867 = arith.mulf %gather3A_865, %gather3A_866 : vector<16xf32>
          %add3A_868 = arith.addf %add3A_859, %mul3A_867 : vector<16xf32>
          %mul3A_869 = arith.constant 8 : i32
          %mul3A_870 = arith.muli %scan3A_823, %mul3A_869 : i32
          %add3A_871 = arith.constant 5 : i32
          %add3A_872 = arith.addi %mul3A_870, %add3A_871 : i32
          %broadcast_in_dim3A_873 = vector.broadcast %add3A_872 : i32 to vector<16xi32>
          %gather3A_874 = tpu.vector_load_idx %arg28[%add3A_812, %broadcast_in_dim3A_873] : memref<80x64xf32, #tpu.memory_space<vmem>>[vector<16xi32>, vector<16xi32>], vector<16xf32>,
          %gather3A_875 = tpu.vector_load_idx %arg32[%add3A_812, %broadcast_in_dim3A_873] : memref<80x64xf32, #tpu.memory_space<vmem>>[vector<16xi32>, vector<16xi32>], vector<16xf32>,
          %mul3A_876 = arith.mulf %gather3A_874, %gather3A_875 : vector<16xf32>
          %add3A_877 = arith.addf %add3A_868, %mul3A_876 : vector<16xf32>
          %mul3A_878 = arith.constant 8 : i32
          %mul3A_879 = arith.muli %scan3A_823, %mul3A_878 : i32
          %add3A_880 = arith.constant 6 : i32
          %add3A_881 = arith.addi %mul3A_879, %add3A_880 : i32
          %broadcast_in_dim3A_882 = vector.broadcast %add3A_881 : i32 to vector<16xi32>
          %gather3A_883 = tpu.vector_load_idx %arg28[%add3A_812, %broadcast_in_dim3A_882] : memref<80x64xf32, #tpu.memory_space<vmem>>[vector<16xi32>, vector<16xi32>], vector<16xf32>,
          %gather3A_884 = tpu.vector_load_idx %arg32[%add3A_812, %broadcast_in_dim3A_882] : memref<80x64xf32, #tpu.memory_space<vmem>>[vector<16xi32>, vector<16xi32>], vector<16xf32>,
          %mul3A_885 = arith.mulf %gather3A_883, %gather3A_884 : vector<16xf32>
          %add3A_886 = arith.addf %add3A_877, %mul3A_885 : vector<16xf32>
          %mul3A_887 = arith.constant 8 : i32
          %mul3A_888 = arith.muli %scan3A_823, %mul3A_887 : i32
          %add3A_889 = arith.constant 7 : i32
          %add3A_890 = arith.addi %mul3A_888, %add3A_889 : i32
          %broadcast_in_dim3A_891 = vector.broadcast %add3A_890 : i32 to vector<16xi32>
          %gather3A_892 = tpu.vector_load_idx %arg28[%add3A_812, %broadcast_in_dim3A_891] : memref<80x64xf32, #tpu.memory_space<vmem>>[vector<16xi32>, vector<16xi32>], vector<16xf32>,
          %gather3A_893 = tpu.vector_load_idx %arg32[%add3A_812, %broadcast_in_dim3A_891] : memref<80x64xf32, #tpu.memory_space<vmem>>[vector<16xi32>, vector<16xi32>], vector<16xf32>,
          %mul3A_894 = arith.mulf %gather3A_892, %gather3A_893 : vector<16xf32>
          %add3A_895 = arith.addf %add3A_886, %mul3A_894 : vector<16xf32>
          scf.yield %add3A_895 : vector<16xf32>
        }
        %scan3A_819 = arith.constant 8 : i32
        %mul3A_820 = arith.constant 16 : i32
        %mul3A_821 = arith.muli %scan3A_808, %mul3A_820 : i32
        %swap3A = arith.index_cast %mul3A_821 : i32 to index
        %swap3A_822 = tpu.vector_load %arg36[%swap3A] {strides = array<i32>} : memref<80xf32, #tpu.memory_space<vmem>>, vector<16xf32>,
        tpu.vector_store %arg36[%swap3A], %scan3A_818 {strides = array<i32>} : memref<80xf32, #tpu.memory_space<vmem>>, vector<16xf32>,
      }
      %scan3A_724 = arith.constant 5 : i32
      %mul3A_725 = arith.constant 80 : i32
      %mul3A_726 = arith.muli %add3A_683, %mul3A_725 : i32
      %add3A_727 = arith.addi %add3A, %mul3A_726 : i32
      %dma_start3A_728 = tpu.memref_slice %arg7[%add3A_727] : memref<640000xf32, #tpu.memory_space<hbm>> -> memref<80xf32, #tpu.memory_space<hbm>>
      %dma_start3A_729 = tpu.memref_slice %arg7[%add3A_727] : memref<640000xf32, #tpu.memory_space<hbm>> -> memref<80xf32, #tpu.memory_space<hbm>>
      tpu.enqueue_dma source(%arg36 : memref<80xf32, #tpu.memory_space<vmem>>) target(%dma_start3A_729 : memref<80xf32, #tpu.memory_space<hbm>>) target_semaphore(%arg48 : memref<!tpu.dma_semaphore, #tpu.memory_space<semaphore_mem>>)
      %dma_wait3A_730 = arith.constant 0 : i32
      %dma_wait3A_731 = tpu.memref_slice %arg6[%dma_wait3A_730] : memref<640000xi32, #tpu.memory_space<hbm>> -> memref<80xi32, #tpu.memory_space<hbm>>
      %dma_wait3A_732 = arith.constant 0 : i32
      %dma_wait3A_733 = tpu.memref_slice %arg6[%dma_wait3A_732] : memref<640000xi32, #tpu.memory_space<hbm>> -> memref<80xi32, #tpu.memory_space<hbm>>
      tpu.wait_dma2 semaphore(%arg56 : memref<!tpu.dma_semaphore, #tpu.memory_space<semaphore_mem>>) src(%dma_wait3A_733 : memref<80xi32, #tpu.memory_space<hbm>>) dst(%arg16 : memref<80xi32, #tpu.memory_space<vmem>>)
      %dma_wait3A_734 = arith.constant 0 : i32
      %dma_wait3A_735 = tpu.memref_slice %arg6[%dma_wait3A_734] : memref<640000xi32, #tpu.memory_space<hbm>> -> memref<80xi32, #tpu.memory_space<hbm>>
      %dma_wait3A_736 = arith.constant 0 : i32
      %dma_wait3A_737 = tpu.memref_slice %arg6[%dma_wait3A_736] : memref<640000xi32, #tpu.memory_space<hbm>> -> memref<80xi32, #tpu.memory_space<hbm>>
      tpu.wait_dma2 semaphore(%arg64 : memref<!tpu.dma_semaphore, #tpu.memory_space<semaphore_mem>>) src(%dma_wait3A_737 : memref<80xi32, #tpu.memory_space<hbm>>) dst(%arg24 : memref<80xi32, #tpu.memory_space<vmem>>)
      %dma_start3A_738 = arith.constant 0 : i32
      %dma_start3A_739 = arith.constant 0 : i32
      %dma_start3A_740 = tpu.memref_slice %arg8[%dma_start3A_738, %dma_start3A_739] : memref<10000x64xf32, #tpu.memory_space<vmem_shared>> -> memref<10000x64xf32, #tpu.memory_space<vmem_shared>>
      tpu.enqueue_indirect_dma source(%dma_start3A_740 : memref<10000x64xf32, #tpu.memory_space<vmem_shared>>) target(%arg28 : memref<80x64xf32, #tpu.memory_space<vmem>>) offsets(%arg16 : memref<80xi32, #tpu.memory_space<vmem>>) semaphore(%arg40 : memref<!tpu.dma_semaphore, #tpu.memory_space<semaphore_mem>>)
      %dma_start3A_741 = arith.constant 0 : i32
      %dma_start3A_742 = arith.constant 0 : i32
      %dma_start3A_743 = tpu.memref_slice %arg9[%dma_start3A_741, %dma_start3A_742] : memref<10000x64xf32, #tpu.memory_space<vmem_shared>> -> memref<10000x64xf32, #tpu.memory_space<vmem_shared>>
      tpu.enqueue_indirect_dma source(%dma_start3A_743 : memref<10000x64xf32, #tpu.memory_space<vmem_shared>>) target(%arg32 : memref<80x64xf32, #tpu.memory_space<vmem>>) offsets(%arg24 : memref<80xi32, #tpu.memory_space<vmem>>) semaphore(%arg44 : memref<!tpu.dma_semaphore, #tpu.memory_space<semaphore_mem>>)
      %mul3A_744 = arith.constant 8 : i32
      %mul3A_745 = arith.muli %scan3A_298, %mul3A_744 : i32
      %add3A_746 = arith.constant 7 : i32
      %add3A_747 = arith.addi %mul3A_745, %add3A_746 : i32
      %dma_wait3A_748 = arith.constant 0 : i32
      %dma_wait3A_749 = arith.constant 0 : i32
      %dma_wait3A_750 = tpu.memref_slice %arg2[%dma_wait3A_748, %dma_wait3A_749] : memref<10000x64xf32, #tpu.memory_space<hbm>> -> memref<80x64xf32, #tpu.memory_space<hbm>>
      %dma_wait3A_751 = arith.constant 0 : i32
      %dma_wait3A_752 = arith.constant 0 : i32
      %dma_wait3A_753 = tpu.memref_slice %arg2[%dma_wait3A_751, %dma_wait3A_752] : memref<10000x64xf32, #tpu.memory_space<hbm>> -> memref<80x64xf32, #tpu.memory_space<hbm>>
      tpu.wait_dma2 semaphore(%arg41 : memref<!tpu.dma_semaphore, #tpu.memory_space<semaphore_mem>>) src(%dma_wait3A_753 : memref<80x64xf32, #tpu.memory_space<hbm>>) dst(%arg29 : memref<80x64xf32, #tpu.memory_space<vmem>>)
      %dma_wait3A_754 = arith.constant 0 : i32
      %dma_wait3A_755 = arith.constant 0 : i32
      %dma_wait3A_756 = tpu.memref_slice %arg4[%dma_wait3A_754, %dma_wait3A_755] : memref<10000x64xf32, #tpu.memory_space<hbm>> -> memref<80x64xf32, #tpu.memory_space<hbm>>
      %dma_wait3A_757 = arith.constant 0 : i32
      %dma_wait3A_758 = arith.constant 0 : i32
      %dma_wait3A_759 = tpu.memref_slice %arg4[%dma_wait3A_757, %dma_wait3A_758] : memref<10000x64xf32, #tpu.memory_space<hbm>> -> memref<80x64xf32, #tpu.memory_space<hbm>>
      tpu.wait_dma2 semaphore(%arg45 : memref<!tpu.dma_semaphore, #tpu.memory_space<semaphore_mem>>) src(%dma_wait3A_759 : memref<80x64xf32, #tpu.memory_space<hbm>>) dst(%arg33 : memref<80x64xf32, #tpu.memory_space<vmem>>)
      %add3A_760 = arith.constant 8 : i32
      %add3A_761 = arith.addi %add3A_747, %add3A_760 : i32
      %min3A_762 = arith.constant 249 : i32
      %min3A_763 = arith.minsi %add3A_761, %min3A_762 : i32
      %mul3A_764 = arith.constant 80 : i32
      %mul3A_765 = arith.muli %min3A_763, %mul3A_764 : i32
      %add3A_766 = arith.addi %mul3A_0, %mul3A_765 : i32
      %dma_start3A_767 = tpu.memref_slice %arg6[%add3A_766] : memref<640000xi32, #tpu.memory_space<hbm>> -> memref<80xi32, #tpu.memory_space<hbm>>
      %dma_start3A_768 = tpu.memref_slice %arg6[%add3A_766] : memref<640000xi32, #tpu.memory_space<hbm>> -> memref<80xi32, #tpu.memory_space<hbm>>
      tpu.enqueue_dma source(%dma_start3A_768 : memref<80xi32, #tpu.memory_space<hbm>>) target(%arg13 : memref<80xi32, #tpu.memory_space<vmem>>) target_semaphore(%arg53 : memref<!tpu.dma_semaphore, #tpu.memory_space<semaphore_mem>>)
      %add3A_769 = arith.constant 320000 : i32
      %add3A_770 = arith.addi %add3A_769, %mul3A_0 : i32
      %mul3A_771 = arith.constant 80 : i32
      %mul3A_772 = arith.muli %min3A_763, %mul3A_771 : i32
      %add3A_773 = arith.addi %add3A_770, %mul3A_772 : i32
      %dma_start3A_774 = tpu.memref_slice %arg6[%add3A_773] : memref<640000xi32, #tpu.memory_space<hbm>> -> memref<80xi32, #tpu.memory_space<hbm>>
      %dma_start3A_775 = tpu.memref_slice %arg6[%add3A_773] : memref<640000xi32, #tpu.memory_space<hbm>> -> memref<80xi32, #tpu.memory_space<hbm>>
      tpu.enqueue_dma source(%dma_start3A_775 : memref<80xi32, #tpu.memory_space<hbm>>) target(%arg21 : memref<80xi32, #tpu.memory_space<vmem>>) target_semaphore(%arg61 : memref<!tpu.dma_semaphore, #tpu.memory_space<semaphore_mem>>)
      %gt3A_776 = arith.constant 0 : i32
      %gt3A_777 = arith.cmpi sgt, %scan3A_298, %gt3A_776 : i32
      %or3A_778 = arith.constant true
      %or3A_779 = arith.ori %gt3A_777, %or3A_778 : i1
      %convert_element_type3A_780 = arith.extui %or3A_779 : i1 to i32
      %cond3A_781 = arith.constant 0 : i32
      %cond3A_782 = arith.cmpi ne, %convert_element_type3A_780, %cond3A_781 : i32
      scf.if %cond3A_782 {
        %dma_wait3A_808 = tpu.memref_slice %arg7[%add3A] : memref<640000xf32, #tpu.memory_space<hbm>> -> memref<80xf32, #tpu.memory_space<hbm>>
        %dma_wait3A_809 = tpu.memref_slice %arg7[%add3A] : memref<640000xf32, #tpu.memory_space<hbm>> -> memref<80xf32, #tpu.memory_space<hbm>>
        tpu.wait_dma2 semaphore(%arg49 : memref<!tpu.dma_semaphore, #tpu.memory_space<semaphore_mem>>) src(%arg37 : memref<80xf32, #tpu.memory_space<vmem>>) dst(%dma_wait3A_809 : memref<80xf32, #tpu.memory_space<hbm>>)
      } else {
      }
      %scan3A_783 = arith.constant 0 : i32
      %scan3A_784 = arith.constant 0 : i32
      %scan3A_785 = arith.constant 5 : i32
      %scan3A_786 = arith.addi %scan3A_784, %scan3A_785 : i32
      %scan3A_787 = arith.constant 1 : i32
      scf.for %scan3A_808 = %scan3A_784 to %scan3A_786 step %scan3A_787  : i32 {
        %iota3A = tpu.iota {dimensions = array<i32: 0>} : vector<16xi32>
        %mul3A_809 = arith.constant 16 : i32
        %mul3A_810 = arith.muli %scan3A_808, %mul3A_809 : i32
        %add3A_811 = vector.broadcast %mul3A_810 : i32 to vector<16xi32>
        %add3A_812 = arith.addi %iota3A, %add3A_811 : vector<16xi32>
        %broadcast_in_dim3A = arith.constant 0.000000e+00 : f32
        %broadcast_in_dim3A_813 = vector.broadcast %broadcast_in_dim3A : f32 to vector<16xf32>
        %scan3A_814 = arith.constant 0 : i32
        %scan3A_815 = arith.constant 8 : i32
        %scan3A_816 = arith.addi %scan3A_814, %scan3A_815 : i32
        %scan3A_817 = arith.constant 1 : i32
        %scan3A_818 = scf.for %scan3A_823 = %scan3A_814 to %scan3A_816 step %scan3A_817 iter_args(%scan3A_824 = %broadcast_in_dim3A_813) -> (vector<16xf32>)  : i32 {
          %mul3A_825 = arith.constant 8 : i32
          %mul3A_826 = arith.muli %scan3A_823, %mul3A_825 : i32
          %add3A_827 = arith.constant 0 : i32
          %add3A_828 = arith.addi %mul3A_826, %add3A_827 : i32
          %broadcast_in_dim3A_829 = vector.broadcast %add3A_828 : i32 to vector<16xi32>
          %gather3A = tpu.vector_load_idx %arg29[%add3A_812, %broadcast_in_dim3A_829] : memref<80x64xf32, #tpu.memory_space<vmem>>[vector<16xi32>, vector<16xi32>], vector<16xf32>,
          %gather3A_830 = tpu.vector_load_idx %arg33[%add3A_812, %broadcast_in_dim3A_829] : memref<80x64xf32, #tpu.memory_space<vmem>>[vector<16xi32>, vector<16xi32>], vector<16xf32>,
          %mul3A_831 = arith.mulf %gather3A, %gather3A_830 : vector<16xf32>
          %add3A_832 = arith.addf %scan3A_824, %mul3A_831 : vector<16xf32>
          %mul3A_833 = arith.constant 8 : i32
          %mul3A_834 = arith.muli %scan3A_823, %mul3A_833 : i32
          %add3A_835 = arith.constant 1 : i32
          %add3A_836 = arith.addi %mul3A_834, %add3A_835 : i32
          %broadcast_in_dim3A_837 = vector.broadcast %add3A_836 : i32 to vector<16xi32>
          %gather3A_838 = tpu.vector_load_idx %arg29[%add3A_812, %broadcast_in_dim3A_837] : memref<80x64xf32, #tpu.memory_space<vmem>>[vector<16xi32>, vector<16xi32>], vector<16xf32>,
          %gather3A_839 = tpu.vector_load_idx %arg33[%add3A_812, %broadcast_in_dim3A_837] : memref<80x64xf32, #tpu.memory_space<vmem>>[vector<16xi32>, vector<16xi32>], vector<16xf32>,
          %mul3A_840 = arith.mulf %gather3A_838, %gather3A_839 : vector<16xf32>
          %add3A_841 = arith.addf %add3A_832, %mul3A_840 : vector<16xf32>
          %mul3A_842 = arith.constant 8 : i32
          %mul3A_843 = arith.muli %scan3A_823, %mul3A_842 : i32
          %add3A_844 = arith.constant 2 : i32
          %add3A_845 = arith.addi %mul3A_843, %add3A_844 : i32
          %broadcast_in_dim3A_846 = vector.broadcast %add3A_845 : i32 to vector<16xi32>
          %gather3A_847 = tpu.vector_load_idx %arg29[%add3A_812, %broadcast_in_dim3A_846] : memref<80x64xf32, #tpu.memory_space<vmem>>[vector<16xi32>, vector<16xi32>], vector<16xf32>,
          %gather3A_848 = tpu.vector_load_idx %arg33[%add3A_812, %broadcast_in_dim3A_846] : memref<80x64xf32, #tpu.memory_space<vmem>>[vector<16xi32>, vector<16xi32>], vector<16xf32>,
          %mul3A_849 = arith.mulf %gather3A_847, %gather3A_848 : vector<16xf32>
          %add3A_850 = arith.addf %add3A_841, %mul3A_849 : vector<16xf32>
          %mul3A_851 = arith.constant 8 : i32
          %mul3A_852 = arith.muli %scan3A_823, %mul3A_851 : i32
          %add3A_853 = arith.constant 3 : i32
          %add3A_854 = arith.addi %mul3A_852, %add3A_853 : i32
          %broadcast_in_dim3A_855 = vector.broadcast %add3A_854 : i32 to vector<16xi32>
          %gather3A_856 = tpu.vector_load_idx %arg29[%add3A_812, %broadcast_in_dim3A_855] : memref<80x64xf32, #tpu.memory_space<vmem>>[vector<16xi32>, vector<16xi32>], vector<16xf32>,
          %gather3A_857 = tpu.vector_load_idx %arg33[%add3A_812, %broadcast_in_dim3A_855] : memref<80x64xf32, #tpu.memory_space<vmem>>[vector<16xi32>, vector<16xi32>], vector<16xf32>,
          %mul3A_858 = arith.mulf %gather3A_856, %gather3A_857 : vector<16xf32>
          %add3A_859 = arith.addf %add3A_850, %mul3A_858 : vector<16xf32>
          %mul3A_860 = arith.constant 8 : i32
          %mul3A_861 = arith.muli %scan3A_823, %mul3A_860 : i32
          %add3A_862 = arith.constant 4 : i32
          %add3A_863 = arith.addi %mul3A_861, %add3A_862 : i32
          %broadcast_in_dim3A_864 = vector.broadcast %add3A_863 : i32 to vector<16xi32>
          %gather3A_865 = tpu.vector_load_idx %arg29[%add3A_812, %broadcast_in_dim3A_864] : memref<80x64xf32, #tpu.memory_space<vmem>>[vector<16xi32>, vector<16xi32>], vector<16xf32>,
          %gather3A_866 = tpu.vector_load_idx %arg33[%add3A_812, %broadcast_in_dim3A_864] : memref<80x64xf32, #tpu.memory_space<vmem>>[vector<16xi32>, vector<16xi32>], vector<16xf32>,
          %mul3A_867 = arith.mulf %gather3A_865, %gather3A_866 : vector<16xf32>
          %add3A_868 = arith.addf %add3A_859, %mul3A_867 : vector<16xf32>
          %mul3A_869 = arith.constant 8 : i32
          %mul3A_870 = arith.muli %scan3A_823, %mul3A_869 : i32
          %add3A_871 = arith.constant 5 : i32
          %add3A_872 = arith.addi %mul3A_870, %add3A_871 : i32
          %broadcast_in_dim3A_873 = vector.broadcast %add3A_872 : i32 to vector<16xi32>
          %gather3A_874 = tpu.vector_load_idx %arg29[%add3A_812, %broadcast_in_dim3A_873] : memref<80x64xf32, #tpu.memory_space<vmem>>[vector<16xi32>, vector<16xi32>], vector<16xf32>,
          %gather3A_875 = tpu.vector_load_idx %arg33[%add3A_812, %broadcast_in_dim3A_873] : memref<80x64xf32, #tpu.memory_space<vmem>>[vector<16xi32>, vector<16xi32>], vector<16xf32>,
          %mul3A_876 = arith.mulf %gather3A_874, %gather3A_875 : vector<16xf32>
          %add3A_877 = arith.addf %add3A_868, %mul3A_876 : vector<16xf32>
          %mul3A_878 = arith.constant 8 : i32
          %mul3A_879 = arith.muli %scan3A_823, %mul3A_878 : i32
          %add3A_880 = arith.constant 6 : i32
          %add3A_881 = arith.addi %mul3A_879, %add3A_880 : i32
          %broadcast_in_dim3A_882 = vector.broadcast %add3A_881 : i32 to vector<16xi32>
          %gather3A_883 = tpu.vector_load_idx %arg29[%add3A_812, %broadcast_in_dim3A_882] : memref<80x64xf32, #tpu.memory_space<vmem>>[vector<16xi32>, vector<16xi32>], vector<16xf32>,
          %gather3A_884 = tpu.vector_load_idx %arg33[%add3A_812, %broadcast_in_dim3A_882] : memref<80x64xf32, #tpu.memory_space<vmem>>[vector<16xi32>, vector<16xi32>], vector<16xf32>,
          %mul3A_885 = arith.mulf %gather3A_883, %gather3A_884 : vector<16xf32>
          %add3A_886 = arith.addf %add3A_877, %mul3A_885 : vector<16xf32>
          %mul3A_887 = arith.constant 8 : i32
          %mul3A_888 = arith.muli %scan3A_823, %mul3A_887 : i32
          %add3A_889 = arith.constant 7 : i32
          %add3A_890 = arith.addi %mul3A_888, %add3A_889 : i32
          %broadcast_in_dim3A_891 = vector.broadcast %add3A_890 : i32 to vector<16xi32>
          %gather3A_892 = tpu.vector_load_idx %arg29[%add3A_812, %broadcast_in_dim3A_891] : memref<80x64xf32, #tpu.memory_space<vmem>>[vector<16xi32>, vector<16xi32>], vector<16xf32>,
          %gather3A_893 = tpu.vector_load_idx %arg33[%add3A_812, %broadcast_in_dim3A_891] : memref<80x64xf32, #tpu.memory_space<vmem>>[vector<16xi32>, vector<16xi32>], vector<16xf32>,
          %mul3A_894 = arith.mulf %gather3A_892, %gather3A_893 : vector<16xf32>
          %add3A_895 = arith.addf %add3A_886, %mul3A_894 : vector<16xf32>
          scf.yield %add3A_895 : vector<16xf32>
        }
        %scan3A_819 = arith.constant 8 : i32
        %mul3A_820 = arith.constant 16 : i32
        %mul3A_821 = arith.muli %scan3A_808, %mul3A_820 : i32
        %swap3A = arith.index_cast %mul3A_821 : i32 to index
        %swap3A_822 = tpu.vector_load %arg37[%swap3A] {strides = array<i32>} : memref<80xf32, #tpu.memory_space<vmem>>, vector<16xf32>,
        tpu.vector_store %arg37[%swap3A], %scan3A_818 {strides = array<i32>} : memref<80xf32, #tpu.memory_space<vmem>>, vector<16xf32>,
      }
      %scan3A_788 = arith.constant 5 : i32
      %mul3A_789 = arith.constant 80 : i32
      %mul3A_790 = arith.muli %add3A_747, %mul3A_789 : i32
      %add3A_791 = arith.addi %add3A, %mul3A_790 : i32
      %dma_start3A_792 = tpu.memref_slice %arg7[%add3A_791] : memref<640000xf32, #tpu.memory_space<hbm>> -> memref<80xf32, #tpu.memory_space<hbm>>
      %dma_start3A_793 = tpu.memref_slice %arg7[%add3A_791] : memref<640000xf32, #tpu.memory_space<hbm>> -> memref<80xf32, #tpu.memory_space<hbm>>
      tpu.enqueue_dma source(%arg37 : memref<80xf32, #tpu.memory_space<vmem>>) target(%dma_start3A_793 : memref<80xf32, #tpu.memory_space<hbm>>) target_semaphore(%arg49 : memref<!tpu.dma_semaphore, #tpu.memory_space<semaphore_mem>>)
      %dma_wait3A_794 = arith.constant 0 : i32
      %dma_wait3A_795 = tpu.memref_slice %arg6[%dma_wait3A_794] : memref<640000xi32, #tpu.memory_space<hbm>> -> memref<80xi32, #tpu.memory_space<hbm>>
      %dma_wait3A_796 = arith.constant 0 : i32
      %dma_wait3A_797 = tpu.memref_slice %arg6[%dma_wait3A_796] : memref<640000xi32, #tpu.memory_space<hbm>> -> memref<80xi32, #tpu.memory_space<hbm>>
      tpu.wait_dma2 semaphore(%arg57 : memref<!tpu.dma_semaphore, #tpu.memory_space<semaphore_mem>>) src(%dma_wait3A_797 : memref<80xi32, #tpu.memory_space<hbm>>) dst(%arg17 : memref<80xi32, #tpu.memory_space<vmem>>)
      %dma_wait3A_798 = arith.constant 0 : i32
      %dma_wait3A_799 = tpu.memref_slice %arg6[%dma_wait3A_798] : memref<640000xi32, #tpu.memory_space<hbm>> -> memref<80xi32, #tpu.memory_space<hbm>>
      %dma_wait3A_800 = arith.constant 0 : i32
      %dma_wait3A_801 = tpu.memref_slice %arg6[%dma_wait3A_800] : memref<640000xi32, #tpu.memory_space<hbm>> -> memref<80xi32, #tpu.memory_space<hbm>>
      tpu.wait_dma2 semaphore(%arg65 : memref<!tpu.dma_semaphore, #tpu.memory_space<semaphore_mem>>) src(%dma_wait3A_801 : memref<80xi32, #tpu.memory_space<hbm>>) dst(%arg25 : memref<80xi32, #tpu.memory_space<vmem>>)
      %dma_start3A_802 = arith.constant 0 : i32
      %dma_start3A_803 = arith.constant 0 : i32
      %dma_start3A_804 = tpu.memref_slice %arg8[%dma_start3A_802, %dma_start3A_803] : memref<10000x64xf32, #tpu.memory_space<vmem_shared>> -> memref<10000x64xf32, #tpu.memory_space<vmem_shared>>
      tpu.enqueue_indirect_dma source(%dma_start3A_804 : memref<10000x64xf32, #tpu.memory_space<vmem_shared>>) target(%arg29 : memref<80x64xf32, #tpu.memory_space<vmem>>) offsets(%arg17 : memref<80xi32, #tpu.memory_space<vmem>>) semaphore(%arg41 : memref<!tpu.dma_semaphore, #tpu.memory_space<semaphore_mem>>)
      %dma_start3A_805 = arith.constant 0 : i32
      %dma_start3A_806 = arith.constant 0 : i32
      %dma_start3A_807 = tpu.memref_slice %arg9[%dma_start3A_805, %dma_start3A_806] : memref<10000x64xf32, #tpu.memory_space<vmem_shared>> -> memref<10000x64xf32, #tpu.memory_space<vmem_shared>>
      tpu.enqueue_indirect_dma source(%dma_start3A_807 : memref<10000x64xf32, #tpu.memory_space<vmem_shared>>) target(%arg33 : memref<80x64xf32, #tpu.memory_space<vmem>>) offsets(%arg25 : memref<80xi32, #tpu.memory_space<vmem>>) semaphore(%arg45 : memref<!tpu.dma_semaphore, #tpu.memory_space<semaphore_mem>>)
    }
    %scan3A_185 = arith.constant 31 : i32
    %dma_wait3A_186 = arith.constant 0 : i32
    %dma_wait3A_187 = arith.constant 0 : i32
    %dma_wait3A_188 = tpu.memref_slice %arg2[%dma_wait3A_186, %dma_wait3A_187] : memref<10000x64xf32, #tpu.memory_space<hbm>> -> memref<80x64xf32, #tpu.memory_space<hbm>>
    %dma_wait3A_189 = arith.constant 0 : i32
    %dma_wait3A_190 = arith.constant 0 : i32
    %dma_wait3A_191 = tpu.memref_slice %arg2[%dma_wait3A_189, %dma_wait3A_190] : memref<10000x64xf32, #tpu.memory_space<hbm>> -> memref<80x64xf32, #tpu.memory_space<hbm>>
    tpu.wait_dma2 semaphore(%arg38 : memref<!tpu.dma_semaphore, #tpu.memory_space<semaphore_mem>>) src(%dma_wait3A_191 : memref<80x64xf32, #tpu.memory_space<hbm>>) dst(%arg26 : memref<80x64xf32, #tpu.memory_space<vmem>>)
    %dma_wait3A_192 = arith.constant 0 : i32
    %dma_wait3A_193 = arith.constant 0 : i32
    %dma_wait3A_194 = tpu.memref_slice %arg4[%dma_wait3A_192, %dma_wait3A_193] : memref<10000x64xf32, #tpu.memory_space<hbm>> -> memref<80x64xf32, #tpu.memory_space<hbm>>
    %dma_wait3A_195 = arith.constant 0 : i32
    %dma_wait3A_196 = arith.constant 0 : i32
    %dma_wait3A_197 = tpu.memref_slice %arg4[%dma_wait3A_195, %dma_wait3A_196] : memref<10000x64xf32, #tpu.memory_space<hbm>> -> memref<80x64xf32, #tpu.memory_space<hbm>>
    tpu.wait_dma2 semaphore(%arg42 : memref<!tpu.dma_semaphore, #tpu.memory_space<semaphore_mem>>) src(%dma_wait3A_197 : memref<80x64xf32, #tpu.memory_space<hbm>>) dst(%arg30 : memref<80x64xf32, #tpu.memory_space<vmem>>)
    %dma_wait3A_198 = tpu.memref_slice %arg7[%add3A] : memref<640000xf32, #tpu.memory_space<hbm>> -> memref<80xf32, #tpu.memory_space<hbm>>
    %dma_wait3A_199 = tpu.memref_slice %arg7[%add3A] : memref<640000xf32, #tpu.memory_space<hbm>> -> memref<80xf32, #tpu.memory_space<hbm>>
    tpu.wait_dma2 semaphore(%arg46 : memref<!tpu.dma_semaphore, #tpu.memory_space<semaphore_mem>>) src(%arg34 : memref<80xf32, #tpu.memory_space<vmem>>) dst(%dma_wait3A_199 : memref<80xf32, #tpu.memory_space<hbm>>)
    %scan3A_200 = arith.constant 0 : i32
    %scan3A_201 = arith.constant 0 : i32
    %scan3A_202 = arith.constant 5 : i32
    %scan3A_203 = arith.addi %scan3A_201, %scan3A_202 : i32
    %scan3A_204 = arith.constant 1 : i32
    scf.for %scan3A_298 = %scan3A_201 to %scan3A_203 step %scan3A_204  : i32 {
      %iota3A = tpu.iota {dimensions = array<i32: 0>} : vector<16xi32>
      %mul3A_299 = arith.constant 16 : i32
      %mul3A_300 = arith.muli %scan3A_298, %mul3A_299 : i32
      %add3A_301 = vector.broadcast %mul3A_300 : i32 to vector<16xi32>
      %add3A_302 = arith.addi %iota3A, %add3A_301 : vector<16xi32>
      %broadcast_in_dim3A = arith.constant 0.000000e+00 : f32
      %broadcast_in_dim3A_303 = vector.broadcast %broadcast_in_dim3A : f32 to vector<16xf32>
      %scan3A_304 = arith.constant 0 : i32
      %scan3A_305 = arith.constant 8 : i32
      %scan3A_306 = arith.addi %scan3A_304, %scan3A_305 : i32
      %scan3A_307 = arith.constant 1 : i32
      %scan3A_308 = scf.for %scan3A_313 = %scan3A_304 to %scan3A_306 step %scan3A_307 iter_args(%scan3A_314 = %broadcast_in_dim3A_303) -> (vector<16xf32>)  : i32 {
        %mul3A_315 = arith.constant 8 : i32
        %mul3A_316 = arith.muli %scan3A_313, %mul3A_315 : i32
        %add3A_317 = arith.constant 0 : i32
        %add3A_318 = arith.addi %mul3A_316, %add3A_317 : i32
        %broadcast_in_dim3A_319 = vector.broadcast %add3A_318 : i32 to vector<16xi32>
        %gather3A = tpu.vector_load_idx %arg26[%add3A_302, %broadcast_in_dim3A_319] : memref<80x64xf32, #tpu.memory_space<vmem>>[vector<16xi32>, vector<16xi32>], vector<16xf32>,
        %gather3A_320 = tpu.vector_load_idx %arg30[%add3A_302, %broadcast_in_dim3A_319] : memref<80x64xf32, #tpu.memory_space<vmem>>[vector<16xi32>, vector<16xi32>], vector<16xf32>,
        %mul3A_321 = arith.mulf %gather3A, %gather3A_320 : vector<16xf32>
        %add3A_322 = arith.addf %scan3A_314, %mul3A_321 : vector<16xf32>
        %mul3A_323 = arith.constant 8 : i32
        %mul3A_324 = arith.muli %scan3A_313, %mul3A_323 : i32
        %add3A_325 = arith.constant 1 : i32
        %add3A_326 = arith.addi %mul3A_324, %add3A_325 : i32
        %broadcast_in_dim3A_327 = vector.broadcast %add3A_326 : i32 to vector<16xi32>
        %gather3A_328 = tpu.vector_load_idx %arg26[%add3A_302, %broadcast_in_dim3A_327] : memref<80x64xf32, #tpu.memory_space<vmem>>[vector<16xi32>, vector<16xi32>], vector<16xf32>,
        %gather3A_329 = tpu.vector_load_idx %arg30[%add3A_302, %broadcast_in_dim3A_327] : memref<80x64xf32, #tpu.memory_space<vmem>>[vector<16xi32>, vector<16xi32>], vector<16xf32>,
        %mul3A_330 = arith.mulf %gather3A_328, %gather3A_329 : vector<16xf32>
        %add3A_331 = arith.addf %add3A_322, %mul3A_330 : vector<16xf32>
        %mul3A_332 = arith.constant 8 : i32
        %mul3A_333 = arith.muli %scan3A_313, %mul3A_332 : i32
        %add3A_334 = arith.constant 2 : i32
        %add3A_335 = arith.addi %mul3A_333, %add3A_334 : i32
        %broadcast_in_dim3A_336 = vector.broadcast %add3A_335 : i32 to vector<16xi32>
        %gather3A_337 = tpu.vector_load_idx %arg26[%add3A_302, %broadcast_in_dim3A_336] : memref<80x64xf32, #tpu.memory_space<vmem>>[vector<16xi32>, vector<16xi32>], vector<16xf32>,
        %gather3A_338 = tpu.vector_load_idx %arg30[%add3A_302, %broadcast_in_dim3A_336] : memref<80x64xf32, #tpu.memory_space<vmem>>[vector<16xi32>, vector<16xi32>], vector<16xf32>,
        %mul3A_339 = arith.mulf %gather3A_337, %gather3A_338 : vector<16xf32>
        %add3A_340 = arith.addf %add3A_331, %mul3A_339 : vector<16xf32>
        %mul3A_341 = arith.constant 8 : i32
        %mul3A_342 = arith.muli %scan3A_313, %mul3A_341 : i32
        %add3A_343 = arith.constant 3 : i32
        %add3A_344 = arith.addi %mul3A_342, %add3A_343 : i32
        %broadcast_in_dim3A_345 = vector.broadcast %add3A_344 : i32 to vector<16xi32>
        %gather3A_346 = tpu.vector_load_idx %arg26[%add3A_302, %broadcast_in_dim3A_345] : memref<80x64xf32, #tpu.memory_space<vmem>>[vector<16xi32>, vector<16xi32>], vector<16xf32>,
        %gather3A_347 = tpu.vector_load_idx %arg30[%add3A_302, %broadcast_in_dim3A_345] : memref<80x64xf32, #tpu.memory_space<vmem>>[vector<16xi32>, vector<16xi32>], vector<16xf32>,
        %mul3A_348 = arith.mulf %gather3A_346, %gather3A_347 : vector<16xf32>
        %add3A_349 = arith.addf %add3A_340, %mul3A_348 : vector<16xf32>
        %mul3A_350 = arith.constant 8 : i32
        %mul3A_351 = arith.muli %scan3A_313, %mul3A_350 : i32
        %add3A_352 = arith.constant 4 : i32
        %add3A_353 = arith.addi %mul3A_351, %add3A_352 : i32
        %broadcast_in_dim3A_354 = vector.broadcast %add3A_353 : i32 to vector<16xi32>
        %gather3A_355 = tpu.vector_load_idx %arg26[%add3A_302, %broadcast_in_dim3A_354] : memref<80x64xf32, #tpu.memory_space<vmem>>[vector<16xi32>, vector<16xi32>], vector<16xf32>,
        %gather3A_356 = tpu.vector_load_idx %arg30[%add3A_302, %broadcast_in_dim3A_354] : memref<80x64xf32, #tpu.memory_space<vmem>>[vector<16xi32>, vector<16xi32>], vector<16xf32>,
        %mul3A_357 = arith.mulf %gather3A_355, %gather3A_356 : vector<16xf32>
        %add3A_358 = arith.addf %add3A_349, %mul3A_357 : vector<16xf32>
        %mul3A_359 = arith.constant 8 : i32
        %mul3A_360 = arith.muli %scan3A_313, %mul3A_359 : i32
        %add3A_361 = arith.constant 5 : i32
        %add3A_362 = arith.addi %mul3A_360, %add3A_361 : i32
        %broadcast_in_dim3A_363 = vector.broadcast %add3A_362 : i32 to vector<16xi32>
        %gather3A_364 = tpu.vector_load_idx %arg26[%add3A_302, %broadcast_in_dim3A_363] : memref<80x64xf32, #tpu.memory_space<vmem>>[vector<16xi32>, vector<16xi32>], vector<16xf32>,
        %gather3A_365 = tpu.vector_load_idx %arg30[%add3A_302, %broadcast_in_dim3A_363] : memref<80x64xf32, #tpu.memory_space<vmem>>[vector<16xi32>, vector<16xi32>], vector<16xf32>,
        %mul3A_366 = arith.mulf %gather3A_364, %gather3A_365 : vector<16xf32>
        %add3A_367 = arith.addf %add3A_358, %mul3A_366 : vector<16xf32>
        %mul3A_368 = arith.constant 8 : i32
        %mul3A_369 = arith.muli %scan3A_313, %mul3A_368 : i32
        %add3A_370 = arith.constant 6 : i32
        %add3A_371 = arith.addi %mul3A_369, %add3A_370 : i32
        %broadcast_in_dim3A_372 = vector.broadcast %add3A_371 : i32 to vector<16xi32>
        %gather3A_373 = tpu.vector_load_idx %arg26[%add3A_302, %broadcast_in_dim3A_372] : memref<80x64xf32, #tpu.memory_space<vmem>>[vector<16xi32>, vector<16xi32>], vector<16xf32>,
        %gather3A_374 = tpu.vector_load_idx %arg30[%add3A_302, %broadcast_in_dim3A_372] : memref<80x64xf32, #tpu.memory_space<vmem>>[vector<16xi32>, vector<16xi32>], vector<16xf32>,
        %mul3A_375 = arith.mulf %gather3A_373, %gather3A_374 : vector<16xf32>
        %add3A_376 = arith.addf %add3A_367, %mul3A_375 : vector<16xf32>
        %mul3A_377 = arith.constant 8 : i32
        %mul3A_378 = arith.muli %scan3A_313, %mul3A_377 : i32
        %add3A_379 = arith.constant 7 : i32
        %add3A_380 = arith.addi %mul3A_378, %add3A_379 : i32
        %broadcast_in_dim3A_381 = vector.broadcast %add3A_380 : i32 to vector<16xi32>
        %gather3A_382 = tpu.vector_load_idx %arg26[%add3A_302, %broadcast_in_dim3A_381] : memref<80x64xf32, #tpu.memory_space<vmem>>[vector<16xi32>, vector<16xi32>], vector<16xf32>,
        %gather3A_383 = tpu.vector_load_idx %arg30[%add3A_302, %broadcast_in_dim3A_381] : memref<80x64xf32, #tpu.memory_space<vmem>>[vector<16xi32>, vector<16xi32>], vector<16xf32>,
        %mul3A_384 = arith.mulf %gather3A_382, %gather3A_383 : vector<16xf32>
        %add3A_385 = arith.addf %add3A_376, %mul3A_384 : vector<16xf32>
        scf.yield %add3A_385 : vector<16xf32>
      }
      %scan3A_309 = arith.constant 8 : i32
      %mul3A_310 = arith.constant 16 : i32
      %mul3A_311 = arith.muli %scan3A_298, %mul3A_310 : i32
      %swap3A = arith.index_cast %mul3A_311 : i32 to index
      %swap3A_312 = tpu.vector_load %arg34[%swap3A] {strides = array<i32>} : memref<80xf32, #tpu.memory_space<vmem>>, vector<16xf32>,
      tpu.vector_store %arg34[%swap3A], %scan3A_308 {strides = array<i32>} : memref<80xf32, #tpu.memory_space<vmem>>, vector<16xf32>,
    }
    %scan3A_205 = arith.constant 5 : i32
    %add3A_206 = arith.constant 19840 : i32
    %add3A_207 = arith.addi %add3A, %add3A_206 : i32
    %dma_start3A_208 = tpu.memref_slice %arg7[%add3A_207] : memref<640000xf32, #tpu.memory_space<hbm>> -> memref<80xf32, #tpu.memory_space<hbm>>
    %dma_start3A_209 = tpu.memref_slice %arg7[%add3A_207] : memref<640000xf32, #tpu.memory_space<hbm>> -> memref<80xf32, #tpu.memory_space<hbm>>
    tpu.enqueue_dma source(%arg34 : memref<80xf32, #tpu.memory_space<vmem>>) target(%dma_start3A_209 : memref<80xf32, #tpu.memory_space<hbm>>) target_semaphore(%arg46 : memref<!tpu.dma_semaphore, #tpu.memory_space<semaphore_mem>>)
    %dma_wait3A_210 = arith.constant 0 : i32
    %dma_wait3A_211 = arith.constant 0 : i32
    %dma_wait3A_212 = tpu.memref_slice %arg2[%dma_wait3A_210, %dma_wait3A_211] : memref<10000x64xf32, #tpu.memory_space<hbm>> -> memref<80x64xf32, #tpu.memory_space<hbm>>
    %dma_wait3A_213 = arith.constant 0 : i32
    %dma_wait3A_214 = arith.constant 0 : i32
    %dma_wait3A_215 = tpu.memref_slice %arg2[%dma_wait3A_213, %dma_wait3A_214] : memref<10000x64xf32, #tpu.memory_space<hbm>> -> memref<80x64xf32, #tpu.memory_space<hbm>>
    tpu.wait_dma2 semaphore(%arg39 : memref<!tpu.dma_semaphore, #tpu.memory_space<semaphore_mem>>) src(%dma_wait3A_215 : memref<80x64xf32, #tpu.memory_space<hbm>>) dst(%arg27 : memref<80x64xf32, #tpu.memory_space<vmem>>)
    %dma_wait3A_216 = arith.constant 0 : i32
    %dma_wait3A_217 = arith.constant 0 : i32
    %dma_wait3A_218 = tpu.memref_slice %arg4[%dma_wait3A_216, %dma_wait3A_217] : memref<10000x64xf32, #tpu.memory_space<hbm>> -> memref<80x64xf32, #tpu.memory_space<hbm>>
    %dma_wait3A_219 = arith.constant 0 : i32
    %dma_wait3A_220 = arith.constant 0 : i32
    %dma_wait3A_221 = tpu.memref_slice %arg4[%dma_wait3A_219, %dma_wait3A_220] : memref<10000x64xf32, #tpu.memory_space<hbm>> -> memref<80x64xf32, #tpu.memory_space<hbm>>
    tpu.wait_dma2 semaphore(%arg43 : memref<!tpu.dma_semaphore, #tpu.memory_space<semaphore_mem>>) src(%dma_wait3A_221 : memref<80x64xf32, #tpu.memory_space<hbm>>) dst(%arg31 : memref<80x64xf32, #tpu.memory_space<vmem>>)
    %dma_wait3A_222 = tpu.memref_slice %arg7[%add3A] : memref<640000xf32, #tpu.memory_space<hbm>> -> memref<80xf32, #tpu.memory_space<hbm>>
    %dma_wait3A_223 = tpu.memref_slice %arg7[%add3A] : memref<640000xf32, #tpu.memory_space<hbm>> -> memref<80xf32, #tpu.memory_space<hbm>>
    tpu.wait_dma2 semaphore(%arg47 : memref<!tpu.dma_semaphore, #tpu.memory_space<semaphore_mem>>) src(%arg35 : memref<80xf32, #tpu.memory_space<vmem>>) dst(%dma_wait3A_223 : memref<80xf32, #tpu.memory_space<hbm>>)
    %scan3A_224 = arith.constant 0 : i32
    %scan3A_225 = arith.constant 0 : i32
    %scan3A_226 = arith.constant 5 : i32
    %scan3A_227 = arith.addi %scan3A_225, %scan3A_226 : i32
    %scan3A_228 = arith.constant 1 : i32
    scf.for %scan3A_298 = %scan3A_225 to %scan3A_227 step %scan3A_228  : i32 {
      %iota3A = tpu.iota {dimensions = array<i32: 0>} : vector<16xi32>
      %mul3A_299 = arith.constant 16 : i32
      %mul3A_300 = arith.muli %scan3A_298, %mul3A_299 : i32
      %add3A_301 = vector.broadcast %mul3A_300 : i32 to vector<16xi32>
      %add3A_302 = arith.addi %iota3A, %add3A_301 : vector<16xi32>
      %broadcast_in_dim3A = arith.constant 0.000000e+00 : f32
      %broadcast_in_dim3A_303 = vector.broadcast %broadcast_in_dim3A : f32 to vector<16xf32>
      %scan3A_304 = arith.constant 0 : i32
      %scan3A_305 = arith.constant 8 : i32
      %scan3A_306 = arith.addi %scan3A_304, %scan3A_305 : i32
      %scan3A_307 = arith.constant 1 : i32
      %scan3A_308 = scf.for %scan3A_313 = %scan3A_304 to %scan3A_306 step %scan3A_307 iter_args(%scan3A_314 = %broadcast_in_dim3A_303) -> (vector<16xf32>)  : i32 {
        %mul3A_315 = arith.constant 8 : i32
        %mul3A_316 = arith.muli %scan3A_313, %mul3A_315 : i32
        %add3A_317 = arith.constant 0 : i32
        %add3A_318 = arith.addi %mul3A_316, %add3A_317 : i32
        %broadcast_in_dim3A_319 = vector.broadcast %add3A_318 : i32 to vector<16xi32>
        %gather3A = tpu.vector_load_idx %arg27[%add3A_302, %broadcast_in_dim3A_319] : memref<80x64xf32, #tpu.memory_space<vmem>>[vector<16xi32>, vector<16xi32>], vector<16xf32>,
        %gather3A_320 = tpu.vector_load_idx %arg31[%add3A_302, %broadcast_in_dim3A_319] : memref<80x64xf32, #tpu.memory_space<vmem>>[vector<16xi32>, vector<16xi32>], vector<16xf32>,
        %mul3A_321 = arith.mulf %gather3A, %gather3A_320 : vector<16xf32>
        %add3A_322 = arith.addf %scan3A_314, %mul3A_321 : vector<16xf32>
        %mul3A_323 = arith.constant 8 : i32
        %mul3A_324 = arith.muli %scan3A_313, %mul3A_323 : i32
        %add3A_325 = arith.constant 1 : i32
        %add3A_326 = arith.addi %mul3A_324, %add3A_325 : i32
        %broadcast_in_dim3A_327 = vector.broadcast %add3A_326 : i32 to vector<16xi32>
        %gather3A_328 = tpu.vector_load_idx %arg27[%add3A_302, %broadcast_in_dim3A_327] : memref<80x64xf32, #tpu.memory_space<vmem>>[vector<16xi32>, vector<16xi32>], vector<16xf32>,
        %gather3A_329 = tpu.vector_load_idx %arg31[%add3A_302, %broadcast_in_dim3A_327] : memref<80x64xf32, #tpu.memory_space<vmem>>[vector<16xi32>, vector<16xi32>], vector<16xf32>,
        %mul3A_330 = arith.mulf %gather3A_328, %gather3A_329 : vector<16xf32>
        %add3A_331 = arith.addf %add3A_322, %mul3A_330 : vector<16xf32>
        %mul3A_332 = arith.constant 8 : i32
        %mul3A_333 = arith.muli %scan3A_313, %mul3A_332 : i32
        %add3A_334 = arith.constant 2 : i32
        %add3A_335 = arith.addi %mul3A_333, %add3A_334 : i32
        %broadcast_in_dim3A_336 = vector.broadcast %add3A_335 : i32 to vector<16xi32>
        %gather3A_337 = tpu.vector_load_idx %arg27[%add3A_302, %broadcast_in_dim3A_336] : memref<80x64xf32, #tpu.memory_space<vmem>>[vector<16xi32>, vector<16xi32>], vector<16xf32>,
        %gather3A_338 = tpu.vector_load_idx %arg31[%add3A_302, %broadcast_in_dim3A_336] : memref<80x64xf32, #tpu.memory_space<vmem>>[vector<16xi32>, vector<16xi32>], vector<16xf32>,
        %mul3A_339 = arith.mulf %gather3A_337, %gather3A_338 : vector<16xf32>
        %add3A_340 = arith.addf %add3A_331, %mul3A_339 : vector<16xf32>
        %mul3A_341 = arith.constant 8 : i32
        %mul3A_342 = arith.muli %scan3A_313, %mul3A_341 : i32
        %add3A_343 = arith.constant 3 : i32
        %add3A_344 = arith.addi %mul3A_342, %add3A_343 : i32
        %broadcast_in_dim3A_345 = vector.broadcast %add3A_344 : i32 to vector<16xi32>
        %gather3A_346 = tpu.vector_load_idx %arg27[%add3A_302, %broadcast_in_dim3A_345] : memref<80x64xf32, #tpu.memory_space<vmem>>[vector<16xi32>, vector<16xi32>], vector<16xf32>,
        %gather3A_347 = tpu.vector_load_idx %arg31[%add3A_302, %broadcast_in_dim3A_345] : memref<80x64xf32, #tpu.memory_space<vmem>>[vector<16xi32>, vector<16xi32>], vector<16xf32>,
        %mul3A_348 = arith.mulf %gather3A_346, %gather3A_347 : vector<16xf32>
        %add3A_349 = arith.addf %add3A_340, %mul3A_348 : vector<16xf32>
        %mul3A_350 = arith.constant 8 : i32
        %mul3A_351 = arith.muli %scan3A_313, %mul3A_350 : i32
        %add3A_352 = arith.constant 4 : i32
        %add3A_353 = arith.addi %mul3A_351, %add3A_352 : i32
        %broadcast_in_dim3A_354 = vector.broadcast %add3A_353 : i32 to vector<16xi32>
        %gather3A_355 = tpu.vector_load_idx %arg27[%add3A_302, %broadcast_in_dim3A_354] : memref<80x64xf32, #tpu.memory_space<vmem>>[vector<16xi32>, vector<16xi32>], vector<16xf32>,
        %gather3A_356 = tpu.vector_load_idx %arg31[%add3A_302, %broadcast_in_dim3A_354] : memref<80x64xf32, #tpu.memory_space<vmem>>[vector<16xi32>, vector<16xi32>], vector<16xf32>,
        %mul3A_357 = arith.mulf %gather3A_355, %gather3A_356 : vector<16xf32>
        %add3A_358 = arith.addf %add3A_349, %mul3A_357 : vector<16xf32>
        %mul3A_359 = arith.constant 8 : i32
        %mul3A_360 = arith.muli %scan3A_313, %mul3A_359 : i32
        %add3A_361 = arith.constant 5 : i32
        %add3A_362 = arith.addi %mul3A_360, %add3A_361 : i32
        %broadcast_in_dim3A_363 = vector.broadcast %add3A_362 : i32 to vector<16xi32>
        %gather3A_364 = tpu.vector_load_idx %arg27[%add3A_302, %broadcast_in_dim3A_363] : memref<80x64xf32, #tpu.memory_space<vmem>>[vector<16xi32>, vector<16xi32>], vector<16xf32>,
        %gather3A_365 = tpu.vector_load_idx %arg31[%add3A_302, %broadcast_in_dim3A_363] : memref<80x64xf32, #tpu.memory_space<vmem>>[vector<16xi32>, vector<16xi32>], vector<16xf32>,
        %mul3A_366 = arith.mulf %gather3A_364, %gather3A_365 : vector<16xf32>
        %add3A_367 = arith.addf %add3A_358, %mul3A_366 : vector<16xf32>
        %mul3A_368 = arith.constant 8 : i32
        %mul3A_369 = arith.muli %scan3A_313, %mul3A_368 : i32
        %add3A_370 = arith.constant 6 : i32
        %add3A_371 = arith.addi %mul3A_369, %add3A_370 : i32
        %broadcast_in_dim3A_372 = vector.broadcast %add3A_371 : i32 to vector<16xi32>
        %gather3A_373 = tpu.vector_load_idx %arg27[%add3A_302, %broadcast_in_dim3A_372] : memref<80x64xf32, #tpu.memory_space<vmem>>[vector<16xi32>, vector<16xi32>], vector<16xf32>,
        %gather3A_374 = tpu.vector_load_idx %arg31[%add3A_302, %broadcast_in_dim3A_372] : memref<80x64xf32, #tpu.memory_space<vmem>>[vector<16xi32>, vector<16xi32>], vector<16xf32>,
        %mul3A_375 = arith.mulf %gather3A_373, %gather3A_374 : vector<16xf32>
        %add3A_376 = arith.addf %add3A_367, %mul3A_375 : vector<16xf32>
        %mul3A_377 = arith.constant 8 : i32
        %mul3A_378 = arith.muli %scan3A_313, %mul3A_377 : i32
        %add3A_379 = arith.constant 7 : i32
        %add3A_380 = arith.addi %mul3A_378, %add3A_379 : i32
        %broadcast_in_dim3A_381 = vector.broadcast %add3A_380 : i32 to vector<16xi32>
        %gather3A_382 = tpu.vector_load_idx %arg27[%add3A_302, %broadcast_in_dim3A_381] : memref<80x64xf32, #tpu.memory_space<vmem>>[vector<16xi32>, vector<16xi32>], vector<16xf32>,
        %gather3A_383 = tpu.vector_load_idx %arg31[%add3A_302, %broadcast_in_dim3A_381] : memref<80x64xf32, #tpu.memory_space<vmem>>[vector<16xi32>, vector<16xi32>], vector<16xf32>,
        %mul3A_384 = arith.mulf %gather3A_382, %gather3A_383 : vector<16xf32>
        %add3A_385 = arith.addf %add3A_376, %mul3A_384 : vector<16xf32>
        scf.yield %add3A_385 : vector<16xf32>
      }
      %scan3A_309 = arith.constant 8 : i32
      %mul3A_310 = arith.constant 16 : i32
      %mul3A_311 = arith.muli %scan3A_298, %mul3A_310 : i32
      %swap3A = arith.index_cast %mul3A_311 : i32 to index
      %swap3A_312 = tpu.vector_load %arg35[%swap3A] {strides = array<i32>} : memref<80xf32, #tpu.memory_space<vmem>>, vector<16xf32>,
      tpu.vector_store %arg35[%swap3A], %scan3A_308 {strides = array<i32>} : memref<80xf32, #tpu.memory_space<vmem>>, vector<16xf32>,
    }
    %scan3A_229 = arith.constant 5 : i32
    %add3A_230 = arith.constant 19920 : i32
    %add3A_231 = arith.addi %add3A, %add3A_230 : i32
    %dma_start3A_232 = tpu.memref_slice %arg7[%add3A_231] : memref<640000xf32, #tpu.memory_space<hbm>> -> memref<80xf32, #tpu.memory_space<hbm>>
    %dma_start3A_233 = tpu.memref_slice %arg7[%add3A_231] : memref<640000xf32, #tpu.memory_space<hbm>> -> memref<80xf32, #tpu.memory_space<hbm>>
    tpu.enqueue_dma source(%arg35 : memref<80xf32, #tpu.memory_space<vmem>>) target(%dma_start3A_233 : memref<80xf32, #tpu.memory_space<hbm>>) target_semaphore(%arg47 : memref<!tpu.dma_semaphore, #tpu.memory_space<semaphore_mem>>)
    %dma_wait3A_234 = arith.constant 0 : i32
    %dma_wait3A_235 = arith.constant 0 : i32
    %dma_wait3A_236 = tpu.memref_slice %arg2[%dma_wait3A_234, %dma_wait3A_235] : memref<10000x64xf32, #tpu.memory_space<hbm>> -> memref<80x64xf32, #tpu.memory_space<hbm>>
    %dma_wait3A_237 = arith.constant 0 : i32
    %dma_wait3A_238 = arith.constant 0 : i32
    %dma_wait3A_239 = tpu.memref_slice %arg2[%dma_wait3A_237, %dma_wait3A_238] : memref<10000x64xf32, #tpu.memory_space<hbm>> -> memref<80x64xf32, #tpu.memory_space<hbm>>
    tpu.wait_dma2 semaphore(%arg40 : memref<!tpu.dma_semaphore, #tpu.memory_space<semaphore_mem>>) src(%dma_wait3A_239 : memref<80x64xf32, #tpu.memory_space<hbm>>) dst(%arg28 : memref<80x64xf32, #tpu.memory_space<vmem>>)
    %dma_wait3A_240 = arith.constant 0 : i32
    %dma_wait3A_241 = arith.constant 0 : i32
    %dma_wait3A_242 = tpu.memref_slice %arg4[%dma_wait3A_240, %dma_wait3A_241] : memref<10000x64xf32, #tpu.memory_space<hbm>> -> memref<80x64xf32, #tpu.memory_space<hbm>>
    %dma_wait3A_243 = arith.constant 0 : i32
    %dma_wait3A_244 = arith.constant 0 : i32
    %dma_wait3A_245 = tpu.memref_slice %arg4[%dma_wait3A_243, %dma_wait3A_244] : memref<10000x64xf32, #tpu.memory_space<hbm>> -> memref<80x64xf32, #tpu.memory_space<hbm>>
    tpu.wait_dma2 semaphore(%arg44 : memref<!tpu.dma_semaphore, #tpu.memory_space<semaphore_mem>>) src(%dma_wait3A_245 : memref<80x64xf32, #tpu.memory_space<hbm>>) dst(%arg32 : memref<80x64xf32, #tpu.memory_space<vmem>>)
    %dma_wait3A_246 = tpu.memref_slice %arg7[%add3A] : memref<640000xf32, #tpu.memory_space<hbm>> -> memref<80xf32, #tpu.memory_space<hbm>>
    %dma_wait3A_247 = tpu.memref_slice %arg7[%add3A] : memref<640000xf32, #tpu.memory_space<hbm>> -> memref<80xf32, #tpu.memory_space<hbm>>
    tpu.wait_dma2 semaphore(%arg48 : memref<!tpu.dma_semaphore, #tpu.memory_space<semaphore_mem>>) src(%arg36 : memref<80xf32, #tpu.memory_space<vmem>>) dst(%dma_wait3A_247 : memref<80xf32, #tpu.memory_space<hbm>>)
    %dma_wait3A_248 = arith.constant 0 : i32
    %dma_wait3A_249 = arith.constant 0 : i32
    %dma_wait3A_250 = tpu.memref_slice %arg2[%dma_wait3A_248, %dma_wait3A_249] : memref<10000x64xf32, #tpu.memory_space<hbm>> -> memref<80x64xf32, #tpu.memory_space<hbm>>
    %dma_wait3A_251 = arith.constant 0 : i32
    %dma_wait3A_252 = arith.constant 0 : i32
    %dma_wait3A_253 = tpu.memref_slice %arg2[%dma_wait3A_251, %dma_wait3A_252] : memref<10000x64xf32, #tpu.memory_space<hbm>> -> memref<80x64xf32, #tpu.memory_space<hbm>>
    tpu.wait_dma2 semaphore(%arg41 : memref<!tpu.dma_semaphore, #tpu.memory_space<semaphore_mem>>) src(%dma_wait3A_253 : memref<80x64xf32, #tpu.memory_space<hbm>>) dst(%arg29 : memref<80x64xf32, #tpu.memory_space<vmem>>)
    %dma_wait3A_254 = arith.constant 0 : i32
    %dma_wait3A_255 = arith.constant 0 : i32
    %dma_wait3A_256 = tpu.memref_slice %arg4[%dma_wait3A_254, %dma_wait3A_255] : memref<10000x64xf32, #tpu.memory_space<hbm>> -> memref<80x64xf32, #tpu.memory_space<hbm>>
    %dma_wait3A_257 = arith.constant 0 : i32
    %dma_wait3A_258 = arith.constant 0 : i32
    %dma_wait3A_259 = tpu.memref_slice %arg4[%dma_wait3A_257, %dma_wait3A_258] : memref<10000x64xf32, #tpu.memory_space<hbm>> -> memref<80x64xf32, #tpu.memory_space<hbm>>
    tpu.wait_dma2 semaphore(%arg45 : memref<!tpu.dma_semaphore, #tpu.memory_space<semaphore_mem>>) src(%dma_wait3A_259 : memref<80x64xf32, #tpu.memory_space<hbm>>) dst(%arg33 : memref<80x64xf32, #tpu.memory_space<vmem>>)
    %dma_wait3A_260 = tpu.memref_slice %arg7[%add3A] : memref<640000xf32, #tpu.memory_space<hbm>> -> memref<80xf32, #tpu.memory_space<hbm>>
    %dma_wait3A_261 = tpu.memref_slice %arg7[%add3A] : memref<640000xf32, #tpu.memory_space<hbm>> -> memref<80xf32, #tpu.memory_space<hbm>>
    tpu.wait_dma2 semaphore(%arg49 : memref<!tpu.dma_semaphore, #tpu.memory_space<semaphore_mem>>) src(%arg37 : memref<80xf32, #tpu.memory_space<vmem>>) dst(%dma_wait3A_261 : memref<80xf32, #tpu.memory_space<hbm>>)
    %dma_wait3A_262 = arith.constant 0 : i32
    %dma_wait3A_263 = tpu.memref_slice %arg6[%dma_wait3A_262] : memref<640000xi32, #tpu.memory_space<hbm>> -> memref<80xi32, #tpu.memory_space<hbm>>
    %dma_wait3A_264 = arith.constant 0 : i32
    %dma_wait3A_265 = tpu.memref_slice %arg6[%dma_wait3A_264] : memref<640000xi32, #tpu.memory_space<hbm>> -> memref<80xi32, #tpu.memory_space<hbm>>
    tpu.wait_dma2 semaphore(%arg50 : memref<!tpu.dma_semaphore, #tpu.memory_space<semaphore_mem>>) src(%dma_wait3A_265 : memref<80xi32, #tpu.memory_space<hbm>>) dst(%arg10 : memref<80xi32, #tpu.memory_space<vmem>>)
    %dma_wait3A_266 = arith.constant 0 : i32
    %dma_wait3A_267 = tpu.memref_slice %arg6[%dma_wait3A_266] : memref<640000xi32, #tpu.memory_space<hbm>> -> memref<80xi32, #tpu.memory_space<hbm>>
    %dma_wait3A_268 = arith.constant 0 : i32
    %dma_wait3A_269 = tpu.memref_slice %arg6[%dma_wait3A_268] : memref<640000xi32, #tpu.memory_space<hbm>> -> memref<80xi32, #tpu.memory_space<hbm>>
    tpu.wait_dma2 semaphore(%arg58 : memref<!tpu.dma_semaphore, #tpu.memory_space<semaphore_mem>>) src(%dma_wait3A_269 : memref<80xi32, #tpu.memory_space<hbm>>) dst(%arg18 : memref<80xi32, #tpu.memory_space<vmem>>)
    %dma_wait3A_270 = arith.constant 0 : i32
    %dma_wait3A_271 = tpu.memref_slice %arg6[%dma_wait3A_270] : memref<640000xi32, #tpu.memory_space<hbm>> -> memref<80xi32, #tpu.memory_space<hbm>>
    %dma_wait3A_272 = arith.constant 0 : i32
    %dma_wait3A_273 = tpu.memref_slice %arg6[%dma_wait3A_272] : memref<640000xi32, #tpu.memory_space<hbm>> -> memref<80xi32, #tpu.memory_space<hbm>>
    tpu.wait_dma2 semaphore(%arg51 : memref<!tpu.dma_semaphore, #tpu.memory_space<semaphore_mem>>) src(%dma_wait3A_273 : memref<80xi32, #tpu.memory_space<hbm>>) dst(%arg11 : memref<80xi32, #tpu.memory_space<vmem>>)
    %dma_wait3A_274 = arith.constant 0 : i32
    %dma_wait3A_275 = tpu.memref_slice %arg6[%dma_wait3A_274] : memref<640000xi32, #tpu.memory_space<hbm>> -> memref<80xi32, #tpu.memory_space<hbm>>
    %dma_wait3A_276 = arith.constant 0 : i32
    %dma_wait3A_277 = tpu.memref_slice %arg6[%dma_wait3A_276] : memref<640000xi32, #tpu.memory_space<hbm>> -> memref<80xi32, #tpu.memory_space<hbm>>
    tpu.wait_dma2 semaphore(%arg59 : memref<!tpu.dma_semaphore, #tpu.memory_space<semaphore_mem>>) src(%dma_wait3A_277 : memref<80xi32, #tpu.memory_space<hbm>>) dst(%arg19 : memref<80xi32, #tpu.memory_space<vmem>>)
    %dma_wait3A_278 = arith.constant 0 : i32
    %dma_wait3A_279 = tpu.memref_slice %arg6[%dma_wait3A_278] : memref<640000xi32, #tpu.memory_space<hbm>> -> memref<80xi32, #tpu.memory_space<hbm>>
    %dma_wait3A_280 = arith.constant 0 : i32
    %dma_wait3A_281 = tpu.memref_slice %arg6[%dma_wait3A_280] : memref<640000xi32, #tpu.memory_space<hbm>> -> memref<80xi32, #tpu.memory_space<hbm>>
    tpu.wait_dma2 semaphore(%arg52 : memref<!tpu.dma_semaphore, #tpu.memory_space<semaphore_mem>>) src(%dma_wait3A_281 : memref<80xi32, #tpu.memory_space<hbm>>) dst(%arg12 : memref<80xi32, #tpu.memory_space<vmem>>)
    %dma_wait3A_282 = arith.constant 0 : i32
    %dma_wait3A_283 = tpu.memref_slice %arg6[%dma_wait3A_282] : memref<640000xi32, #tpu.memory_space<hbm>> -> memref<80xi32, #tpu.memory_space<hbm>>
    %dma_wait3A_284 = arith.constant 0 : i32
    %dma_wait3A_285 = tpu.memref_slice %arg6[%dma_wait3A_284] : memref<640000xi32, #tpu.memory_space<hbm>> -> memref<80xi32, #tpu.memory_space<hbm>>
    tpu.wait_dma2 semaphore(%arg60 : memref<!tpu.dma_semaphore, #tpu.memory_space<semaphore_mem>>) src(%dma_wait3A_285 : memref<80xi32, #tpu.memory_space<hbm>>) dst(%arg20 : memref<80xi32, #tpu.memory_space<vmem>>)
    %dma_wait3A_286 = arith.constant 0 : i32
    %dma_wait3A_287 = tpu.memref_slice %arg6[%dma_wait3A_286] : memref<640000xi32, #tpu.memory_space<hbm>> -> memref<80xi32, #tpu.memory_space<hbm>>
    %dma_wait3A_288 = arith.constant 0 : i32
    %dma_wait3A_289 = tpu.memref_slice %arg6[%dma_wait3A_288] : memref<640000xi32, #tpu.memory_space<hbm>> -> memref<80xi32, #tpu.memory_space<hbm>>
    tpu.wait_dma2 semaphore(%arg53 : memref<!tpu.dma_semaphore, #tpu.memory_space<semaphore_mem>>) src(%dma_wait3A_289 : memref<80xi32, #tpu.memory_space<hbm>>) dst(%arg13 : memref<80xi32, #tpu.memory_space<vmem>>)
    %dma_wait3A_290 = arith.constant 0 : i32
    %dma_wait3A_291 = tpu.memref_slice %arg6[%dma_wait3A_290] : memref<640000xi32, #tpu.memory_space<hbm>> -> memref<80xi32, #tpu.memory_space<hbm>>
    %dma_wait3A_292 = arith.constant 0 : i32
    %dma_wait3A_293 = tpu.memref_slice %arg6[%dma_wait3A_292] : memref<640000xi32, #tpu.memory_space<hbm>> -> memref<80xi32, #tpu.memory_space<hbm>>
    tpu.wait_dma2 semaphore(%arg61 : memref<!tpu.dma_semaphore, #tpu.memory_space<semaphore_mem>>) src(%dma_wait3A_293 : memref<80xi32, #tpu.memory_space<hbm>>) dst(%arg21 : memref<80xi32, #tpu.memory_space<vmem>>)
    %dma_wait3A_294 = tpu.memref_slice %arg7[%add3A] : memref<640000xf32, #tpu.memory_space<hbm>> -> memref<80xf32, #tpu.memory_space<hbm>>
    %dma_wait3A_295 = tpu.memref_slice %arg7[%add3A] : memref<640000xf32, #tpu.memory_space<hbm>> -> memref<80xf32, #tpu.memory_space<hbm>>
    tpu.wait_dma2 semaphore(%arg46 : memref<!tpu.dma_semaphore, #tpu.memory_space<semaphore_mem>>) src(%arg34 : memref<80xf32, #tpu.memory_space<vmem>>) dst(%dma_wait3A_295 : memref<80xf32, #tpu.memory_space<hbm>>)
    %dma_wait3A_296 = tpu.memref_slice %arg7[%add3A] : memref<640000xf32, #tpu.memory_space<hbm>> -> memref<80xf32, #tpu.memory_space<hbm>>
    %dma_wait3A_297 = tpu.memref_slice %arg7[%add3A] : memref<640000xf32, #tpu.memory_space<hbm>> -> memref<80xf32, #tpu.memory_space<hbm>>
    tpu.wait_dma2 semaphore(%arg47 : memref<!tpu.dma_semaphore, #tpu.memory_space<semaphore_mem>>) src(%arg35 : memref<80xf32, #tpu.memory_space<vmem>>) dst(%dma_wait3A_297 : memref<80xf32, #tpu.memory_space<hbm>>)
    return
  }
}

</mosaic_0001>

<sc_bundles>
// kernel: kernel.4.cloned.1.call-start
scs
__scs_entry_jumppad:
0x0: {  	(pc) =	sbr.rel $0x88, $3  }
0x1: {  	(tag) =	ssettag $0x0;
	lr =	simm.s32 $0x1  }
0x2: {  	[smem:$0x3F9E] =	sst lr;
	_ =	strace $0xD0000000  }
0x3: {  	_ = 	snop  }
0x4: {  	_ = 	snop  }
0x5: {  	_ = 	snop  }
0x6: {  	_ = 	snop  }
0x7: {  	_ = 	snop  }
__scs_overlays_trampoline_lowered:
0x8: {  	[smem:$0x3FAD] =	sst s0  }
0x9: {  	[smem:$0x3FAE] =	sst s1  }
0xa: {  	[smem:$0x3FAF] =	sst s2  }
0xb: {  	[smem:$0x3FB0] =	sst s3  }
0xc: {  	[smem:$0x3FB1] =	sst s4  }
0xd: {  	[smem:$0x3FB2] =	sst s5  }
0xe: {  	[smem:$0x3FB3] =	sst s6  }
0xf: {  	[smem:$0x3FB4] =	sst s7  }
0x10: {  	[smem:$0x3FB5] =	sst s8  }
0x11: {  	[smem:$0x3FB6] =	sst s9;
	s0 =	simm.s32 @!p0 $0x0  }
0x12: {  	s1 =	sld [smem:$0x3F9C];
	s0 =	simm.s32 @p0 $0x1  }
0x13: {  	[smem:$0x3FB7] =	sst s0;
	s0 =	simm.s32 @!p1 $0x0  }
0x14: {  	s2 =	sld [smem:$0x3F9B];
	s0 =	simm.s32 @p1 $0x1  }
0x15: {  	[smem:$0x3FB8] =	sst s0;
	s0 =	simm.s32 @!p2 $0x0  }
0x16: {  	s3 =	sld [smem:$0x3FDB];
	s0 =	simm.s32 @p2 $0x1  }
0x17: {  	s4 =	simm.s32 $0x1BF5;
	[smem:$0x3FBA] =	sst s0  }
0x18: {  	s0 =	sld [smem:$0x3F9D];
	_ =	swait.ge [sflag:s4], $0x0  }
0x19: {  	s7 =	sld [smem:$0x3F9E]  }
0x1a: {  	s8 =	sadd.s32 $0xFFFFE003, lr  }
0x1b: {  	s9 =	sadd.s32 $0xFFFFFEF7, lr;
	s5 =	simm.s32 $0xFFFFFFFF;
	p2 =	slt.u32 s8, $0xFFFFF086  }
0x1c: {  	p1 =	slt.u32 s9, $0xF7A;
	s5 =	simm.s32 @!p2 $0x0  }
0x1d: {  	s5 =	simm.s32 @p1 $0x1;
	p0 =	seq.s32 s7, s2  }
0x1e: {  	s7 =	smul.u32 @!p0 $0xF7A, s2;
	p2 =	seq.s32 @!p0 s5, $0x0  }
0x1f: {  	s9 =	smul.u32 $0xF7A, s1;
	s8 =	simm.s32 @!p0 $0x1BF5;
	p2 =	por !p2, p0  }
0x20: {  	[sflag:s8] =	ssyncset.s32 @!p0 $0xFFFFF086;
	s6 =	sadd.s32 @!p0 s3, s7;
	s7 =	simm.s32 @!p0 $0x108  }
0x21: {  	s3 =	sadd.s32 s3, s9;
	s6 =	sadd.s32 @!p0 $0x88, s6;
	s7 =	simm.s32 @p2 $0x1082  }
0x22: {  	[simem:s7], [sflag:s8] =	dma.local @!p0 [hbm:s6], $0xF7A  }
0x23: {  	s9 =	sor.u32 $0xD0000000, s2;
	s6 =	simm.s32 $0x108;
	_ =	swait.ge @!p0 [sflag:s8], $0x0  }
0x24: {  	s3 =	sadd.s32 $0x88, s3;
	s6 =	simm.s32 @!p1 $0x1082;
	[sflag:s4] =	ssyncset.s32 $0xFFFFF086  }
0x25: {  	[simem:s6], [sflag:s4] =	dma.local [hbm:s3], $0xF7A  }
0x26: {  	[smem:$0x3F9E] =	sst s1;
	(tag) =	ssettag s2;
	_ =	strace s9  }
0x27: {  	s1 =	sld [smem:$0x3FAE]  }
0x28: {  	s2 =	sld [smem:$0x3FAF]  }
0x29: {  	s4 =	sld [smem:$0x3FB1]  }
0x2a: {  	p0 =	seq.s32 s5, $0x0;
	s5 =	sld [smem:$0x3FB2]  }
0x2b: {  	s6 =	sld [smem:$0x3FB3]  }
0x2c: {  	s7 =	sld [smem:$0x3FB4]  }
0x2d: {  	s3 =	simm.s32 $0x108;
	s8 =	sld [smem:$0x3FB5]  }
0x2e: {  	s3 =	simm.s32 @!p0 $0x1082;
	s9 =	sld [smem:$0x3FB6]  }
0x2f: {  	lr =	sadd.s32 s0, s3;
	s0 =	sld [smem:$0x3FAD]  }
0x30: {  	s3 =	sld [smem:$0x3FB0]  }
0x31: {  	[smem:$0x3FB9] =	sst s10  }
0x32: {  	s10 =	sld [smem:$0x3FB7];
	_ =	sdelay $0x3  }
0x33: {  	p0 =	seq.s32 s10, $0x1;
	s10 =	sld [smem:$0x3FB9];
	_ =	sdelay $0x3  }
0x34: {  	[smem:$0x3FB9] =	sst s10  }
0x35: {  	s10 =	sld [smem:$0x3FB8];
	_ =	sdelay $0x3  }
0x36: {  	p1 =	seq.s32 s10, $0x1;
	s10 =	sld [smem:$0x3FB9];
	_ =	sdelay $0x3  }
0x37: {  	[smem:$0x3FB9] =	sst s10  }
0x38: {  	s10 =	sld [smem:$0x3FBA]  }
0x39: {  	_ = 	snop;
	(pc) =	sbr.ind lr, $3  }
0x3a: {  	_ = 	snop  }
0x3b: {  	_ = 	snop  }
0x3c: {  	p2 =	seq.s32 s10, $0x1;
	s10 =	sld [smem:$0x3FB9]  }
0x3d: {  	_ =	shalt  }
0x3e: {  	_ =	shalt  }
0x3f: {  	_ =	shalt  }
0x40: {  	_ =	shalt  }
0x41: {  	_ =	shalt  }
0x42: {  	_ =	shalt  }
0x43: {  	_ =	shalt  }
0x44: {  	_ =	shalt  }
0x45: {  	_ =	shalt  }
0x46: {  	_ =	shalt  }
0x47: {  	_ =	shalt  }
0x48: {  	_ =	shalt  }
0x49: {  	_ =	shalt  }
0x4a: {  	_ =	shalt  }
0x4b: {  	_ =	shalt  }
0x4c: {  	_ =	shalt  }
0x4d: {  	_ =	shalt  }
0x4e: {  	_ =	shalt  }
0x4f: {  	_ =	shalt  }
0x50: {  	_ =	shalt  }
0x51: {  	_ =	shalt  }
0x52: {  	_ =	shalt  }
0x53: {  	_ =	shalt  }
0x54: {  	_ =	shalt  }
0x55: {  	_ =	shalt  }
0x56: {  	_ =	shalt  }
0x57: {  	_ =	shalt  }
0x58: {  	_ =	shalt  }
0x59: {  	_ =	shalt  }
0x5a: {  	_ =	shalt  }
0x5b: {  	_ =	shalt  }
0x5c: {  	_ =	shalt  }
0x5d: {  	_ =	shalt  }
0x5e: {  	_ =	shalt  }
0x5f: {  	_ =	shalt  }
0x60: {  	_ =	shalt  }
0x61: {  	_ =	shalt  }
0x62: {  	_ =	shalt  }
0x63: {  	_ =	shalt  }
0x64: {  	_ =	shalt  }
0x65: {  	_ =	shalt  }
0x66: {  	_ =	shalt  }
0x67: {  	_ =	shalt  }
0x68: {  	_ =	shalt  }
0x69: {  	_ =	shalt  }
0x6a: {  	_ =	shalt  }
0x6b: {  	_ =	shalt  }
0x6c: {  	_ =	shalt  }
0x6d: {  	_ =	shalt  }
0x6e: {  	_ =	shalt  }
0x6f: {  	_ =	shalt  }
0x70: {  	_ =	shalt  }
0x71: {  	_ =	shalt  }
0x72: {  	_ =	shalt  }
0x73: {  	_ =	shalt  }
0x74: {  	_ =	shalt  }
0x75: {  	_ =	shalt  }
0x76: {  	_ =	shalt  }
0x77: {  	_ =	shalt  }
0x78: {  	_ =	shalt  }
0x79: {  	_ =	shalt  }
0x7a: {  	_ =	shalt  }
0x7b: {  	_ =	shalt  }
0x7c: {  	_ =	shalt  }
0x7d: {  	_ =	shalt  }
0x7e: {  	_ =	shalt  }
0x7f: {  	_ =	shalt  }
0x80: {  	_ =	shalt  }
0x81: {  	_ =	shalt  }
0x82: {  	_ =	shalt  }
0x83: {  	_ =	shalt  }
0x84: {  	_ =	shalt  }
0x85: {  	_ =	shalt  }
0x86: {  	_ =	shalt  }
0x87: {  	_ =	shalt  }
.Lfunc_end0:
.L_simem_size_0:
called_computation_lowered:
.L_overlay_start_0:
0x88: {  	s2 =	sld [smem:$0x3FD9]  }
0x89: {  	s3 =	sld [smem:$0x3FFE];
	_ =	sdelay $0x1  }
0x8a: {  	s1 =	srdreg.scid  }
0x8b: {  	s0 =	sand.u32 $0x1, s1  }
0x8c: {  	s16 =	sshll.u32 s0, $0xA;
	s2 =	sadd.s32 s3, s2  }
0x8d: {  	s2 =	sadd.s32 s2, s16  }
0x8e: {  	[smem:$0x3FC5] =	sst s2  }
0x8f: {  	_ = 	snop  }
0x90: {  	(tm) =	ssettm $0x1  }
0x91: {  	s17 =	sld [smem:$0x3FFB];
	_ =	sdelay $0x3  }
0x92: {  	_ =	strace s17  }
0x93: {  	s2 =	sld [smem:$0x3FFC];
	_ =	sdelay $0x3  }
0x94: {  	_ =	strace s2  }
0x95: {  	s2 =	sld [smem:$0x3FFD];
	_ =	sdelay $0x3  }
0x96: {  	_ =	strace s2  }
0x97: {  	_ =	strace $0x8FFFFFFF  }
0x98: {  	s18 =	sld [smem:$0x3FDB];
	_ =	sdelay $0x1  }
0x99: {  	s19 =	simm.s32 $_scs_section_size  }
0x9a: {  	s4 =	simm.s32 $_size__tile_overlayer_lowered;
	s5 =	simm.s32 $_tile_overlayer_lowered  }
0x9b: {  	s22 =	simm.s32 $0x1BFF;
	s21 =	sshll.u32 s5, $0x1;
	s2 =	sadd.s32 s19, s18  }
0x9c: {  	s6 =	simm.s32 $0x0;
	s20 =	sshll.u32 s4, $0x1;
	s4 =	sadd.s32 s21, s2  }
0x9d: {  	[timem:s6], [sflag:s22] =	dma.local [hbm:s4], s20  }
0x9e: {  	_ =	swait.ge [sflag:s22], s20  }
0x9f: {  	s3 =	ssub.s32 $0x0, s20;
	[sflag:s22] =	ssyncset.done $0x0  }
0xa0: {  	[sflag:s22] =	ssyncadd.s32 s3;
	_ =	sdelay $0x1  }
0xa1: {  	s23 =	simm.s32 $0x1B8B  }
0xa2: {  	_ =	swait.ge [sflag:s23], $0x1  }
0xa3: {  	[sflag:s23] =	ssyncset.done $0x0  }
0xa4: {  	s25 =	simm.s32 $0x1B8E;
	s24 =	sld [smem:$0x3FFE];
	[sflag:s23] =	ssyncadd.s32 $0xFFFFFFFF  }
0xa5: {  	s26 =	simm.s32 $execute0_lowered;
	[smem:$0x3FD2] =	sst s25  }
0xa6: {  	s4 =	sshll.u32 s26, $0x1;
	_ =	strace $0x80000046;
	[dreg:$0x1] =	wrdreg $0xFFFFFFFF  }
0xa7: {  	s28 =	simm.s32 $_size_execute0_lowered;
	s2 =	sadd.s32 s2, s4;
	[dreg:$0x0] =	wrdreg $0x0  }
0xa8: {  	s4 =	sshll.u32 s28, $0x1;
	[dreg:$0x2] =	wrdreg s2  }
0xa9: {  	[dreg:$0x3] =	wrdreg s4  }
0xaa: {  	[dreg:$0x4] =	wrdreg $0xC0  }
0xab: {  	_ =	task [dreg:s6], $0x5FFFF  }
0xac: {  	[dreg:$0x1] =	wrdreg $0xFFFFFFFF  }
0xad: {  	[dreg:$0x0] =	wrdreg $0x60  }
0xae: {  	[dreg:$0x2] =	wrdreg s24  }
0xaf: {  	[dreg:$0x3] =	wrdreg $0x0  }
0xb0: {  	[dreg:$0x4] =	wrdreg $0x9C400  }
0xb1: {  	[dreg:$0x5] =	wrdreg $0x9  }
0xb2: {  	_ =	task.clear_ibuf [dreg:s6], $0x6FFFF;
	_ =	strace $0x90000046  }
0xb3: {  	s29 =	simm.s32 $0x9;
	_ =	strace $0x80000048  }
0xb4: {  	_ =	swait.ge [sflag:s29], $0x1  }
0xb5: {  	[sflag:s29] =	ssyncadd.s32 $0xFFFFFFFF  }
0xb6: {  	_ =	strace $0x90000048  }
0xb7: {  	_ =	sfence  }
0xb8: {  	s30 =	sld [smem:$0x0];
	_ =	sdelay $0x2  }
0xb9: {  	s31 =	sshll.u32 s1, $0xD;
	s1 =	sshrl.u32 s1, $0x2  }
0xba: {  	s3 =	sand.u32 $0x4000, s31;
	s1 =	sadd.s32 s1, s30  }
0xbb: {  	s0 =	sor.u32 s3, s0;
	s1 =	sshll.u32 s1, $0x11  }
0xbc: {  	s0 =	sor.u32 s1, s0  }
0xbd: {  	s0 =	sadd.s32 $0x8F2B, s0  }
0xbe: {  	[sflag:s0] =	ssyncadd.remote.s32 $0x1  }
0xbf: {  	_ =	sfence.sel $0xFFFF  }
0xc0: {  	[dreg:$0x0] =	wrdreg $0xFFFFFFFF;
	(pc) =	sbr.abs _section_cstart, $3  }
0xc1: {  	[dreg:$0x1] =	wrdreg $0xFFFFFFFF  }
0xc2: {  	_ =	task.clear_ibuf [dreg:s6], $0x2FFFF;
	_ =	strace $0x9FFFFFFF  }
0xc3: {  	(tm) =	ssettm $0x7FFFFFFF  }
tec
execute0_lowered:
.L_overlay_start_1:
0x0: {  	(tag) =	ssettag $0x1  }
0x1: {  	s0 =	rddreg [dreg:$0x0]  }
0x2: {  	s1 =	rddreg [dreg:$0x1]  }
0x3: {  	s2 =	rddreg [dreg:$0x2];
	s3 =	simm.s32 $0x0;
	s7 =	stileid.u32  }
0x4: {  	[smem:$0x7FF] =	sst s3;
	s4 =	sadd.s32 $0x3C400, s0;
	s5 =	sadd.s32 $0x28A00, s0  }
0x5: {  	s10 =	smul.u32 $0x4E20, s7;
	_ =	strace $0x80000047;
	[dreg:$0x4] =	wrdreg s4  }
0x6: {  	s14 =	sadd.s32 $0x15000, s0;
	s15 =	sadd.s32 $0x1600, s0;
	[dreg:$0x5] =	wrdreg s5  }
0x7: {  	s9 =	sadd.s32 $0x4FE00, s0;
	[dreg:$0x6] =	wrdreg s14;
	s19 =	sshrl.u32 s10, $0x3  }
0x8: {  	s13 =	srdreg.scid;
	[dreg:$0x7] =	wrdreg s15;
	s12 =	sadd.s32 s9, s19  }
0x9: {  	s28 =	simm.s32 $0x1;
	s20 =	sadd.s32 $0x28, s12;
	[dreg:$0x9] =	wrdreg s12  }
0xa: {  	s29 =	simm.s32 $0x5;
	s21 =	sadd.s32 $0x9C68, s12;
	[dreg:$0xa] =	wrdreg s20  }
0xb: {  	s11 =	sadd.s32 $0x63800, s0;
	s22 =	sadd.s32 $0x32, s12;
	[dreg:$0xb] =	wrdreg s21  }
0xc: {  	p0 =	seq.s32 s7, $0x0;
	s23 =	sadd.s32 $0x9C72, s12;
	[dreg:$0xc] =	wrdreg s22  }
0xd: {  	s4 =	sand.u32 $0x1, s13;
	s24 =	sadd.s32 $0x3C, s12;
	[dreg:$0xd] =	wrdreg s23  }
0xe: {  	s16 =	ssub.s32 $0x2, s4;
	s25 =	sadd.s32 $0x9C7C, s12;
	[dreg:$0xe] =	wrdreg s24  }
0xf: {  	s18 =	smul.u32 $0x4E200, s4;
	s26 =	sadd.s32 $0x46, s12;
	[dreg:$0xf] =	wrdreg s25  }
0x10: {  	p1 =	seq.s32 s4, $0x1;
	s14 =	sadd.s32 $0x9C86, s12;
	[dreg:$0x10] =	wrdreg s26  }
0x11: {  	s6 =	sshrl.u32 s16, $0x1;
	s15 =	sadd.s32 $0xA, s12;
	[dreg:$0x15] =	wrdreg s14  }
0x12: {  	s17 =	ssub.s32 s16, s6;
	s16 =	sadd.s32 $0x9C4A, s12;
	[dreg:$0x16] =	wrdreg s15  }
0x13: {  	s8 =	sadd.s32 s10, s18;
	s18 =	sadd.s32 $0x9C54, s12;
	[dreg:$0x17] =	wrdreg s16  }
0x14: {  	s4 =	sor.u32 s4, s7;
	s19 =	sadd.s32 $0x1E, s12;
	[dreg:$0x19] =	wrdreg s18  }
0x15: {  	p0 =	por !p0, !p1;
	p1 =	sne.s32 s4, $0x0;
	[dreg:$0x1a] =	wrdreg s19  }
0x16: {  	s4 =	simm.s32 $0x3;
	s0 =	smax.u32 s17, $0x1;
	[dreg:$0x8] =	wrdreg s8  }
0x17: {  	p0 =	por !p0, !p0;
	s17 =	sadd.s32 $0x14, s12;
	[dreg:$0x14] =	wrdreg s0  }
0x18: {  	s20 =	sadd.s32 $0x4E200, s10;
	s21 =	sadd.s32 $0x9C5E, s12;
	[dreg:$0x18] =	wrdreg s17  }
0x19: {  	s31 =	sshrl.u32 s8, $0x3;
	s22 =	sadd.s32 $0x50, s8;
	[dreg:$0x1b] =	wrdreg s21  }
0x1a: {  	s23 =	sadd.s32 $0xA0, s8;
	s24 =	sadd.s32 $0xF0, s8;
	[dreg:$0x1c] =	wrdreg s22  }
0x1b: {  	s25 =	sadd.s32 $0x140, s8;
	s26 =	sadd.s32 $0x190, s8;
	[dreg:$0x1d] =	wrdreg s23  }
0x1c: {  	s16 =	simm.s32 $0x15180;
	s14 =	simm.s32 $0x7;
	[dreg:$0x1e] =	wrdreg s24  }
0x1d: {  	s19 =	simm.s32 $0x4;
	s15 =	simm.s32 $0x0;
	[dreg:$0x1f] =	wrdreg s25  }
0x1e: {  	s30 =	sshrl.u32 s20, $0x3;
	s6 =	sadd.s32 s11, s31;
	[smem:$0x7FB] =	sst s26  }
0x1f: {  	s31 =	sadd.s32 $0x230, s8;
	s17 =	simm.s32 $0x1A180;
	s21 =	simm.s32 $0x16580  }
0x20: {  	s22 =	simm.s32 $0x1B580;
	s25 =	simm.s32 $0x17980;
	s26 =	simm.s32 $0x1C980  }
0x21: {  	s0 =	simm.s32 $0x2;
	s5 =	sadd.s32 s9, s30;
	[smem:$0x7FD] =	sst s31  }
0x22: {  	s23 =	simm.s32 $0x8;
	s7 =	sadd.s32 $0x9B0, s6;
	[dreg:$0x11] =	wrdreg s5  }
0x23: {  	s13 =	sadd.s32 $0x9BA, s6;
	s30 =	sadd.s32 $0x1E0, s8;
	[dreg:$0x12] =	wrdreg s7  }
0x24: {  	v0 =	vlaneseq.u32;
	s8 =	simm.s32 $0x18D80;
	s6 =	simm.s32 $0x6;
	[dreg:$0x13] =	wrdreg s13  }
0x25: {  	v0 =	vmul.u32 $0x40, v0;
	[smem:$0x7FC] =	sst s30;
	s5 =	simm.s32 $0x50;
	s7 =	simm.s32 $0x13D80  }
.LBB2_1:
0x26: {  	s12 =	stileid.u32  }
0x27: {  	[smem:$0x7FA] =	sst s15;
	s12 =	sshll.u32 @!p1 s12, $0x6  }
0x28: {  	s13 =	sshrl.u32 @!p1 s1, $0x3;
	s15 =	rddreg [dreg:$0x4];
	s12 =	sor.u32 @!p1 $0x1C1D, s12  }
0x29: {  	[spmem:s13], [sflag:s12] =	dma.local @!p1 [hbm:s15], $0x13880  }
0x2a: {  	s13 =	simm.s32 @!p1 $0x1D  }
0x2b: {  	_ =	swait.ge @!p1 [sflag:s13], $0x13880  }
0x2c: {  	[sflag:s13] =	ssyncset.done @!p1 $0x0  }
0x2d: {  	s15 =	sshrl.u32 @!p1 s2, $0x3;
	s18 =	rddreg [dreg:$0x6];
	[sflag:s13] =	ssyncadd.s32 @!p1 $0xFFFEC780  }
0x2e: {  	[spmem:s15], [sflag:s12] =	dma.local @!p1 [hbm:s18], $0x13880  }
0x2f: {  	_ =	swait.ge @!p1 [sflag:s13], $0x13880  }
0x30: {  	s12 =	sshrl.u32 @p0 s1, $0x3;
	[sflag:s13] =	ssyncset.done @!p1 $0x0  }
0x31: {  	s15 =	rddreg [dreg:$0x5];
	[sflag:s13] =	ssyncadd.s32 @!p1 $0xFFFEC780;
	s13 =	simm.s32 @p0 $0x1C1D  }
0x32: {  	[spmem:s12], [sflag:s13] =	dma.local @p0 [hbm:s15], $0x13880  }
0x33: {  	s12 =	simm.s32 @p0 $0x1D  }
0x34: {  	_ =	swait.ge @p0 [sflag:s12], $0x13880  }
0x35: {  	[sflag:s12] =	ssyncset.done @p0 $0x0  }
0x36: {  	s15 =	sshrl.u32 @p0 s2, $0x3;
	s18 =	rddreg [dreg:$0x7];
	[sflag:s12] =	ssyncadd.s32 @p0 $0xFFFEC780  }
0x37: {  	[spmem:s15], [sflag:s13] =	dma.local @p0 [hbm:s18], $0x13880  }
0x38: {  	_ =	swait.ge @p0 [sflag:s12], $0x13880  }
0x39: {  	[sflag:s12] =	ssyncset.done @p0 $0x0  }
0x3a: {  	[sflag:s12] =	ssyncadd.s32 @p0 $0xFFFEC780  }
0x3b: {  	[bflag:$0x0] =	sbarrier.arrive $0xFFFF  }
0x3c: {  	s24 =	simm.s32 $0x13880;
	s18 =	rddreg [dreg:$0xa]  }
0x3d: {  	[tilespmem:s24], [sflag:$0xD] =	stream.linear.gather [hbm4b:s18+s3], $0x50, $0x38;
	[tilespmem:$0x1DEC0] =	vst v63  }
0x3e: {  	s31 =	simm.s32 $0x13B00;
	s30 =	rddreg [dreg:$0xb]  }
0x3f: {  	[tilespmem:s31], [sflag:$0x15] =	stream.linear.gather [hbm4b:s30+s3], $0x50, $0x38;
	[tilespmem:$0x1DEC0] =	vst v63  }
0x40: {  	s15 =	simm.s32 $0x138D0;
	s13 =	rddreg [dreg:$0xc]  }
0x41: {  	[tilespmem:s15], [sflag:$0xE] =	stream.linear.gather [hbm4b:s13+s3], $0x50, $0x38;
	[tilespmem:$0x1DEC0] =	vst v63  }
0x42: {  	s18 =	rddreg [dreg:$0xd];
	s24 =	simm.s32 $0x13B50  }
0x43: {  	[tilespmem:s24], [sflag:$0x16] =	stream.linear.gather [hbm4b:s18+s3], $0x50, $0x38;
	[tilespmem:$0x1DEC0] =	vst v63  }
0x44: {  	s30 =	rddreg [dreg:$0xe];
	s31 =	simm.s32 $0x13920  }
0x45: {  	[tilespmem:s31], [sflag:$0xF] =	stream.linear.gather [hbm4b:s30+s3], $0x50, $0x38;
	[tilespmem:$0x1DEC0] =	vst v63  }
0x46: {  	s13 =	rddreg [dreg:$0xf];
	s15 =	simm.s32 $0x13BA0  }
0x47: {  	[tilespmem:s15], [sflag:$0x17] =	stream.linear.gather [hbm4b:s13+s3], $0x50, $0x38;
	[tilespmem:$0x1DEC0] =	vst v63  }
0x48: {  	s18 =	rddreg [dreg:$0x10];
	s24 =	simm.s32 $0x13970  }
0x49: {  	[tilespmem:s24], [sflag:$0x10] =	stream.linear.gather [hbm4b:s18+s3], $0x50, $0x38;
	[tilespmem:$0x1DEC0] =	vst v63  }
0x4a: {  	s30 =	rddreg [dreg:$0x15];
	s31 =	simm.s32 $0x13BF0  }
0x4b: {  	[tilespmem:s31], [sflag:$0x18] =	stream.linear.gather [hbm4b:s30+s3], $0x50, $0x38;
	[tilespmem:$0x1DEC0] =	vst v63  }
0x4c: {  	s15 =	rddreg [dreg:$0x9];
	s13 =	simm.s32 $0x139C0  }
0x4d: {  	[tilespmem:s13], [sflag:$0x11] =	stream.linear.gather [hbm4b:s15+s3], $0x50, $0x38;
	[tilespmem:$0x1DEC0] =	vst v63  }
0x4e: {  	s18 =	rddreg [dreg:$0x11];
	s15 =	simm.s32 $0x13C40  }
0x4f: {  	[tilespmem:s15], [sflag:$0x19] =	stream.linear.gather [hbm4b:s18+s3], $0x50, $0x38;
	[tilespmem:$0x1DEC0] =	vst v63  }
0x50: {  	s24 =	rddreg [dreg:$0x16];
	s18 =	simm.s32 $0x13A10  }
0x51: {  	[tilespmem:s18], [sflag:$0x12] =	stream.linear.gather [hbm4b:s24+s3], $0x50, $0x38;
	[tilespmem:$0x1DEC0] =	vst v63  }
0x52: {  	s30 =	rddreg [dreg:$0x17];
	s24 =	simm.s32 $0x13C90  }
0x53: {  	[tilespmem:s24], [sflag:$0x1A] =	stream.linear.gather [hbm4b:s30+s3], $0x50, $0x38;
	[tilespmem:$0x1DEC0] =	vst v63  }
0x54: {  	s31 =	rddreg [dreg:$0x18];
	s30 =	simm.s32 $0x13A60  }
0x55: {  	[tilespmem:s30], [sflag:$0x13] =	stream.linear.gather [hbm4b:s31+s3], $0x50, $0x38;
	[tilespmem:$0x1DEC0] =	vst v63  }
0x56: {  	s30 =	rddreg [dreg:$0x19];
	s31 =	simm.s32 $0x13CE0  }
0x57: {  	[tilespmem:s31], [sflag:$0x1B] =	stream.linear.gather [hbm4b:s30+s3], $0x50, $0x38;
	[tilespmem:$0x1DEC0] =	vst v63  }
0x58: {  	s12 =	rddreg [dreg:$0x1a];
	s30 =	simm.s32 $0x13AB0  }
0x59: {  	[tilespmem:s30], [sflag:$0x14] =	stream.linear.gather [hbm4b:s12+s3], $0x50, $0x38;
	[tilespmem:$0x1DEC0] =	vst v63  }
0x5a: {  	s12 =	rddreg [dreg:$0x1b];
	s30 =	simm.s32 $0x13D30  }
0x5b: {  	[tilespmem:s30], [sflag:$0x1C] =	stream.linear.gather [hbm4b:s12+s3], $0x50, $0x38;
	[tilespmem:$0x1DEC0] =	vst v63  }
0x5c: {  	s12 =	simm.s32 $0x11  }
0x5d: {  	_ =	swait.ge [sflag:s12], $0x50  }
0x5e: {  	[sflag:s12] =	ssyncset.done $0x0  }
0x5f: {  	[sflag:s12] =	ssyncadd.s32 $0xFFFFFFB0;
	s12 =	simm.s32 $0x19  }
0x60: {  	_ =	swait.ge [sflag:s12], $0x50  }
0x61: {  	[sflag:s12] =	ssyncset.done $0x0  }
0x62: {  	[sflag:s12] =	ssyncadd.s32 $0xFFFFFFB0  }
0x63: {  	[tilespmem:s7], [sflag:$0x1] =	stream.indirect.gather [spmem:s1], $0x40, s13, s5, $0xb8;
	[tilespmem:$0x1DEC0] =	vst v63  }
0x64: {  	s13 =	simm.s32 $0x12  }
0x65: {  	[tilespmem:s8], [sflag:$0x5] =	stream.indirect.gather [spmem:s2], $0x40, s15, s5, $0xb8;
	[tilespmem:$0x1DEC0] =	vst v63  }
0x66: {  	_ =	swait.ge [sflag:s13], $0x50  }
0x67: {  	[sflag:s13] =	ssyncset.done $0x0  }
0x68: {  	s15 =	simm.s32 $0x1A;
	[sflag:s13] =	ssyncadd.s32 $0xFFFFFFB0  }
0x69: {  	_ =	swait.ge [sflag:s15], $0x50  }
0x6a: {  	[sflag:s15] =	ssyncset.done $0x0  }
0x6b: {  	[sflag:s15] =	ssyncadd.s32 $0xFFFFFFB0  }
0x6c: {  	[tilespmem:s16], [sflag:$0x2] =	stream.indirect.gather [spmem:s1], $0x40, s18, s5, $0xb8;
	[tilespmem:$0x1DEC0] =	vst v63  }
0x6d: {  	_ = 	snop  }
0x6e: {  	[tilespmem:s17], [sflag:$0x6] =	stream.indirect.gather [spmem:s2], $0x40, s24, s5, $0xb8;
	[tilespmem:$0x1DEC0] =	vst v63  }
0x6f: {  	s24 =	simm.s32 $0x13  }
0x70: {  	_ =	swait.ge [sflag:s24], $0x50  }
0x71: {  	[sflag:s24] =	ssyncset.done $0x0  }
0x72: {  	s13 =	simm.s32 $0x1B;
	[sflag:s24] =	ssyncadd.s32 $0xFFFFFFB0  }
0x73: {  	_ =	swait.ge [sflag:s13], $0x50  }
0x74: {  	[sflag:s13] =	ssyncset.done $0x0  }
0x75: {  	s15 =	simm.s32 $0x13A60;
	[sflag:s13] =	ssyncadd.s32 $0xFFFFFFB0  }
0x76: {  	[tilespmem:s21], [sflag:$0x3] =	stream.indirect.gather [spmem:s1], $0x40, s15, s5, $0xb8;
	[tilespmem:$0x1DEC0] =	vst v63  }
0x77: {  	s18 =	simm.s32 $0x14  }
0x78: {  	[tilespmem:s22], [sflag:$0x7] =	stream.indirect.gather [spmem:s2], $0x40, s31, s5, $0xb8;
	[tilespmem:$0x1DEC0] =	vst v63  }
0x79: {  	_ =	swait.ge [sflag:s18], $0x50  }
0x7a: {  	[sflag:s18] =	ssyncset.done $0x0  }
0x7b: {  	s24 =	simm.s32 $0x1C;
	[sflag:s18] =	ssyncadd.s32 $0xFFFFFFB0  }
0x7c: {  	_ =	swait.ge [sflag:s24], $0x50  }
0x7d: {  	[sflag:s24] =	ssyncset.done $0x0  }
0x7e: {  	s31 =	simm.s32 $0x13AB0;
	[sflag:s24] =	ssyncadd.s32 $0xFFFFFFB0  }
0x7f: {  	[tilespmem:s25], [sflag:$0x4] =	stream.indirect.gather [spmem:s1], $0x40, s31, s5, $0xb8;
	[tilespmem:$0x1DEC0] =	vst v63  }
0x80: {  	s30 =	simm.s32 $0x13D30;
	s18 =	simm.s32 $0x0  }
0x81: {  	[tilespmem:s26], [sflag:$0x8] =	stream.indirect.gather [spmem:s2], $0x40, s30, s5, $0xb8;
	[tilespmem:$0x1DEC0] =	vst v63  }
.LBB2_2:
0x82: {  	_ =	swait.ge [sflag:s28], $0x1400;
	s24 =	smul.u32 $0x280, s18  }
0x83: {  	[sflag:s28] =	ssyncset.done $0x0  }
0x84: {  	[sflag:s28] =	ssyncadd.s32 $0xFFFFEC00;
	s12 =	sadd.s32 $0x280, s24  }
0x85: {  	s15 =	simm.s32 $0x139C0;
	_ =	swait.ge [sflag:s29], $0x1400;
	s13 =	sadd.s32 s10, s12  }
0x86: {  	s12 =	sadd.s32 s20, s12;
	[sflag:s29] =	ssyncset.done $0x0;
	s13 =	sshrl.u32 s13, $0x3  }
0x87: {  	s12 =	sshrl.u32 s12, $0x3;
	[sflag:s29] =	ssyncadd.s32 $0xFFFFEC00;
	s13 =	sadd.s32 s9, s13  }
0x88: {  	[tilespmem:s15], [sflag:$0x11] =	stream.linear.gather [hbm4b:s13+s3], $0x50, $0x38;
	[tilespmem:$0x1DEC0] =	vst v63  }
0x89: {  	s31 =	simm.s32 $0x13C40;
	p2 =	seq.s32 s18, $0x0;
	s12 =	sadd.s32 s9, s12  }
0x8a: {  	[tilespmem:s31], [sflag:$0x19] =	stream.linear.gather [hbm4b:s12+s3], $0x50, $0x38;
	[tilespmem:$0x1DEC0] =	vst v63  }
0x8b: {  	s12 =	simm.s32 @!p2 $0x9  }
0x8c: {  	_ =	swait.ge @!p2 [sflag:s12], $0x50  }
0x8d: {  	s30 =	sshll.u32 s18, $0x3;
	[sflag:s12] =	ssyncset.done @!p2 $0x0  }
0x8e: {  	s15 =	simm.s32 $0x0;
	[sflag:s12] =	ssyncadd.s32 @!p2 $0xFFFFFFB0;
	s12 =	simm.s32 $0x0  }
.LBB2_3:
0x8f: {  	v1 =	vmov s12  }
0x90: {  	s31 =	sshll.u32 s15, $0x4;
	v1 =	vshrl.u32 v1, $0x3  }
0x91: {  	v2 =	vmov s31;
	v1 =	vshll.u32 v1, $0x3  }
0x92: {  	v2 =	vshll.u32 v2, $0x6;
	v9 =	vbroadcast v1, $0x0  }
0x93: {  	v8 =	vor.u32 v0, v2  }
0x94: {  	v1 =	vor.u32 v8, v9  }
0x95: {  	v7 =	vor.u32 $0x1, v8  }
0x96: {  	v2 =	vadd.s32 v7, v9  }
0x97: {  	v6 =	vor.u32 $0x2, v8  }
0x98: {  	v13 =	vadd.s32 v6, v9  }
0x99: {  	v4 =	vor.u32 $0x3, v8;
	v16 =	vld.idx.msk [tilespmem:v1+s7+$0x0], $0xffff  }
0x9a: {  	v22 =	vadd.s32 v4, v9;
	v18 =	vld.idx.msk [tilespmem:v1+s8+$0x0], $0xffff  }
0x9b: {  	v5 =	vor.u32 $0x4, v8;
	v11 =	vld.idx.msk [tilespmem:v2+s7+$0x0], $0xffff  }
0x9c: {  	s13 =	simm.s32 $0x8;
	v17 =	vadd.s32 v5, v9;
	v12 =	vld.idx.msk [tilespmem:v2+s8+$0x0], $0xffff  }
0x9d: {  	v15 =	vmov s13;
	v3 =	vor.u32 $0x5, v8;
	v10 =	vld.idx.msk [tilespmem:v13+s7+$0x0], $0xffff  }
0x9e: {  	v20 =	vshrl.u32 v15, $0x3;
	v15 =	vadd.s32 v3, v9;
	v14 =	vld.idx.msk [tilespmem:v13+s8+$0x0], $0xffff  }
0x9f: {  	v19 =	vimm.f32 $0.0e+00;
	v20 =	vshll.u32 v20, $0x3;
	v2 =	vor.u32 $0x6, v8;
	v13 =	vld.idx.msk [tilespmem:v22+s7+$0x0], $0xffff  }
0xa0: {  	s13 =	simm.s32 $0x10;
	v1 =	vor.u32 $0x7, v8;
	v21 =	vmul.f32 v18, v16;
	v18 =	vld.idx.msk [tilespmem:v22+s8+$0x0], $0xffff;
	v16 =	vadd.s32 v2, v9  }
.LBB2_4:
0xa1: {  	p3 =	sne.s32 s13, $0x38;
	v20 =	vbroadcast v20, $0x0;
	v22 =	vld.idx.msk [tilespmem:v17+s7+$0x0], $0xffff  }
0xa2: {  	v11 =	vmul.f32 v12, v11;
	v19 =	vadd.f32 v21, v19;
	v12 =	vld.idx.msk [tilespmem:v17+s8+$0x0], $0xffff;
	v17 =	vadd.s32 v1, v9  }
0xa3: {  	v21 =	vld.idx.msk [tilespmem:v15+s7+$0x0], $0xffff;
	v9 =	vmov v20  }
0xa4: {  	v10 =	vmul.f32 v14, v10;
	v20 =	vor.u32 v8, v9;
	v11 =	vadd.f32 v11, v19;
	v14 =	vld.idx.msk [tilespmem:v15+s8+$0x0], $0xffff  }
0xa5: {  	v15 =	vld.idx.msk [tilespmem:v16+s7+$0x0], $0xffff  }
0xa6: {  	v19 =	vadd.s32 v7, v9;
	v10 =	vadd.f32 v10, v11;
	v11 =	vmul.f32 v18, v13;
	v13 =	vld.idx.msk [tilespmem:v16+s8+$0x0], $0xffff  }
0xa7: {  	v16 =	vld.idx.msk [tilespmem:v17+s7+$0x0], $0xffff  }
0xa8: {  	v18 =	vadd.s32 v6, v9;
	v10 =	vadd.f32 v11, v10;
	v11 =	vmul.f32 v12, v22;
	v22 =	vld.idx.msk [tilespmem:v17+s8+$0x0], $0xffff  }
0xa9: {  	v23 =	vld.idx.msk [tilespmem:v20+s7+$0x0], $0xffff  }
0xaa: {  	v25 =	vadd.s32 v4, v9;
	v14 =	vmul.f32 v14, v21;
	v24 =	vld.idx.msk [tilespmem:v20+s8+$0x0], $0xffff;
	v10 =	vadd.f32 v11, v10  }
0xab: {  	v20 =	vmov s13;
	v11 =	vld.idx.msk [tilespmem:v19+s7+$0x0], $0xffff  }
.Ltmp0:
0xac: {  	v17 =	vadd.s32 v5, v9;
	v13 =	vmul.f32 v13, v15;
	v12 =	vld.idx.msk [tilespmem:v19+s8+$0x0], $0xffff;
	v19 =	vadd.f32 v14, v10;
	(pc) =	sbr.rel @p3 .LBB2_4-.Ltmp0, $4  }
0xad: {  	v20 =	vshrl.u32 v20, $0x3;
	v10 =	vld.idx.msk [tilespmem:v18+s7+$0x0], $0xffff  }
0xae: {  	v15 =	vadd.s32 v3, v9;
	v22 =	vmul.f32 v22, v16;
	v14 =	vld.idx.msk [tilespmem:v18+s8+$0x0], $0xffff;
	v19 =	vadd.f32 v13, v19  }
0xaf: {  	v20 =	vshll.u32 v20, $0x3;
	v13 =	vld.idx.msk [tilespmem:v25+s7+$0x0], $0xffff  }
0xb0: {  	s13 =	sadd.s32 $0x8, s13;
	v16 =	vadd.s32 v2, v9;
	v21 =	vmul.f32 v24, v23;
	v18 =	vld.idx.msk [tilespmem:v25+s8+$0x0], $0xffff;
	v19 =	vadd.f32 v22, v19  }
0xb1: {  	_ =	sdelay $0x3  }
0xb2: {  	v22 =	vld.idx.msk [tilespmem:v17+s7+$0x0], $0xffff;
	v11 =	vmul.f32 v12, v11;
	v19 =	vadd.f32 v21, v19  }
0xb3: {  	v45 =	vbroadcast v20, $0x0;
	v46 =	vld.idx.msk [tilespmem:v17+s8+$0x0], $0xffff;
	v9 =	vadd.s32 v1, v9  }
0xb4: {  	v47 =	vld.idx.msk [tilespmem:v15+s7+$0x0], $0xffff;
	v10 =	vmul.f32 v14, v10;
	v11 =	vadd.f32 v11, v19  }
0xb5: {  	v48 =	vld.idx.msk [tilespmem:v15+s8+$0x0], $0xffff;
	v8 =	vor.u32 v8, v45  }
0xb6: {  	v49 =	vld.idx.msk [tilespmem:v16+s7+$0x0], $0xffff;
	v50 =	vmul.f32 v18, v13;
	v10 =	vadd.f32 v10, v11  }
0xb7: {  	v51 =	vld.idx.msk [tilespmem:v16+s8+$0x0], $0xffff;
	v7 =	vadd.s32 v7, v45  }
0xb8: {  	v52 =	vld.idx.msk [tilespmem:v9+s7+$0x0], $0xffff;
	v53 =	vmul.f32 v46, v22;
	v10 =	vadd.f32 v50, v10  }
0xb9: {  	v6 =	vadd.s32 v6, v45;
	v9 =	vld.idx.msk [tilespmem:v9+s8+$0x0], $0xffff  }
0xba: {  	v55 =	vmul.f32 v48, v47;
	v54 =	vld.idx.msk [tilespmem:v8+s7+$0x0], $0xffff;
	v10 =	vadd.f32 v53, v10  }
0xbb: {  	v4 =	vadd.s32 v4, v45;
	v8 =	vld.idx.msk [tilespmem:v8+s8+$0x0], $0xffff  }
0xbc: {  	v57 =	vmul.f32 v51, v49;
	v56 =	vld.idx.msk [tilespmem:v7+s7+$0x0], $0xffff;
	v10 =	vadd.f32 v55, v10  }
0xbd: {  	v5 =	vadd.s32 v5, v45;
	v7 =	vld.idx.msk [tilespmem:v7+s8+$0x0], $0xffff  }
0xbe: {  	v58 =	vld.idx.msk [tilespmem:v6+s7+$0x0], $0xffff;
	v9 =	vmul.f32 v9, v52;
	v10 =	vadd.f32 v57, v10  }
0xbf: {  	v3 =	vadd.s32 v3, v45;
	v6 =	vld.idx.msk [tilespmem:v6+s8+$0x0], $0xffff  }
0xc0: {  	v59 =	vld.idx.msk [tilespmem:v4+s7+$0x0], $0xffff;
	v8 =	vmul.f32 v8, v54;
	v9 =	vadd.f32 v9, v10  }
0xc1: {  	v2 =	vadd.s32 v2, v45;
	v4 =	vld.idx.msk [tilespmem:v4+s8+$0x0], $0xffff  }
0xc2: {  	v60 =	vld.idx.msk [tilespmem:v5+s7+$0x0], $0xffff;
	v7 =	vmul.f32 v7, v56;
	v8 =	vadd.f32 v8, v9  }
0xc3: {  	v1 =	vadd.s32 v1, v45;
	v5 =	vld.idx.msk [tilespmem:v5+s8+$0x0], $0xffff  }
0xc4: {  	v61 =	vld.idx.msk [tilespmem:v3+s7+$0x0], $0xffff;
	v6 =	vmul.f32 v6, v58;
	v7 =	vadd.f32 v7, v8  }
0xc5: {  	v3 =	vld.idx.msk [tilespmem:v3+s8+$0x0], $0xffff  }
0xc6: {  	v62 =	vld.idx.msk [tilespmem:v2+s7+$0x0], $0xffff;
	v4 =	vmul.f32 v4, v59;
	v6 =	vadd.f32 v6, v7  }
0xc7: {  	v2 =	vld.idx.msk [tilespmem:v2+s8+$0x0], $0xffff  }
0xc8: {  	v63 =	vld.idx.msk [tilespmem:v1+s7+$0x0], $0xffff;
	v5 =	vmul.f32 v5, v60;
	v4 =	vadd.f32 v4, v6  }
0xc9: {  	v1 =	vld.idx.msk [tilespmem:v1+s8+$0x0], $0xffff  }
0xca: {  	v3 =	vmul.f32 v3, v61;
	v4 =	vadd.f32 v5, v4;
	_ =	sdelay $0x1  }
0xcb: {  	s15 =	sadd.s32 $0x1, s15;
	v2 =	vmul.f32 v2, v62;
	v3 =	vadd.f32 v3, v4  }
0xcc: {  	p3 =	sne.s32 s15, $0x5  }
.Ltmp1:
0xcd: {  	v1 =	vmul.f32 v1, v63;
	v2 =	vadd.f32 v2, v3;
	(pc) =	sbr.rel @p3 .LBB2_3-.Ltmp1, $3  }
0xce: {  	_ = 	snop  }
0xcf: {  	v1 =	vadd.f32 v1, v2;
	_ =	sdelay $0x1  }
0xd0: {  	[tilespmem:s31+$0x1DD80] =	vst v1  }
0xd1: {  	s12 =	rddreg [dreg:$0x8]  }
0xd2: {  	s12 =	sadd.s32 s12, s24  }
0xd3: {  	s12 =	sshrl.u32 s12, $0x3  }
0xd4: {  	s13 =	simm.s32 $0x1DD80;
	s15 =	simm.s32 $0xD;
	s12 =	sadd.s32 s11, s12  }
0xd5: {  	[hbm4b:s12+s3] =	stream.linear.scatter [tilespmem:s13], [sflag:$0x9], $0x50, $0x38;
	[tilespmem:$0x1DEC0] =	vst v63  }
0xd6: {  	_ =	swait.ge [sflag:s15], $0x50  }
0xd7: {  	[sflag:s15] =	ssyncset.done $0x0  }
0xd8: {  	s31 =	simm.s32 $0x15;
	[sflag:s15] =	ssyncadd.s32 $0xFFFFFFB0  }
0xd9: {  	_ =	swait.ge [sflag:s31], $0x50  }
0xda: {  	[sflag:s31] =	ssyncset.done $0x0  }
0xdb: {  	s13 =	simm.s32 $0x13880;
	[sflag:s31] =	ssyncadd.s32 $0xFFFFFFB0  }
0xdc: {  	[tilespmem:s7], [sflag:$0x1] =	stream.indirect.gather [spmem:s1], $0x40, s13, s5, $0xb8;
	[tilespmem:$0x1DEC0] =	vst v63  }
0xdd: {  	s15 =	simm.s32 $0x13B00  }
0xde: {  	[tilespmem:s8], [sflag:$0x5] =	stream.indirect.gather [spmem:s2], $0x40, s15, s5, $0xb8;
	[tilespmem:$0x1DEC0] =	vst v63  }
0xdf: {  	_ =	swait.ge [sflag:s0], $0x1400  }
0xe0: {  	[sflag:s0] =	ssyncset.done $0x0  }
0xe1: {  	s31 =	sadd.s32 $0x2D0, s24;
	[sflag:s0] =	ssyncadd.s32 $0xFFFFEC00  }
0xe2: {  	s12 =	sadd.s32 s20, s31;
	s15 =	sadd.s32 s10, s31;
	_ =	swait.ge [sflag:s6], $0x1400  }
0xe3: {  	s12 =	sshrl.u32 s12, $0x3;
	s13 =	sshrl.u32 s15, $0x3;
	[sflag:s6] =	ssyncset.done $0x0  }
0xe4: {  	s15 =	simm.s32 $0x13A10;
	s13 =	sadd.s32 s9, s13;
	[sflag:s6] =	ssyncadd.s32 $0xFFFFEC00  }
0xe5: {  	[tilespmem:s15], [sflag:$0x12] =	stream.linear.gather [hbm4b:s13+s3], $0x50, $0x38;
	[tilespmem:$0x1DEC0] =	vst v63  }
0xe6: {  	s12 =	sadd.s32 s9, s12;
	s31 =	simm.s32 $0x13C90  }
0xe7: {  	[tilespmem:s31], [sflag:$0x1A] =	stream.linear.gather [hbm4b:s12+s3], $0x50, $0x38;
	[tilespmem:$0x1DEC0] =	vst v63  }
0xe8: {  	s12 =	simm.s32 @!p2 $0xA  }
0xe9: {  	_ =	swait.ge @!p2 [sflag:s12], $0x50  }
0xea: {  	[sflag:s12] =	ssyncset.done @!p2 $0x0  }
0xeb: {  	s15 =	simm.s32 $0x0;
	[sflag:s12] =	ssyncadd.s32 @!p2 $0xFFFFFFB0;
	s12 =	simm.s32 $0x0  }
.LBB2_7:
0xec: {  	v1 =	vmov s12  }
0xed: {  	s31 =	sshll.u32 s15, $0x4;
	v1 =	vshrl.u32 v1, $0x3  }
0xee: {  	v2 =	vmov s31;
	v1 =	vshll.u32 v1, $0x3  }
0xef: {  	v2 =	vshll.u32 v2, $0x6;
	v9 =	vbroadcast v1, $0x0  }
0xf0: {  	v8 =	vor.u32 v0, v2  }
0xf1: {  	v1 =	vor.u32 v8, v9  }
0xf2: {  	v7 =	vor.u32 $0x1, v8  }
0xf3: {  	v2 =	vadd.s32 v7, v9  }
0xf4: {  	v6 =	vor.u32 $0x2, v8  }
0xf5: {  	v13 =	vadd.s32 v6, v9  }
0xf6: {  	v4 =	vor.u32 $0x3, v8;
	v16 =	vld.idx.msk [tilespmem:v1+s16+$0x0], $0xffff  }
0xf7: {  	v22 =	vadd.s32 v4, v9;
	v18 =	vld.idx.msk [tilespmem:v1+s17+$0x0], $0xffff  }
0xf8: {  	v5 =	vor.u32 $0x4, v8;
	v11 =	vld.idx.msk [tilespmem:v2+s16+$0x0], $0xffff  }
0xf9: {  	s13 =	simm.s32 $0x8;
	v17 =	vadd.s32 v5, v9;
	v12 =	vld.idx.msk [tilespmem:v2+s17+$0x0], $0xffff  }
0xfa: {  	v15 =	vmov s13;
	v3 =	vor.u32 $0x5, v8;
	v10 =	vld.idx.msk [tilespmem:v13+s16+$0x0], $0xffff  }
0xfb: {  	v20 =	vshrl.u32 v15, $0x3;
	v15 =	vadd.s32 v3, v9;
	v14 =	vld.idx.msk [tilespmem:v13+s17+$0x0], $0xffff  }
0xfc: {  	v19 =	vimm.f32 $0.0e+00;
	v20 =	vshll.u32 v20, $0x3;
	v2 =	vor.u32 $0x6, v8;
	v13 =	vld.idx.msk [tilespmem:v22+s16+$0x0], $0xffff  }
0xfd: {  	s13 =	simm.s32 $0x10;
	v1 =	vor.u32 $0x7, v8;
	v21 =	vmul.f32 v18, v16;
	v18 =	vld.idx.msk [tilespmem:v22+s17+$0x0], $0xffff;
	v16 =	vadd.s32 v2, v9  }
.LBB2_8:
0xfe: {  	p3 =	sne.s32 s13, $0x38;
	v20 =	vbroadcast v20, $0x0;
	v22 =	vld.idx.msk [tilespmem:v17+s16+$0x0], $0xffff  }
0xff: {  	v11 =	vmul.f32 v12, v11;
	v19 =	vadd.f32 v21, v19;
	v12 =	vld.idx.msk [tilespmem:v17+s17+$0x0], $0xffff;
	v17 =	vadd.s32 v1, v9  }
0x100: {  	v21 =	vld.idx.msk [tilespmem:v15+s16+$0x0], $0xffff;
	v9 =	vmov v20  }
0x101: {  	v10 =	vmul.f32 v14, v10;
	v20 =	vor.u32 v8, v9;
	v11 =	vadd.f32 v11, v19;
	v14 =	vld.idx.msk [tilespmem:v15+s17+$0x0], $0xffff  }
0x102: {  	v15 =	vld.idx.msk [tilespmem:v16+s16+$0x0], $0xffff  }
0x103: {  	v19 =	vadd.s32 v7, v9;
	v10 =	vadd.f32 v10, v11;
	v11 =	vmul.f32 v18, v13;
	v13 =	vld.idx.msk [tilespmem:v16+s17+$0x0], $0xffff  }
0x104: {  	v16 =	vld.idx.msk [tilespmem:v17+s16+$0x0], $0xffff  }
0x105: {  	v18 =	vadd.s32 v6, v9;
	v10 =	vadd.f32 v11, v10;
	v11 =	vmul.f32 v12, v22;
	v22 =	vld.idx.msk [tilespmem:v17+s17+$0x0], $0xffff  }
0x106: {  	v23 =	vld.idx.msk [tilespmem:v20+s16+$0x0], $0xffff  }
0x107: {  	v25 =	vadd.s32 v4, v9;
	v14 =	vmul.f32 v14, v21;
	v24 =	vld.idx.msk [tilespmem:v20+s17+$0x0], $0xffff;
	v10 =	vadd.f32 v11, v10  }
0x108: {  	v20 =	vmov s13;
	v11 =	vld.idx.msk [tilespmem:v19+s16+$0x0], $0xffff  }
.Ltmp2:
0x109: {  	v17 =	vadd.s32 v5, v9;
	v13 =	vmul.f32 v13, v15;
	v12 =	vld.idx.msk [tilespmem:v19+s17+$0x0], $0xffff;
	v19 =	vadd.f32 v14, v10;
	(pc) =	sbr.rel @p3 .LBB2_8-.Ltmp2, $4  }
0x10a: {  	v20 =	vshrl.u32 v20, $0x3;
	v10 =	vld.idx.msk [tilespmem:v18+s16+$0x0], $0xffff  }
0x10b: {  	v15 =	vadd.s32 v3, v9;
	v22 =	vmul.f32 v22, v16;
	v14 =	vld.idx.msk [tilespmem:v18+s17+$0x0], $0xffff;
	v19 =	vadd.f32 v13, v19  }
0x10c: {  	v20 =	vshll.u32 v20, $0x3;
	v13 =	vld.idx.msk [tilespmem:v25+s16+$0x0], $0xffff  }
0x10d: {  	s13 =	sadd.s32 $0x8, s13;
	v16 =	vadd.s32 v2, v9;
	v21 =	vmul.f32 v24, v23;
	v18 =	vld.idx.msk [tilespmem:v25+s17+$0x0], $0xffff;
	v19 =	vadd.f32 v22, v19  }
0x10e: {  	_ =	sdelay $0x3  }
0x10f: {  	v22 =	vld.idx.msk [tilespmem:v17+s16+$0x0], $0xffff;
	v11 =	vmul.f32 v12, v11;
	v19 =	vadd.f32 v21, v19  }
0x110: {  	v45 =	vbroadcast v20, $0x0;
	v46 =	vld.idx.msk [tilespmem:v17+s17+$0x0], $0xffff;
	v9 =	vadd.s32 v1, v9  }
0x111: {  	v47 =	vld.idx.msk [tilespmem:v15+s16+$0x0], $0xffff;
	v10 =	vmul.f32 v14, v10;
	v11 =	vadd.f32 v11, v19  }
0x112: {  	v48 =	vld.idx.msk [tilespmem:v15+s17+$0x0], $0xffff;
	v8 =	vor.u32 v8, v45  }
0x113: {  	v49 =	vld.idx.msk [tilespmem:v16+s16+$0x0], $0xffff;
	v50 =	vmul.f32 v18, v13;
	v10 =	vadd.f32 v10, v11  }
0x114: {  	v51 =	vld.idx.msk [tilespmem:v16+s17+$0x0], $0xffff;
	v7 =	vadd.s32 v7, v45  }
0x115: {  	v52 =	vld.idx.msk [tilespmem:v9+s16+$0x0], $0xffff;
	v53 =	vmul.f32 v46, v22;
	v10 =	vadd.f32 v50, v10  }
0x116: {  	v6 =	vadd.s32 v6, v45;
	v9 =	vld.idx.msk [tilespmem:v9+s17+$0x0], $0xffff  }
0x117: {  	v55 =	vmul.f32 v48, v47;
	v54 =	vld.idx.msk [tilespmem:v8+s16+$0x0], $0xffff;
	v10 =	vadd.f32 v53, v10  }
0x118: {  	v4 =	vadd.s32 v4, v45;
	v8 =	vld.idx.msk [tilespmem:v8+s17+$0x0], $0xffff  }
0x119: {  	v57 =	vmul.f32 v51, v49;
	v56 =	vld.idx.msk [tilespmem:v7+s16+$0x0], $0xffff;
	v10 =	vadd.f32 v55, v10  }
0x11a: {  	v5 =	vadd.s32 v5, v45;
	v7 =	vld.idx.msk [tilespmem:v7+s17+$0x0], $0xffff  }
0x11b: {  	v58 =	vld.idx.msk [tilespmem:v6+s16+$0x0], $0xffff;
	v9 =	vmul.f32 v9, v52;
	v10 =	vadd.f32 v57, v10  }
0x11c: {  	v3 =	vadd.s32 v3, v45;
	v6 =	vld.idx.msk [tilespmem:v6+s17+$0x0], $0xffff  }
0x11d: {  	v59 =	vld.idx.msk [tilespmem:v4+s16+$0x0], $0xffff;
	v8 =	vmul.f32 v8, v54;
	v9 =	vadd.f32 v9, v10  }
0x11e: {  	v2 =	vadd.s32 v2, v45;
	v4 =	vld.idx.msk [tilespmem:v4+s17+$0x0], $0xffff  }
0x11f: {  	v60 =	vld.idx.msk [tilespmem:v5+s16+$0x0], $0xffff;
	v7 =	vmul.f32 v7, v56;
	v8 =	vadd.f32 v8, v9  }
0x120: {  	v1 =	vadd.s32 v1, v45;
	v5 =	vld.idx.msk [tilespmem:v5+s17+$0x0], $0xffff  }
0x121: {  	v61 =	vld.idx.msk [tilespmem:v3+s16+$0x0], $0xffff;
	v6 =	vmul.f32 v6, v58;
	v7 =	vadd.f32 v7, v8  }
0x122: {  	v3 =	vld.idx.msk [tilespmem:v3+s17+$0x0], $0xffff  }
0x123: {  	v62 =	vld.idx.msk [tilespmem:v2+s16+$0x0], $0xffff;
	v4 =	vmul.f32 v4, v59;
	v6 =	vadd.f32 v6, v7  }
0x124: {  	v2 =	vld.idx.msk [tilespmem:v2+s17+$0x0], $0xffff  }
0x125: {  	v63 =	vld.idx.msk [tilespmem:v1+s16+$0x0], $0xffff;
	v5 =	vmul.f32 v5, v60;
	v4 =	vadd.f32 v4, v6  }
0x126: {  	v1 =	vld.idx.msk [tilespmem:v1+s17+$0x0], $0xffff  }
0x127: {  	v3 =	vmul.f32 v3, v61;
	v4 =	vadd.f32 v5, v4;
	_ =	sdelay $0x1  }
0x128: {  	s15 =	sadd.s32 $0x1, s15;
	v2 =	vmul.f32 v2, v62;
	v3 =	vadd.f32 v3, v4  }
0x129: {  	p3 =	sne.s32 s15, $0x5  }
.Ltmp3:
0x12a: {  	v1 =	vmul.f32 v1, v63;
	v2 =	vadd.f32 v2, v3;
	(pc) =	sbr.rel @p3 .LBB2_7-.Ltmp3, $3  }
0x12b: {  	_ = 	snop  }
0x12c: {  	v1 =	vadd.f32 v1, v2;
	_ =	sdelay $0x1  }
0x12d: {  	[tilespmem:s31+$0x1DDD0] =	vst v1  }
0x12e: {  	s12 =	rddreg [dreg:$0x1c]  }
0x12f: {  	s12 =	sadd.s32 s24, s12  }
0x130: {  	s12 =	sshrl.u32 s12, $0x3  }
0x131: {  	s13 =	simm.s32 $0x1DDD0;
	s31 =	simm.s32 $0xE;
	s12 =	sadd.s32 s11, s12  }
0x132: {  	[hbm4b:s12+s3] =	stream.linear.scatter [tilespmem:s13], [sflag:$0xA], $0x50, $0x38;
	[tilespmem:$0x1DEC0] =	vst v63  }
0x133: {  	_ =	swait.ge [sflag:s31], $0x50  }
0x134: {  	[sflag:s31] =	ssyncset.done $0x0  }
0x135: {  	s13 =	simm.s32 $0x16;
	[sflag:s31] =	ssyncadd.s32 $0xFFFFFFB0  }
0x136: {  	_ =	swait.ge [sflag:s13], $0x50  }
0x137: {  	[sflag:s13] =	ssyncset.done $0x0  }
0x138: {  	s15 =	simm.s32 $0x138D0;
	[sflag:s13] =	ssyncadd.s32 $0xFFFFFFB0  }
0x139: {  	[tilespmem:s16], [sflag:$0x2] =	stream.indirect.gather [spmem:s1], $0x40, s15, s5, $0xb8;
	[tilespmem:$0x1DEC0] =	vst v63  }
0x13a: {  	s31 =	simm.s32 $0x13B50;
	s13 =	smin.u32 s30, $0xEF  }
0x13b: {  	[tilespmem:s17], [sflag:$0x6] =	stream.indirect.gather [spmem:s2], $0x40, s31, s5, $0xb8;
	[tilespmem:$0x1DEC0] =	vst v63  }
0x13c: {  	s12 =	smul.u32 $0x50, s13;
	_ =	swait.ge [sflag:s4], $0x1400  }
0x13d: {  	[sflag:s4] =	ssyncset.done $0x0  }
0x13e: {  	s12 =	sadd.s32 $0x320, s12;
	[sflag:s4] =	ssyncadd.s32 $0xFFFFEC00  }
0x13f: {  	s15 =	sadd.s32 s10, s12;
	s12 =	sadd.s32 s20, s12;
	_ =	swait.ge [sflag:s14], $0x1400  }
0x140: {  	s13 =	sshrl.u32 s15, $0x3;
	s15 =	simm.s32 $0x13A60;
	[sflag:s14] =	ssyncset.done $0x0  }
0x141: {  	s12 =	sshrl.u32 s12, $0x3;
	s13 =	sadd.s32 s9, s13;
	[sflag:s14] =	ssyncadd.s32 $0xFFFFEC00  }
0x142: {  	[tilespmem:s15], [sflag:$0x13] =	stream.linear.gather [hbm4b:s13+s3], $0x50, $0x38;
	[tilespmem:$0x1DEC0] =	vst v63  }
0x143: {  	s31 =	simm.s32 $0x13CE0;
	s12 =	sadd.s32 s9, s12  }
0x144: {  	[tilespmem:s31], [sflag:$0x1B] =	stream.linear.gather [hbm4b:s12+s3], $0x50, $0x38;
	[tilespmem:$0x1DEC0] =	vst v63  }
0x145: {  	s12 =	simm.s32 @!p2 $0xB  }
0x146: {  	_ =	swait.ge @!p2 [sflag:s12], $0x50  }
0x147: {  	[sflag:s12] =	ssyncset.done @!p2 $0x0  }
0x148: {  	s15 =	simm.s32 $0x0;
	[sflag:s12] =	ssyncadd.s32 @!p2 $0xFFFFFFB0;
	s12 =	simm.s32 $0x0  }
.LBB2_11:
0x149: {  	v1 =	vmov s12  }
0x14a: {  	s31 =	sshll.u32 s15, $0x4;
	v1 =	vshrl.u32 v1, $0x3  }
0x14b: {  	v2 =	vmov s31;
	v1 =	vshll.u32 v1, $0x3  }
0x14c: {  	v2 =	vshll.u32 v2, $0x6;
	v9 =	vbroadcast v1, $0x0  }
0x14d: {  	v8 =	vor.u32 v0, v2  }
0x14e: {  	v1 =	vor.u32 v8, v9  }
0x14f: {  	v7 =	vor.u32 $0x1, v8  }
0x150: {  	v2 =	vadd.s32 v7, v9  }
0x151: {  	v6 =	vor.u32 $0x2, v8  }
0x152: {  	v13 =	vadd.s32 v6, v9  }
0x153: {  	v4 =	vor.u32 $0x3, v8;
	v16 =	vld.idx.msk [tilespmem:v1+s21+$0x0], $0xffff  }
0x154: {  	v22 =	vadd.s32 v4, v9;
	v18 =	vld.idx.msk [tilespmem:v1+s22+$0x0], $0xffff  }
0x155: {  	v5 =	vor.u32 $0x4, v8;
	v11 =	vld.idx.msk [tilespmem:v2+s21+$0x0], $0xffff  }
0x156: {  	s13 =	simm.s32 $0x8;
	v17 =	vadd.s32 v5, v9;
	v12 =	vld.idx.msk [tilespmem:v2+s22+$0x0], $0xffff  }
0x157: {  	v15 =	vmov s13;
	v3 =	vor.u32 $0x5, v8;
	v10 =	vld.idx.msk [tilespmem:v13+s21+$0x0], $0xffff  }
0x158: {  	v20 =	vshrl.u32 v15, $0x3;
	v15 =	vadd.s32 v3, v9;
	v14 =	vld.idx.msk [tilespmem:v13+s22+$0x0], $0xffff  }
0x159: {  	v19 =	vimm.f32 $0.0e+00;
	v20 =	vshll.u32 v20, $0x3;
	v2 =	vor.u32 $0x6, v8;
	v13 =	vld.idx.msk [tilespmem:v22+s21+$0x0], $0xffff  }
0x15a: {  	s13 =	simm.s32 $0x10;
	v1 =	vor.u32 $0x7, v8;
	v21 =	vmul.f32 v18, v16;
	v18 =	vld.idx.msk [tilespmem:v22+s22+$0x0], $0xffff;
	v16 =	vadd.s32 v2, v9  }
.LBB2_12:
0x15b: {  	p3 =	sne.s32 s13, $0x38;
	v20 =	vbroadcast v20, $0x0;
	v22 =	vld.idx.msk [tilespmem:v17+s21+$0x0], $0xffff  }
0x15c: {  	v11 =	vmul.f32 v12, v11;
	v19 =	vadd.f32 v21, v19;
	v12 =	vld.idx.msk [tilespmem:v17+s22+$0x0], $0xffff;
	v17 =	vadd.s32 v1, v9  }
0x15d: {  	v21 =	vld.idx.msk [tilespmem:v15+s21+$0x0], $0xffff;
	v9 =	vmov v20  }
0x15e: {  	v10 =	vmul.f32 v14, v10;
	v20 =	vor.u32 v8, v9;
	v11 =	vadd.f32 v11, v19;
	v14 =	vld.idx.msk [tilespmem:v15+s22+$0x0], $0xffff  }
0x15f: {  	v15 =	vld.idx.msk [tilespmem:v16+s21+$0x0], $0xffff  }
0x160: {  	v19 =	vadd.s32 v7, v9;
	v10 =	vadd.f32 v10, v11;
	v11 =	vmul.f32 v18, v13;
	v13 =	vld.idx.msk [tilespmem:v16+s22+$0x0], $0xffff  }
0x161: {  	v16 =	vld.idx.msk [tilespmem:v17+s21+$0x0], $0xffff  }
0x162: {  	v18 =	vadd.s32 v6, v9;
	v10 =	vadd.f32 v11, v10;
	v11 =	vmul.f32 v12, v22;
	v22 =	vld.idx.msk [tilespmem:v17+s22+$0x0], $0xffff  }
0x163: {  	v23 =	vld.idx.msk [tilespmem:v20+s21+$0x0], $0xffff  }
0x164: {  	v25 =	vadd.s32 v4, v9;
	v14 =	vmul.f32 v14, v21;
	v24 =	vld.idx.msk [tilespmem:v20+s22+$0x0], $0xffff;
	v10 =	vadd.f32 v11, v10  }
0x165: {  	v20 =	vmov s13;
	v11 =	vld.idx.msk [tilespmem:v19+s21+$0x0], $0xffff  }
.Ltmp4:
0x166: {  	v17 =	vadd.s32 v5, v9;
	v13 =	vmul.f32 v13, v15;
	v12 =	vld.idx.msk [tilespmem:v19+s22+$0x0], $0xffff;
	v19 =	vadd.f32 v14, v10;
	(pc) =	sbr.rel @p3 .LBB2_12-.Ltmp4, $4  }
0x167: {  	v20 =	vshrl.u32 v20, $0x3;
	v10 =	vld.idx.msk [tilespmem:v18+s21+$0x0], $0xffff  }
0x168: {  	v15 =	vadd.s32 v3, v9;
	v22 =	vmul.f32 v22, v16;
	v14 =	vld.idx.msk [tilespmem:v18+s22+$0x0], $0xffff;
	v19 =	vadd.f32 v13, v19  }
0x169: {  	v20 =	vshll.u32 v20, $0x3;
	v13 =	vld.idx.msk [tilespmem:v25+s21+$0x0], $0xffff  }
0x16a: {  	s13 =	sadd.s32 $0x8, s13;
	v16 =	vadd.s32 v2, v9;
	v21 =	vmul.f32 v24, v23;
	v18 =	vld.idx.msk [tilespmem:v25+s22+$0x0], $0xffff;
	v19 =	vadd.f32 v22, v19  }
0x16b: {  	_ =	sdelay $0x3  }
0x16c: {  	v22 =	vld.idx.msk [tilespmem:v17+s21+$0x0], $0xffff;
	v11 =	vmul.f32 v12, v11;
	v19 =	vadd.f32 v21, v19  }
0x16d: {  	v45 =	vbroadcast v20, $0x0;
	v46 =	vld.idx.msk [tilespmem:v17+s22+$0x0], $0xffff;
	v9 =	vadd.s32 v1, v9  }
0x16e: {  	v47 =	vld.idx.msk [tilespmem:v15+s21+$0x0], $0xffff;
	v10 =	vmul.f32 v14, v10;
	v11 =	vadd.f32 v11, v19  }
0x16f: {  	v48 =	vld.idx.msk [tilespmem:v15+s22+$0x0], $0xffff;
	v8 =	vor.u32 v8, v45  }
0x170: {  	v49 =	vld.idx.msk [tilespmem:v16+s21+$0x0], $0xffff;
	v50 =	vmul.f32 v18, v13;
	v10 =	vadd.f32 v10, v11  }
0x171: {  	v51 =	vld.idx.msk [tilespmem:v16+s22+$0x0], $0xffff;
	v7 =	vadd.s32 v7, v45  }
0x172: {  	v52 =	vld.idx.msk [tilespmem:v9+s21+$0x0], $0xffff;
	v53 =	vmul.f32 v46, v22;
	v10 =	vadd.f32 v50, v10  }
0x173: {  	v6 =	vadd.s32 v6, v45;
	v9 =	vld.idx.msk [tilespmem:v9+s22+$0x0], $0xffff  }
0x174: {  	v55 =	vmul.f32 v48, v47;
	v54 =	vld.idx.msk [tilespmem:v8+s21+$0x0], $0xffff;
	v10 =	vadd.f32 v53, v10  }
0x175: {  	v4 =	vadd.s32 v4, v45;
	v8 =	vld.idx.msk [tilespmem:v8+s22+$0x0], $0xffff  }
0x176: {  	v57 =	vmul.f32 v51, v49;
	v56 =	vld.idx.msk [tilespmem:v7+s21+$0x0], $0xffff;
	v10 =	vadd.f32 v55, v10  }
0x177: {  	v5 =	vadd.s32 v5, v45;
	v7 =	vld.idx.msk [tilespmem:v7+s22+$0x0], $0xffff  }
0x178: {  	v58 =	vld.idx.msk [tilespmem:v6+s21+$0x0], $0xffff;
	v9 =	vmul.f32 v9, v52;
	v10 =	vadd.f32 v57, v10  }
0x179: {  	v3 =	vadd.s32 v3, v45;
	v6 =	vld.idx.msk [tilespmem:v6+s22+$0x0], $0xffff  }
0x17a: {  	v59 =	vld.idx.msk [tilespmem:v4+s21+$0x0], $0xffff;
	v8 =	vmul.f32 v8, v54;
	v9 =	vadd.f32 v9, v10  }
0x17b: {  	v2 =	vadd.s32 v2, v45;
	v4 =	vld.idx.msk [tilespmem:v4+s22+$0x0], $0xffff  }
0x17c: {  	v60 =	vld.idx.msk [tilespmem:v5+s21+$0x0], $0xffff;
	v7 =	vmul.f32 v7, v56;
	v8 =	vadd.f32 v8, v9  }
0x17d: {  	v1 =	vadd.s32 v1, v45;
	v5 =	vld.idx.msk [tilespmem:v5+s22+$0x0], $0xffff  }
0x17e: {  	v61 =	vld.idx.msk [tilespmem:v3+s21+$0x0], $0xffff;
	v6 =	vmul.f32 v6, v58;
	v7 =	vadd.f32 v7, v8  }
0x17f: {  	v3 =	vld.idx.msk [tilespmem:v3+s22+$0x0], $0xffff  }
0x180: {  	v62 =	vld.idx.msk [tilespmem:v2+s21+$0x0], $0xffff;
	v4 =	vmul.f32 v4, v59;
	v6 =	vadd.f32 v6, v7  }
0x181: {  	v2 =	vld.idx.msk [tilespmem:v2+s22+$0x0], $0xffff  }
0x182: {  	v63 =	vld.idx.msk [tilespmem:v1+s21+$0x0], $0xffff;
	v5 =	vmul.f32 v5, v60;
	v4 =	vadd.f32 v4, v6  }
0x183: {  	v1 =	vld.idx.msk [tilespmem:v1+s22+$0x0], $0xffff  }
0x184: {  	v3 =	vmul.f32 v3, v61;
	v4 =	vadd.f32 v5, v4;
	_ =	sdelay $0x1  }
0x185: {  	s15 =	sadd.s32 $0x1, s15;
	v2 =	vmul.f32 v2, v62;
	v3 =	vadd.f32 v3, v4  }
0x186: {  	p3 =	sne.s32 s15, $0x5  }
.Ltmp5:
0x187: {  	v1 =	vmul.f32 v1, v63;
	v2 =	vadd.f32 v2, v3;
	(pc) =	sbr.rel @p3 .LBB2_11-.Ltmp5, $3  }
0x188: {  	_ = 	snop  }
0x189: {  	v1 =	vadd.f32 v1, v2;
	_ =	sdelay $0x1  }
0x18a: {  	[tilespmem:s31+$0x1DE20] =	vst v1  }
0x18b: {  	s12 =	rddreg [dreg:$0x1d]  }
0x18c: {  	s12 =	sadd.s32 s24, s12  }
0x18d: {  	s12 =	sshrl.u32 s12, $0x3  }
0x18e: {  	s13 =	simm.s32 $0x1DE20;
	s31 =	simm.s32 $0xF;
	s12 =	sadd.s32 s11, s12  }
0x18f: {  	[hbm4b:s12+s3] =	stream.linear.scatter [tilespmem:s13], [sflag:$0xB], $0x50, $0x38;
	[tilespmem:$0x1DEC0] =	vst v63  }
0x190: {  	_ =	swait.ge [sflag:s31], $0x50  }
0x191: {  	[sflag:s31] =	ssyncset.done $0x0  }
0x192: {  	s13 =	simm.s32 $0x17;
	[sflag:s31] =	ssyncadd.s32 $0xFFFFFFB0  }
0x193: {  	_ =	swait.ge [sflag:s13], $0x50  }
0x194: {  	[sflag:s13] =	ssyncset.done $0x0  }
0x195: {  	s15 =	simm.s32 $0x13920;
	[sflag:s13] =	ssyncadd.s32 $0xFFFFFFB0  }
0x196: {  	[tilespmem:s21], [sflag:$0x3] =	stream.indirect.gather [spmem:s1], $0x40, s15, s5, $0xb8;
	[tilespmem:$0x1DEC0] =	vst v63  }
0x197: {  	s31 =	simm.s32 $0x13BA0;
	s13 =	smin.u32 s30, $0xEE  }
0x198: {  	[tilespmem:s22], [sflag:$0x7] =	stream.indirect.gather [spmem:s2], $0x40, s31, s5, $0xb8;
	[tilespmem:$0x1DEC0] =	vst v63  }
0x199: {  	s12 =	smul.u32 $0x50, s13;
	_ =	swait.ge [sflag:s19], $0x1400  }
0x19a: {  	[sflag:s19] =	ssyncset.done $0x0  }
0x19b: {  	s12 =	sadd.s32 $0x370, s12;
	[sflag:s19] =	ssyncadd.s32 $0xFFFFEC00  }
0x19c: {  	s15 =	sadd.s32 s10, s12;
	s12 =	sadd.s32 s20, s12;
	_ =	swait.ge [sflag:s23], $0x1400  }
0x19d: {  	s13 =	sshrl.u32 s15, $0x3;
	s15 =	simm.s32 $0x13AB0;
	[sflag:s23] =	ssyncset.done $0x0  }
0x19e: {  	s12 =	sshrl.u32 s12, $0x3;
	s13 =	sadd.s32 s9, s13;
	[sflag:s23] =	ssyncadd.s32 $0xFFFFEC00  }
0x19f: {  	[tilespmem:s15], [sflag:$0x14] =	stream.linear.gather [hbm4b:s13+s3], $0x50, $0x38;
	[tilespmem:$0x1DEC0] =	vst v63  }
0x1a0: {  	s31 =	simm.s32 $0x13D30;
	s12 =	sadd.s32 s9, s12  }
0x1a1: {  	[tilespmem:s31], [sflag:$0x1C] =	stream.linear.gather [hbm4b:s12+s3], $0x50, $0x38;
	[tilespmem:$0x1DEC0] =	vst v63  }
0x1a2: {  	s12 =	simm.s32 @!p2 $0xC  }
0x1a3: {  	_ =	swait.ge @!p2 [sflag:s12], $0x50  }
0x1a4: {  	[sflag:s12] =	ssyncset.done @!p2 $0x0  }
0x1a5: {  	s15 =	simm.s32 $0x0;
	[sflag:s12] =	ssyncadd.s32 @!p2 $0xFFFFFFB0;
	s12 =	simm.s32 $0x0  }
.LBB2_15:
0x1a6: {  	v1 =	vmov s12  }
0x1a7: {  	s31 =	sshll.u32 s15, $0x4;
	v1 =	vshrl.u32 v1, $0x3  }
0x1a8: {  	v2 =	vmov s31;
	v1 =	vshll.u32 v1, $0x3  }
0x1a9: {  	v2 =	vshll.u32 v2, $0x6;
	v9 =	vbroadcast v1, $0x0  }
0x1aa: {  	v8 =	vor.u32 v0, v2  }
0x1ab: {  	v1 =	vor.u32 v8, v9  }
0x1ac: {  	v7 =	vor.u32 $0x1, v8  }
0x1ad: {  	v2 =	vadd.s32 v7, v9  }
0x1ae: {  	v6 =	vor.u32 $0x2, v8  }
0x1af: {  	v13 =	vadd.s32 v6, v9  }
0x1b0: {  	v4 =	vor.u32 $0x3, v8;
	v16 =	vld.idx.msk [tilespmem:v1+s25+$0x0], $0xffff  }
0x1b1: {  	v22 =	vadd.s32 v4, v9;
	v18 =	vld.idx.msk [tilespmem:v1+s26+$0x0], $0xffff  }
0x1b2: {  	v5 =	vor.u32 $0x4, v8;
	v11 =	vld.idx.msk [tilespmem:v2+s25+$0x0], $0xffff  }
0x1b3: {  	s13 =	simm.s32 $0x8;
	v17 =	vadd.s32 v5, v9;
	v12 =	vld.idx.msk [tilespmem:v2+s26+$0x0], $0xffff  }
0x1b4: {  	v15 =	vmov s13;
	v3 =	vor.u32 $0x5, v8;
	v10 =	vld.idx.msk [tilespmem:v13+s25+$0x0], $0xffff  }
0x1b5: {  	v20 =	vshrl.u32 v15, $0x3;
	v15 =	vadd.s32 v3, v9;
	v14 =	vld.idx.msk [tilespmem:v13+s26+$0x0], $0xffff  }
0x1b6: {  	v19 =	vimm.f32 $0.0e+00;
	v20 =	vshll.u32 v20, $0x3;
	v2 =	vor.u32 $0x6, v8;
	v13 =	vld.idx.msk [tilespmem:v22+s25+$0x0], $0xffff  }
0x1b7: {  	s13 =	simm.s32 $0x10;
	v1 =	vor.u32 $0x7, v8;
	v21 =	vmul.f32 v18, v16;
	v18 =	vld.idx.msk [tilespmem:v22+s26+$0x0], $0xffff;
	v16 =	vadd.s32 v2, v9  }
.LBB2_16:
0x1b8: {  	p2 =	sne.s32 s13, $0x38;
	v20 =	vbroadcast v20, $0x0;
	v22 =	vld.idx.msk [tilespmem:v17+s25+$0x0], $0xffff  }
0x1b9: {  	v11 =	vmul.f32 v12, v11;
	v19 =	vadd.f32 v21, v19;
	v12 =	vld.idx.msk [tilespmem:v17+s26+$0x0], $0xffff;
	v17 =	vadd.s32 v1, v9  }
0x1ba: {  	v21 =	vld.idx.msk [tilespmem:v15+s25+$0x0], $0xffff;
	v9 =	vmov v20  }
0x1bb: {  	v10 =	vmul.f32 v14, v10;
	v20 =	vor.u32 v8, v9;
	v11 =	vadd.f32 v11, v19;
	v14 =	vld.idx.msk [tilespmem:v15+s26+$0x0], $0xffff  }
0x1bc: {  	v15 =	vld.idx.msk [tilespmem:v16+s25+$0x0], $0xffff  }
0x1bd: {  	v19 =	vadd.s32 v7, v9;
	v10 =	vadd.f32 v10, v11;
	v11 =	vmul.f32 v18, v13;
	v13 =	vld.idx.msk [tilespmem:v16+s26+$0x0], $0xffff  }
0x1be: {  	v16 =	vld.idx.msk [tilespmem:v17+s25+$0x0], $0xffff  }
0x1bf: {  	v18 =	vadd.s32 v6, v9;
	v10 =	vadd.f32 v11, v10;
	v11 =	vmul.f32 v12, v22;
	v22 =	vld.idx.msk [tilespmem:v17+s26+$0x0], $0xffff  }
0x1c0: {  	v23 =	vld.idx.msk [tilespmem:v20+s25+$0x0], $0xffff  }
0x1c1: {  	v25 =	vadd.s32 v4, v9;
	v14 =	vmul.f32 v14, v21;
	v24 =	vld.idx.msk [tilespmem:v20+s26+$0x0], $0xffff;
	v10 =	vadd.f32 v11, v10  }
0x1c2: {  	v20 =	vmov s13;
	v11 =	vld.idx.msk [tilespmem:v19+s25+$0x0], $0xffff  }
.Ltmp6:
0x1c3: {  	v17 =	vadd.s32 v5, v9;
	v13 =	vmul.f32 v13, v15;
	v12 =	vld.idx.msk [tilespmem:v19+s26+$0x0], $0xffff;
	v19 =	vadd.f32 v14, v10;
	(pc) =	sbr.rel @p2 .LBB2_16-.Ltmp6, $4  }
0x1c4: {  	v20 =	vshrl.u32 v20, $0x3;
	v10 =	vld.idx.msk [tilespmem:v18+s25+$0x0], $0xffff  }
0x1c5: {  	v15 =	vadd.s32 v3, v9;
	v22 =	vmul.f32 v22, v16;
	v14 =	vld.idx.msk [tilespmem:v18+s26+$0x0], $0xffff;
	v19 =	vadd.f32 v13, v19  }
0x1c6: {  	v20 =	vshll.u32 v20, $0x3;
	v13 =	vld.idx.msk [tilespmem:v25+s25+$0x0], $0xffff  }
0x1c7: {  	s13 =	sadd.s32 $0x8, s13;
	v16 =	vadd.s32 v2, v9;
	v21 =	vmul.f32 v24, v23;
	v18 =	vld.idx.msk [tilespmem:v25+s26+$0x0], $0xffff;
	v19 =	vadd.f32 v22, v19  }
0x1c8: {  	_ =	sdelay $0x3  }
0x1c9: {  	v22 =	vld.idx.msk [tilespmem:v17+s25+$0x0], $0xffff;
	v11 =	vmul.f32 v12, v11;
	v19 =	vadd.f32 v21, v19  }
0x1ca: {  	v45 =	vbroadcast v20, $0x0;
	v46 =	vld.idx.msk [tilespmem:v17+s26+$0x0], $0xffff;
	v9 =	vadd.s32 v1, v9  }
0x1cb: {  	v47 =	vld.idx.msk [tilespmem:v15+s25+$0x0], $0xffff;
	v10 =	vmul.f32 v14, v10;
	v11 =	vadd.f32 v11, v19  }
0x1cc: {  	v48 =	vld.idx.msk [tilespmem:v15+s26+$0x0], $0xffff;
	v8 =	vor.u32 v8, v45  }
0x1cd: {  	v49 =	vld.idx.msk [tilespmem:v16+s25+$0x0], $0xffff;
	v50 =	vmul.f32 v18, v13;
	v10 =	vadd.f32 v10, v11  }
0x1ce: {  	v51 =	vld.idx.msk [tilespmem:v16+s26+$0x0], $0xffff;
	v7 =	vadd.s32 v7, v45  }
0x1cf: {  	v52 =	vld.idx.msk [tilespmem:v9+s25+$0x0], $0xffff;
	v53 =	vmul.f32 v46, v22;
	v10 =	vadd.f32 v50, v10  }
0x1d0: {  	v6 =	vadd.s32 v6, v45;
	v9 =	vld.idx.msk [tilespmem:v9+s26+$0x0], $0xffff  }
0x1d1: {  	v55 =	vmul.f32 v48, v47;
	v54 =	vld.idx.msk [tilespmem:v8+s25+$0x0], $0xffff;
	v10 =	vadd.f32 v53, v10  }
0x1d2: {  	v4 =	vadd.s32 v4, v45;
	v8 =	vld.idx.msk [tilespmem:v8+s26+$0x0], $0xffff  }
0x1d3: {  	v57 =	vmul.f32 v51, v49;
	v56 =	vld.idx.msk [tilespmem:v7+s25+$0x0], $0xffff;
	v10 =	vadd.f32 v55, v10  }
0x1d4: {  	v5 =	vadd.s32 v5, v45;
	v7 =	vld.idx.msk [tilespmem:v7+s26+$0x0], $0xffff  }
0x1d5: {  	v58 =	vld.idx.msk [tilespmem:v6+s25+$0x0], $0xffff;
	v9 =	vmul.f32 v9, v52;
	v10 =	vadd.f32 v57, v10  }
0x1d6: {  	v3 =	vadd.s32 v3, v45;
	v6 =	vld.idx.msk [tilespmem:v6+s26+$0x0], $0xffff  }
0x1d7: {  	v59 =	vld.idx.msk [tilespmem:v4+s25+$0x0], $0xffff;
	v8 =	vmul.f32 v8, v54;
	v9 =	vadd.f32 v9, v10  }
0x1d8: {  	v2 =	vadd.s32 v2, v45;
	v4 =	vld.idx.msk [tilespmem:v4+s26+$0x0], $0xffff  }
0x1d9: {  	v60 =	vld.idx.msk [tilespmem:v5+s25+$0x0], $0xffff;
	v7 =	vmul.f32 v7, v56;
	v8 =	vadd.f32 v8, v9  }
0x1da: {  	v1 =	vadd.s32 v1, v45;
	v5 =	vld.idx.msk [tilespmem:v5+s26+$0x0], $0xffff  }
0x1db: {  	v61 =	vld.idx.msk [tilespmem:v3+s25+$0x0], $0xffff;
	v6 =	vmul.f32 v6, v58;
	v7 =	vadd.f32 v7, v8  }
0x1dc: {  	v3 =	vld.idx.msk [tilespmem:v3+s26+$0x0], $0xffff  }
0x1dd: {  	v62 =	vld.idx.msk [tilespmem:v2+s25+$0x0], $0xffff;
	v4 =	vmul.f32 v4, v59;
	v6 =	vadd.f32 v6, v7  }
0x1de: {  	v2 =	vld.idx.msk [tilespmem:v2+s26+$0x0], $0xffff  }
0x1df: {  	v63 =	vld.idx.msk [tilespmem:v1+s25+$0x0], $0xffff;
	v5 =	vmul.f32 v5, v60;
	v4 =	vadd.f32 v4, v6  }
0x1e0: {  	v1 =	vld.idx.msk [tilespmem:v1+s26+$0x0], $0xffff  }
0x1e1: {  	v3 =	vmul.f32 v3, v61;
	v4 =	vadd.f32 v5, v4;
	_ =	sdelay $0x1  }
0x1e2: {  	s15 =	sadd.s32 $0x1, s15;
	v2 =	vmul.f32 v2, v62;
	v3 =	vadd.f32 v3, v4  }
0x1e3: {  	p2 =	sne.s32 s15, $0x5  }
.Ltmp7:
0x1e4: {  	v1 =	vmul.f32 v1, v63;
	v2 =	vadd.f32 v2, v3;
	(pc) =	sbr.rel @p2 .LBB2_15-.Ltmp7, $3  }
0x1e5: {  	_ = 	snop  }
0x1e6: {  	v1 =	vadd.f32 v1, v2;
	_ =	sdelay $0x1  }
0x1e7: {  	[tilespmem:s31+$0x1DE70] =	vst v1  }
0x1e8: {  	s12 =	rddreg [dreg:$0x1e]  }
0x1e9: {  	s12 =	sadd.s32 s24, s12  }
0x1ea: {  	s12 =	sshrl.u32 s12, $0x3  }
0x1eb: {  	s15 =	simm.s32 $0x1DE70;
	s13 =	sadd.s32 s11, s12;
	s12 =	simm.s32 $0x0  }
0x1ec: {  	[hbm4b:s13+s12] =	stream.linear.scatter [tilespmem:s15], [sflag:$0xC], $0x50, $0x38;
	[tilespmem:$0x1DEC0] =	vst v63  }
0x1ed: {  	s15 =	simm.s32 $0x10  }
0x1ee: {  	_ =	swait.ge [sflag:s15], $0x50  }
0x1ef: {  	[sflag:s15] =	ssyncset.done $0x0  }
0x1f0: {  	s31 =	simm.s32 $0x18;
	[sflag:s15] =	ssyncadd.s32 $0xFFFFFFB0  }
0x1f1: {  	_ =	swait.ge [sflag:s31], $0x50  }
0x1f2: {  	[sflag:s31] =	ssyncset.done $0x0  }
0x1f3: {  	s15 =	simm.s32 $0x13970;
	[sflag:s31] =	ssyncadd.s32 $0xFFFFFFB0  }
0x1f4: {  	[tilespmem:s25], [sflag:$0x4] =	stream.indirect.gather [spmem:s1], $0x40, s15, s5, $0xb8;
	[tilespmem:$0x1DEC0] =	vst v63  }
0x1f5: {  	s31 =	simm.s32 $0x13BF0;
	s15 =	smin.u32 s30, $0xED  }
0x1f6: {  	[tilespmem:s26], [sflag:$0x8] =	stream.indirect.gather [spmem:s2], $0x40, s31, s5, $0xb8;
	[tilespmem:$0x1DEC0] =	vst v63  }
0x1f7: {  	s13 =	smul.u32 $0x50, s15;
	_ =	swait.ge [sflag:s28], $0x1400  }
0x1f8: {  	[sflag:s28] =	ssyncset.done $0x0  }
0x1f9: {  	s13 =	sadd.s32 $0x3C0, s13;
	[sflag:s28] =	ssyncadd.s32 $0xFFFFEC00  }
0x1fa: {  	s31 =	sadd.s32 s10, s13;
	s13 =	sadd.s32 s20, s13;
	_ =	swait.ge [sflag:s29], $0x1400  }
0x1fb: {  	s15 =	sshrl.u32 s31, $0x3;
	s31 =	simm.s32 $0x13880;
	[sflag:s29] =	ssyncset.done $0x0  }
0x1fc: {  	s13 =	sshrl.u32 s13, $0x3;
	s15 =	sadd.s32 s9, s15;
	[sflag:s29] =	ssyncadd.s32 $0xFFFFEC00  }
0x1fd: {  	[tilespmem:s31], [sflag:$0xD] =	stream.linear.gather [hbm4b:s15+s12], $0x50, $0x38;
	[tilespmem:$0x1DEC0] =	vst v63  }
0x1fe: {  	s13 =	sadd.s32 s9, s13;
	s31 =	simm.s32 $0x13B00  }
0x1ff: {  	[tilespmem:s31], [sflag:$0x15] =	stream.linear.gather [hbm4b:s13+s12], $0x50, $0x38;
	[tilespmem:$0x1DEC0] =	vst v63  }
0x200: {  	s31 =	simm.s32 $0x9  }
0x201: {  	_ =	swait.ge [sflag:s31], $0x50  }
0x202: {  	[sflag:s31] =	ssyncset.done $0x0  }
0x203: {  	s15 =	simm.s32 $0x0;
	[sflag:s31] =	ssyncadd.s32 $0xFFFFFFB0  }
.LBB2_19:
0x204: {  	v1 =	vmov s12  }
0x205: {  	s31 =	sshll.u32 s15, $0x4;
	v1 =	vshrl.u32 v1, $0x3  }
0x206: {  	v2 =	vmov s31;
	v1 =	vshll.u32 v1, $0x3  }
0x207: {  	v2 =	vshll.u32 v2, $0x6;
	v9 =	vbroadcast v1, $0x0  }
0x208: {  	v8 =	vor.u32 v0, v2  }
0x209: {  	v1 =	vor.u32 v8, v9  }
0x20a: {  	v7 =	vor.u32 $0x1, v8  }
0x20b: {  	v2 =	vadd.s32 v7, v9  }
0x20c: {  	v6 =	vor.u32 $0x2, v8  }
0x20d: {  	v13 =	vadd.s32 v6, v9  }
0x20e: {  	v4 =	vor.u32 $0x3, v8;
	v16 =	vld.idx.msk [tilespmem:v1+s7+$0x0], $0xffff  }
0x20f: {  	v22 =	vadd.s32 v4, v9;
	v18 =	vld.idx.msk [tilespmem:v1+s8+$0x0], $0xffff  }
0x210: {  	v5 =	vor.u32 $0x4, v8;
	v11 =	vld.idx.msk [tilespmem:v2+s7+$0x0], $0xffff  }
0x211: {  	s13 =	simm.s32 $0x8;
	v17 =	vadd.s32 v5, v9;
	v12 =	vld.idx.msk [tilespmem:v2+s8+$0x0], $0xffff  }
0x212: {  	v15 =	vmov s13;
	v3 =	vor.u32 $0x5, v8;
	v10 =	vld.idx.msk [tilespmem:v13+s7+$0x0], $0xffff  }
0x213: {  	v20 =	vshrl.u32 v15, $0x3;
	v15 =	vadd.s32 v3, v9;
	v14 =	vld.idx.msk [tilespmem:v13+s8+$0x0], $0xffff  }
0x214: {  	v19 =	vimm.f32 $0.0e+00;
	v20 =	vshll.u32 v20, $0x3;
	v2 =	vor.u32 $0x6, v8;
	v13 =	vld.idx.msk [tilespmem:v22+s7+$0x0], $0xffff  }
0x215: {  	s13 =	simm.s32 $0x10;
	v1 =	vor.u32 $0x7, v8;
	v21 =	vmul.f32 v18, v16;
	v18 =	vld.idx.msk [tilespmem:v22+s8+$0x0], $0xffff;
	v16 =	vadd.s32 v2, v9  }
.LBB2_20:
0x216: {  	p2 =	sne.s32 s13, $0x38;
	v20 =	vbroadcast v20, $0x0;
	v22 =	vld.idx.msk [tilespmem:v17+s7+$0x0], $0xffff  }
0x217: {  	v11 =	vmul.f32 v12, v11;
	v19 =	vadd.f32 v21, v19;
	v12 =	vld.idx.msk [tilespmem:v17+s8+$0x0], $0xffff;
	v17 =	vadd.s32 v1, v9  }
0x218: {  	v21 =	vld.idx.msk [tilespmem:v15+s7+$0x0], $0xffff;
	v9 =	vmov v20  }
0x219: {  	v10 =	vmul.f32 v14, v10;
	v20 =	vor.u32 v8, v9;
	v11 =	vadd.f32 v11, v19;
	v14 =	vld.idx.msk [tilespmem:v15+s8+$0x0], $0xffff  }
0x21a: {  	v15 =	vld.idx.msk [tilespmem:v16+s7+$0x0], $0xffff  }
0x21b: {  	v19 =	vadd.s32 v7, v9;
	v10 =	vadd.f32 v10, v11;
	v11 =	vmul.f32 v18, v13;
	v13 =	vld.idx.msk [tilespmem:v16+s8+$0x0], $0xffff  }
0x21c: {  	v16 =	vld.idx.msk [tilespmem:v17+s7+$0x0], $0xffff  }
0x21d: {  	v18 =	vadd.s32 v6, v9;
	v10 =	vadd.f32 v11, v10;
	v11 =	vmul.f32 v12, v22;
	v22 =	vld.idx.msk [tilespmem:v17+s8+$0x0], $0xffff  }
0x21e: {  	v23 =	vld.idx.msk [tilespmem:v20+s7+$0x0], $0xffff  }
0x21f: {  	v25 =	vadd.s32 v4, v9;
	v14 =	vmul.f32 v14, v21;
	v24 =	vld.idx.msk [tilespmem:v20+s8+$0x0], $0xffff;
	v10 =	vadd.f32 v11, v10  }
0x220: {  	v20 =	vmov s13;
	v11 =	vld.idx.msk [tilespmem:v19+s7+$0x0], $0xffff  }
.Ltmp8:
0x221: {  	v17 =	vadd.s32 v5, v9;
	v13 =	vmul.f32 v13, v15;
	v12 =	vld.idx.msk [tilespmem:v19+s8+$0x0], $0xffff;
	v19 =	vadd.f32 v14, v10;
	(pc) =	sbr.rel @p2 .LBB2_20-.Ltmp8, $4  }
0x222: {  	v20 =	vshrl.u32 v20, $0x3;
	v10 =	vld.idx.msk [tilespmem:v18+s7+$0x0], $0xffff  }
0x223: {  	v15 =	vadd.s32 v3, v9;
	v22 =	vmul.f32 v22, v16;
	v14 =	vld.idx.msk [tilespmem:v18+s8+$0x0], $0xffff;
	v19 =	vadd.f32 v13, v19  }
0x224: {  	v20 =	vshll.u32 v20, $0x3;
	v13 =	vld.idx.msk [tilespmem:v25+s7+$0x0], $0xffff  }
0x225: {  	s13 =	sadd.s32 $0x8, s13;
	v16 =	vadd.s32 v2, v9;
	v21 =	vmul.f32 v24, v23;
	v18 =	vld.idx.msk [tilespmem:v25+s8+$0x0], $0xffff;
	v19 =	vadd.f32 v22, v19  }
0x226: {  	_ =	sdelay $0x3  }
0x227: {  	v22 =	vld.idx.msk [tilespmem:v17+s7+$0x0], $0xffff;
	v11 =	vmul.f32 v12, v11;
	v19 =	vadd.f32 v21, v19  }
0x228: {  	v45 =	vbroadcast v20, $0x0;
	v46 =	vld.idx.msk [tilespmem:v17+s8+$0x0], $0xffff;
	v9 =	vadd.s32 v1, v9  }
0x229: {  	v47 =	vld.idx.msk [tilespmem:v15+s7+$0x0], $0xffff;
	v10 =	vmul.f32 v14, v10;
	v11 =	vadd.f32 v11, v19  }
0x22a: {  	v48 =	vld.idx.msk [tilespmem:v15+s8+$0x0], $0xffff;
	v8 =	vor.u32 v8, v45  }
0x22b: {  	v49 =	vld.idx.msk [tilespmem:v16+s7+$0x0], $0xffff;
	v50 =	vmul.f32 v18, v13;
	v10 =	vadd.f32 v10, v11  }
0x22c: {  	v51 =	vld.idx.msk [tilespmem:v16+s8+$0x0], $0xffff;
	v7 =	vadd.s32 v7, v45  }
0x22d: {  	v52 =	vld.idx.msk [tilespmem:v9+s7+$0x0], $0xffff;
	v53 =	vmul.f32 v46, v22;
	v10 =	vadd.f32 v50, v10  }
0x22e: {  	v6 =	vadd.s32 v6, v45;
	v9 =	vld.idx.msk [tilespmem:v9+s8+$0x0], $0xffff  }
0x22f: {  	v55 =	vmul.f32 v48, v47;
	v54 =	vld.idx.msk [tilespmem:v8+s7+$0x0], $0xffff;
	v10 =	vadd.f32 v53, v10  }
0x230: {  	v4 =	vadd.s32 v4, v45;
	v8 =	vld.idx.msk [tilespmem:v8+s8+$0x0], $0xffff  }
0x231: {  	v57 =	vmul.f32 v51, v49;
	v56 =	vld.idx.msk [tilespmem:v7+s7+$0x0], $0xffff;
	v10 =	vadd.f32 v55, v10  }
0x232: {  	v5 =	vadd.s32 v5, v45;
	v7 =	vld.idx.msk [tilespmem:v7+s8+$0x0], $0xffff  }
0x233: {  	v58 =	vld.idx.msk [tilespmem:v6+s7+$0x0], $0xffff;
	v9 =	vmul.f32 v9, v52;
	v10 =	vadd.f32 v57, v10  }
0x234: {  	v3 =	vadd.s32 v3, v45;
	v6 =	vld.idx.msk [tilespmem:v6+s8+$0x0], $0xffff  }
0x235: {  	v59 =	vld.idx.msk [tilespmem:v4+s7+$0x0], $0xffff;
	v8 =	vmul.f32 v8, v54;
	v9 =	vadd.f32 v9, v10  }
0x236: {  	v2 =	vadd.s32 v2, v45;
	v4 =	vld.idx.msk [tilespmem:v4+s8+$0x0], $0xffff  }
0x237: {  	v60 =	vld.idx.msk [tilespmem:v5+s7+$0x0], $0xffff;
	v7 =	vmul.f32 v7, v56;
	v8 =	vadd.f32 v8, v9  }
0x238: {  	v1 =	vadd.s32 v1, v45;
	v5 =	vld.idx.msk [tilespmem:v5+s8+$0x0], $0xffff  }
0x239: {  	v61 =	vld.idx.msk [tilespmem:v3+s7+$0x0], $0xffff;
	v6 =	vmul.f32 v6, v58;
	v7 =	vadd.f32 v7, v8  }
0x23a: {  	v3 =	vld.idx.msk [tilespmem:v3+s8+$0x0], $0xffff  }
0x23b: {  	v62 =	vld.idx.msk [tilespmem:v2+s7+$0x0], $0xffff;
	v4 =	vmul.f32 v4, v59;
	v6 =	vadd.f32 v6, v7  }
0x23c: {  	v2 =	vld.idx.msk [tilespmem:v2+s8+$0x0], $0xffff  }
0x23d: {  	v63 =	vld.idx.msk [tilespmem:v1+s7+$0x0], $0xffff;
	v5 =	vmul.f32 v5, v60;
	v4 =	vadd.f32 v4, v6  }
0x23e: {  	v1 =	vld.idx.msk [tilespmem:v1+s8+$0x0], $0xffff  }
0x23f: {  	v3 =	vmul.f32 v3, v61;
	v4 =	vadd.f32 v5, v4;
	_ =	sdelay $0x1  }
0x240: {  	s15 =	sadd.s32 $0x1, s15;
	v2 =	vmul.f32 v2, v62;
	v3 =	vadd.f32 v3, v4  }
0x241: {  	p2 =	sne.s32 s15, $0x5  }
.Ltmp9:
0x242: {  	v1 =	vmul.f32 v1, v63;
	v2 =	vadd.f32 v2, v3;
	(pc) =	sbr.rel @p2 .LBB2_19-.Ltmp9, $3  }
0x243: {  	_ = 	snop  }
0x244: {  	v1 =	vadd.f32 v1, v2;
	_ =	sdelay $0x1  }
0x245: {  	[tilespmem:s31+$0x1DD80] =	vst v1  }
0x246: {  	s12 =	rddreg [dreg:$0x1f]  }
0x247: {  	s12 =	sadd.s32 s24, s12  }
0x248: {  	s12 =	sshrl.u32 s12, $0x3  }
0x249: {  	s15 =	simm.s32 $0x1DD80;
	s13 =	sadd.s32 s11, s12;
	s12 =	simm.s32 $0x0  }
0x24a: {  	[hbm4b:s13+s12] =	stream.linear.scatter [tilespmem:s15], [sflag:$0x9], $0x50, $0x38;
	[tilespmem:$0x1DEC0] =	vst v63  }
0x24b: {  	s15 =	simm.s32 $0x11  }
0x24c: {  	_ =	swait.ge [sflag:s15], $0x50  }
0x24d: {  	[sflag:s15] =	ssyncset.done $0x0  }
0x24e: {  	s31 =	simm.s32 $0x19;
	[sflag:s15] =	ssyncadd.s32 $0xFFFFFFB0  }
0x24f: {  	_ =	swait.ge [sflag:s31], $0x50  }
0x250: {  	[sflag:s31] =	ssyncset.done $0x0  }
0x251: {  	s15 =	simm.s32 $0x139C0;
	[sflag:s31] =	ssyncadd.s32 $0xFFFFFFB0  }
0x252: {  	[tilespmem:s7], [sflag:$0x1] =	stream.indirect.gather [spmem:s1], $0x40, s15, s5, $0xb8;
	[tilespmem:$0x1DEC0] =	vst v63  }
0x253: {  	s31 =	simm.s32 $0x13C40;
	s15 =	smin.u32 s30, $0xEC  }
0x254: {  	[tilespmem:s8], [sflag:$0x5] =	stream.indirect.gather [spmem:s2], $0x40, s31, s5, $0xb8;
	[tilespmem:$0x1DEC0] =	vst v63  }
0x255: {  	s13 =	smul.u32 $0x50, s15;
	_ =	swait.ge [sflag:s0], $0x1400  }
0x256: {  	[sflag:s0] =	ssyncset.done $0x0  }
0x257: {  	s13 =	sadd.s32 $0x410, s13;
	[sflag:s0] =	ssyncadd.s32 $0xFFFFEC00  }
0x258: {  	s31 =	sadd.s32 s10, s13;
	s13 =	sadd.s32 s20, s13;
	_ =	swait.ge [sflag:s6], $0x1400  }
0x259: {  	s15 =	sshrl.u32 s31, $0x3;
	s31 =	simm.s32 $0x138D0;
	[sflag:s6] =	ssyncset.done $0x0  }
0x25a: {  	s13 =	sshrl.u32 s13, $0x3;
	s15 =	sadd.s32 s9, s15;
	[sflag:s6] =	ssyncadd.s32 $0xFFFFEC00  }
0x25b: {  	[tilespmem:s31], [sflag:$0xE] =	stream.linear.gather [hbm4b:s15+s12], $0x50, $0x38;
	[tilespmem:$0x1DEC0] =	vst v63  }
0x25c: {  	s13 =	sadd.s32 s9, s13;
	s31 =	simm.s32 $0x13B50  }
0x25d: {  	[tilespmem:s31], [sflag:$0x16] =	stream.linear.gather [hbm4b:s13+s12], $0x50, $0x38;
	[tilespmem:$0x1DEC0] =	vst v63  }
0x25e: {  	s31 =	simm.s32 $0xA  }
0x25f: {  	_ =	swait.ge [sflag:s31], $0x50  }
0x260: {  	[sflag:s31] =	ssyncset.done $0x0  }
0x261: {  	s15 =	simm.s32 $0x0;
	[sflag:s31] =	ssyncadd.s32 $0xFFFFFFB0  }
.LBB2_23:
0x262: {  	v1 =	vmov s12  }
0x263: {  	s31 =	sshll.u32 s15, $0x4;
	v1 =	vshrl.u32 v1, $0x3  }
0x264: {  	v2 =	vmov s31;
	v1 =	vshll.u32 v1, $0x3  }
0x265: {  	v2 =	vshll.u32 v2, $0x6;
	v9 =	vbroadcast v1, $0x0  }
0x266: {  	v8 =	vor.u32 v0, v2  }
0x267: {  	v1 =	vor.u32 v8, v9  }
0x268: {  	v7 =	vor.u32 $0x1, v8  }
0x269: {  	v2 =	vadd.s32 v7, v9  }
0x26a: {  	v6 =	vor.u32 $0x2, v8  }
0x26b: {  	v13 =	vadd.s32 v6, v9  }
0x26c: {  	v4 =	vor.u32 $0x3, v8;
	v16 =	vld.idx.msk [tilespmem:v1+s16+$0x0], $0xffff  }
0x26d: {  	v22 =	vadd.s32 v4, v9;
	v18 =	vld.idx.msk [tilespmem:v1+s17+$0x0], $0xffff  }
0x26e: {  	v5 =	vor.u32 $0x4, v8;
	v11 =	vld.idx.msk [tilespmem:v2+s16+$0x0], $0xffff  }
0x26f: {  	s13 =	simm.s32 $0x8;
	v17 =	vadd.s32 v5, v9;
	v12 =	vld.idx.msk [tilespmem:v2+s17+$0x0], $0xffff  }
0x270: {  	v15 =	vmov s13;
	v3 =	vor.u32 $0x5, v8;
	v10 =	vld.idx.msk [tilespmem:v13+s16+$0x0], $0xffff  }
0x271: {  	v20 =	vshrl.u32 v15, $0x3;
	v15 =	vadd.s32 v3, v9;
	v14 =	vld.idx.msk [tilespmem:v13+s17+$0x0], $0xffff  }
0x272: {  	v19 =	vimm.f32 $0.0e+00;
	v20 =	vshll.u32 v20, $0x3;
	v2 =	vor.u32 $0x6, v8;
	v13 =	vld.idx.msk [tilespmem:v22+s16+$0x0], $0xffff  }
0x273: {  	s13 =	simm.s32 $0x10;
	v1 =	vor.u32 $0x7, v8;
	v21 =	vmul.f32 v18, v16;
	v18 =	vld.idx.msk [tilespmem:v22+s17+$0x0], $0xffff;
	v16 =	vadd.s32 v2, v9  }
.LBB2_24:
0x274: {  	p2 =	sne.s32 s13, $0x38;
	v20 =	vbroadcast v20, $0x0;
	v22 =	vld.idx.msk [tilespmem:v17+s16+$0x0], $0xffff  }
0x275: {  	v11 =	vmul.f32 v12, v11;
	v19 =	vadd.f32 v21, v19;
	v12 =	vld.idx.msk [tilespmem:v17+s17+$0x0], $0xffff;
	v17 =	vadd.s32 v1, v9  }
0x276: {  	v21 =	vld.idx.msk [tilespmem:v15+s16+$0x0], $0xffff;
	v9 =	vmov v20  }
0x277: {  	v10 =	vmul.f32 v14, v10;
	v20 =	vor.u32 v8, v9;
	v11 =	vadd.f32 v11, v19;
	v14 =	vld.idx.msk [tilespmem:v15+s17+$0x0], $0xffff  }
0x278: {  	v15 =	vld.idx.msk [tilespmem:v16+s16+$0x0], $0xffff  }
0x279: {  	v19 =	vadd.s32 v7, v9;
	v10 =	vadd.f32 v10, v11;
	v11 =	vmul.f32 v18, v13;
	v13 =	vld.idx.msk [tilespmem:v16+s17+$0x0], $0xffff  }
0x27a: {  	v16 =	vld.idx.msk [tilespmem:v17+s16+$0x0], $0xffff  }
0x27b: {  	v18 =	vadd.s32 v6, v9;
	v10 =	vadd.f32 v11, v10;
	v11 =	vmul.f32 v12, v22;
	v22 =	vld.idx.msk [tilespmem:v17+s17+$0x0], $0xffff  }
0x27c: {  	v23 =	vld.idx.msk [tilespmem:v20+s16+$0x0], $0xffff  }
0x27d: {  	v25 =	vadd.s32 v4, v9;
	v14 =	vmul.f32 v14, v21;
	v24 =	vld.idx.msk [tilespmem:v20+s17+$0x0], $0xffff;
	v10 =	vadd.f32 v11, v10  }
0x27e: {  	v20 =	vmov s13;
	v11 =	vld.idx.msk [tilespmem:v19+s16+$0x0], $0xffff  }
.Ltmp10:
0x27f: {  	v17 =	vadd.s32 v5, v9;
	v13 =	vmul.f32 v13, v15;
	v12 =	vld.idx.msk [tilespmem:v19+s17+$0x0], $0xffff;
	v19 =	vadd.f32 v14, v10;
	(pc) =	sbr.rel @p2 .LBB2_24-.Ltmp10, $4  }
0x280: {  	v20 =	vshrl.u32 v20, $0x3;
	v10 =	vld.idx.msk [tilespmem:v18+s16+$0x0], $0xffff  }
0x281: {  	v15 =	vadd.s32 v3, v9;
	v22 =	vmul.f32 v22, v16;
	v14 =	vld.idx.msk [tilespmem:v18+s17+$0x0], $0xffff;
	v19 =	vadd.f32 v13, v19  }
0x282: {  	v20 =	vshll.u32 v20, $0x3;
	v13 =	vld.idx.msk [tilespmem:v25+s16+$0x0], $0xffff  }
0x283: {  	s13 =	sadd.s32 $0x8, s13;
	v16 =	vadd.s32 v2, v9;
	v21 =	vmul.f32 v24, v23;
	v18 =	vld.idx.msk [tilespmem:v25+s17+$0x0], $0xffff;
	v19 =	vadd.f32 v22, v19  }
0x284: {  	_ =	sdelay $0x3  }
0x285: {  	v22 =	vld.idx.msk [tilespmem:v17+s16+$0x0], $0xffff;
	v11 =	vmul.f32 v12, v11;
	v19 =	vadd.f32 v21, v19  }
0x286: {  	v45 =	vbroadcast v20, $0x0;
	v46 =	vld.idx.msk [tilespmem:v17+s17+$0x0], $0xffff;
	v9 =	vadd.s32 v1, v9  }
0x287: {  	v47 =	vld.idx.msk [tilespmem:v15+s16+$0x0], $0xffff;
	v10 =	vmul.f32 v14, v10;
	v11 =	vadd.f32 v11, v19  }
0x288: {  	v48 =	vld.idx.msk [tilespmem:v15+s17+$0x0], $0xffff;
	v8 =	vor.u32 v8, v45  }
0x289: {  	v49 =	vld.idx.msk [tilespmem:v16+s16+$0x0], $0xffff;
	v50 =	vmul.f32 v18, v13;
	v10 =	vadd.f32 v10, v11  }
0x28a: {  	v51 =	vld.idx.msk [tilespmem:v16+s17+$0x0], $0xffff;
	v7 =	vadd.s32 v7, v45  }
0x28b: {  	v52 =	vld.idx.msk [tilespmem:v9+s16+$0x0], $0xffff;
	v53 =	vmul.f32 v46, v22;
	v10 =	vadd.f32 v50, v10  }
0x28c: {  	v6 =	vadd.s32 v6, v45;
	v9 =	vld.idx.msk [tilespmem:v9+s17+$0x0], $0xffff  }
0x28d: {  	v55 =	vmul.f32 v48, v47;
	v54 =	vld.idx.msk [tilespmem:v8+s16+$0x0], $0xffff;
	v10 =	vadd.f32 v53, v10  }
0x28e: {  	v4 =	vadd.s32 v4, v45;
	v8 =	vld.idx.msk [tilespmem:v8+s17+$0x0], $0xffff  }
0x28f: {  	v57 =	vmul.f32 v51, v49;
	v56 =	vld.idx.msk [tilespmem:v7+s16+$0x0], $0xffff;
	v10 =	vadd.f32 v55, v10  }
0x290: {  	v5 =	vadd.s32 v5, v45;
	v7 =	vld.idx.msk [tilespmem:v7+s17+$0x0], $0xffff  }
0x291: {  	v58 =	vld.idx.msk [tilespmem:v6+s16+$0x0], $0xffff;
	v9 =	vmul.f32 v9, v52;
	v10 =	vadd.f32 v57, v10  }
0x292: {  	v3 =	vadd.s32 v3, v45;
	v6 =	vld.idx.msk [tilespmem:v6+s17+$0x0], $0xffff  }
0x293: {  	v59 =	vld.idx.msk [tilespmem:v4+s16+$0x0], $0xffff;
	v8 =	vmul.f32 v8, v54;
	v9 =	vadd.f32 v9, v10  }
0x294: {  	v2 =	vadd.s32 v2, v45;
	v4 =	vld.idx.msk [tilespmem:v4+s17+$0x0], $0xffff  }
0x295: {  	v60 =	vld.idx.msk [tilespmem:v5+s16+$0x0], $0xffff;
	v7 =	vmul.f32 v7, v56;
	v8 =	vadd.f32 v8, v9  }
0x296: {  	v1 =	vadd.s32 v1, v45;
	v5 =	vld.idx.msk [tilespmem:v5+s17+$0x0], $0xffff  }
0x297: {  	v61 =	vld.idx.msk [tilespmem:v3+s16+$0x0], $0xffff;
	v6 =	vmul.f32 v6, v58;
	v7 =	vadd.f32 v7, v8  }
0x298: {  	v3 =	vld.idx.msk [tilespmem:v3+s17+$0x0], $0xffff  }
0x299: {  	v62 =	vld.idx.msk [tilespmem:v2+s16+$0x0], $0xffff;
	v4 =	vmul.f32 v4, v59;
	v6 =	vadd.f32 v6, v7  }
0x29a: {  	v2 =	vld.idx.msk [tilespmem:v2+s17+$0x0], $0xffff  }
0x29b: {  	v63 =	vld.idx.msk [tilespmem:v1+s16+$0x0], $0xffff;
	v5 =	vmul.f32 v5, v60;
	v4 =	vadd.f32 v4, v6  }
0x29c: {  	v1 =	vld.idx.msk [tilespmem:v1+s17+$0x0], $0xffff  }
0x29d: {  	v3 =	vmul.f32 v3, v61;
	v4 =	vadd.f32 v5, v4;
	_ =	sdelay $0x1  }
0x29e: {  	s15 =	sadd.s32 $0x1, s15;
	v2 =	vmul.f32 v2, v62;
	v3 =	vadd.f32 v3, v4  }
0x29f: {  	p2 =	sne.s32 s15, $0x5  }
.Ltmp11:
0x2a0: {  	v1 =	vmul.f32 v1, v63;
	v2 =	vadd.f32 v2, v3;
	(pc) =	sbr.rel @p2 .LBB2_23-.Ltmp11, $3  }
0x2a1: {  	_ = 	snop  }
0x2a2: {  	v1 =	vadd.f32 v1, v2;
	_ =	sdelay $0x1  }
0x2a3: {  	[tilespmem:s31+$0x1DDD0] =	vst v1  }
0x2a4: {  	s12 =	sld [smem:$0x7FB];
	_ =	sdelay $0x2  }
0x2a5: {  	s12 =	sadd.s32 s24, s12  }
0x2a6: {  	s12 =	sshrl.u32 s12, $0x3  }
0x2a7: {  	s15 =	simm.s32 $0x1DDD0;
	s13 =	sadd.s32 s11, s12;
	s12 =	simm.s32 $0x0  }
0x2a8: {  	[hbm4b:s13+s12] =	stream.linear.scatter [tilespmem:s15], [sflag:$0xA], $0x50, $0x38;
	[tilespmem:$0x1DEC0] =	vst v63  }
0x2a9: {  	s15 =	simm.s32 $0x12  }
0x2aa: {  	_ =	swait.ge [sflag:s15], $0x50  }
0x2ab: {  	[sflag:s15] =	ssyncset.done $0x0  }
0x2ac: {  	s31 =	simm.s32 $0x1A;
	[sflag:s15] =	ssyncadd.s32 $0xFFFFFFB0  }
0x2ad: {  	_ =	swait.ge [sflag:s31], $0x50  }
0x2ae: {  	[sflag:s31] =	ssyncset.done $0x0  }
0x2af: {  	s15 =	simm.s32 $0x13A10;
	[sflag:s31] =	ssyncadd.s32 $0xFFFFFFB0  }
0x2b0: {  	[tilespmem:s16], [sflag:$0x2] =	stream.indirect.gather [spmem:s1], $0x40, s15, s5, $0xb8;
	[tilespmem:$0x1DEC0] =	vst v63  }
0x2b1: {  	s31 =	simm.s32 $0x13C90;
	s15 =	smin.u32 s30, $0xEB  }
0x2b2: {  	[tilespmem:s17], [sflag:$0x6] =	stream.indirect.gather [spmem:s2], $0x40, s31, s5, $0xb8;
	[tilespmem:$0x1DEC0] =	vst v63  }
0x2b3: {  	s13 =	smul.u32 $0x50, s15;
	_ =	swait.ge [sflag:s4], $0x1400  }
0x2b4: {  	[sflag:s4] =	ssyncset.done $0x0  }
0x2b5: {  	s13 =	sadd.s32 $0x460, s13;
	[sflag:s4] =	ssyncadd.s32 $0xFFFFEC00  }
0x2b6: {  	s31 =	sadd.s32 s10, s13;
	s13 =	sadd.s32 s20, s13;
	_ =	swait.ge [sflag:s14], $0x1400  }
0x2b7: {  	s15 =	sshrl.u32 s31, $0x3;
	s31 =	simm.s32 $0x13920;
	[sflag:s14] =	ssyncset.done $0x0  }
0x2b8: {  	s13 =	sshrl.u32 s13, $0x3;
	s15 =	sadd.s32 s9, s15;
	[sflag:s14] =	ssyncadd.s32 $0xFFFFEC00  }
0x2b9: {  	[tilespmem:s31], [sflag:$0xF] =	stream.linear.gather [hbm4b:s15+s12], $0x50, $0x38;
	[tilespmem:$0x1DEC0] =	vst v63  }
0x2ba: {  	s13 =	sadd.s32 s9, s13;
	s31 =	simm.s32 $0x13BA0  }
0x2bb: {  	[tilespmem:s31], [sflag:$0x17] =	stream.linear.gather [hbm4b:s13+s12], $0x50, $0x38;
	[tilespmem:$0x1DEC0] =	vst v63  }
0x2bc: {  	s31 =	simm.s32 $0xB  }
0x2bd: {  	_ =	swait.ge [sflag:s31], $0x50  }
0x2be: {  	[sflag:s31] =	ssyncset.done $0x0  }
0x2bf: {  	s15 =	simm.s32 $0x0;
	[sflag:s31] =	ssyncadd.s32 $0xFFFFFFB0  }
.LBB2_27:
0x2c0: {  	v1 =	vmov s12  }
0x2c1: {  	s31 =	sshll.u32 s15, $0x4;
	v1 =	vshrl.u32 v1, $0x3  }
0x2c2: {  	v2 =	vmov s31;
	v1 =	vshll.u32 v1, $0x3  }
0x2c3: {  	v2 =	vshll.u32 v2, $0x6;
	v9 =	vbroadcast v1, $0x0  }
0x2c4: {  	v8 =	vor.u32 v0, v2  }
0x2c5: {  	v1 =	vor.u32 v8, v9  }
0x2c6: {  	v7 =	vor.u32 $0x1, v8  }
0x2c7: {  	v2 =	vadd.s32 v7, v9  }
0x2c8: {  	v6 =	vor.u32 $0x2, v8  }
0x2c9: {  	v13 =	vadd.s32 v6, v9  }
0x2ca: {  	v4 =	vor.u32 $0x3, v8;
	v16 =	vld.idx.msk [tilespmem:v1+s21+$0x0], $0xffff  }
0x2cb: {  	v22 =	vadd.s32 v4, v9;
	v18 =	vld.idx.msk [tilespmem:v1+s22+$0x0], $0xffff  }
0x2cc: {  	v5 =	vor.u32 $0x4, v8;
	v11 =	vld.idx.msk [tilespmem:v2+s21+$0x0], $0xffff  }
0x2cd: {  	s13 =	simm.s32 $0x8;
	v17 =	vadd.s32 v5, v9;
	v12 =	vld.idx.msk [tilespmem:v2+s22+$0x0], $0xffff  }
0x2ce: {  	v15 =	vmov s13;
	v3 =	vor.u32 $0x5, v8;
	v10 =	vld.idx.msk [tilespmem:v13+s21+$0x0], $0xffff  }
0x2cf: {  	v20 =	vshrl.u32 v15, $0x3;
	v15 =	vadd.s32 v3, v9;
	v14 =	vld.idx.msk [tilespmem:v13+s22+$0x0], $0xffff  }
0x2d0: {  	v19 =	vimm.f32 $0.0e+00;
	v20 =	vshll.u32 v20, $0x3;
	v2 =	vor.u32 $0x6, v8;
	v13 =	vld.idx.msk [tilespmem:v22+s21+$0x0], $0xffff  }
0x2d1: {  	s13 =	simm.s32 $0x10;
	v1 =	vor.u32 $0x7, v8;
	v21 =	vmul.f32 v18, v16;
	v18 =	vld.idx.msk [tilespmem:v22+s22+$0x0], $0xffff;
	v16 =	vadd.s32 v2, v9  }
.LBB2_28:
0x2d2: {  	p2 =	sne.s32 s13, $0x38;
	v20 =	vbroadcast v20, $0x0;
	v22 =	vld.idx.msk [tilespmem:v17+s21+$0x0], $0xffff  }
0x2d3: {  	v11 =	vmul.f32 v12, v11;
	v19 =	vadd.f32 v21, v19;
	v12 =	vld.idx.msk [tilespmem:v17+s22+$0x0], $0xffff;
	v17 =	vadd.s32 v1, v9  }
0x2d4: {  	v21 =	vld.idx.msk [tilespmem:v15+s21+$0x0], $0xffff;
	v9 =	vmov v20  }
0x2d5: {  	v10 =	vmul.f32 v14, v10;
	v20 =	vor.u32 v8, v9;
	v11 =	vadd.f32 v11, v19;
	v14 =	vld.idx.msk [tilespmem:v15+s22+$0x0], $0xffff  }
0x2d6: {  	v15 =	vld.idx.msk [tilespmem:v16+s21+$0x0], $0xffff  }
0x2d7: {  	v19 =	vadd.s32 v7, v9;
	v10 =	vadd.f32 v10, v11;
	v11 =	vmul.f32 v18, v13;
	v13 =	vld.idx.msk [tilespmem:v16+s22+$0x0], $0xffff  }
0x2d8: {  	v16 =	vld.idx.msk [tilespmem:v17+s21+$0x0], $0xffff  }
0x2d9: {  	v18 =	vadd.s32 v6, v9;
	v10 =	vadd.f32 v11, v10;
	v11 =	vmul.f32 v12, v22;
	v22 =	vld.idx.msk [tilespmem:v17+s22+$0x0], $0xffff  }
0x2da: {  	v23 =	vld.idx.msk [tilespmem:v20+s21+$0x0], $0xffff  }
0x2db: {  	v25 =	vadd.s32 v4, v9;
	v14 =	vmul.f32 v14, v21;
	v24 =	vld.idx.msk [tilespmem:v20+s22+$0x0], $0xffff;
	v10 =	vadd.f32 v11, v10  }
0x2dc: {  	v20 =	vmov s13;
	v11 =	vld.idx.msk [tilespmem:v19+s21+$0x0], $0xffff  }
.Ltmp12:
0x2dd: {  	v17 =	vadd.s32 v5, v9;
	v13 =	vmul.f32 v13, v15;
	v12 =	vld.idx.msk [tilespmem:v19+s22+$0x0], $0xffff;
	v19 =	vadd.f32 v14, v10;
	(pc) =	sbr.rel @p2 .LBB2_28-.Ltmp12, $4  }
0x2de: {  	v20 =	vshrl.u32 v20, $0x3;
	v10 =	vld.idx.msk [tilespmem:v18+s21+$0x0], $0xffff  }
0x2df: {  	v15 =	vadd.s32 v3, v9;
	v22 =	vmul.f32 v22, v16;
	v14 =	vld.idx.msk [tilespmem:v18+s22+$0x0], $0xffff;
	v19 =	vadd.f32 v13, v19  }
0x2e0: {  	v20 =	vshll.u32 v20, $0x3;
	v13 =	vld.idx.msk [tilespmem:v25+s21+$0x0], $0xffff  }
0x2e1: {  	s13 =	sadd.s32 $0x8, s13;
	v16 =	vadd.s32 v2, v9;
	v21 =	vmul.f32 v24, v23;
	v18 =	vld.idx.msk [tilespmem:v25+s22+$0x0], $0xffff;
	v19 =	vadd.f32 v22, v19  }
0x2e2: {  	_ =	sdelay $0x3  }
0x2e3: {  	v22 =	vld.idx.msk [tilespmem:v17+s21+$0x0], $0xffff;
	v11 =	vmul.f32 v12, v11;
	v19 =	vadd.f32 v21, v19  }
0x2e4: {  	v45 =	vbroadcast v20, $0x0;
	v46 =	vld.idx.msk [tilespmem:v17+s22+$0x0], $0xffff;
	v9 =	vadd.s32 v1, v9  }
0x2e5: {  	v47 =	vld.idx.msk [tilespmem:v15+s21+$0x0], $0xffff;
	v10 =	vmul.f32 v14, v10;
	v11 =	vadd.f32 v11, v19  }
0x2e6: {  	v48 =	vld.idx.msk [tilespmem:v15+s22+$0x0], $0xffff;
	v8 =	vor.u32 v8, v45  }
0x2e7: {  	v49 =	vld.idx.msk [tilespmem:v16+s21+$0x0], $0xffff;
	v50 =	vmul.f32 v18, v13;
	v10 =	vadd.f32 v10, v11  }
0x2e8: {  	v51 =	vld.idx.msk [tilespmem:v16+s22+$0x0], $0xffff;
	v7 =	vadd.s32 v7, v45  }
0x2e9: {  	v52 =	vld.idx.msk [tilespmem:v9+s21+$0x0], $0xffff;
	v53 =	vmul.f32 v46, v22;
	v10 =	vadd.f32 v50, v10  }
0x2ea: {  	v6 =	vadd.s32 v6, v45;
	v9 =	vld.idx.msk [tilespmem:v9+s22+$0x0], $0xffff  }
0x2eb: {  	v55 =	vmul.f32 v48, v47;
	v54 =	vld.idx.msk [tilespmem:v8+s21+$0x0], $0xffff;
	v10 =	vadd.f32 v53, v10  }
0x2ec: {  	v4 =	vadd.s32 v4, v45;
	v8 =	vld.idx.msk [tilespmem:v8+s22+$0x0], $0xffff  }
0x2ed: {  	v57 =	vmul.f32 v51, v49;
	v56 =	vld.idx.msk [tilespmem:v7+s21+$0x0], $0xffff;
	v10 =	vadd.f32 v55, v10  }
0x2ee: {  	v5 =	vadd.s32 v5, v45;
	v7 =	vld.idx.msk [tilespmem:v7+s22+$0x0], $0xffff  }
0x2ef: {  	v58 =	vld.idx.msk [tilespmem:v6+s21+$0x0], $0xffff;
	v9 =	vmul.f32 v9, v52;
	v10 =	vadd.f32 v57, v10  }
0x2f0: {  	v3 =	vadd.s32 v3, v45;
	v6 =	vld.idx.msk [tilespmem:v6+s22+$0x0], $0xffff  }
0x2f1: {  	v59 =	vld.idx.msk [tilespmem:v4+s21+$0x0], $0xffff;
	v8 =	vmul.f32 v8, v54;
	v9 =	vadd.f32 v9, v10  }
0x2f2: {  	v2 =	vadd.s32 v2, v45;
	v4 =	vld.idx.msk [tilespmem:v4+s22+$0x0], $0xffff  }
0x2f3: {  	v60 =	vld.idx.msk [tilespmem:v5+s21+$0x0], $0xffff;
	v7 =	vmul.f32 v7, v56;
	v8 =	vadd.f32 v8, v9  }
0x2f4: {  	v1 =	vadd.s32 v1, v45;
	v5 =	vld.idx.msk [tilespmem:v5+s22+$0x0], $0xffff  }
0x2f5: {  	v61 =	vld.idx.msk [tilespmem:v3+s21+$0x0], $0xffff;
	v6 =	vmul.f32 v6, v58;
	v7 =	vadd.f32 v7, v8  }
0x2f6: {  	v3 =	vld.idx.msk [tilespmem:v3+s22+$0x0], $0xffff  }
0x2f7: {  	v62 =	vld.idx.msk [tilespmem:v2+s21+$0x0], $0xffff;
	v4 =	vmul.f32 v4, v59;
	v6 =	vadd.f32 v6, v7  }
0x2f8: {  	v2 =	vld.idx.msk [tilespmem:v2+s22+$0x0], $0xffff  }
0x2f9: {  	v63 =	vld.idx.msk [tilespmem:v1+s21+$0x0], $0xffff;
	v5 =	vmul.f32 v5, v60;
	v4 =	vadd.f32 v4, v6  }
0x2fa: {  	v1 =	vld.idx.msk [tilespmem:v1+s22+$0x0], $0xffff  }
0x2fb: {  	v3 =	vmul.f32 v3, v61;
	v4 =	vadd.f32 v5, v4;
	_ =	sdelay $0x1  }
0x2fc: {  	s15 =	sadd.s32 $0x1, s15;
	v2 =	vmul.f32 v2, v62;
	v3 =	vadd.f32 v3, v4  }
0x2fd: {  	p2 =	sne.s32 s15, $0x5  }
.Ltmp13:
0x2fe: {  	v1 =	vmul.f32 v1, v63;
	v2 =	vadd.f32 v2, v3;
	(pc) =	sbr.rel @p2 .LBB2_27-.Ltmp13, $3  }
0x2ff: {  	_ = 	snop  }
0x300: {  	v1 =	vadd.f32 v1, v2;
	_ =	sdelay $0x1  }
0x301: {  	[tilespmem:s31+$0x1DE20] =	vst v1  }
0x302: {  	s12 =	sld [smem:$0x7FC];
	_ =	sdelay $0x2  }
0x303: {  	s12 =	sadd.s32 s24, s12  }
0x304: {  	s12 =	sshrl.u32 s12, $0x3  }
0x305: {  	s15 =	simm.s32 $0x1DE20;
	s13 =	sadd.s32 s11, s12;
	s12 =	simm.s32 $0x0  }
0x306: {  	[hbm4b:s13+s12] =	stream.linear.scatter [tilespmem:s15], [sflag:$0xB], $0x50, $0x38;
	[tilespmem:$0x1DEC0] =	vst v63  }
0x307: {  	s15 =	simm.s32 $0x13  }
0x308: {  	_ =	swait.ge [sflag:s15], $0x50  }
0x309: {  	[sflag:s15] =	ssyncset.done $0x0  }
0x30a: {  	s31 =	simm.s32 $0x1B;
	[sflag:s15] =	ssyncadd.s32 $0xFFFFFFB0  }
0x30b: {  	_ =	swait.ge [sflag:s31], $0x50  }
0x30c: {  	[sflag:s31] =	ssyncset.done $0x0  }
0x30d: {  	s15 =	simm.s32 $0x13A60;
	[sflag:s31] =	ssyncadd.s32 $0xFFFFFFB0  }
0x30e: {  	[tilespmem:s21], [sflag:$0x3] =	stream.indirect.gather [spmem:s1], $0x40, s15, s5, $0xb8;
	[tilespmem:$0x1DEC0] =	vst v63  }
0x30f: {  	s31 =	simm.s32 $0x13CE0;
	s15 =	smin.u32 s30, $0xEA  }
0x310: {  	[tilespmem:s22], [sflag:$0x7] =	stream.indirect.gather [spmem:s2], $0x40, s31, s5, $0xb8;
	[tilespmem:$0x1DEC0] =	vst v63  }
0x311: {  	s13 =	smul.u32 $0x50, s15;
	_ =	swait.ge [sflag:s19], $0x1400  }
0x312: {  	[sflag:s19] =	ssyncset.done $0x0  }
0x313: {  	s13 =	sadd.s32 $0x4B0, s13;
	[sflag:s19] =	ssyncadd.s32 $0xFFFFEC00  }
0x314: {  	s31 =	simm.s32 $0x13970;
	s30 =	sadd.s32 s10, s13;
	_ =	swait.ge [sflag:s23], $0x1400  }
0x315: {  	s13 =	sadd.s32 s20, s13;
	s15 =	sshrl.u32 s30, $0x3;
	[sflag:s23] =	ssyncset.done $0x0  }
0x316: {  	s13 =	sshrl.u32 s13, $0x3;
	s15 =	sadd.s32 s9, s15;
	[sflag:s23] =	ssyncadd.s32 $0xFFFFEC00  }
0x317: {  	[tilespmem:s31], [sflag:$0x10] =	stream.linear.gather [hbm4b:s15+s12], $0x50, $0x38;
	[tilespmem:$0x1DEC0] =	vst v63  }
0x318: {  	s30 =	simm.s32 $0x13BF0;
	s13 =	sadd.s32 s9, s13;
	s31 =	simm.s32 $0xC  }
0x319: {  	[tilespmem:s30], [sflag:$0x18] =	stream.linear.gather [hbm4b:s13+s12], $0x50, $0x38;
	[tilespmem:$0x1DEC0] =	vst v63  }
0x31a: {  	_ =	swait.ge [sflag:s31], $0x50  }
0x31b: {  	[sflag:s31] =	ssyncset.done $0x0  }
0x31c: {  	s15 =	simm.s32 $0x0;
	[sflag:s31] =	ssyncadd.s32 $0xFFFFFFB0  }
.LBB2_31:
0x31d: {  	v1 =	vmov s12  }
0x31e: {  	s30 =	sshll.u32 s15, $0x4;
	v1 =	vshrl.u32 v1, $0x3  }
0x31f: {  	v2 =	vmov s30;
	v1 =	vshll.u32 v1, $0x3  }
0x320: {  	v2 =	vshll.u32 v2, $0x6;
	v9 =	vbroadcast v1, $0x0  }
0x321: {  	v8 =	vor.u32 v0, v2  }
0x322: {  	v1 =	vor.u32 v8, v9  }
0x323: {  	v7 =	vor.u32 $0x1, v8  }
0x324: {  	v2 =	vadd.s32 v7, v9  }
0x325: {  	v6 =	vor.u32 $0x2, v8  }
0x326: {  	v13 =	vadd.s32 v6, v9  }
0x327: {  	v4 =	vor.u32 $0x3, v8;
	v16 =	vld.idx.msk [tilespmem:v1+s25+$0x0], $0xffff  }
0x328: {  	v22 =	vadd.s32 v4, v9;
	v18 =	vld.idx.msk [tilespmem:v1+s26+$0x0], $0xffff  }
0x329: {  	v5 =	vor.u32 $0x4, v8;
	v11 =	vld.idx.msk [tilespmem:v2+s25+$0x0], $0xffff  }
0x32a: {  	s13 =	simm.s32 $0x8;
	v17 =	vadd.s32 v5, v9;
	v12 =	vld.idx.msk [tilespmem:v2+s26+$0x0], $0xffff  }
0x32b: {  	v15 =	vmov s13;
	v3 =	vor.u32 $0x5, v8;
	v10 =	vld.idx.msk [tilespmem:v13+s25+$0x0], $0xffff  }
0x32c: {  	v20 =	vshrl.u32 v15, $0x3;
	v15 =	vadd.s32 v3, v9;
	v14 =	vld.idx.msk [tilespmem:v13+s26+$0x0], $0xffff  }
0x32d: {  	v19 =	vimm.f32 $0.0e+00;
	v20 =	vshll.u32 v20, $0x3;
	v2 =	vor.u32 $0x6, v8;
	v13 =	vld.idx.msk [tilespmem:v22+s25+$0x0], $0xffff  }
0x32e: {  	s13 =	simm.s32 $0x10;
	v1 =	vor.u32 $0x7, v8;
	v21 =	vmul.f32 v18, v16;
	v18 =	vld.idx.msk [tilespmem:v22+s26+$0x0], $0xffff;
	v16 =	vadd.s32 v2, v9  }
.LBB2_32:
0x32f: {  	p2 =	sne.s32 s13, $0x38;
	v20 =	vbroadcast v20, $0x0;
	v22 =	vld.idx.msk [tilespmem:v17+s25+$0x0], $0xffff  }
0x330: {  	v11 =	vmul.f32 v12, v11;
	v19 =	vadd.f32 v21, v19;
	v12 =	vld.idx.msk [tilespmem:v17+s26+$0x0], $0xffff;
	v17 =	vadd.s32 v1, v9  }
0x331: {  	v21 =	vld.idx.msk [tilespmem:v15+s25+$0x0], $0xffff;
	v9 =	vmov v20  }
0x332: {  	v10 =	vmul.f32 v14, v10;
	v20 =	vor.u32 v8, v9;
	v11 =	vadd.f32 v11, v19;
	v14 =	vld.idx.msk [tilespmem:v15+s26+$0x0], $0xffff  }
0x333: {  	v15 =	vld.idx.msk [tilespmem:v16+s25+$0x0], $0xffff  }
0x334: {  	v19 =	vadd.s32 v7, v9;
	v10 =	vadd.f32 v10, v11;
	v11 =	vmul.f32 v18, v13;
	v13 =	vld.idx.msk [tilespmem:v16+s26+$0x0], $0xffff  }
0x335: {  	v16 =	vld.idx.msk [tilespmem:v17+s25+$0x0], $0xffff  }
0x336: {  	v18 =	vadd.s32 v6, v9;
	v10 =	vadd.f32 v11, v10;
	v11 =	vmul.f32 v12, v22;
	v22 =	vld.idx.msk [tilespmem:v17+s26+$0x0], $0xffff  }
0x337: {  	v23 =	vld.idx.msk [tilespmem:v20+s25+$0x0], $0xffff  }
0x338: {  	v25 =	vadd.s32 v4, v9;
	v14 =	vmul.f32 v14, v21;
	v24 =	vld.idx.msk [tilespmem:v20+s26+$0x0], $0xffff;
	v10 =	vadd.f32 v11, v10  }
0x339: {  	v20 =	vmov s13;
	v11 =	vld.idx.msk [tilespmem:v19+s25+$0x0], $0xffff  }
.Ltmp14:
0x33a: {  	v17 =	vadd.s32 v5, v9;
	v13 =	vmul.f32 v13, v15;
	v12 =	vld.idx.msk [tilespmem:v19+s26+$0x0], $0xffff;
	v19 =	vadd.f32 v14, v10;
	(pc) =	sbr.rel @p2 .LBB2_32-.Ltmp14, $4  }
0x33b: {  	v20 =	vshrl.u32 v20, $0x3;
	v10 =	vld.idx.msk [tilespmem:v18+s25+$0x0], $0xffff  }
0x33c: {  	v15 =	vadd.s32 v3, v9;
	v22 =	vmul.f32 v22, v16;
	v14 =	vld.idx.msk [tilespmem:v18+s26+$0x0], $0xffff;
	v19 =	vadd.f32 v13, v19  }
0x33d: {  	v20 =	vshll.u32 v20, $0x3;
	v13 =	vld.idx.msk [tilespmem:v25+s25+$0x0], $0xffff  }
0x33e: {  	s13 =	sadd.s32 $0x8, s13;
	v16 =	vadd.s32 v2, v9;
	v21 =	vmul.f32 v24, v23;
	v18 =	vld.idx.msk [tilespmem:v25+s26+$0x0], $0xffff;
	v19 =	vadd.f32 v22, v19  }
0x33f: {  	_ =	sdelay $0x3  }
0x340: {  	v22 =	vld.idx.msk [tilespmem:v17+s25+$0x0], $0xffff;
	v11 =	vmul.f32 v12, v11;
	v19 =	vadd.f32 v21, v19  }
0x341: {  	v45 =	vbroadcast v20, $0x0;
	v46 =	vld.idx.msk [tilespmem:v17+s26+$0x0], $0xffff;
	v9 =	vadd.s32 v1, v9  }
0x342: {  	v47 =	vld.idx.msk [tilespmem:v15+s25+$0x0], $0xffff;
	v10 =	vmul.f32 v14, v10;
	v11 =	vadd.f32 v11, v19  }
0x343: {  	v48 =	vld.idx.msk [tilespmem:v15+s26+$0x0], $0xffff;
	v8 =	vor.u32 v8, v45  }
0x344: {  	v49 =	vld.idx.msk [tilespmem:v16+s25+$0x0], $0xffff;
	v50 =	vmul.f32 v18, v13;
	v10 =	vadd.f32 v10, v11  }
0x345: {  	v51 =	vld.idx.msk [tilespmem:v16+s26+$0x0], $0xffff;
	v7 =	vadd.s32 v7, v45  }
0x346: {  	v52 =	vld.idx.msk [tilespmem:v9+s25+$0x0], $0xffff;
	v53 =	vmul.f32 v46, v22;
	v10 =	vadd.f32 v50, v10  }
0x347: {  	v6 =	vadd.s32 v6, v45;
	v9 =	vld.idx.msk [tilespmem:v9+s26+$0x0], $0xffff  }
0x348: {  	v55 =	vmul.f32 v48, v47;
	v54 =	vld.idx.msk [tilespmem:v8+s25+$0x0], $0xffff;
	v10 =	vadd.f32 v53, v10  }
0x349: {  	v4 =	vadd.s32 v4, v45;
	v8 =	vld.idx.msk [tilespmem:v8+s26+$0x0], $0xffff  }
0x34a: {  	v57 =	vmul.f32 v51, v49;
	v56 =	vld.idx.msk [tilespmem:v7+s25+$0x0], $0xffff;
	v10 =	vadd.f32 v55, v10  }
0x34b: {  	v5 =	vadd.s32 v5, v45;
	v7 =	vld.idx.msk [tilespmem:v7+s26+$0x0], $0xffff  }
0x34c: {  	v58 =	vld.idx.msk [tilespmem:v6+s25+$0x0], $0xffff;
	v9 =	vmul.f32 v9, v52;
	v10 =	vadd.f32 v57, v10  }
0x34d: {  	v3 =	vadd.s32 v3, v45;
	v6 =	vld.idx.msk [tilespmem:v6+s26+$0x0], $0xffff  }
0x34e: {  	v59 =	vld.idx.msk [tilespmem:v4+s25+$0x0], $0xffff;
	v8 =	vmul.f32 v8, v54;
	v9 =	vadd.f32 v9, v10  }
0x34f: {  	v2 =	vadd.s32 v2, v45;
	v4 =	vld.idx.msk [tilespmem:v4+s26+$0x0], $0xffff  }
0x350: {  	v60 =	vld.idx.msk [tilespmem:v5+s25+$0x0], $0xffff;
	v7 =	vmul.f32 v7, v56;
	v8 =	vadd.f32 v8, v9  }
0x351: {  	v1 =	vadd.s32 v1, v45;
	v5 =	vld.idx.msk [tilespmem:v5+s26+$0x0], $0xffff  }
0x352: {  	v61 =	vld.idx.msk [tilespmem:v3+s25+$0x0], $0xffff;
	v6 =	vmul.f32 v6, v58;
	v7 =	vadd.f32 v7, v8  }
0x353: {  	v3 =	vld.idx.msk [tilespmem:v3+s26+$0x0], $0xffff  }
0x354: {  	v62 =	vld.idx.msk [tilespmem:v2+s25+$0x0], $0xffff;
	v4 =	vmul.f32 v4, v59;
	v6 =	vadd.f32 v6, v7  }
0x355: {  	v2 =	vld.idx.msk [tilespmem:v2+s26+$0x0], $0xffff  }
0x356: {  	v63 =	vld.idx.msk [tilespmem:v1+s25+$0x0], $0xffff;
	v5 =	vmul.f32 v5, v60;
	v4 =	vadd.f32 v4, v6  }
0x357: {  	v1 =	vld.idx.msk [tilespmem:v1+s26+$0x0], $0xffff  }
0x358: {  	v3 =	vmul.f32 v3, v61;
	v4 =	vadd.f32 v5, v4;
	_ =	sdelay $0x1  }
0x359: {  	s15 =	sadd.s32 $0x1, s15;
	v2 =	vmul.f32 v2, v62;
	v3 =	vadd.f32 v3, v4  }
0x35a: {  	p2 =	sne.s32 s15, $0x5  }
.Ltmp15:
0x35b: {  	v1 =	vmul.f32 v1, v63;
	v2 =	vadd.f32 v2, v3;
	(pc) =	sbr.rel @p2 .LBB2_31-.Ltmp15, $3  }
0x35c: {  	_ = 	snop  }
0x35d: {  	v1 =	vadd.f32 v1, v2;
	_ =	sdelay $0x1  }
0x35e: {  	[tilespmem:s30+$0x1DE70] =	vst v1  }
0x35f: {  	s12 =	sld [smem:$0x7FD];
	_ =	sdelay $0x2  }
0x360: {  	s12 =	sadd.s32 s24, s12  }
0x361: {  	s12 =	sshrl.u32 s12, $0x3  }
0x362: {  	s13 =	simm.s32 $0x1DE70;
	s15 =	simm.s32 $0x14;
	s12 =	sadd.s32 s11, s12  }
0x363: {  	[hbm4b:s12+s3] =	stream.linear.scatter [tilespmem:s13], [sflag:$0xC], $0x50, $0x38;
	[tilespmem:$0x1DEC0] =	vst v63  }
0x364: {  	_ =	swait.ge [sflag:s15], $0x50  }
0x365: {  	[sflag:s15] =	ssyncset.done $0x0  }
0x366: {  	s18 =	sadd.s32 $0x1, s18;
	s24 =	simm.s32 $0x1C;
	[sflag:s15] =	ssyncadd.s32 $0xFFFFFFB0  }
0x367: {  	p2 =	sne.s32 s18, $0x1F;
	_ =	swait.ge [sflag:s24], $0x50  }
.Ltmp16:
0x368: {  	[sflag:s24] =	ssyncset.done $0x0;
	(pc) =	sbr.rel @p2 .LBB2_2-.Ltmp16, $4  }
0x369: {  	s30 =	simm.s32 $0x13AB0;
	[sflag:s24] =	ssyncadd.s32 $0xFFFFFFB0  }
0x36a: {  	[tilespmem:s25], [sflag:$0x4] =	stream.indirect.gather [spmem:s1], $0x40, s30, s5, $0xb8;
	[tilespmem:$0x1DEC0] =	vst v63  }
0x36b: {  	s31 =	simm.s32 $0x13D30  }
0x36c: {  	[tilespmem:s26], [sflag:$0x8] =	stream.indirect.gather [spmem:s2], $0x40, s31, s5, $0xb8;
	[tilespmem:$0x1DEC0] =	vst v63  }
0x36d: {  	_ =	swait.ge [sflag:s28], $0x1400  }
0x36e: {  	[sflag:s28] =	ssyncset.done $0x0  }
0x36f: {  	[sflag:s28] =	ssyncadd.s32 $0xFFFFEC00  }
0x370: {  	_ =	swait.ge [sflag:s29], $0x1400  }
0x371: {  	[sflag:s29] =	ssyncset.done $0x0  }
0x372: {  	s12 =	simm.s32 $0x9;
	[sflag:s29] =	ssyncadd.s32 $0xFFFFEC00  }
0x373: {  	_ =	swait.ge [sflag:s12], $0x50  }
0x374: {  	[sflag:s12] =	ssyncset.done $0x0  }
0x375: {  	s15 =	simm.s32 $0x0;
	[sflag:s12] =	ssyncadd.s32 $0xFFFFFFB0;
	s12 =	simm.s32 $0x0  }
.LBB2_36:
0x376: {  	v1 =	vmov s12  }
0x377: {  	s18 =	sshll.u32 s15, $0x4;
	v1 =	vshrl.u32 v1, $0x3  }
0x378: {  	v2 =	vmov s18;
	v1 =	vshll.u32 v1, $0x3  }
0x379: {  	v2 =	vshll.u32 v2, $0x6;
	v9 =	vbroadcast v1, $0x0  }
0x37a: {  	v8 =	vor.u32 v0, v2  }
0x37b: {  	v1 =	vor.u32 v8, v9  }
0x37c: {  	v7 =	vor.u32 $0x1, v8  }
0x37d: {  	v2 =	vadd.s32 v7, v9  }
0x37e: {  	v6 =	vor.u32 $0x2, v8  }
0x37f: {  	v13 =	vadd.s32 v6, v9  }
0x380: {  	v4 =	vor.u32 $0x3, v8;
	v16 =	vld.idx.msk [tilespmem:v1+s7+$0x0], $0xffff  }
0x381: {  	v22 =	vadd.s32 v4, v9;
	v18 =	vld.idx.msk [tilespmem:v1+s8+$0x0], $0xffff  }
0x382: {  	v5 =	vor.u32 $0x4, v8;
	v11 =	vld.idx.msk [tilespmem:v2+s7+$0x0], $0xffff  }
0x383: {  	s13 =	simm.s32 $0x8;
	v17 =	vadd.s32 v5, v9;
	v12 =	vld.idx.msk [tilespmem:v2+s8+$0x0], $0xffff  }
0x384: {  	v15 =	vmov s13;
	v3 =	vor.u32 $0x5, v8;
	v10 =	vld.idx.msk [tilespmem:v13+s7+$0x0], $0xffff  }
0x385: {  	v20 =	vshrl.u32 v15, $0x3;
	v15 =	vadd.s32 v3, v9;
	v14 =	vld.idx.msk [tilespmem:v13+s8+$0x0], $0xffff  }
0x386: {  	v19 =	vimm.f32 $0.0e+00;
	v20 =	vshll.u32 v20, $0x3;
	v2 =	vor.u32 $0x6, v8;
	v13 =	vld.idx.msk [tilespmem:v22+s7+$0x0], $0xffff  }
0x387: {  	s13 =	simm.s32 $0x10;
	v1 =	vor.u32 $0x7, v8;
	v21 =	vmul.f32 v18, v16;
	v18 =	vld.idx.msk [tilespmem:v22+s8+$0x0], $0xffff;
	v16 =	vadd.s32 v2, v9  }
.LBB2_37:
0x388: {  	p2 =	sne.s32 s13, $0x38;
	v20 =	vbroadcast v20, $0x0;
	v22 =	vld.idx.msk [tilespmem:v17+s7+$0x0], $0xffff  }
0x389: {  	v11 =	vmul.f32 v12, v11;
	v19 =	vadd.f32 v21, v19;
	v12 =	vld.idx.msk [tilespmem:v17+s8+$0x0], $0xffff;
	v17 =	vadd.s32 v1, v9  }
0x38a: {  	v21 =	vld.idx.msk [tilespmem:v15+s7+$0x0], $0xffff;
	v9 =	vmov v20  }
0x38b: {  	v10 =	vmul.f32 v14, v10;
	v20 =	vor.u32 v8, v9;
	v11 =	vadd.f32 v11, v19;
	v14 =	vld.idx.msk [tilespmem:v15+s8+$0x0], $0xffff  }
0x38c: {  	v15 =	vld.idx.msk [tilespmem:v16+s7+$0x0], $0xffff  }
0x38d: {  	v19 =	vadd.s32 v7, v9;
	v10 =	vadd.f32 v10, v11;
	v11 =	vmul.f32 v18, v13;
	v13 =	vld.idx.msk [tilespmem:v16+s8+$0x0], $0xffff  }
0x38e: {  	v16 =	vld.idx.msk [tilespmem:v17+s7+$0x0], $0xffff  }
0x38f: {  	v18 =	vadd.s32 v6, v9;
	v10 =	vadd.f32 v11, v10;
	v11 =	vmul.f32 v12, v22;
	v22 =	vld.idx.msk [tilespmem:v17+s8+$0x0], $0xffff  }
0x390: {  	v23 =	vld.idx.msk [tilespmem:v20+s7+$0x0], $0xffff  }
0x391: {  	v25 =	vadd.s32 v4, v9;
	v14 =	vmul.f32 v14, v21;
	v24 =	vld.idx.msk [tilespmem:v20+s8+$0x0], $0xffff;
	v10 =	vadd.f32 v11, v10  }
0x392: {  	v20 =	vmov s13;
	v11 =	vld.idx.msk [tilespmem:v19+s7+$0x0], $0xffff  }
.Ltmp17:
0x393: {  	v17 =	vadd.s32 v5, v9;
	v13 =	vmul.f32 v13, v15;
	v12 =	vld.idx.msk [tilespmem:v19+s8+$0x0], $0xffff;
	v19 =	vadd.f32 v14, v10;
	(pc) =	sbr.rel @p2 .LBB2_37-.Ltmp17, $4  }
0x394: {  	v20 =	vshrl.u32 v20, $0x3;
	v10 =	vld.idx.msk [tilespmem:v18+s7+$0x0], $0xffff  }
0x395: {  	v15 =	vadd.s32 v3, v9;
	v22 =	vmul.f32 v22, v16;
	v14 =	vld.idx.msk [tilespmem:v18+s8+$0x0], $0xffff;
	v19 =	vadd.f32 v13, v19  }
0x396: {  	v20 =	vshll.u32 v20, $0x3;
	v13 =	vld.idx.msk [tilespmem:v25+s7+$0x0], $0xffff  }
0x397: {  	s13 =	sadd.s32 $0x8, s13;
	v16 =	vadd.s32 v2, v9;
	v21 =	vmul.f32 v24, v23;
	v18 =	vld.idx.msk [tilespmem:v25+s8+$0x0], $0xffff;
	v19 =	vadd.f32 v22, v19  }
0x398: {  	_ =	sdelay $0x3  }
0x399: {  	v22 =	vld.idx.msk [tilespmem:v17+s7+$0x0], $0xffff;
	v11 =	vmul.f32 v12, v11;
	v19 =	vadd.f32 v21, v19  }
0x39a: {  	v45 =	vbroadcast v20, $0x0;
	v46 =	vld.idx.msk [tilespmem:v17+s8+$0x0], $0xffff;
	v9 =	vadd.s32 v1, v9  }
0x39b: {  	v47 =	vld.idx.msk [tilespmem:v15+s7+$0x0], $0xffff;
	v10 =	vmul.f32 v14, v10;
	v11 =	vadd.f32 v11, v19  }
0x39c: {  	v48 =	vld.idx.msk [tilespmem:v15+s8+$0x0], $0xffff;
	v8 =	vor.u32 v8, v45  }
0x39d: {  	v49 =	vld.idx.msk [tilespmem:v16+s7+$0x0], $0xffff;
	v50 =	vmul.f32 v18, v13;
	v10 =	vadd.f32 v10, v11  }
0x39e: {  	v51 =	vld.idx.msk [tilespmem:v16+s8+$0x0], $0xffff;
	v7 =	vadd.s32 v7, v45  }
0x39f: {  	v52 =	vld.idx.msk [tilespmem:v9+s7+$0x0], $0xffff;
	v53 =	vmul.f32 v46, v22;
	v10 =	vadd.f32 v50, v10  }
0x3a0: {  	v6 =	vadd.s32 v6, v45;
	v9 =	vld.idx.msk [tilespmem:v9+s8+$0x0], $0xffff  }
0x3a1: {  	v55 =	vmul.f32 v48, v47;
	v54 =	vld.idx.msk [tilespmem:v8+s7+$0x0], $0xffff;
	v10 =	vadd.f32 v53, v10  }
0x3a2: {  	v4 =	vadd.s32 v4, v45;
	v8 =	vld.idx.msk [tilespmem:v8+s8+$0x0], $0xffff  }
0x3a3: {  	v57 =	vmul.f32 v51, v49;
	v56 =	vld.idx.msk [tilespmem:v7+s7+$0x0], $0xffff;
	v10 =	vadd.f32 v55, v10  }
0x3a4: {  	v5 =	vadd.s32 v5, v45;
	v7 =	vld.idx.msk [tilespmem:v7+s8+$0x0], $0xffff  }
0x3a5: {  	v58 =	vld.idx.msk [tilespmem:v6+s7+$0x0], $0xffff;
	v9 =	vmul.f32 v9, v52;
	v10 =	vadd.f32 v57, v10  }
0x3a6: {  	v3 =	vadd.s32 v3, v45;
	v6 =	vld.idx.msk [tilespmem:v6+s8+$0x0], $0xffff  }
0x3a7: {  	v59 =	vld.idx.msk [tilespmem:v4+s7+$0x0], $0xffff;
	v8 =	vmul.f32 v8, v54;
	v9 =	vadd.f32 v9, v10  }
0x3a8: {  	v2 =	vadd.s32 v2, v45;
	v4 =	vld.idx.msk [tilespmem:v4+s8+$0x0], $0xffff  }
0x3a9: {  	v60 =	vld.idx.msk [tilespmem:v5+s7+$0x0], $0xffff;
	v7 =	vmul.f32 v7, v56;
	v8 =	vadd.f32 v8, v9  }
0x3aa: {  	v1 =	vadd.s32 v1, v45;
	v5 =	vld.idx.msk [tilespmem:v5+s8+$0x0], $0xffff  }
0x3ab: {  	v61 =	vld.idx.msk [tilespmem:v3+s7+$0x0], $0xffff;
	v6 =	vmul.f32 v6, v58;
	v7 =	vadd.f32 v7, v8  }
0x3ac: {  	v3 =	vld.idx.msk [tilespmem:v3+s8+$0x0], $0xffff  }
0x3ad: {  	v62 =	vld.idx.msk [tilespmem:v2+s7+$0x0], $0xffff;
	v4 =	vmul.f32 v4, v59;
	v6 =	vadd.f32 v6, v7  }
0x3ae: {  	v2 =	vld.idx.msk [tilespmem:v2+s8+$0x0], $0xffff  }
0x3af: {  	v63 =	vld.idx.msk [tilespmem:v1+s7+$0x0], $0xffff;
	v5 =	vmul.f32 v5, v60;
	v4 =	vadd.f32 v4, v6  }
0x3b0: {  	v1 =	vld.idx.msk [tilespmem:v1+s8+$0x0], $0xffff  }
0x3b1: {  	v3 =	vmul.f32 v3, v61;
	v4 =	vadd.f32 v5, v4;
	_ =	sdelay $0x1  }
0x3b2: {  	s15 =	sadd.s32 $0x1, s15;
	v2 =	vmul.f32 v2, v62;
	v3 =	vadd.f32 v3, v4  }
0x3b3: {  	p2 =	sne.s32 s15, $0x5  }
.Ltmp18:
0x3b4: {  	v1 =	vmul.f32 v1, v63;
	v2 =	vadd.f32 v2, v3;
	(pc) =	sbr.rel @p2 .LBB2_36-.Ltmp18, $3  }
0x3b5: {  	_ = 	snop  }
0x3b6: {  	v1 =	vadd.f32 v1, v2;
	_ =	sdelay $0x1  }
0x3b7: {  	[tilespmem:s18+$0x1DD80] =	vst v1  }
0x3b8: {  	s12 =	simm.s32 $0x0;
	s13 =	rddreg [dreg:$0x12];
	s15 =	simm.s32 $0x1DD80  }
0x3b9: {  	[hbm4b:s13+s12] =	stream.linear.scatter [tilespmem:s15], [sflag:$0x9], $0x50, $0x38;
	[tilespmem:$0x1DEC0] =	vst v63  }
0x3ba: {  	_ =	swait.ge [sflag:s0], $0x1400  }
0x3bb: {  	[sflag:s0] =	ssyncset.done $0x0  }
0x3bc: {  	[sflag:s0] =	ssyncadd.s32 $0xFFFFEC00  }
0x3bd: {  	_ =	swait.ge [sflag:s6], $0x1400  }
0x3be: {  	[sflag:s6] =	ssyncset.done $0x0  }
0x3bf: {  	s31 =	simm.s32 $0xA;
	[sflag:s6] =	ssyncadd.s32 $0xFFFFEC00  }
0x3c0: {  	_ =	swait.ge [sflag:s31], $0x50  }
0x3c1: {  	[sflag:s31] =	ssyncset.done $0x0  }
0x3c2: {  	s15 =	simm.s32 $0x0;
	[sflag:s31] =	ssyncadd.s32 $0xFFFFFFB0  }
.LBB2_40:
0x3c3: {  	v1 =	vmov s12  }
0x3c4: {  	s18 =	sshll.u32 s15, $0x4;
	v1 =	vshrl.u32 v1, $0x3  }
0x3c5: {  	v2 =	vmov s18;
	v1 =	vshll.u32 v1, $0x3  }
0x3c6: {  	v2 =	vshll.u32 v2, $0x6;
	v9 =	vbroadcast v1, $0x0  }
0x3c7: {  	v8 =	vor.u32 v0, v2  }
0x3c8: {  	v1 =	vor.u32 v8, v9  }
0x3c9: {  	v7 =	vor.u32 $0x1, v8  }
0x3ca: {  	v2 =	vadd.s32 v7, v9  }
0x3cb: {  	v6 =	vor.u32 $0x2, v8  }
0x3cc: {  	v13 =	vadd.s32 v6, v9  }
0x3cd: {  	v4 =	vor.u32 $0x3, v8;
	v16 =	vld.idx.msk [tilespmem:v1+s16+$0x0], $0xffff  }
0x3ce: {  	v22 =	vadd.s32 v4, v9;
	v18 =	vld.idx.msk [tilespmem:v1+s17+$0x0], $0xffff  }
0x3cf: {  	v5 =	vor.u32 $0x4, v8;
	v11 =	vld.idx.msk [tilespmem:v2+s16+$0x0], $0xffff  }
0x3d0: {  	s13 =	simm.s32 $0x8;
	v17 =	vadd.s32 v5, v9;
	v12 =	vld.idx.msk [tilespmem:v2+s17+$0x0], $0xffff  }
0x3d1: {  	v15 =	vmov s13;
	v3 =	vor.u32 $0x5, v8;
	v10 =	vld.idx.msk [tilespmem:v13+s16+$0x0], $0xffff  }
0x3d2: {  	v20 =	vshrl.u32 v15, $0x3;
	v15 =	vadd.s32 v3, v9;
	v14 =	vld.idx.msk [tilespmem:v13+s17+$0x0], $0xffff  }
0x3d3: {  	v19 =	vimm.f32 $0.0e+00;
	v20 =	vshll.u32 v20, $0x3;
	v2 =	vor.u32 $0x6, v8;
	v13 =	vld.idx.msk [tilespmem:v22+s16+$0x0], $0xffff  }
0x3d4: {  	s13 =	simm.s32 $0x10;
	v1 =	vor.u32 $0x7, v8;
	v21 =	vmul.f32 v18, v16;
	v18 =	vld.idx.msk [tilespmem:v22+s17+$0x0], $0xffff;
	v16 =	vadd.s32 v2, v9  }
.LBB2_41:
0x3d5: {  	p2 =	sne.s32 s13, $0x38;
	v20 =	vbroadcast v20, $0x0;
	v22 =	vld.idx.msk [tilespmem:v17+s16+$0x0], $0xffff  }
0x3d6: {  	v11 =	vmul.f32 v12, v11;
	v19 =	vadd.f32 v21, v19;
	v12 =	vld.idx.msk [tilespmem:v17+s17+$0x0], $0xffff;
	v17 =	vadd.s32 v1, v9  }
0x3d7: {  	v21 =	vld.idx.msk [tilespmem:v15+s16+$0x0], $0xffff;
	v9 =	vmov v20  }
0x3d8: {  	v10 =	vmul.f32 v14, v10;
	v20 =	vor.u32 v8, v9;
	v11 =	vadd.f32 v11, v19;
	v14 =	vld.idx.msk [tilespmem:v15+s17+$0x0], $0xffff  }
0x3d9: {  	v15 =	vld.idx.msk [tilespmem:v16+s16+$0x0], $0xffff  }
0x3da: {  	v19 =	vadd.s32 v7, v9;
	v10 =	vadd.f32 v10, v11;
	v11 =	vmul.f32 v18, v13;
	v13 =	vld.idx.msk [tilespmem:v16+s17+$0x0], $0xffff  }
0x3db: {  	v16 =	vld.idx.msk [tilespmem:v17+s16+$0x0], $0xffff  }
0x3dc: {  	v18 =	vadd.s32 v6, v9;
	v10 =	vadd.f32 v11, v10;
	v11 =	vmul.f32 v12, v22;
	v22 =	vld.idx.msk [tilespmem:v17+s17+$0x0], $0xffff  }
0x3dd: {  	v23 =	vld.idx.msk [tilespmem:v20+s16+$0x0], $0xffff  }
0x3de: {  	v25 =	vadd.s32 v4, v9;
	v14 =	vmul.f32 v14, v21;
	v24 =	vld.idx.msk [tilespmem:v20+s17+$0x0], $0xffff;
	v10 =	vadd.f32 v11, v10  }
0x3df: {  	v20 =	vmov s13;
	v11 =	vld.idx.msk [tilespmem:v19+s16+$0x0], $0xffff  }
.Ltmp19:
0x3e0: {  	v17 =	vadd.s32 v5, v9;
	v13 =	vmul.f32 v13, v15;
	v12 =	vld.idx.msk [tilespmem:v19+s17+$0x0], $0xffff;
	v19 =	vadd.f32 v14, v10;
	(pc) =	sbr.rel @p2 .LBB2_41-.Ltmp19, $4  }
0x3e1: {  	v20 =	vshrl.u32 v20, $0x3;
	v10 =	vld.idx.msk [tilespmem:v18+s16+$0x0], $0xffff  }
0x3e2: {  	v15 =	vadd.s32 v3, v9;
	v22 =	vmul.f32 v22, v16;
	v14 =	vld.idx.msk [tilespmem:v18+s17+$0x0], $0xffff;
	v19 =	vadd.f32 v13, v19  }
0x3e3: {  	v20 =	vshll.u32 v20, $0x3;
	v13 =	vld.idx.msk [tilespmem:v25+s16+$0x0], $0xffff  }
0x3e4: {  	s13 =	sadd.s32 $0x8, s13;
	v16 =	vadd.s32 v2, v9;
	v21 =	vmul.f32 v24, v23;
	v18 =	vld.idx.msk [tilespmem:v25+s17+$0x0], $0xffff;
	v19 =	vadd.f32 v22, v19  }
0x3e5: {  	_ =	sdelay $0x3  }
0x3e6: {  	v22 =	vld.idx.msk [tilespmem:v17+s16+$0x0], $0xffff;
	v11 =	vmul.f32 v12, v11;
	v19 =	vadd.f32 v21, v19  }
0x3e7: {  	v45 =	vbroadcast v20, $0x0;
	v46 =	vld.idx.msk [tilespmem:v17+s17+$0x0], $0xffff;
	v9 =	vadd.s32 v1, v9  }
0x3e8: {  	v47 =	vld.idx.msk [tilespmem:v15+s16+$0x0], $0xffff;
	v10 =	vmul.f32 v14, v10;
	v11 =	vadd.f32 v11, v19  }
0x3e9: {  	v48 =	vld.idx.msk [tilespmem:v15+s17+$0x0], $0xffff;
	v8 =	vor.u32 v8, v45  }
0x3ea: {  	v49 =	vld.idx.msk [tilespmem:v16+s16+$0x0], $0xffff;
	v50 =	vmul.f32 v18, v13;
	v10 =	vadd.f32 v10, v11  }
0x3eb: {  	v51 =	vld.idx.msk [tilespmem:v16+s17+$0x0], $0xffff;
	v7 =	vadd.s32 v7, v45  }
0x3ec: {  	v52 =	vld.idx.msk [tilespmem:v9+s16+$0x0], $0xffff;
	v53 =	vmul.f32 v46, v22;
	v10 =	vadd.f32 v50, v10  }
0x3ed: {  	v6 =	vadd.s32 v6, v45;
	v9 =	vld.idx.msk [tilespmem:v9+s17+$0x0], $0xffff  }
0x3ee: {  	v55 =	vmul.f32 v48, v47;
	v54 =	vld.idx.msk [tilespmem:v8+s16+$0x0], $0xffff;
	v10 =	vadd.f32 v53, v10  }
0x3ef: {  	v4 =	vadd.s32 v4, v45;
	v8 =	vld.idx.msk [tilespmem:v8+s17+$0x0], $0xffff  }
0x3f0: {  	v57 =	vmul.f32 v51, v49;
	v56 =	vld.idx.msk [tilespmem:v7+s16+$0x0], $0xffff;
	v10 =	vadd.f32 v55, v10  }
0x3f1: {  	v5 =	vadd.s32 v5, v45;
	v7 =	vld.idx.msk [tilespmem:v7+s17+$0x0], $0xffff  }
0x3f2: {  	v58 =	vld.idx.msk [tilespmem:v6+s16+$0x0], $0xffff;
	v9 =	vmul.f32 v9, v52;
	v10 =	vadd.f32 v57, v10  }
0x3f3: {  	v3 =	vadd.s32 v3, v45;
	v6 =	vld.idx.msk [tilespmem:v6+s17+$0x0], $0xffff  }
0x3f4: {  	v59 =	vld.idx.msk [tilespmem:v4+s16+$0x0], $0xffff;
	v8 =	vmul.f32 v8, v54;
	v9 =	vadd.f32 v9, v10  }
0x3f5: {  	v2 =	vadd.s32 v2, v45;
	v4 =	vld.idx.msk [tilespmem:v4+s17+$0x0], $0xffff  }
0x3f6: {  	v60 =	vld.idx.msk [tilespmem:v5+s16+$0x0], $0xffff;
	v7 =	vmul.f32 v7, v56;
	v8 =	vadd.f32 v8, v9  }
0x3f7: {  	v1 =	vadd.s32 v1, v45;
	v5 =	vld.idx.msk [tilespmem:v5+s17+$0x0], $0xffff  }
0x3f8: {  	v61 =	vld.idx.msk [tilespmem:v3+s16+$0x0], $0xffff;
	v6 =	vmul.f32 v6, v58;
	v7 =	vadd.f32 v7, v8  }
0x3f9: {  	v3 =	vld.idx.msk [tilespmem:v3+s17+$0x0], $0xffff  }
0x3fa: {  	v62 =	vld.idx.msk [tilespmem:v2+s16+$0x0], $0xffff;
	v4 =	vmul.f32 v4, v59;
	v6 =	vadd.f32 v6, v7  }
0x3fb: {  	v2 =	vld.idx.msk [tilespmem:v2+s17+$0x0], $0xffff  }
0x3fc: {  	v63 =	vld.idx.msk [tilespmem:v1+s16+$0x0], $0xffff;
	v5 =	vmul.f32 v5, v60;
	v4 =	vadd.f32 v4, v6  }
0x3fd: {  	v1 =	vld.idx.msk [tilespmem:v1+s17+$0x0], $0xffff  }
0x3fe: {  	v3 =	vmul.f32 v3, v61;
	v4 =	vadd.f32 v5, v4;
	_ =	sdelay $0x1  }
0x3ff: {  	s15 =	sadd.s32 $0x1, s15;
	v2 =	vmul.f32 v2, v62;
	v3 =	vadd.f32 v3, v4  }
0x400: {  	p2 =	sne.s32 s15, $0x5  }
.Ltmp20:
0x401: {  	v1 =	vmul.f32 v1, v63;
	v2 =	vadd.f32 v2, v3;
	(pc) =	sbr.rel @p2 .LBB2_40-.Ltmp20, $3  }
0x402: {  	_ = 	snop  }
0x403: {  	v1 =	vadd.f32 v1, v2;
	_ =	sdelay $0x1  }
0x404: {  	[tilespmem:s18+$0x1DDD0] =	vst v1  }
0x405: {  	s12 =	rddreg [dreg:$0x13];
	s13 =	simm.s32 $0x1DDD0  }
0x406: {  	[hbm4b:s12+s3] =	stream.linear.scatter [tilespmem:s13], [sflag:$0xA], $0x50, $0x38;
	[tilespmem:$0x1DEC0] =	vst v63  }
0x407: {  	_ =	swait.ge [sflag:s4], $0x1400  }
0x408: {  	[sflag:s4] =	ssyncset.done $0x0  }
0x409: {  	[sflag:s4] =	ssyncadd.s32 $0xFFFFEC00  }
0x40a: {  	_ =	swait.ge [sflag:s14], $0x1400  }
0x40b: {  	[sflag:s14] =	ssyncset.done $0x0  }
0x40c: {  	s31 =	simm.s32 $0xB;
	[sflag:s14] =	ssyncadd.s32 $0xFFFFEC00  }
0x40d: {  	_ =	swait.ge [sflag:s31], $0x50  }
0x40e: {  	[sflag:s31] =	ssyncset.done $0x0  }
0x40f: {  	[sflag:s31] =	ssyncadd.s32 $0xFFFFFFB0  }
0x410: {  	_ =	swait.ge [sflag:s19], $0x1400  }
0x411: {  	[sflag:s19] =	ssyncset.done $0x0  }
0x412: {  	[sflag:s19] =	ssyncadd.s32 $0xFFFFEC00  }
0x413: {  	_ =	swait.ge [sflag:s23], $0x1400  }
0x414: {  	[sflag:s23] =	ssyncset.done $0x0  }
0x415: {  	s13 =	simm.s32 $0xC;
	[sflag:s23] =	ssyncadd.s32 $0xFFFFEC00  }
0x416: {  	_ =	swait.ge [sflag:s13], $0x50  }
0x417: {  	[sflag:s13] =	ssyncset.done $0x0  }
0x418: {  	s15 =	simm.s32 $0xD;
	[sflag:s13] =	ssyncadd.s32 $0xFFFFFFB0  }
0x419: {  	_ =	swait.ge [sflag:s15], $0x50  }
0x41a: {  	[sflag:s15] =	ssyncset.done $0x0  }
0x41b: {  	s18 =	simm.s32 $0x15;
	[sflag:s15] =	ssyncadd.s32 $0xFFFFFFB0  }
0x41c: {  	_ =	swait.ge [sflag:s18], $0x50  }
0x41d: {  	[sflag:s18] =	ssyncset.done $0x0  }
0x41e: {  	s24 =	simm.s32 $0xE;
	[sflag:s18] =	ssyncadd.s32 $0xFFFFFFB0  }
0x41f: {  	_ =	swait.ge [sflag:s24], $0x50  }
0x420: {  	[sflag:s24] =	ssyncset.done $0x0  }
0x421: {  	s30 =	simm.s32 $0x16;
	[sflag:s24] =	ssyncadd.s32 $0xFFFFFFB0  }
0x422: {  	_ =	swait.ge [sflag:s30], $0x50  }
0x423: {  	[sflag:s30] =	ssyncset.done $0x0  }
0x424: {  	s31 =	simm.s32 $0xF;
	[sflag:s30] =	ssyncadd.s32 $0xFFFFFFB0  }
0x425: {  	_ =	swait.ge [sflag:s31], $0x50  }
0x426: {  	[sflag:s31] =	ssyncset.done $0x0  }
0x427: {  	s13 =	simm.s32 $0x17;
	[sflag:s31] =	ssyncadd.s32 $0xFFFFFFB0  }
0x428: {  	_ =	swait.ge [sflag:s13], $0x50  }
0x429: {  	[sflag:s13] =	ssyncset.done $0x0  }
0x42a: {  	s15 =	simm.s32 $0x10;
	[sflag:s13] =	ssyncadd.s32 $0xFFFFFFB0  }
0x42b: {  	_ =	swait.ge [sflag:s15], $0x50  }
0x42c: {  	[sflag:s15] =	ssyncset.done $0x0  }
0x42d: {  	s18 =	simm.s32 $0x18;
	[sflag:s15] =	ssyncadd.s32 $0xFFFFFFB0  }
0x42e: {  	_ =	swait.ge [sflag:s18], $0x50  }
0x42f: {  	[sflag:s18] =	ssyncset.done $0x0  }
0x430: {  	s24 =	simm.s32 $0x9;
	[sflag:s18] =	ssyncadd.s32 $0xFFFFFFB0  }
0x431: {  	_ =	swait.ge [sflag:s24], $0x50  }
0x432: {  	[sflag:s24] =	ssyncset.done $0x0  }
0x433: {  	s30 =	simm.s32 $0xA;
	[sflag:s24] =	ssyncadd.s32 $0xFFFFFFB0  }
0x434: {  	_ =	swait.ge [sflag:s30], $0x50  }
0x435: {  	s15 =	sld [smem:$0x7FA];
	_ =	sdelay $0x2  }
0x436: {  	s31 =	rddreg [dreg:$0x14];
	s15 =	sadd.s32 $0x1, s15  }
0x437: {  	p2 =	sne.s32 s15, s31  }
.Ltmp21:
0x438: {  	_ = 	snop;
	(pc) =	sbr.rel @p2 .LBB2_1-.Ltmp21, $3  }
0x439: {  	_ =	sdelay $0x1  }
0x43a: {  	[sflag:s30] =	ssyncset.done $0x0  }
0x43b: {  	[sflag:s30] =	ssyncadd.s32 $0xFFFFFFB0  }
0x43c: {  	_ =	sfence.sel $0x180000  }
0x43d: {  	[bflag:$0x0] =	sbarrier.arrive $0xFFFF  }
0x43e: {  	_ =	strace $0x90000047  }
0x43f: {  	s0 =	stileid.u32;
	[bflag:$0x2] =	sbarrier.arrive $0xFFFF  }
0x440: {  	p0 =	sne.s32 s0, $0x0;
	s0 =	rddreg [dreg:$0x3]  }
0x441: {  	s0 =	sadd.s32 @!p0 $0x100000, s0  }
0x442: {  	[sflag:s0] =	ssyncadd.tile.s32 @!p0 $0x1;
	_ =	shalt  }
.Lfunc_end2:
_tile_overlayer_lowered:
.L_overlay_start_2:
0x443: {  	(tag) =	ssettag $0x2  }
0x444: {  	s0 =	rddreg [dreg:$0x0];
	s2 =	stileid.u32  }
0x445: {  	s1 =	rddreg [dreg:$0x1];
	p0 =	sne.s32 s2, $0x0  }
0x446: {  	s3 =	rddreg [dreg:$0x2];
	[bflag:$0x3] =	sbarrier.arrive $0xFFFF;
	s2 =	simm.s32 @!p0 $0x1C1D  }
0x447: {  	[timem:s3], [sflag:s2] =	dma.local @!p0 [hbm:s0], s1  }
0x448: {  	s0 =	simm.s32 @!p0 $0x1D  }
0x449: {  	_ =	swait.ge @!p0 [sflag:s0], s1  }
0x44a: {  	s1 =	ssub.s32 @!p0 $0x0, s1;
	[sflag:s0] =	ssyncset.done @!p0 $0x0  }
0x44b: {  	[sflag:s0] =	ssyncadd.s32 @!p0 s1  }
0x44c: {  	[bflag:$0x3] =	sbarrier.arrive $0xFFFF  }
0x44d: {  	_ =	shalt  }

// kernel: kernel.7.cloned.1.call-start
scs
__scs_entry_jumppad:
0x0: {  	(pc) =	sbr.rel $0x88, $3  }
0x1: {  	(tag) =	ssettag $0x0;
	lr =	simm.s32 $0x1  }
0x2: {  	[smem:$0x3F9E] =	sst lr;
	_ =	strace $0xD0000000  }
0x3: {  	_ = 	snop  }
0x4: {  	_ = 	snop  }
0x5: {  	_ = 	snop  }
0x6: {  	_ = 	snop  }
0x7: {  	_ = 	snop  }
__scs_overlays_trampoline_lowered:
0x8: {  	[smem:$0x3FAD] =	sst s0  }
0x9: {  	[smem:$0x3FAE] =	sst s1  }
0xa: {  	[smem:$0x3FAF] =	sst s2  }
0xb: {  	[smem:$0x3FB0] =	sst s3  }
0xc: {  	[smem:$0x3FB1] =	sst s4  }
0xd: {  	[smem:$0x3FB2] =	sst s5  }
0xe: {  	[smem:$0x3FB3] =	sst s6  }
0xf: {  	[smem:$0x3FB4] =	sst s7  }
0x10: {  	[smem:$0x3FB5] =	sst s8  }
0x11: {  	[smem:$0x3FB6] =	sst s9;
	s0 =	simm.s32 @!p0 $0x0  }
0x12: {  	s1 =	sld [smem:$0x3F9C];
	s0 =	simm.s32 @p0 $0x1  }
0x13: {  	[smem:$0x3FB7] =	sst s0;
	s0 =	simm.s32 @!p1 $0x0  }
0x14: {  	s2 =	sld [smem:$0x3F9B];
	s0 =	simm.s32 @p1 $0x1  }
0x15: {  	[smem:$0x3FB8] =	sst s0;
	s0 =	simm.s32 @!p2 $0x0  }
0x16: {  	s3 =	sld [smem:$0x3FDB];
	s0 =	simm.s32 @p2 $0x1  }
0x17: {  	s4 =	simm.s32 $0x1BF5;
	[smem:$0x3FBA] =	sst s0  }
0x18: {  	s0 =	sld [smem:$0x3F9D];
	_ =	swait.ge [sflag:s4], $0x0  }
0x19: {  	s7 =	sld [smem:$0x3F9E]  }
0x1a: {  	s8 =	sadd.s32 $0xFFFFE003, lr  }
0x1b: {  	s9 =	sadd.s32 $0xFFFFFEF7, lr;
	s5 =	simm.s32 $0xFFFFFFFF;
	p2 =	slt.u32 s8, $0xFFFFF086  }
0x1c: {  	p1 =	slt.u32 s9, $0xF7A;
	s5 =	simm.s32 @!p2 $0x0  }
0x1d: {  	s5 =	simm.s32 @p1 $0x1;
	p0 =	seq.s32 s7, s2  }
0x1e: {  	s7 =	smul.u32 @!p0 $0xF7A, s2;
	p2 =	seq.s32 @!p0 s5, $0x0  }
0x1f: {  	s9 =	smul.u32 $0xF7A, s1;
	s8 =	simm.s32 @!p0 $0x1BF5;
	p2 =	por !p2, p0  }
0x20: {  	[sflag:s8] =	ssyncset.s32 @!p0 $0xFFFFF086;
	s6 =	sadd.s32 @!p0 s3, s7;
	s7 =	simm.s32 @!p0 $0x108  }
0x21: {  	s3 =	sadd.s32 s3, s9;
	s6 =	sadd.s32 @!p0 $0x88, s6;
	s7 =	simm.s32 @p2 $0x1082  }
0x22: {  	[simem:s7], [sflag:s8] =	dma.local @!p0 [hbm:s6], $0xF7A  }
0x23: {  	s9 =	sor.u32 $0xD0000000, s2;
	s6 =	simm.s32 $0x108;
	_ =	swait.ge @!p0 [sflag:s8], $0x0  }
0x24: {  	s3 =	sadd.s32 $0x88, s3;
	s6 =	simm.s32 @!p1 $0x1082;
	[sflag:s4] =	ssyncset.s32 $0xFFFFF086  }
0x25: {  	[simem:s6], [sflag:s4] =	dma.local [hbm:s3], $0xF7A  }
0x26: {  	[smem:$0x3F9E] =	sst s1;
	(tag) =	ssettag s2;
	_ =	strace s9  }
0x27: {  	s1 =	sld [smem:$0x3FAE]  }
0x28: {  	s2 =	sld [smem:$0x3FAF]  }
0x29: {  	s4 =	sld [smem:$0x3FB1]  }
0x2a: {  	p0 =	seq.s32 s5, $0x0;
	s5 =	sld [smem:$0x3FB2]  }
0x2b: {  	s6 =	sld [smem:$0x3FB3]  }
0x2c: {  	s7 =	sld [smem:$0x3FB4]  }
0x2d: {  	s3 =	simm.s32 $0x108;
	s8 =	sld [smem:$0x3FB5]  }
0x2e: {  	s3 =	simm.s32 @!p0 $0x1082;
	s9 =	sld [smem:$0x3FB6]  }
0x2f: {  	lr =	sadd.s32 s0, s3;
	s0 =	sld [smem:$0x3FAD]  }
0x30: {  	s3 =	sld [smem:$0x3FB0]  }
0x31: {  	[smem:$0x3FB9] =	sst s10  }
0x32: {  	s10 =	sld [smem:$0x3FB7];
	_ =	sdelay $0x3  }
0x33: {  	p0 =	seq.s32 s10, $0x1;
	s10 =	sld [smem:$0x3FB9];
	_ =	sdelay $0x3  }
0x34: {  	[smem:$0x3FB9] =	sst s10  }
0x35: {  	s10 =	sld [smem:$0x3FB8];
	_ =	sdelay $0x3  }
0x36: {  	p1 =	seq.s32 s10, $0x1;
	s10 =	sld [smem:$0x3FB9];
	_ =	sdelay $0x3  }
0x37: {  	[smem:$0x3FB9] =	sst s10  }
0x38: {  	s10 =	sld [smem:$0x3FBA]  }
0x39: {  	_ = 	snop;
	(pc) =	sbr.ind lr, $3  }
0x3a: {  	_ = 	snop  }
0x3b: {  	_ = 	snop  }
0x3c: {  	p2 =	seq.s32 s10, $0x1;
	s10 =	sld [smem:$0x3FB9]  }
0x3d: {  	_ =	shalt  }
0x3e: {  	_ =	shalt  }
0x3f: {  	_ =	shalt  }
0x40: {  	_ =	shalt  }
0x41: {  	_ =	shalt  }
0x42: {  	_ =	shalt  }
0x43: {  	_ =	shalt  }
0x44: {  	_ =	shalt  }
0x45: {  	_ =	shalt  }
0x46: {  	_ =	shalt  }
0x47: {  	_ =	shalt  }
0x48: {  	_ =	shalt  }
0x49: {  	_ =	shalt  }
0x4a: {  	_ =	shalt  }
0x4b: {  	_ =	shalt  }
0x4c: {  	_ =	shalt  }
0x4d: {  	_ =	shalt  }
0x4e: {  	_ =	shalt  }
0x4f: {  	_ =	shalt  }
0x50: {  	_ =	shalt  }
0x51: {  	_ =	shalt  }
0x52: {  	_ =	shalt  }
0x53: {  	_ =	shalt  }
0x54: {  	_ =	shalt  }
0x55: {  	_ =	shalt  }
0x56: {  	_ =	shalt  }
0x57: {  	_ =	shalt  }
0x58: {  	_ =	shalt  }
0x59: {  	_ =	shalt  }
0x5a: {  	_ =	shalt  }
0x5b: {  	_ =	shalt  }
0x5c: {  	_ =	shalt  }
0x5d: {  	_ =	shalt  }
0x5e: {  	_ =	shalt  }
0x5f: {  	_ =	shalt  }
0x60: {  	_ =	shalt  }
0x61: {  	_ =	shalt  }
0x62: {  	_ =	shalt  }
0x63: {  	_ =	shalt  }
0x64: {  	_ =	shalt  }
0x65: {  	_ =	shalt  }
0x66: {  	_ =	shalt  }
0x67: {  	_ =	shalt  }
0x68: {  	_ =	shalt  }
0x69: {  	_ =	shalt  }
0x6a: {  	_ =	shalt  }
0x6b: {  	_ =	shalt  }
0x6c: {  	_ =	shalt  }
0x6d: {  	_ =	shalt  }
0x6e: {  	_ =	shalt  }
0x6f: {  	_ =	shalt  }
0x70: {  	_ =	shalt  }
0x71: {  	_ =	shalt  }
0x72: {  	_ =	shalt  }
0x73: {  	_ =	shalt  }
0x74: {  	_ =	shalt  }
0x75: {  	_ =	shalt  }
0x76: {  	_ =	shalt  }
0x77: {  	_ =	shalt  }
0x78: {  	_ =	shalt  }
0x79: {  	_ =	shalt  }
0x7a: {  	_ =	shalt  }
0x7b: {  	_ =	shalt  }
0x7c: {  	_ =	shalt  }
0x7d: {  	_ =	shalt  }
0x7e: {  	_ =	shalt  }
0x7f: {  	_ =	shalt  }
0x80: {  	_ =	shalt  }
0x81: {  	_ =	shalt  }
0x82: {  	_ =	shalt  }
0x83: {  	_ =	shalt  }
0x84: {  	_ =	shalt  }
0x85: {  	_ =	shalt  }
0x86: {  	_ =	shalt  }
0x87: {  	_ =	shalt  }
.Lfunc_end0:
.L_simem_size_0:
called_computation.1_lowered:
.L_overlay_start_0:
0x88: {  	s2 =	sld [smem:$0x3FD9]  }
0x89: {  	s3 =	sld [smem:$0x3FFE];
	_ =	sdelay $0x1  }
0x8a: {  	s1 =	srdreg.scid  }
0x8b: {  	s0 =	sand.u32 $0x1, s1  }
0x8c: {  	s17 =	sshll.u32 s0, $0xA;
	s2 =	sadd.s32 s3, s2  }
0x8d: {  	s2 =	sadd.s32 s2, s17  }
0x8e: {  	[smem:$0x3FC5] =	sst s2  }
0x8f: {  	_ = 	snop  }
0x90: {  	s2 =	sld [smem:$0x3FD0];
	(tm) =	ssettm $0x1  }
0x91: {  	s18 =	sld [smem:$0x3FFB];
	_ =	sdelay $0x3  }
0x92: {  	_ =	strace s18  }
0x93: {  	s3 =	sld [smem:$0x3FFC];
	_ =	sdelay $0x3  }
0x94: {  	_ =	strace s3  }
0x95: {  	s3 =	sld [smem:$0x3FFD];
	_ =	sdelay $0x3  }
0x96: {  	_ =	strace s3  }
0x97: {  	_ =	strace $0x8FFFFFFF  }
0x98: {  	s19 =	sld [smem:$0x3FDB];
	_ =	sdelay $0x1  }
0x99: {  	s4 =	simm.s32 $_scs_section_size  }
0x9a: {  	s5 =	simm.s32 $_size__tile_overlayer_lowered;
	s6 =	simm.s32 $_tile_overlayer_lowered  }
0x9b: {  	s22 =	simm.s32 $0x1BFF;
	s21 =	sshll.u32 s6, $0x1;
	s3 =	sadd.s32 s4, s19  }
0x9c: {  	s7 =	simm.s32 $0x0;
	s20 =	sshll.u32 s5, $0x1;
	s5 =	sadd.s32 s21, s3  }
0x9d: {  	[timem:s7], [sflag:s22] =	dma.local [hbm:s5], s20  }
0x9e: {  	_ =	swait.ge [sflag:s22], s20  }
0x9f: {  	s4 =	ssub.s32 $0x0, s20;
	[sflag:s22] =	ssyncset.done $0x0  }
0xa0: {  	[sflag:s22] =	ssyncadd.s32 s4;
	_ =	sdelay $0x1  }
0xa1: {  	s23 =	simm.s32 $0x1B8B  }
0xa2: {  	_ =	swait.ge [sflag:s23], $0x1  }
0xa3: {  	[sflag:s23] =	ssyncset.done $0x0  }
0xa4: {  	s25 =	simm.s32 $0x1B8E;
	s24 =	sld [smem:$0x3FFE];
	[sflag:s23] =	ssyncadd.s32 $0xFFFFFFFF  }
0xa5: {  	s26 =	simm.s32 $execute0_lowered;
	[smem:$0x3FD2] =	sst s25  }
0xa6: {  	s5 =	sshll.u32 s26, $0x1;
	_ =	strace $0x80000049;
	[dreg:$0x1] =	wrdreg $0xFFFFFFFF  }
0xa7: {  	s28 =	simm.s32 $_size_execute0_lowered;
	s3 =	sadd.s32 s3, s5;
	[dreg:$0x0] =	wrdreg $0x0  }
0xa8: {  	s5 =	sshll.u32 s28, $0x1;
	[dreg:$0x2] =	wrdreg s3  }
0xa9: {  	[dreg:$0x3] =	wrdreg s5  }
0xaa: {  	[dreg:$0x4] =	wrdreg $0xC0  }
0xab: {  	_ =	task [dreg:s7], $0x5FFFF  }
0xac: {  	[dreg:$0x1] =	wrdreg $0xFFFFFFFF  }
0xad: {  	[dreg:$0x0] =	wrdreg $0x60  }
0xae: {  	[dreg:$0x2] =	wrdreg s24  }
0xaf: {  	[dreg:$0x3] =	wrdreg s2  }
0xb0: {  	[dreg:$0x4] =	wrdreg $0x9  }
0xb1: {  	_ =	task.clear_ibuf [dreg:s7], $0x5FFFF;
	_ =	strace $0x90000049  }
0xb2: {  	s29 =	simm.s32 $0x9;
	_ =	strace $0x8000004B  }
0xb3: {  	_ =	swait.ge [sflag:s29], $0x1  }
0xb4: {  	[sflag:s29] =	ssyncadd.s32 $0xFFFFFFFF  }
0xb5: {  	_ =	strace $0x9000004B  }
0xb6: {  	_ =	sfence  }
0xb7: {  	s30 =	sld [smem:$0x0];
	_ =	sdelay $0x2  }
0xb8: {  	s31 =	sshll.u32 s1, $0xD;
	s1 =	sshrl.u32 s1, $0x2  }
0xb9: {  	s3 =	sand.u32 $0x4000, s31;
	s1 =	sadd.s32 s1, s30  }
0xba: {  	s0 =	sor.u32 s3, s0;
	s1 =	sshll.u32 s1, $0x11  }
0xbb: {  	s0 =	sor.u32 s1, s0  }
0xbc: {  	s0 =	sadd.s32 $0x8F2B, s0  }
0xbd: {  	[sflag:s0] =	ssyncadd.remote.s32 $0x1  }
0xbe: {  	_ =	sfence.sel $0xFFFF  }
0xbf: {  	[dreg:$0x0] =	wrdreg $0xFFFFFFFF;
	(pc) =	sbr.abs _section_cstart, $3  }
0xc0: {  	[dreg:$0x1] =	wrdreg $0xFFFFFFFF  }
0xc1: {  	_ =	task.clear_ibuf [dreg:s7], $0x2FFFF;
	_ =	strace $0x9FFFFFFF  }
0xc2: {  	(tm) =	ssettm $0x7FFFFFFF  }
0xc3: {  	_ =	shalt  }
tec
execute0_lowered:
.L_overlay_start_1:
0x0: {  	(tag) =	ssettag $0x1  }
0x1: {  	s1 =	srdreg.scid;
	s4 =	rddreg [dreg:$0x0]  }
0x2: {  	s0 =	stileid.u32;
	s5 =	rddreg [dreg:$0x1]  }
0x3: {  	s2 =	simm.s32 $0x0;
	s3 =	sand.u32 $0x1, s1;
	s31 =	sshll.u32 s0, $0x1  }
0x4: {  	s8 =	simm.s32 $0x2780;
	s9 =	simm.s32 $0x4F00;
	s1 =	sor.u32 s3, s31  }
0x5: {  	[smem:$0x7FF] =	sst s2;
	s3 =	ssub.s32 $0x2, s3;
	s6 =	smul.u32 $0x2710, s1  }
0x6: {  	s10 =	simm.s32 $0x0;
	s1 =	rddreg [dreg:$0x2];
	s7 =	sshrl.u32 s3, $0x1  }
0x7: {  	_ =	strace $0x8000004A;
	s7 =	ssub.s32 s3, s7;
	s6 =	sshrl.u32 s6, $0x3  }
0x8: {  	s4 =	sadd.s32 s6, s4;
	s5 =	sadd.s32 s5, s6;
	s6 =	smax.u32 s7, $0x1  }
0x9: {  	s7 =	simm.s32 $0x1;
	s3 =	sadd.s32 $0x63800, s4;
	s4 =	sadd.s32 $0x6D440, s4  }
.LBB2_1:
0xa: {  	[tilespmem:s2], [sflag:$0x1] =	stream.linear.gather [hbm4b:s3+s2], $0x2710, $0x38;
	[tilespmem:$0x7680] =	vst v63  }
0xb: {  	_ =	swait.ge [sflag:s7], $0x2710  }
0xc: {  	[sflag:s7] =	ssyncset.done $0x0  }
0xd: {  	[sflag:s7] =	ssyncadd.s32 $0xFFFFD8F0  }
0xe: {  	[tilespmem:s8], [sflag:$0x1] =	stream.linear.gather [hbm4b:s4+s2], $0x2710, $0x38;
	[tilespmem:$0x7680] =	vst v63  }
0xf: {  	_ =	swait.ge [sflag:s7], $0x2710  }
0x10: {  	[sflag:s7] =	ssyncset.done $0x0  }
0x11: {  	s11 =	simm.s32 $0x0;
	[sflag:s7] =	ssyncadd.s32 $0xFFFFD8F0  }
0x12: {  	v0 =	vld [tilespmem:s11+$0x0]  }
0x13: {  	v1 =	vld [tilespmem:s11+$0x2780];
	_ =	sdelay $0x4  }
0x14: {  	s12 =	simm.s32 $0x10;
	v0 =	vadd.f32 v1, v0  }
0x15: {  	v2 =	vld [tilespmem:s12+$0x2780]  }
0x16: {  	v1 =	vld [tilespmem:s12+$0x0];
	v0 =	vsub.f32 $0.0e+00, v0;
	_ =	sdelay $0x1  }
0x17: {  	s13 =	simm.s32 $0x20;
	v0 =	vmul.f32 $1.442695020e+00, v0  }
0x18: {  	v3 =	vld [tilespmem:s13+$0x0]  }
0x19: {  	(erf) = vpow2.f32 v0;
	v0 =	vld [tilespmem:s13+$0x2780]  }
0x1a: {  	v1 =	vadd.f32 v2, v1;
	_ =	sdelay $0x1  }
0x1b: {  	v1 =	vsub.f32 $0.0e+00, v1;
	_ =	sdelay $0x1  }
0x1c: {  	s14 =	simm.s32 $0x30;
	v1 =	vmul.f32 $1.442695020e+00, v1;
	v0 =	vadd.f32 v0, v3  }
0x1d: {  	v2 =	vld [tilespmem:s14+$0x0]  }
0x1e: {  	(erf) = vpow2.f32 v1;
	v1 =	vld [tilespmem:s14+$0x2780];
	v0 =	vsub.f32 $0.0e+00, v0;
	_ =	sdelay $0x1  }
0x1f: {  	v3 =	vpop (erf);
	v0 =	vmul.f32 $1.442695020e+00, v0  }
0x20: {  	s15 =	simm.s32 $0x40;
	v3 =	vadd.f32 $1.000000000e+00, v3  }
0x21: {  	v4 =	vld [tilespmem:s15+$0x0];
	(erf) = vpow2.f32 v0  }
0x22: {  	v1 =	vadd.f32 v1, v2;
	v0 =	vld [tilespmem:s15+$0x2780];
	(erf) = vrcp.f32 v3;
	_ =	sdelay $0x1  }
0x23: {  	v1 =	vsub.f32 $0.0e+00, v1;
	_ =	sdelay $0x1  }
0x24: {  	v2 =	vpop (erf);
	v1 =	vmul.f32 $1.442695020e+00, v1  }
0x25: {  	s16 =	simm.s32 $0x50;
	v2 =	vadd.f32 $1.000000000e+00, v2;
	v0 =	vadd.f32 v0, v4  }
0x26: {  	(erf) = vpow2.f32 v1;
	v1 =	vld [tilespmem:s16+$0x2780]  }
0x27: {  	(erf) = vrcp.f32 v2;
	v3 =	vsub.f32 $0.0e+00, v0;
	v0 =	vld [tilespmem:s16+$0x0]  }
0x28: {  	v4 =	vpop (erf)  }
0x29: {  	s17 =	simm.s32 $0x180;
	v3 =	vmul.f32 $1.442695020e+00, v3;
	v2 =	vpop (erf)  }
.LBB2_2:
0x2a: {  	s18 =	sshra.s32 s17, $0x2  }
0x2b: {  	v4 =	vadd.f32 $1.000000000e+00, v4;
	[tilespmem:s11+$0x4F00] =	vst v2;
	s11 =	smov.u32 s12;
	s12 =	smov.u32 s13;
	p0 =	sne.s32 s17, $0x9C00  }
.Ltmp0:
0x2c: {  	s13 =	smov.u32 s14;
	s14 =	smov.u32 s15;
	v2 =	vadd.f32 v1, v0;
	v0 =	vld [tilespmem:s18+$0x0];
	(erf) = vpow2.f32 v3;
	(pc) =	sbr.rel @p0 .LBB2_2-.Ltmp0, $4  }
0x2d: {  	s17 =	sadd.s32 $0x40, s17;
	s15 =	smov.u32 s16;
	v1 =	vld [tilespmem:s18+$0x2780];
	(erf) = vrcp.f32 v4  }
0x2e: {  	s16 =	smov.u32 s18;
	v5 =	vsub.f32 $0.0e+00, v2  }
0x2f: {  	v4 =	vpop (erf)  }
0x30: {  	v3 =	vmul.f32 $1.442695020e+00, v5;
	v2 =	vpop (erf)  }
0x31: {  	_ = 	snop  }
0x32: {  	v0 =	vadd.f32 v1, v0;
	_ =	sdelay $0x1  }
0x33: {  	v0 =	vsub.f32 $0.0e+00, v0  }
0x34: {  	v56 =	vadd.f32 $1.000000000e+00, v4  }
0x35: {  	(erf) = vpow2.f32 v3;
	v0 =	vmul.f32 $1.442695020e+00, v0  }
0x36: {  	(erf) = vrcp.f32 v56  }
0x37: {  	(erf) = vpow2.f32 v0;
	_ =	sdelay $0x4  }
0x38: {  	v57 =	vpop (erf)  }
0x39: {  	v58 =	vpop (erf)  }
0x3a: {  	v3 =	vpop (erf)  }
0x3b: {  	v0 =	vadd.f32 $1.000000000e+00, v57;
	v59 =	vpop (erf)  }
0x3c: {  	v3 =	vadd.f32 $1.000000000e+00, v3;
	v5 =	vpop (erf)  }
0x3d: {  	(erf) = vrcp.f32 v0;
	v60 =	vadd.f32 $1.000000000e+00, v5  }
0x3e: {  	(erf) = vrcp.f32 v3  }
0x3f: {  	(erf) = vrcp.f32 v60;
	_ =	sdelay $0x4  }
0x40: {  	[tilespmem:s11+$0x4F00] =	vst v2  }
0x41: {  	[tilespmem:s12+$0x4F00] =	vst v58  }
0x42: {  	[tilespmem:s13+$0x4F00] =	vst v59;
	v61 =	vpop (erf)  }
0x43: {  	s10 =	sadd.s32 $0x1, s10;
	[tilespmem:s14+$0x4F00] =	vst v61;
	v62 =	vpop (erf)  }
0x44: {  	p0 =	sne.s32 s10, s6;
	[tilespmem:s15+$0x4F00] =	vst v62;
	v63 =	vpop (erf)  }
.Ltmp1:
0x45: {  	[tilespmem:s16+$0x4F00] =	vst v63;
	(pc) =	sbr.rel @p0 .LBB2_1-.Ltmp1, $4  }
0x46: {  	[hbm4b:s5+s2] =	stream.linear.scatter [tilespmem:s9], [sflag:$0x1], $0x2710, $0x38;
	[tilespmem:$0x7680] =	vst v63  }
0x47: {  	_ =	swait.ge [sflag:s7], $0x2710  }
0x48: {  	[sflag:s7] =	ssyncset.done $0x0  }
0x49: {  	[sflag:s7] =	ssyncadd.s32 $0xFFFFD8F0  }
0x4a: {  	_ =	sfence.sel $0x180000  }
0x4b: {  	[bflag:$0x0] =	sbarrier.arrive $0xFFFF  }
0x4c: {  	p0 =	sne.s32 s0, $0x0;
	_ =	strace $0x9000004A  }
0x4d: {  	s0 =	sadd.s32 @!p0 $0x100000, s1;
	[bflag:$0x2] =	sbarrier.arrive $0xFFFF  }
0x4e: {  	[sflag:s0] =	ssyncadd.tile.s32 @!p0 $0x1;
	_ =	shalt  }
.Lfunc_end2:
_tile_overlayer_lowered:
.L_overlay_start_2:
0x4f: {  	(tag) =	ssettag $0x2  }
0x50: {  	s0 =	rddreg [dreg:$0x0];
	s2 =	stileid.u32  }
0x51: {  	s1 =	rddreg [dreg:$0x1];
	p0 =	sne.s32 s2, $0x0  }
0x52: {  	s3 =	rddreg [dreg:$0x2];
	[bflag:$0x3] =	sbarrier.arrive $0xFFFF;
	s2 =	simm.s32 @!p0 $0x1C01  }
0x53: {  	[timem:s3], [sflag:s2] =	dma.local @!p0 [hbm:s0], s1  }
0x54: {  	s0 =	simm.s32 @!p0 $0x1  }
0x55: {  	_ =	swait.ge @!p0 [sflag:s0], s1  }
0x56: {  	s1 =	ssub.s32 @!p0 $0x0, s1;
	[sflag:s0] =	ssyncset.done @!p0 $0x0  }
0x57: {  	[sflag:s0] =	ssyncadd.s32 @!p0 s1  }
0x58: {  	[bflag:$0x3] =	sbarrier.arrive $0xFFFF  }
0x59: {  	_ =	shalt  }

</sc_bundles>
